<compile_context>
chip_gen: v7x
topology: tpu7x:2x2x1
jax: 0.10.2.dev20260603
libtpu: 0.0.44.dev20260713+nightly
codegen_flags: <defaults>
</compile_context>

<pallas_src>
import jax
import jax.numpy as jnp
from jax import lax
from jax.experimental import pallas as pl
from jax.experimental.pallas import tpu as pltpu
from jax.experimental.pallas import tpu_sc as plsc

N = 100000
E = 1600000
D = 16
NS = 16
ET = E // NS
W = 400
NWIN = ET // W
N_ACC = 100096
RT = N_ACC // NS
PK = N_ACC // 8
PKN = N // 8


def _core_seg_sum(sid, table, src, dst, out, acc, bufs):
    base = sid * ET
    srcs, dsts, rows, sem_i, sem_g, sem_s = bufs

    def idx_start(w, s):
        off = pl.multiple_of(base + w * W, 8)
        pltpu.async_copy(src.at[pl.ds(off, W)], srcs[s], sem_i[s])
        pltpu.async_copy(dst.at[pl.ds(off, W)], dsts[s], sem_i[s])

    def gather_start(s):
        pltpu.make_async_copy(src.at[pl.ds(0, W)], srcs[s], sem_i[s]).wait()
        pltpu.make_async_copy(dst.at[pl.ds(0, W)], dsts[s], sem_i[s]).wait()
        pltpu.async_copy(table.at[srcs[s]], rows[s], sem_g[s])

    def scatter_start(s):
        pltpu.make_async_copy(table.at[srcs[s]], rows[s], sem_g[s]).wait()
        pltpu.async_copy(rows[s], acc.at[dsts[s]], sem_s[s], add=True)

    def scatter_wait(s):
        pltpu.make_async_copy(rows[s], acc.at[dsts[s]], sem_s[s]).wait()

    idx_start(0, 0); gather_start(0)
    idx_start(1, 1); gather_start(1)
    idx_start(2, 2); scatter_start(0); gather_start(2)

    def step(k, carry):
        for j in range(3):
            w = 3 * k + j
            scatter_wait(j)
            idx_start(w, j)
            scatter_start((j + 1) % 3)
            gather_start(j)
        return carry

    lax.fori_loop(1, NWIN // 3, step, 0)
    scatter_wait(0); idx_start(NWIN - 1, 0)
    scatter_start(1); gather_start(0)
    scatter_wait(1); scatter_start(2)
    scatter_wait(2); scatter_start(0)
    scatter_wait(0)
    plsc.subcore_barrier()
    r0 = pl.multiple_of(sid * RT, 8)
    pltpu.sync_copy(acc.at[pl.ds(r0, RT)], out.at[pl.ds(r0, RT)])


def _seg_sum_body(table_int, table_nh, src_int, dst_int, src_nh, dst_nh,
                  zeros, out_int, out_nh, acc,
                  s0, d0, r0b, s1, d1, r1b, s2, d2, r2b,
                  si0, si1, si2, sg0, sg1, sg2, ss0, ss1, ss2):
    cid = lax.axis_index("c")
    sid = lax.axis_index("s")
    bufs = ([s0, s1, s2], [d0, d1, d2], [r0b, r1b, r2b],
            [si0, si1, si2], [sg0, sg1, sg2], [ss0, ss1, ss2])

    r0 = pl.multiple_of(sid * RT, 8)
    pltpu.sync_copy(zeros.at[pl.ds(r0, RT)], acc.at[pl.ds(r0, RT)])
    plsc.subcore_barrier()

    @pl.when(cid == 0)
    def _():
        _core_seg_sum(sid, table_int, src_int, dst_int, out_int, acc, bufs)

    @pl.when(cid == 1)
    def _():
        _core_seg_sum(sid, table_nh, src_nh, dst_nh, out_nh, acc, bufs)


def _sc_seg_sum(table_int, table_nh, src_int, dst_int, src_nh, dst_nh, zeros):
    mesh = plsc.VectorSubcoreMesh(core_axis_name="c", subcore_axis_name="s")
    return pl.kernel(
        _seg_sum_body,
        out_type=(jax.ShapeDtypeStruct((N_ACC, D), jnp.float32),
                  jax.ShapeDtypeStruct((N_ACC, D), jnp.float32)),
        mesh=mesh,
        scratch_types=(
            [pltpu.VMEM_SHARED((N_ACC, D), jnp.float32)]
            + [pltpu.VMEM((W,), jnp.int32), pltpu.VMEM((W,), jnp.int32),
               pltpu.VMEM((W, D), jnp.float32)] * 3
            + [pltpu.SemaphoreType.DMA] * 9
        ),
        compiler_params=pltpu.CompilerParams(use_tc_tiling_on_sc=False),
    )(table_int, table_nh, src_int, dst_int, src_nh, dst_nh, zeros)


CH = 9088
NCH = 11
TAIL = E - NS * NCH * CH


def _reformat_core(sid, edge, out_s, out_d, buf):
    base = sid * NCH * CH

    def chunk(c, carry):
        off = pl.multiple_of(base + c * CH, 128)
        pltpu.sync_copy(edge.at[:, pl.ds(off, CH)], buf)
        pltpu.sync_copy(buf.at[0], out_s.at[pl.ds(off, CH)])
        pltpu.sync_copy(buf.at[1], out_d.at[pl.ds(off, CH)])
        return carry

    lax.fori_loop(0, NCH, chunk, 0)

    @pl.when(sid == 0)
    def _():
        off = NS * NCH * CH
        pltpu.sync_copy(edge.at[:, pl.ds(off, TAIL)], buf.at[:, pl.ds(0, TAIL)])
        pltpu.sync_copy(buf.at[0, pl.ds(0, TAIL)], out_s.at[pl.ds(off, TAIL)])
        pltpu.sync_copy(buf.at[1, pl.ds(0, TAIL)], out_d.at[pl.ds(off, TAIL)])


def _reformat_body(ei, en, src_i, dst_i, src_n, dst_n, buf):
    cid = lax.axis_index("c")
    sid = lax.axis_index("s")

    @pl.when(cid == 0)
    def _():
        _reformat_core(sid, ei, src_i, dst_i, buf)

    @pl.when(cid == 1)
    def _():
        _reformat_core(sid, en, src_n, dst_n, buf)


def _sc_reformat(ei, en):
    mesh = plsc.VectorSubcoreMesh(core_axis_name="c", subcore_axis_name="s")
    return pl.kernel(
        _reformat_body,
        out_type=(jax.ShapeDtypeStruct((E,), jnp.int32),) * 4,
        mesh=mesh,
        scratch_types=[pltpu.VMEM((2, CH), jnp.int32)],
    )(ei, en)


BLK = 3128
NBLK = PK // BLK


def _mm_relu_body(a1_ref, a2_ref, w1_ref, b1_ref, w2_ref, b2_ref,
                  o1_ref, o2_ref):
    o1_ref[...] = jax.nn.relu(
        jnp.dot(a1_ref[...], w1_ref[...], preferred_element_type=jnp.float32,
                precision=jax.lax.Precision.HIGHEST) + b1_ref[...])
    o2_ref[...] = jax.nn.relu(
        jnp.dot(a2_ref[...], w2_ref[...], preferred_element_type=jnp.float32,
                precision=jax.lax.Precision.HIGHEST) + b2_ref[...])


def _tc_mm_relu(a1, a2, w1b, b1t, w2b, b2t):
    return pl.pallas_call(
        _mm_relu_body,
        grid=(NBLK,),
        in_specs=[
            pl.BlockSpec((BLK, 128), lambda p: (p, 0)),
            pl.BlockSpec((BLK, 128), lambda p: (p, 0)),
            pl.BlockSpec((128, 128), lambda p: (0, 0)),
            pl.BlockSpec((1, 128), lambda p: (0, 0)),
            pl.BlockSpec((128, 128), lambda p: (0, 0)),
            pl.BlockSpec((1, 128), lambda p: (0, 0)),
        ],
        out_specs=[
            pl.BlockSpec((BLK, 128), lambda p: (p, 0)),
            pl.BlockSpec((BLK, 128), lambda p: (p, 0)),
        ],
        out_shape=[jax.ShapeDtypeStruct((PK, 128), jnp.float32),
                   jax.ShapeDtypeStruct((PK, 128), jnp.float32)],
    )(a1, a2, w1b, b1t, w2b, b2t)


BLK2 = 3128
NBLK2 = PK // BLK2


def _final_body(ai_ref, an_ref, w2i_ref, b2i_ref, w2n_ref, b2n_ref,
                abi_ref, abn_ref, dbi_ref, dbn_ref, db_ref,
                o_ref, acc_ref):
    p = pl.program_id(0)

    @pl.when(p == 0)
    def _():
        acc_ref[...] = jnp.zeros_like(acc_ref)

    hp = jax.lax.Precision.HIGHEST
    h_i = jax.nn.relu(
        jnp.dot(ai_ref[...], w2i_ref[...], preferred_element_type=jnp.float32,
                precision=hp) + b2i_ref[...])
    h_n = jax.nn.relu(
        jnp.dot(an_ref[...], w2n_ref[...], preferred_element_type=jnp.float32,
                precision=hp) + b2n_ref[...])
    s = jnp.tanh(
        jnp.dot(h_i, abi_ref[...], preferred_element_type=jnp.float32,
                precision=hp)
        + jnp.dot(h_n, abn_ref[...], preferred_element_type=jnp.float32,
                  precision=hp))
    e = jnp.exp(s)
    proj = (jnp.dot(h_i, dbi_ref[...], preferred_element_type=jnp.float32,
                    precision=hp)
            + jnp.dot(h_n, dbn_ref[...], preferred_element_type=jnp.float32,
                      precision=hp))
    row = p * BLK2 + jax.lax.broadcasted_iota(jnp.int32, (BLK2, 1), 0)
    e = jnp.where(row < PKN, e, 0.0)
    acc_ref[0:1, 0:24] += jnp.sum(e, axis=0, keepdims=True)
    acc_ref[1:2, 0:24] += jnp.sum(e * proj, axis=0, keepdims=True)

    @pl.when(p == NBLK2 - 1)
    def _():
        den = jnp.zeros((1, 3), jnp.float32)
        num = jnp.zeros((1, 3), jnp.float32)
        for g in range(8):
            den += acc_ref[0:1, 3 * g:3 * g + 3]
            num += acc_ref[1:2, 3 * g:3 * g + 3]
        o_ref[...] = jnp.sum(num / den).reshape(1, 1) + db_ref[...]


def _tc_final(ai, an, w2bi, b2ti, w2bn, b2tn, abi, abn, dbi, dbn, db):
    return pl.pallas_call(
        _final_body,
        grid=(NBLK2,),
        in_specs=[
            pl.BlockSpec((BLK2, 128), lambda p: (p, 0)),
            pl.BlockSpec((BLK2, 128), lambda p: (p, 0)),
            pl.BlockSpec((128, 256), lambda p: (0, 0)),
            pl.BlockSpec((1, 256), lambda p: (0, 0)),
            pl.BlockSpec((128, 256), lambda p: (0, 0)),
            pl.BlockSpec((1, 256), lambda p: (0, 0)),
            pl.BlockSpec((256, 24), lambda p: (0, 0)),
            pl.BlockSpec((256, 24), lambda p: (0, 0)),
            pl.BlockSpec((256, 24), lambda p: (0, 0)),
            pl.BlockSpec((256, 24), lambda p: (0, 0)),
            pl.BlockSpec((1, 1), lambda p: (0, 0)),
        ],
        out_specs=pl.BlockSpec((1, 1), lambda p: (0, 0)),
        out_shape=jax.ShapeDtypeStruct((1, 1), jnp.float32),
        scratch_shapes=[pltpu.VMEM((8, 128), jnp.float32)],
    )(ai, an, w2bi, b2ti, w2bn, b2tn, abi, abn, dbi, dbn, db)


def _blockdiag(w):
    return jnp.kron(jnp.eye(8, dtype=jnp.float32), w)


@jax.jit
def kernel(x, edge_index_int, edge_index_nh, W1_int, b1_int, W1_nh, b1_nh,
           W2_int, b2_int, W2_nh, b2_nh, att_w, dense_W, dense_b):
    x_pad = jnp.pad(x, ((0, N_ACC - N), (0, D - x.shape[1])))
    zeros = jnp.zeros((N_ACC, D), jnp.float32)
    w1bi = _blockdiag(jnp.zeros((16, 16), jnp.float32).at[:11].set(W1_int))
    w1bn = _blockdiag(jnp.zeros((16, 16), jnp.float32).at[:11].set(W1_nh))
    b1ti = jnp.tile(b1_int, 8).reshape(1, 128)
    b1tn = jnp.tile(b1_nh, 8).reshape(1, 128)
    w2bi = _blockdiag(W2_int)
    w2bn = _blockdiag(W2_nh)
    b2ti = jnp.tile(b2_int, 8).reshape(1, 256)
    b2tn = jnp.tile(b2_nh, 8).reshape(1, 256)
    abi = _blockdiag(att_w[:32])
    abn = _blockdiag(att_w[32:])
    dwr = dense_W.reshape(3, 64)
    dbi = _blockdiag(dwr[:, :32].T)
    dbn = _blockdiag(dwr[:, 32:].T)
    db = dense_b.reshape(1, 1)

    src_i, dst_i, src_n, dst_n = _sc_reformat(edge_index_int, edge_index_nh)
    agg1_i, agg1_n = _sc_seg_sum(x_pad, x_pad, src_i, dst_i, src_n, dst_n,
                                 zeros)

    h1_i, h1_n = _tc_mm_relu(agg1_i.reshape(PK, 128), agg1_n.reshape(PK, 128),
                             w1bi, b1ti, w1bn, b1tn)

    agg2_i, agg2_n = _sc_seg_sum(
        h1_i.reshape(N_ACC, D), h1_n.reshape(N_ACC, D),
        src_i, dst_i, src_n, dst_n, zeros)

    out = _tc_final(agg2_i.reshape(PK, 128), agg2_n.reshape(PK, 128),
                    w2bi, b2ti, w2bn, b2tn, abi, abn, dbi, dbn, db)
    return out.reshape(())

# --- scband reference (transcript-rebuilt; emitter-appended) ---
"""Pipeline reference for scband-gnn27-27410481283396 (READ-ONLY COPY).

The authoritative reference and input builder live on the scoring server;
editing this copy changes nothing except your own understanding.
"""

import jax, jax.numpy as jnp
import numpy as np

N = 100000
E = 1600000


def _glorot(k, shape):
    lim = np.sqrt(6.0 / (shape[0] + shape[1]))
    return jax.random.uniform(k, shape, dtype=jnp.float32, minval=-lim, maxval=lim)


def setup_inputs(seed: int = 0) -> dict:
    key = jax.random.key(seed)
    ks = jax.random.split(key, 12)
    x = jax.random.normal(ks[0], (N, 11), dtype=jnp.float32)
    edge_index_int = jax.random.randint(ks[1], (2, E), 0, N, dtype=jnp.int32)
    edge_index_nh = jax.random.randint(ks[2], (2, E), 0, N, dtype=jnp.int32)
    W1_int = _glorot(ks[3], (11, 16)); b1_int = jnp.zeros((16,), jnp.float32)
    W1_nh = _glorot(ks[4], (11, 16)); b1_nh = jnp.zeros((16,), jnp.float32)
    W2_int = _glorot(ks[5], (16, 32)); b2_int = jnp.zeros((32,), jnp.float32)
    W2_nh = _glorot(ks[6], (16, 32)); b2_nh = jnp.zeros((32,), jnp.float32)
    att_w = _glorot(ks[7], (64, 3))
    dense_W = _glorot(ks[8], (192, 1)); dense_b = jnp.zeros((1,), jnp.float32)
    return {"x": x, "edge_index_int": edge_index_int, "edge_index_nh": edge_index_nh,
            "W1_int": W1_int, "b1_int": b1_int, "W1_nh": W1_nh, "b1_nh": b1_nh,
            "W2_int": W2_int, "b2_int": b2_int, "W2_nh": W2_nh, "b2_nh": b2_nh,
            "att_w": att_w, "dense_W": dense_W, "dense_b": dense_b}


def _dgcn_branch(h, edge_index, W, b):
    # DGCN graph convolution branch: gather source node feats, scatter-add to dst, linear + relu (dropout=0.0)
    src = edge_index[0]
    dst = edge_index[1]
    msgs = jnp.take(h, src, axis=0)
    agg = jax.ops.segment_sum(msgs, dst, num_segments=N)
    return jax.nn.relu(agg @ W + b)


def reference(x, edge_index_int, edge_index_nh, W1_int, b1_int, W1_nh, b1_nh,
              W2_int, b2_int, W2_nh, b2_nh, att_w, dense_W, dense_b):
    # conv1 (dual-branch DGCN: interaction graph + neighborhood graph)
    x_int = _dgcn_branch(x, edge_index_int, W1_int, b1_int)
    x_nh = _dgcn_branch(x, edge_index_nh, W1_nh, b1_nh)
    # conv2
    x_int = _dgcn_branch(x_int, edge_index_int, W2_int, b2_int)
    x_nh = _dgcn_branch(x_nh, edge_index_nh, W2_nh, b2_nh)
    # concat interaction and neighborhood features -> [N, 64]
    h = jnp.concatenate([x_int, x_nh], axis=1)
    # SelfAttention pooling: 3 heads, tanh nonlinearity, softmax over the node/sequence axis
    scores = jnp.tanh(h @ att_w)            # [N, 3]
    attn = jax.nn.softmax(scores, axis=0)   # softmax over sequence (batch_first=False)
    pooled = jnp.einsum('nh,nd->hd', attn, h).reshape(-1)  # [3*64] = [192]
    # Dense 192 -> 1 (linear nonlin), squeeze
    out = pooled @ dense_W + dense_b
    return jnp.squeeze(out)

if __name__ == "__main__":
    import jax
    _d = setup_inputs()
    print(jax.jit(kernel)(*tuple(_d.values())))

</pallas_src>

<mosaic_0001>
#map = affine_map<(d0, d1) -> (0, 0)>
#map1 = affine_map<(d0, d1) -> (0)>
module attributes {stable_mosaic.version = 14 : i64} {
  func.func @_seg_sum_body(%arg0: i32, %arg1: i32, %arg2: memref<100096x16xf32, #tpu.memory_space<hbm>>, %arg3: memref<100096x16xf32, #tpu.memory_space<hbm>>, %arg4: memref<1600000xi32, #tpu.memory_space<hbm>>, %arg5: memref<1600000xi32, #tpu.memory_space<hbm>>, %arg6: memref<1600000xi32, #tpu.memory_space<hbm>>, %arg7: memref<1600000xi32, #tpu.memory_space<hbm>>, %arg8: memref<100096x16xf32, #tpu.memory_space<hbm>>, %arg9: memref<100096x16xf32, #tpu.memory_space<hbm>>, %arg10: memref<100096x16xf32, #tpu.memory_space<hbm>>, %arg11: memref<100096x16xf32, #tpu.memory_space<vmem_shared>>, %arg12: memref<400xi32, #tpu.memory_space<vmem>>, %arg13: memref<400xi32, #tpu.memory_space<vmem>>, %arg14: memref<400x16xf32, #tpu.memory_space<vmem>>, %arg15: memref<400xi32, #tpu.memory_space<vmem>>, %arg16: memref<400xi32, #tpu.memory_space<vmem>>, %arg17: memref<400x16xf32, #tpu.memory_space<vmem>>, %arg18: memref<400xi32, #tpu.memory_space<vmem>>, %arg19: memref<400xi32, #tpu.memory_space<vmem>>, %arg20: memref<400x16xf32, #tpu.memory_space<vmem>>, %arg21: memref<!tpu.dma_semaphore, #tpu.memory_space<semaphore_mem>>, %arg22: memref<!tpu.dma_semaphore, #tpu.memory_space<semaphore_mem>>, %arg23: memref<!tpu.dma_semaphore, #tpu.memory_space<semaphore_mem>>, %arg24: memref<!tpu.dma_semaphore, #tpu.memory_space<semaphore_mem>>, %arg25: memref<!tpu.dma_semaphore, #tpu.memory_space<semaphore_mem>>, %arg26: memref<!tpu.dma_semaphore, #tpu.memory_space<semaphore_mem>>, %arg27: memref<!tpu.dma_semaphore, #tpu.memory_space<semaphore_mem>>, %arg28: memref<!tpu.dma_semaphore, #tpu.memory_space<semaphore_mem>>, %arg29: memref<!tpu.dma_semaphore, #tpu.memory_space<semaphore_mem>>) attributes {dimension_semantics = [#tpu.dimension_semantics<core_parallel>, #tpu.dimension_semantics<subcore_parallel>], iteration_bounds = array<i64: 2, 16>, scalar_prefetch = 0 : i64, scratch_operands = 19 : i64, tpu.core_type = #tpu.core_type<sc_vector_subcore>, window_params = [{transform_indices = #map}, {transform_indices = #map}, {transform_indices = #map1}, {transform_indices = #map1}, {transform_indices = #map1}, {transform_indices = #map1}, {transform_indices = #map}, {transform_indices = #map}, {transform_indices = #map}]} {
    %mul3A = arith.constant 6256 : i32
    %mul3A_0 = arith.muli %arg1, %mul3A : i32
    %multiple_of3A = tpu.assume_multiple %mul3A_0, 8 : i32
    "tpu.region"() ({
      %run_scoped3A = tpu.sem_alloc : memref<!tpu.dma_semaphore, #tpu.memory_space<semaphore_mem>>
      %dma_start3A = arith.constant 0 : i32
      %dma_start3A_8 = tpu.memref_slice %arg11[%multiple_of3A, %dma_start3A] : memref<100096x16xf32, #tpu.memory_space<vmem_shared>> -> memref<6256x16xf32, #tpu.memory_space<vmem_shared>>
      %dma_start3A_9 = arith.constant 0 : i32
      %dma_start3A_10 = tpu.memref_slice %arg8[%multiple_of3A, %dma_start3A_9] : memref<100096x16xf32, #tpu.memory_space<hbm>> -> memref<6256x16xf32, #tpu.memory_space<hbm>>
      tpu.enqueue_dma source(%dma_start3A_10 : memref<6256x16xf32, #tpu.memory_space<hbm>>) target(%dma_start3A_8 : memref<6256x16xf32, #tpu.memory_space<vmem_shared>>) target_semaphore(%run_scoped3A : memref<!tpu.dma_semaphore, #tpu.memory_space<semaphore_mem>>)
      %dma_wait3A = arith.constant 0 : i32
      %dma_wait3A_11 = tpu.memref_slice %arg11[%multiple_of3A, %dma_wait3A] : memref<100096x16xf32, #tpu.memory_space<vmem_shared>> -> memref<6256x16xf32, #tpu.memory_space<vmem_shared>>
      %dma_wait3A_12 = arith.constant 0 : i32
      %dma_wait3A_13 = tpu.memref_slice %arg8[%multiple_of3A, %dma_wait3A_12] : memref<100096x16xf32, #tpu.memory_space<hbm>> -> memref<6256x16xf32, #tpu.memory_space<hbm>>
      tpu.wait_dma2 semaphore(%run_scoped3A : memref<!tpu.dma_semaphore, #tpu.memory_space<semaphore_mem>>) src(%dma_wait3A_13 : memref<6256x16xf32, #tpu.memory_space<hbm>>) dst(%dma_wait3A_11 : memref<6256x16xf32, #tpu.memory_space<vmem_shared>>)
      tpu.yield
    }) : () -> ()
    %barrier3A = arith.constant 0 : index
    tpu.barrier barrier_id(%barrier3A)
    %eq3A = arith.constant 0 : i32
    %eq3A_1 = arith.cmpi eq, %arg0, %eq3A : i32
    %convert_element_type3A = arith.extui %eq3A_1 : i1 to i32
    %cond3A = arith.constant 0 : i32
    %cond3A_2 = arith.cmpi ne, %convert_element_type3A, %cond3A : i32
    scf.if %cond3A_2 {
      %mul3A_8 = arith.constant 100000 : i32
      %mul3A_9 = arith.muli %arg1, %mul3A_8 : i32
      %add3A = arith.constant 0 : i32
      %add3A_10 = arith.addi %mul3A_9, %add3A : i32
      %multiple_of3A_11 = tpu.assume_multiple %add3A_10, 8 : i32
      %dma_start3A = tpu.memref_slice %arg4[%multiple_of3A_11] : memref<1600000xi32, #tpu.memory_space<hbm>> -> memref<400xi32, #tpu.memory_space<hbm>>
      %dma_start3A_12 = tpu.memref_slice %arg4[%multiple_of3A_11] : memref<1600000xi32, #tpu.memory_space<hbm>> -> memref<400xi32, #tpu.memory_space<hbm>>
      tpu.enqueue_dma source(%dma_start3A_12 : memref<400xi32, #tpu.memory_space<hbm>>) target(%arg12 : memref<400xi32, #tpu.memory_space<vmem>>) target_semaphore(%arg21 : memref<!tpu.dma_semaphore, #tpu.memory_space<semaphore_mem>>)
      %dma_start3A_13 = tpu.memref_slice %arg5[%multiple_of3A_11] : memref<1600000xi32, #tpu.memory_space<hbm>> -> memref<400xi32, #tpu.memory_space<hbm>>
      %dma_start3A_14 = tpu.memref_slice %arg5[%multiple_of3A_11] : memref<1600000xi32, #tpu.memory_space<hbm>> -> memref<400xi32, #tpu.memory_space<hbm>>
      tpu.enqueue_dma source(%dma_start3A_14 : memref<400xi32, #tpu.memory_space<hbm>>) target(%arg13 : memref<400xi32, #tpu.memory_space<vmem>>) target_semaphore(%arg21 : memref<!tpu.dma_semaphore, #tpu.memory_space<semaphore_mem>>)
      %dma_wait3A = arith.constant 0 : i32
      %dma_wait3A_15 = tpu.memref_slice %arg4[%dma_wait3A] : memref<1600000xi32, #tpu.memory_space<hbm>> -> memref<400xi32, #tpu.memory_space<hbm>>
      %dma_wait3A_16 = arith.constant 0 : i32
      %dma_wait3A_17 = tpu.memref_slice %arg4[%dma_wait3A_16] : memref<1600000xi32, #tpu.memory_space<hbm>> -> memref<400xi32, #tpu.memory_space<hbm>>
      tpu.wait_dma2 semaphore(%arg21 : memref<!tpu.dma_semaphore, #tpu.memory_space<semaphore_mem>>) src(%dma_wait3A_17 : memref<400xi32, #tpu.memory_space<hbm>>) dst(%arg12 : memref<400xi32, #tpu.memory_space<vmem>>)
      %dma_wait3A_18 = arith.constant 0 : i32
      %dma_wait3A_19 = tpu.memref_slice %arg5[%dma_wait3A_18] : memref<1600000xi32, #tpu.memory_space<hbm>> -> memref<400xi32, #tpu.memory_space<hbm>>
      %dma_wait3A_20 = arith.constant 0 : i32
      %dma_wait3A_21 = tpu.memref_slice %arg5[%dma_wait3A_20] : memref<1600000xi32, #tpu.memory_space<hbm>> -> memref<400xi32, #tpu.memory_space<hbm>>
      tpu.wait_dma2 semaphore(%arg21 : memref<!tpu.dma_semaphore, #tpu.memory_space<semaphore_mem>>) src(%dma_wait3A_21 : memref<400xi32, #tpu.memory_space<hbm>>) dst(%arg13 : memref<400xi32, #tpu.memory_space<vmem>>)
      %dma_start3A_22 = arith.constant 0 : i32
      %dma_start3A_23 = arith.constant 0 : i32
      %dma_start3A_24 = tpu.memref_slice %arg2[%dma_start3A_22, %dma_start3A_23] : memref<100096x16xf32, #tpu.memory_space<hbm>> -> memref<100096x16xf32, #tpu.memory_space<hbm>>
      tpu.enqueue_indirect_dma source(%dma_start3A_24 : memref<100096x16xf32, #tpu.memory_space<hbm>>) target(%arg14 : memref<400x16xf32, #tpu.memory_space<vmem>>) offsets(%arg12 : memref<400xi32, #tpu.memory_space<vmem>>) semaphore(%arg24 : memref<!tpu.dma_semaphore, #tpu.memory_space<semaphore_mem>>)
      %add3A_25 = arith.constant 400 : i32
      %add3A_26 = arith.addi %mul3A_9, %add3A_25 : i32
      %multiple_of3A_27 = tpu.assume_multiple %add3A_26, 8 : i32
      %dma_start3A_28 = tpu.memref_slice %arg4[%multiple_of3A_27] : memref<1600000xi32, #tpu.memory_space<hbm>> -> memref<400xi32, #tpu.memory_space<hbm>>
      %dma_start3A_29 = tpu.memref_slice %arg4[%multiple_of3A_27] : memref<1600000xi32, #tpu.memory_space<hbm>> -> memref<400xi32, #tpu.memory_space<hbm>>
      tpu.enqueue_dma source(%dma_start3A_29 : memref<400xi32, #tpu.memory_space<hbm>>) target(%arg15 : memref<400xi32, #tpu.memory_space<vmem>>) target_semaphore(%arg22 : memref<!tpu.dma_semaphore, #tpu.memory_space<semaphore_mem>>)
      %dma_start3A_30 = tpu.memref_slice %arg5[%multiple_of3A_27] : memref<1600000xi32, #tpu.memory_space<hbm>> -> memref<400xi32, #tpu.memory_space<hbm>>
      %dma_start3A_31 = tpu.memref_slice %arg5[%multiple_of3A_27] : memref<1600000xi32, #tpu.memory_space<hbm>> -> memref<400xi32, #tpu.memory_space<hbm>>
      tpu.enqueue_dma source(%dma_start3A_31 : memref<400xi32, #tpu.memory_space<hbm>>) target(%arg16 : memref<400xi32, #tpu.memory_space<vmem>>) target_semaphore(%arg22 : memref<!tpu.dma_semaphore, #tpu.memory_space<semaphore_mem>>)
      %dma_wait3A_32 = arith.constant 0 : i32
      %dma_wait3A_33 = tpu.memref_slice %arg4[%dma_wait3A_32] : memref<1600000xi32, #tpu.memory_space<hbm>> -> memref<400xi32, #tpu.memory_space<hbm>>
      %dma_wait3A_34 = arith.constant 0 : i32
      %dma_wait3A_35 = tpu.memref_slice %arg4[%dma_wait3A_34] : memref<1600000xi32, #tpu.memory_space<hbm>> -> memref<400xi32, #tpu.memory_space<hbm>>
      tpu.wait_dma2 semaphore(%arg22 : memref<!tpu.dma_semaphore, #tpu.memory_space<semaphore_mem>>) src(%dma_wait3A_35 : memref<400xi32, #tpu.memory_space<hbm>>) dst(%arg15 : memref<400xi32, #tpu.memory_space<vmem>>)
      %dma_wait3A_36 = arith.constant 0 : i32
      %dma_wait3A_37 = tpu.memref_slice %arg5[%dma_wait3A_36] : memref<1600000xi32, #tpu.memory_space<hbm>> -> memref<400xi32, #tpu.memory_space<hbm>>
      %dma_wait3A_38 = arith.constant 0 : i32
      %dma_wait3A_39 = tpu.memref_slice %arg5[%dma_wait3A_38] : memref<1600000xi32, #tpu.memory_space<hbm>> -> memref<400xi32, #tpu.memory_space<hbm>>
      tpu.wait_dma2 semaphore(%arg22 : memref<!tpu.dma_semaphore, #tpu.memory_space<semaphore_mem>>) src(%dma_wait3A_39 : memref<400xi32, #tpu.memory_space<hbm>>) dst(%arg16 : memref<400xi32, #tpu.memory_space<vmem>>)
      %dma_start3A_40 = arith.constant 0 : i32
      %dma_start3A_41 = arith.constant 0 : i32
      %dma_start3A_42 = tpu.memref_slice %arg2[%dma_start3A_40, %dma_start3A_41] : memref<100096x16xf32, #tpu.memory_space<hbm>> -> memref<100096x16xf32, #tpu.memory_space<hbm>>
      tpu.enqueue_indirect_dma source(%dma_start3A_42 : memref<100096x16xf32, #tpu.memory_space<hbm>>) target(%arg17 : memref<400x16xf32, #tpu.memory_space<vmem>>) offsets(%arg15 : memref<400xi32, #tpu.memory_space<vmem>>) semaphore(%arg25 : memref<!tpu.dma_semaphore, #tpu.memory_space<semaphore_mem>>)
      %add3A_43 = arith.constant 800 : i32
      %add3A_44 = arith.addi %mul3A_9, %add3A_43 : i32
      %multiple_of3A_45 = tpu.assume_multiple %add3A_44, 8 : i32
      %dma_start3A_46 = tpu.memref_slice %arg4[%multiple_of3A_45] : memref<1600000xi32, #tpu.memory_space<hbm>> -> memref<400xi32, #tpu.memory_space<hbm>>
      %dma_start3A_47 = tpu.memref_slice %arg4[%multiple_of3A_45] : memref<1600000xi32, #tpu.memory_space<hbm>> -> memref<400xi32, #tpu.memory_space<hbm>>
      tpu.enqueue_dma source(%dma_start3A_47 : memref<400xi32, #tpu.memory_space<hbm>>) target(%arg18 : memref<400xi32, #tpu.memory_space<vmem>>) target_semaphore(%arg23 : memref<!tpu.dma_semaphore, #tpu.memory_space<semaphore_mem>>)
      %dma_start3A_48 = tpu.memref_slice %arg5[%multiple_of3A_45] : memref<1600000xi32, #tpu.memory_space<hbm>> -> memref<400xi32, #tpu.memory_space<hbm>>
      %dma_start3A_49 = tpu.memref_slice %arg5[%multiple_of3A_45] : memref<1600000xi32, #tpu.memory_space<hbm>> -> memref<400xi32, #tpu.memory_space<hbm>>
      tpu.enqueue_dma source(%dma_start3A_49 : memref<400xi32, #tpu.memory_space<hbm>>) target(%arg19 : memref<400xi32, #tpu.memory_space<vmem>>) target_semaphore(%arg23 : memref<!tpu.dma_semaphore, #tpu.memory_space<semaphore_mem>>)
      %dma_wait3A_50 = arith.constant 0 : i32
      %dma_wait3A_51 = arith.constant 0 : i32
      %dma_wait3A_52 = tpu.memref_slice %arg2[%dma_wait3A_50, %dma_wait3A_51] : memref<100096x16xf32, #tpu.memory_space<hbm>> -> memref<100096x16xf32, #tpu.memory_space<hbm>>
      tpu.wait_indirect_dma semaphore(%arg24 : memref<!tpu.dma_semaphore, #tpu.memory_space<semaphore_mem>>) src(%dma_wait3A_52 : memref<100096x16xf32, #tpu.memory_space<hbm>>) dst(%arg14 : memref<400x16xf32, #tpu.memory_space<vmem>>)
      %dma_start3A_53 = arith.constant 0 : i32
      %dma_start3A_54 = arith.constant 0 : i32
      %dma_start3A_55 = tpu.memref_slice %arg11[%dma_start3A_53, %dma_start3A_54] : memref<100096x16xf32, #tpu.memory_space<vmem_shared>> -> memref<100096x16xf32, #tpu.memory_space<vmem_shared>>
      tpu.enqueue_indirect_dma source(%arg14 : memref<400x16xf32, #tpu.memory_space<vmem>>) target(%dma_start3A_55 : memref<100096x16xf32, #tpu.memory_space<vmem_shared>>) offsets(%arg13 : memref<400xi32, #tpu.memory_space<vmem>>) semaphore(%arg27 : memref<!tpu.dma_semaphore, #tpu.memory_space<semaphore_mem>>) {add = true}
      %dma_wait3A_56 = arith.constant 0 : i32
      %dma_wait3A_57 = tpu.memref_slice %arg4[%dma_wait3A_56] : memref<1600000xi32, #tpu.memory_space<hbm>> -> memref<400xi32, #tpu.memory_space<hbm>>
      %dma_wait3A_58 = arith.constant 0 : i32
      %dma_wait3A_59 = tpu.memref_slice %arg4[%dma_wait3A_58] : memref<1600000xi32, #tpu.memory_space<hbm>> -> memref<400xi32, #tpu.memory_space<hbm>>
      tpu.wait_dma2 semaphore(%arg23 : memref<!tpu.dma_semaphore, #tpu.memory_space<semaphore_mem>>) src(%dma_wait3A_59 : memref<400xi32, #tpu.memory_space<hbm>>) dst(%arg18 : memref<400xi32, #tpu.memory_space<vmem>>)
      %dma_wait3A_60 = arith.constant 0 : i32
      %dma_wait3A_61 = tpu.memref_slice %arg5[%dma_wait3A_60] : memref<1600000xi32, #tpu.memory_space<hbm>> -> memref<400xi32, #tpu.memory_space<hbm>>
      %dma_wait3A_62 = arith.constant 0 : i32
      %dma_wait3A_63 = tpu.memref_slice %arg5[%dma_wait3A_62] : memref<1600000xi32, #tpu.memory_space<hbm>> -> memref<400xi32, #tpu.memory_space<hbm>>
      tpu.wait_dma2 semaphore(%arg23 : memref<!tpu.dma_semaphore, #tpu.memory_space<semaphore_mem>>) src(%dma_wait3A_63 : memref<400xi32, #tpu.memory_space<hbm>>) dst(%arg19 : memref<400xi32, #tpu.memory_space<vmem>>)
      %dma_start3A_64 = arith.constant 0 : i32
      %dma_start3A_65 = arith.constant 0 : i32
      %dma_start3A_66 = tpu.memref_slice %arg2[%dma_start3A_64, %dma_start3A_65] : memref<100096x16xf32, #tpu.memory_space<hbm>> -> memref<100096x16xf32, #tpu.memory_space<hbm>>
      tpu.enqueue_indirect_dma source(%dma_start3A_66 : memref<100096x16xf32, #tpu.memory_space<hbm>>) target(%arg20 : memref<400x16xf32, #tpu.memory_space<vmem>>) offsets(%arg18 : memref<400xi32, #tpu.memory_space<vmem>>) semaphore(%arg26 : memref<!tpu.dma_semaphore, #tpu.memory_space<semaphore_mem>>)
      %scan3A = arith.constant 0 : i32
      %scan3A_67 = arith.constant 1 : i32
      %scan3A_68 = arith.constant 82 : i32
      %scan3A_69 = arith.addi %scan3A_67, %scan3A_68 : i32
      %scan3A_70 = arith.constant 1 : i32
      scf.for %scan3A_124 = %scan3A_67 to %scan3A_69 step %scan3A_70  : i32 {
        %mul3A_125 = arith.constant 3 : i32
        %mul3A_126 = arith.muli %mul3A_125, %scan3A_124 : i32
        %add3A_127 = arith.constant 0 : i32
        %add3A_128 = arith.addi %mul3A_126, %add3A_127 : i32
        %dma_wait3A_129 = arith.constant 0 : i32
        %dma_wait3A_130 = arith.constant 0 : i32
        %dma_wait3A_131 = tpu.memref_slice %arg11[%dma_wait3A_129, %dma_wait3A_130] : memref<100096x16xf32, #tpu.memory_space<vmem_shared>> -> memref<100096x16xf32, #tpu.memory_space<vmem_shared>>
        tpu.wait_indirect_dma semaphore(%arg27 : memref<!tpu.dma_semaphore, #tpu.memory_space<semaphore_mem>>) src(%arg14 : memref<400x16xf32, #tpu.memory_space<vmem>>) dst(%dma_wait3A_131 : memref<100096x16xf32, #tpu.memory_space<vmem_shared>>)
        %mul3A_132 = arith.constant 400 : i32
        %mul3A_133 = arith.muli %add3A_128, %mul3A_132 : i32
        %add3A_134 = arith.addi %mul3A_9, %mul3A_133 : i32
        %multiple_of3A_135 = tpu.assume_multiple %add3A_134, 8 : i32
        %dma_start3A_136 = tpu.memref_slice %arg4[%multiple_of3A_135] : memref<1600000xi32, #tpu.memory_space<hbm>> -> memref<400xi32, #tpu.memory_space<hbm>>
        %dma_start3A_137 = tpu.memref_slice %arg4[%multiple_of3A_135] : memref<1600000xi32, #tpu.memory_space<hbm>> -> memref<400xi32, #tpu.memory_space<hbm>>
        tpu.enqueue_dma source(%dma_start3A_137 : memref<400xi32, #tpu.memory_space<hbm>>) target(%arg12 : memref<400xi32, #tpu.memory_space<vmem>>) target_semaphore(%arg21 : memref<!tpu.dma_semaphore, #tpu.memory_space<semaphore_mem>>)
        %dma_start3A_138 = tpu.memref_slice %arg5[%multiple_of3A_135] : memref<1600000xi32, #tpu.memory_space<hbm>> -> memref<400xi32, #tpu.memory_space<hbm>>
        %dma_start3A_139 = tpu.memref_slice %arg5[%multiple_of3A_135] : memref<1600000xi32, #tpu.memory_space<hbm>> -> memref<400xi32, #tpu.memory_space<hbm>>
        tpu.enqueue_dma source(%dma_start3A_139 : memref<400xi32, #tpu.memory_space<hbm>>) target(%arg13 : memref<400xi32, #tpu.memory_space<vmem>>) target_semaphore(%arg21 : memref<!tpu.dma_semaphore, #tpu.memory_space<semaphore_mem>>)
        %dma_wait3A_140 = arith.constant 0 : i32
        %dma_wait3A_141 = arith.constant 0 : i32
        %dma_wait3A_142 = tpu.memref_slice %arg2[%dma_wait3A_140, %dma_wait3A_141] : memref<100096x16xf32, #tpu.memory_space<hbm>> -> memref<100096x16xf32, #tpu.memory_space<hbm>>
        tpu.wait_indirect_dma semaphore(%arg25 : memref<!tpu.dma_semaphore, #tpu.memory_space<semaphore_mem>>) src(%dma_wait3A_142 : memref<100096x16xf32, #tpu.memory_space<hbm>>) dst(%arg17 : memref<400x16xf32, #tpu.memory_space<vmem>>)
        %dma_start3A_143 = arith.constant 0 : i32
        %dma_start3A_144 = arith.constant 0 : i32
        %dma_start3A_145 = tpu.memref_slice %arg11[%dma_start3A_143, %dma_start3A_144] : memref<100096x16xf32, #tpu.memory_space<vmem_shared>> -> memref<100096x16xf32, #tpu.memory_space<vmem_shared>>
        tpu.enqueue_indirect_dma source(%arg17 : memref<400x16xf32, #tpu.memory_space<vmem>>) target(%dma_start3A_145 : memref<100096x16xf32, #tpu.memory_space<vmem_shared>>) offsets(%arg16 : memref<400xi32, #tpu.memory_space<vmem>>) semaphore(%arg28 : memref<!tpu.dma_semaphore, #tpu.memory_space<semaphore_mem>>) {add = true}
        %dma_wait3A_146 = arith.constant 0 : i32
        %dma_wait3A_147 = tpu.memref_slice %arg4[%dma_wait3A_146] : memref<1600000xi32, #tpu.memory_space<hbm>> -> memref<400xi32, #tpu.memory_space<hbm>>
        %dma_wait3A_148 = arith.constant 0 : i32
        %dma_wait3A_149 = tpu.memref_slice %arg4[%dma_wait3A_148] : memref<1600000xi32, #tpu.memory_space<hbm>> -> memref<400xi32, #tpu.memory_space<hbm>>
        tpu.wait_dma2 semaphore(%arg21 : memref<!tpu.dma_semaphore, #tpu.memory_space<semaphore_mem>>) src(%dma_wait3A_149 : memref<400xi32, #tpu.memory_space<hbm>>) dst(%arg12 : memref<400xi32, #tpu.memory_space<vmem>>)
        %dma_wait3A_150 = arith.constant 0 : i32
        %dma_wait3A_151 = tpu.memref_slice %arg5[%dma_wait3A_150] : memref<1600000xi32, #tpu.memory_space<hbm>> -> memref<400xi32, #tpu.memory_space<hbm>>
        %dma_wait3A_152 = arith.constant 0 : i32
        %dma_wait3A_153 = tpu.memref_slice %arg5[%dma_wait3A_152] : memref<1600000xi32, #tpu.memory_space<hbm>> -> memref<400xi32, #tpu.memory_space<hbm>>
        tpu.wait_dma2 semaphore(%arg21 : memref<!tpu.dma_semaphore, #tpu.memory_space<semaphore_mem>>) src(%dma_wait3A_153 : memref<400xi32, #tpu.memory_space<hbm>>) dst(%arg13 : memref<400xi32, #tpu.memory_space<vmem>>)
        %dma_start3A_154 = arith.constant 0 : i32
        %dma_start3A_155 = arith.constant 0 : i32
        %dma_start3A_156 = tpu.memref_slice %arg2[%dma_start3A_154, %dma_start3A_155] : memref<100096x16xf32, #tpu.memory_space<hbm>> -> memref<100096x16xf32, #tpu.memory_space<hbm>>
        tpu.enqueue_indirect_dma source(%dma_start3A_156 : memref<100096x16xf32, #tpu.memory_space<hbm>>) target(%arg14 : memref<400x16xf32, #tpu.memory_space<vmem>>) offsets(%arg12 : memref<400xi32, #tpu.memory_space<vmem>>) semaphore(%arg24 : memref<!tpu.dma_semaphore, #tpu.memory_space<semaphore_mem>>)
        %mul3A_157 = arith.constant 3 : i32
        %mul3A_158 = arith.muli %mul3A_157, %scan3A_124 : i32
        %add3A_159 = arith.constant 1 : i32
        %add3A_160 = arith.addi %mul3A_158, %add3A_159 : i32
        %dma_wait3A_161 = arith.constant 0 : i32
        %dma_wait3A_162 = arith.constant 0 : i32
        %dma_wait3A_163 = tpu.memref_slice %arg11[%dma_wait3A_161, %dma_wait3A_162] : memref<100096x16xf32, #tpu.memory_space<vmem_shared>> -> memref<100096x16xf32, #tpu.memory_space<vmem_shared>>
        tpu.wait_indirect_dma semaphore(%arg28 : memref<!tpu.dma_semaphore, #tpu.memory_space<semaphore_mem>>) src(%arg17 : memref<400x16xf32, #tpu.memory_space<vmem>>) dst(%dma_wait3A_163 : memref<100096x16xf32, #tpu.memory_space<vmem_shared>>)
        %mul3A_164 = arith.constant 400 : i32
        %mul3A_165 = arith.muli %add3A_160, %mul3A_164 : i32
        %add3A_166 = arith.addi %mul3A_9, %mul3A_165 : i32
        %multiple_of3A_167 = tpu.assume_multiple %add3A_166, 8 : i32
        %dma_start3A_168 = tpu.memref_slice %arg4[%multiple_of3A_167] : memref<1600000xi32, #tpu.memory_space<hbm>> -> memref<400xi32, #tpu.memory_space<hbm>>
        %dma_start3A_169 = tpu.memref_slice %arg4[%multiple_of3A_167] : memref<1600000xi32, #tpu.memory_space<hbm>> -> memref<400xi32, #tpu.memory_space<hbm>>
        tpu.enqueue_dma source(%dma_start3A_169 : memref<400xi32, #tpu.memory_space<hbm>>) target(%arg15 : memref<400xi32, #tpu.memory_space<vmem>>) target_semaphore(%arg22 : memref<!tpu.dma_semaphore, #tpu.memory_space<semaphore_mem>>)
        %dma_start3A_170 = tpu.memref_slice %arg5[%multiple_of3A_167] : memref<1600000xi32, #tpu.memory_space<hbm>> -> memref<400xi32, #tpu.memory_space<hbm>>
        %dma_start3A_171 = tpu.memref_slice %arg5[%multiple_of3A_167] : memref<1600000xi32, #tpu.memory_space<hbm>> -> memref<400xi32, #tpu.memory_space<hbm>>
        tpu.enqueue_dma source(%dma_start3A_171 : memref<400xi32, #tpu.memory_space<hbm>>) target(%arg16 : memref<400xi32, #tpu.memory_space<vmem>>) target_semaphore(%arg22 : memref<!tpu.dma_semaphore, #tpu.memory_space<semaphore_mem>>)
        %dma_wait3A_172 = arith.constant 0 : i32
        %dma_wait3A_173 = arith.constant 0 : i32
        %dma_wait3A_174 = tpu.memref_slice %arg2[%dma_wait3A_172, %dma_wait3A_173] : memref<100096x16xf32, #tpu.memory_space<hbm>> -> memref<100096x16xf32, #tpu.memory_space<hbm>>
        tpu.wait_indirect_dma semaphore(%arg26 : memref<!tpu.dma_semaphore, #tpu.memory_space<semaphore_mem>>) src(%dma_wait3A_174 : memref<100096x16xf32, #tpu.memory_space<hbm>>) dst(%arg20 : memref<400x16xf32, #tpu.memory_space<vmem>>)
        %dma_start3A_175 = arith.constant 0 : i32
        %dma_start3A_176 = arith.constant 0 : i32
        %dma_start3A_177 = tpu.memref_slice %arg11[%dma_start3A_175, %dma_start3A_176] : memref<100096x16xf32, #tpu.memory_space<vmem_shared>> -> memref<100096x16xf32, #tpu.memory_space<vmem_shared>>
        tpu.enqueue_indirect_dma source(%arg20 : memref<400x16xf32, #tpu.memory_space<vmem>>) target(%dma_start3A_177 : memref<100096x16xf32, #tpu.memory_space<vmem_shared>>) offsets(%arg19 : memref<400xi32, #tpu.memory_space<vmem>>) semaphore(%arg29 : memref<!tpu.dma_semaphore, #tpu.memory_space<semaphore_mem>>) {add = true}
        %dma_wait3A_178 = arith.constant 0 : i32
        %dma_wait3A_179 = tpu.memref_slice %arg4[%dma_wait3A_178] : memref<1600000xi32, #tpu.memory_space<hbm>> -> memref<400xi32, #tpu.memory_space<hbm>>
        %dma_wait3A_180 = arith.constant 0 : i32
        %dma_wait3A_181 = tpu.memref_slice %arg4[%dma_wait3A_180] : memref<1600000xi32, #tpu.memory_space<hbm>> -> memref<400xi32, #tpu.memory_space<hbm>>
        tpu.wait_dma2 semaphore(%arg22 : memref<!tpu.dma_semaphore, #tpu.memory_space<semaphore_mem>>) src(%dma_wait3A_181 : memref<400xi32, #tpu.memory_space<hbm>>) dst(%arg15 : memref<400xi32, #tpu.memory_space<vmem>>)
        %dma_wait3A_182 = arith.constant 0 : i32
        %dma_wait3A_183 = tpu.memref_slice %arg5[%dma_wait3A_182] : memref<1600000xi32, #tpu.memory_space<hbm>> -> memref<400xi32, #tpu.memory_space<hbm>>
        %dma_wait3A_184 = arith.constant 0 : i32
        %dma_wait3A_185 = tpu.memref_slice %arg5[%dma_wait3A_184] : memref<1600000xi32, #tpu.memory_space<hbm>> -> memref<400xi32, #tpu.memory_space<hbm>>
        tpu.wait_dma2 semaphore(%arg22 : memref<!tpu.dma_semaphore, #tpu.memory_space<semaphore_mem>>) src(%dma_wait3A_185 : memref<400xi32, #tpu.memory_space<hbm>>) dst(%arg16 : memref<400xi32, #tpu.memory_space<vmem>>)
        %dma_start3A_186 = arith.constant 0 : i32
        %dma_start3A_187 = arith.constant 0 : i32
        %dma_start3A_188 = tpu.memref_slice %arg2[%dma_start3A_186, %dma_start3A_187] : memref<100096x16xf32, #tpu.memory_space<hbm>> -> memref<100096x16xf32, #tpu.memory_space<hbm>>
        tpu.enqueue_indirect_dma source(%dma_start3A_188 : memref<100096x16xf32, #tpu.memory_space<hbm>>) target(%arg17 : memref<400x16xf32, #tpu.memory_space<vmem>>) offsets(%arg15 : memref<400xi32, #tpu.memory_space<vmem>>) semaphore(%arg25 : memref<!tpu.dma_semaphore, #tpu.memory_space<semaphore_mem>>)
        %mul3A_189 = arith.constant 3 : i32
        %mul3A_190 = arith.muli %mul3A_189, %scan3A_124 : i32
        %add3A_191 = arith.constant 2 : i32
        %add3A_192 = arith.addi %mul3A_190, %add3A_191 : i32
        %dma_wait3A_193 = arith.constant 0 : i32
        %dma_wait3A_194 = arith.constant 0 : i32
        %dma_wait3A_195 = tpu.memref_slice %arg11[%dma_wait3A_193, %dma_wait3A_194] : memref<100096x16xf32, #tpu.memory_space<vmem_shared>> -> memref<100096x16xf32, #tpu.memory_space<vmem_shared>>
        tpu.wait_indirect_dma semaphore(%arg29 : memref<!tpu.dma_semaphore, #tpu.memory_space<semaphore_mem>>) src(%arg20 : memref<400x16xf32, #tpu.memory_space<vmem>>) dst(%dma_wait3A_195 : memref<100096x16xf32, #tpu.memory_space<vmem_shared>>)
        %mul3A_196 = arith.constant 400 : i32
        %mul3A_197 = arith.muli %add3A_192, %mul3A_196 : i32
        %add3A_198 = arith.addi %mul3A_9, %mul3A_197 : i32
        %multiple_of3A_199 = tpu.assume_multiple %add3A_198, 8 : i32
        %dma_start3A_200 = tpu.memref_slice %arg4[%multiple_of3A_199] : memref<1600000xi32, #tpu.memory_space<hbm>> -> memref<400xi32, #tpu.memory_space<hbm>>
        %dma_start3A_201 = tpu.memref_slice %arg4[%multiple_of3A_199] : memref<1600000xi32, #tpu.memory_space<hbm>> -> memref<400xi32, #tpu.memory_space<hbm>>
        tpu.enqueue_dma source(%dma_start3A_201 : memref<400xi32, #tpu.memory_space<hbm>>) target(%arg18 : memref<400xi32, #tpu.memory_space<vmem>>) target_semaphore(%arg23 : memref<!tpu.dma_semaphore, #tpu.memory_space<semaphore_mem>>)
        %dma_start3A_202 = tpu.memref_slice %arg5[%multiple_of3A_199] : memref<1600000xi32, #tpu.memory_space<hbm>> -> memref<400xi32, #tpu.memory_space<hbm>>
        %dma_start3A_203 = tpu.memref_slice %arg5[%multiple_of3A_199] : memref<1600000xi32, #tpu.memory_space<hbm>> -> memref<400xi32, #tpu.memory_space<hbm>>
        tpu.enqueue_dma source(%dma_start3A_203 : memref<400xi32, #tpu.memory_space<hbm>>) target(%arg19 : memref<400xi32, #tpu.memory_space<vmem>>) target_semaphore(%arg23 : memref<!tpu.dma_semaphore, #tpu.memory_space<semaphore_mem>>)
        %dma_wait3A_204 = arith.constant 0 : i32
        %dma_wait3A_205 = arith.constant 0 : i32
        %dma_wait3A_206 = tpu.memref_slice %arg2[%dma_wait3A_204, %dma_wait3A_205] : memref<100096x16xf32, #tpu.memory_space<hbm>> -> memref<100096x16xf32, #tpu.memory_space<hbm>>
        tpu.wait_indirect_dma semaphore(%arg24 : memref<!tpu.dma_semaphore, #tpu.memory_space<semaphore_mem>>) src(%dma_wait3A_206 : memref<100096x16xf32, #tpu.memory_space<hbm>>) dst(%arg14 : memref<400x16xf32, #tpu.memory_space<vmem>>)
        %dma_start3A_207 = arith.constant 0 : i32
        %dma_start3A_208 = arith.constant 0 : i32
        %dma_start3A_209 = tpu.memref_slice %arg11[%dma_start3A_207, %dma_start3A_208] : memref<100096x16xf32, #tpu.memory_space<vmem_shared>> -> memref<100096x16xf32, #tpu.memory_space<vmem_shared>>
        tpu.enqueue_indirect_dma source(%arg14 : memref<400x16xf32, #tpu.memory_space<vmem>>) target(%dma_start3A_209 : memref<100096x16xf32, #tpu.memory_space<vmem_shared>>) offsets(%arg13 : memref<400xi32, #tpu.memory_space<vmem>>) semaphore(%arg27 : memref<!tpu.dma_semaphore, #tpu.memory_space<semaphore_mem>>) {add = true}
        %dma_wait3A_210 = arith.constant 0 : i32
        %dma_wait3A_211 = tpu.memref_slice %arg4[%dma_wait3A_210] : memref<1600000xi32, #tpu.memory_space<hbm>> -> memref<400xi32, #tpu.memory_space<hbm>>
        %dma_wait3A_212 = arith.constant 0 : i32
        %dma_wait3A_213 = tpu.memref_slice %arg4[%dma_wait3A_212] : memref<1600000xi32, #tpu.memory_space<hbm>> -> memref<400xi32, #tpu.memory_space<hbm>>
        tpu.wait_dma2 semaphore(%arg23 : memref<!tpu.dma_semaphore, #tpu.memory_space<semaphore_mem>>) src(%dma_wait3A_213 : memref<400xi32, #tpu.memory_space<hbm>>) dst(%arg18 : memref<400xi32, #tpu.memory_space<vmem>>)
        %dma_wait3A_214 = arith.constant 0 : i32
        %dma_wait3A_215 = tpu.memref_slice %arg5[%dma_wait3A_214] : memref<1600000xi32, #tpu.memory_space<hbm>> -> memref<400xi32, #tpu.memory_space<hbm>>
        %dma_wait3A_216 = arith.constant 0 : i32
        %dma_wait3A_217 = tpu.memref_slice %arg5[%dma_wait3A_216] : memref<1600000xi32, #tpu.memory_space<hbm>> -> memref<400xi32, #tpu.memory_space<hbm>>
        tpu.wait_dma2 semaphore(%arg23 : memref<!tpu.dma_semaphore, #tpu.memory_space<semaphore_mem>>) src(%dma_wait3A_217 : memref<400xi32, #tpu.memory_space<hbm>>) dst(%arg19 : memref<400xi32, #tpu.memory_space<vmem>>)
        %dma_start3A_218 = arith.constant 0 : i32
        %dma_start3A_219 = arith.constant 0 : i32
        %dma_start3A_220 = tpu.memref_slice %arg2[%dma_start3A_218, %dma_start3A_219] : memref<100096x16xf32, #tpu.memory_space<hbm>> -> memref<100096x16xf32, #tpu.memory_space<hbm>>
        tpu.enqueue_indirect_dma source(%dma_start3A_220 : memref<100096x16xf32, #tpu.memory_space<hbm>>) target(%arg20 : memref<400x16xf32, #tpu.memory_space<vmem>>) offsets(%arg18 : memref<400xi32, #tpu.memory_space<vmem>>) semaphore(%arg26 : memref<!tpu.dma_semaphore, #tpu.memory_space<semaphore_mem>>)
      }
      %scan3A_71 = arith.constant 82 : i32
      %dma_wait3A_72 = arith.constant 0 : i32
      %dma_wait3A_73 = arith.constant 0 : i32
      %dma_wait3A_74 = tpu.memref_slice %arg11[%dma_wait3A_72, %dma_wait3A_73] : memref<100096x16xf32, #tpu.memory_space<vmem_shared>> -> memref<100096x16xf32, #tpu.memory_space<vmem_shared>>
      tpu.wait_indirect_dma semaphore(%arg27 : memref<!tpu.dma_semaphore, #tpu.memory_space<semaphore_mem>>) src(%arg14 : memref<400x16xf32, #tpu.memory_space<vmem>>) dst(%dma_wait3A_74 : memref<100096x16xf32, #tpu.memory_space<vmem_shared>>)
      %add3A_75 = arith.constant 99600 : i32
      %add3A_76 = arith.addi %mul3A_9, %add3A_75 : i32
      %multiple_of3A_77 = tpu.assume_multiple %add3A_76, 8 : i32
      %dma_start3A_78 = tpu.memref_slice %arg4[%multiple_of3A_77] : memref<1600000xi32, #tpu.memory_space<hbm>> -> memref<400xi32, #tpu.memory_space<hbm>>
      %dma_start3A_79 = tpu.memref_slice %arg4[%multiple_of3A_77] : memref<1600000xi32, #tpu.memory_space<hbm>> -> memref<400xi32, #tpu.memory_space<hbm>>
      tpu.enqueue_dma source(%dma_start3A_79 : memref<400xi32, #tpu.memory_space<hbm>>) target(%arg12 : memref<400xi32, #tpu.memory_space<vmem>>) target_semaphore(%arg21 : memref<!tpu.dma_semaphore, #tpu.memory_space<semaphore_mem>>)
      %dma_start3A_80 = tpu.memref_slice %arg5[%multiple_of3A_77] : memref<1600000xi32, #tpu.memory_space<hbm>> -> memref<400xi32, #tpu.memory_space<hbm>>
      %dma_start3A_81 = tpu.memref_slice %arg5[%multiple_of3A_77] : memref<1600000xi32, #tpu.memory_space<hbm>> -> memref<400xi32, #tpu.memory_space<hbm>>
      tpu.enqueue_dma source(%dma_start3A_81 : memref<400xi32, #tpu.memory_space<hbm>>) target(%arg13 : memref<400xi32, #tpu.memory_space<vmem>>) target_semaphore(%arg21 : memref<!tpu.dma_semaphore, #tpu.memory_space<semaphore_mem>>)
      %dma_wait3A_82 = arith.constant 0 : i32
      %dma_wait3A_83 = arith.constant 0 : i32
      %dma_wait3A_84 = tpu.memref_slice %arg2[%dma_wait3A_82, %dma_wait3A_83] : memref<100096x16xf32, #tpu.memory_space<hbm>> -> memref<100096x16xf32, #tpu.memory_space<hbm>>
      tpu.wait_indirect_dma semaphore(%arg25 : memref<!tpu.dma_semaphore, #tpu.memory_space<semaphore_mem>>) src(%dma_wait3A_84 : memref<100096x16xf32, #tpu.memory_space<hbm>>) dst(%arg17 : memref<400x16xf32, #tpu.memory_space<vmem>>)
      %dma_start3A_85 = arith.constant 0 : i32
      %dma_start3A_86 = arith.constant 0 : i32
      %dma_start3A_87 = tpu.memref_slice %arg11[%dma_start3A_85, %dma_start3A_86] : memref<100096x16xf32, #tpu.memory_space<vmem_shared>> -> memref<100096x16xf32, #tpu.memory_space<vmem_shared>>
      tpu.enqueue_indirect_dma source(%arg17 : memref<400x16xf32, #tpu.memory_space<vmem>>) target(%dma_start3A_87 : memref<100096x16xf32, #tpu.memory_space<vmem_shared>>) offsets(%arg16 : memref<400xi32, #tpu.memory_space<vmem>>) semaphore(%arg28 : memref<!tpu.dma_semaphore, #tpu.memory_space<semaphore_mem>>) {add = true}
      %dma_wait3A_88 = arith.constant 0 : i32
      %dma_wait3A_89 = tpu.memref_slice %arg4[%dma_wait3A_88] : memref<1600000xi32, #tpu.memory_space<hbm>> -> memref<400xi32, #tpu.memory_space<hbm>>
      %dma_wait3A_90 = arith.constant 0 : i32
      %dma_wait3A_91 = tpu.memref_slice %arg4[%dma_wait3A_90] : memref<1600000xi32, #tpu.memory_space<hbm>> -> memref<400xi32, #tpu.memory_space<hbm>>
      tpu.wait_dma2 semaphore(%arg21 : memref<!tpu.dma_semaphore, #tpu.memory_space<semaphore_mem>>) src(%dma_wait3A_91 : memref<400xi32, #tpu.memory_space<hbm>>) dst(%arg12 : memref<400xi32, #tpu.memory_space<vmem>>)
      %dma_wait3A_92 = arith.constant 0 : i32
      %dma_wait3A_93 = tpu.memref_slice %arg5[%dma_wait3A_92] : memref<1600000xi32, #tpu.memory_space<hbm>> -> memref<400xi32, #tpu.memory_space<hbm>>
      %dma_wait3A_94 = arith.constant 0 : i32
      %dma_wait3A_95 = tpu.memref_slice %arg5[%dma_wait3A_94] : memref<1600000xi32, #tpu.memory_space<hbm>> -> memref<400xi32, #tpu.memory_space<hbm>>
      tpu.wait_dma2 semaphore(%arg21 : memref<!tpu.dma_semaphore, #tpu.memory_space<semaphore_mem>>) src(%dma_wait3A_95 : memref<400xi32, #tpu.memory_space<hbm>>) dst(%arg13 : memref<400xi32, #tpu.memory_space<vmem>>)
      %dma_start3A_96 = arith.constant 0 : i32
      %dma_start3A_97 = arith.constant 0 : i32
      %dma_start3A_98 = tpu.memref_slice %arg2[%dma_start3A_96, %dma_start3A_97] : memref<100096x16xf32, #tpu.memory_space<hbm>> -> memref<100096x16xf32, #tpu.memory_space<hbm>>
      tpu.enqueue_indirect_dma source(%dma_start3A_98 : memref<100096x16xf32, #tpu.memory_space<hbm>>) target(%arg14 : memref<400x16xf32, #tpu.memory_space<vmem>>) offsets(%arg12 : memref<400xi32, #tpu.memory_space<vmem>>) semaphore(%arg24 : memref<!tpu.dma_semaphore, #tpu.memory_space<semaphore_mem>>)
      %dma_wait3A_99 = arith.constant 0 : i32
      %dma_wait3A_100 = arith.constant 0 : i32
      %dma_wait3A_101 = tpu.memref_slice %arg11[%dma_wait3A_99, %dma_wait3A_100] : memref<100096x16xf32, #tpu.memory_space<vmem_shared>> -> memref<100096x16xf32, #tpu.memory_space<vmem_shared>>
      tpu.wait_indirect_dma semaphore(%arg28 : memref<!tpu.dma_semaphore, #tpu.memory_space<semaphore_mem>>) src(%arg17 : memref<400x16xf32, #tpu.memory_space<vmem>>) dst(%dma_wait3A_101 : memref<100096x16xf32, #tpu.memory_space<vmem_shared>>)
      %dma_wait3A_102 = arith.constant 0 : i32
      %dma_wait3A_103 = arith.constant 0 : i32
      %dma_wait3A_104 = tpu.memref_slice %arg2[%dma_wait3A_102, %dma_wait3A_103] : memref<100096x16xf32, #tpu.memory_space<hbm>> -> memref<100096x16xf32, #tpu.memory_space<hbm>>
      tpu.wait_indirect_dma semaphore(%arg26 : memref<!tpu.dma_semaphore, #tpu.memory_space<semaphore_mem>>) src(%dma_wait3A_104 : memref<100096x16xf32, #tpu.memory_space<hbm>>) dst(%arg20 : memref<400x16xf32, #tpu.memory_space<vmem>>)
      %dma_start3A_105 = arith.constant 0 : i32
      %dma_start3A_106 = arith.constant 0 : i32
      %dma_start3A_107 = tpu.memref_slice %arg11[%dma_start3A_105, %dma_start3A_106] : memref<100096x16xf32, #tpu.memory_space<vmem_shared>> -> memref<100096x16xf32, #tpu.memory_space<vmem_shared>>
      tpu.enqueue_indirect_dma source(%arg20 : memref<400x16xf32, #tpu.memory_space<vmem>>) target(%dma_start3A_107 : memref<100096x16xf32, #tpu.memory_space<vmem_shared>>) offsets(%arg19 : memref<400xi32, #tpu.memory_space<vmem>>) semaphore(%arg29 : memref<!tpu.dma_semaphore, #tpu.memory_space<semaphore_mem>>) {add = true}
      %dma_wait3A_108 = arith.constant 0 : i32
      %dma_wait3A_109 = arith.constant 0 : i32
      %dma_wait3A_110 = tpu.memref_slice %arg11[%dma_wait3A_108, %dma_wait3A_109] : memref<100096x16xf32, #tpu.memory_space<vmem_shared>> -> memref<100096x16xf32, #tpu.memory_space<vmem_shared>>
      tpu.wait_indirect_dma semaphore(%arg29 : memref<!tpu.dma_semaphore, #tpu.memory_space<semaphore_mem>>) src(%arg20 : memref<400x16xf32, #tpu.memory_space<vmem>>) dst(%dma_wait3A_110 : memref<100096x16xf32, #tpu.memory_space<vmem_shared>>)
      %dma_wait3A_111 = arith.constant 0 : i32
      %dma_wait3A_112 = arith.constant 0 : i32
      %dma_wait3A_113 = tpu.memref_slice %arg2[%dma_wait3A_111, %dma_wait3A_112] : memref<100096x16xf32, #tpu.memory_space<hbm>> -> memref<100096x16xf32, #tpu.memory_space<hbm>>
      tpu.wait_indirect_dma semaphore(%arg24 : memref<!tpu.dma_semaphore, #tpu.memory_space<semaphore_mem>>) src(%dma_wait3A_113 : memref<100096x16xf32, #tpu.memory_space<hbm>>) dst(%arg14 : memref<400x16xf32, #tpu.memory_space<vmem>>)
      %dma_start3A_114 = arith.constant 0 : i32
      %dma_start3A_115 = arith.constant 0 : i32
      %dma_start3A_116 = tpu.memref_slice %arg11[%dma_start3A_114, %dma_start3A_115] : memref<100096x16xf32, #tpu.memory_space<vmem_shared>> -> memref<100096x16xf32, #tpu.memory_space<vmem_shared>>
      tpu.enqueue_indirect_dma source(%arg14 : memref<400x16xf32, #tpu.memory_space<vmem>>) target(%dma_start3A_116 : memref<100096x16xf32, #tpu.memory_space<vmem_shared>>) offsets(%arg13 : memref<400xi32, #tpu.memory_space<vmem>>) semaphore(%arg27 : memref<!tpu.dma_semaphore, #tpu.memory_space<semaphore_mem>>) {add = true}
      %dma_wait3A_117 = arith.constant 0 : i32
      %dma_wait3A_118 = arith.constant 0 : i32
      %dma_wait3A_119 = tpu.memref_slice %arg11[%dma_wait3A_117, %dma_wait3A_118] : memref<100096x16xf32, #tpu.memory_space<vmem_shared>> -> memref<100096x16xf32, #tpu.memory_space<vmem_shared>>
      tpu.wait_indirect_dma semaphore(%arg27 : memref<!tpu.dma_semaphore, #tpu.memory_space<semaphore_mem>>) src(%arg14 : memref<400x16xf32, #tpu.memory_space<vmem>>) dst(%dma_wait3A_119 : memref<100096x16xf32, #tpu.memory_space<vmem_shared>>)
      %barrier3A_120 = arith.constant 0 : index
      tpu.barrier barrier_id(%barrier3A_120)
      %mul3A_121 = arith.constant 6256 : i32
      %mul3A_122 = arith.muli %arg1, %mul3A_121 : i32
      %multiple_of3A_123 = tpu.assume_multiple %mul3A_122, 8 : i32
      "tpu.region"() ({
        %run_scoped3A = tpu.sem_alloc : memref<!tpu.dma_semaphore, #tpu.memory_space<semaphore_mem>>
        %dma_start3A_124 = arith.constant 0 : i32
        %dma_start3A_125 = tpu.memref_slice %arg9[%multiple_of3A_123, %dma_start3A_124] : memref<100096x16xf32, #tpu.memory_space<hbm>> -> memref<6256x16xf32, #tpu.memory_space<hbm>>
        %dma_start3A_126 = arith.constant 0 : i32
        %dma_start3A_127 = tpu.memref_slice %arg11[%multiple_of3A_123, %dma_start3A_126] : memref<100096x16xf32, #tpu.memory_space<vmem_shared>> -> memref<6256x16xf32, #tpu.memory_space<vmem_shared>>
        tpu.enqueue_dma source(%dma_start3A_127 : memref<6256x16xf32, #tpu.memory_space<vmem_shared>>) target(%dma_start3A_125 : memref<6256x16xf32, #tpu.memory_space<hbm>>) target_semaphore(%run_scoped3A : memref<!tpu.dma_semaphore, #tpu.memory_space<semaphore_mem>>)
        %dma_wait3A_128 = arith.constant 0 : i32
        %dma_wait3A_129 = tpu.memref_slice %arg9[%multiple_of3A_123, %dma_wait3A_128] : memref<100096x16xf32, #tpu.memory_space<hbm>> -> memref<6256x16xf32, #tpu.memory_space<hbm>>
        %dma_wait3A_130 = arith.constant 0 : i32
        %dma_wait3A_131 = tpu.memref_slice %arg11[%multiple_of3A_123, %dma_wait3A_130] : memref<100096x16xf32, #tpu.memory_space<vmem_shared>> -> memref<6256x16xf32, #tpu.memory_space<vmem_shared>>
        tpu.wait_dma2 semaphore(%run_scoped3A : memref<!tpu.dma_semaphore, #tpu.memory_space<semaphore_mem>>) src(%dma_wait3A_131 : memref<6256x16xf32, #tpu.memory_space<vmem_shared>>) dst(%dma_wait3A_129 : memref<6256x16xf32, #tpu.memory_space<hbm>>)
        tpu.yield
      }) : () -> ()
    } else {
    }
    %eq3A_3 = arith.constant 1 : i32
    %eq3A_4 = arith.cmpi eq, %arg0, %eq3A_3 : i32
    %convert_element_type3A_5 = arith.extui %eq3A_4 : i1 to i32
    %cond3A_6 = arith.constant 0 : i32
    %cond3A_7 = arith.cmpi ne, %convert_element_type3A_5, %cond3A_6 : i32
    scf.if %cond3A_7 {
      %mul3A_8 = arith.constant 100000 : i32
      %mul3A_9 = arith.muli %arg1, %mul3A_8 : i32
      %add3A = arith.constant 0 : i32
      %add3A_10 = arith.addi %mul3A_9, %add3A : i32
      %multiple_of3A_11 = tpu.assume_multiple %add3A_10, 8 : i32
      %dma_start3A = tpu.memref_slice %arg6[%multiple_of3A_11] : memref<1600000xi32, #tpu.memory_space<hbm>> -> memref<400xi32, #tpu.memory_space<hbm>>
      %dma_start3A_12 = tpu.memref_slice %arg6[%multiple_of3A_11] : memref<1600000xi32, #tpu.memory_space<hbm>> -> memref<400xi32, #tpu.memory_space<hbm>>
      tpu.enqueue_dma source(%dma_start3A_12 : memref<400xi32, #tpu.memory_space<hbm>>) target(%arg12 : memref<400xi32, #tpu.memory_space<vmem>>) target_semaphore(%arg21 : memref<!tpu.dma_semaphore, #tpu.memory_space<semaphore_mem>>)
      %dma_start3A_13 = tpu.memref_slice %arg7[%multiple_of3A_11] : memref<1600000xi32, #tpu.memory_space<hbm>> -> memref<400xi32, #tpu.memory_space<hbm>>
      %dma_start3A_14 = tpu.memref_slice %arg7[%multiple_of3A_11] : memref<1600000xi32, #tpu.memory_space<hbm>> -> memref<400xi32, #tpu.memory_space<hbm>>
      tpu.enqueue_dma source(%dma_start3A_14 : memref<400xi32, #tpu.memory_space<hbm>>) target(%arg13 : memref<400xi32, #tpu.memory_space<vmem>>) target_semaphore(%arg21 : memref<!tpu.dma_semaphore, #tpu.memory_space<semaphore_mem>>)
      %dma_wait3A = arith.constant 0 : i32
      %dma_wait3A_15 = tpu.memref_slice %arg6[%dma_wait3A] : memref<1600000xi32, #tpu.memory_space<hbm>> -> memref<400xi32, #tpu.memory_space<hbm>>
      %dma_wait3A_16 = arith.constant 0 : i32
      %dma_wait3A_17 = tpu.memref_slice %arg6[%dma_wait3A_16] : memref<1600000xi32, #tpu.memory_space<hbm>> -> memref<400xi32, #tpu.memory_space<hbm>>
      tpu.wait_dma2 semaphore(%arg21 : memref<!tpu.dma_semaphore, #tpu.memory_space<semaphore_mem>>) src(%dma_wait3A_17 : memref<400xi32, #tpu.memory_space<hbm>>) dst(%arg12 : memref<400xi32, #tpu.memory_space<vmem>>)
      %dma_wait3A_18 = arith.constant 0 : i32
      %dma_wait3A_19 = tpu.memref_slice %arg7[%dma_wait3A_18] : memref<1600000xi32, #tpu.memory_space<hbm>> -> memref<400xi32, #tpu.memory_space<hbm>>
      %dma_wait3A_20 = arith.constant 0 : i32
      %dma_wait3A_21 = tpu.memref_slice %arg7[%dma_wait3A_20] : memref<1600000xi32, #tpu.memory_space<hbm>> -> memref<400xi32, #tpu.memory_space<hbm>>
      tpu.wait_dma2 semaphore(%arg21 : memref<!tpu.dma_semaphore, #tpu.memory_space<semaphore_mem>>) src(%dma_wait3A_21 : memref<400xi32, #tpu.memory_space<hbm>>) dst(%arg13 : memref<400xi32, #tpu.memory_space<vmem>>)
      %dma_start3A_22 = arith.constant 0 : i32
      %dma_start3A_23 = arith.constant 0 : i32
      %dma_start3A_24 = tpu.memref_slice %arg3[%dma_start3A_22, %dma_start3A_23] : memref<100096x16xf32, #tpu.memory_space<hbm>> -> memref<100096x16xf32, #tpu.memory_space<hbm>>
      tpu.enqueue_indirect_dma source(%dma_start3A_24 : memref<100096x16xf32, #tpu.memory_space<hbm>>) target(%arg14 : memref<400x16xf32, #tpu.memory_space<vmem>>) offsets(%arg12 : memref<400xi32, #tpu.memory_space<vmem>>) semaphore(%arg24 : memref<!tpu.dma_semaphore, #tpu.memory_space<semaphore_mem>>)
      %add3A_25 = arith.constant 400 : i32
      %add3A_26 = arith.addi %mul3A_9, %add3A_25 : i32
      %multiple_of3A_27 = tpu.assume_multiple %add3A_26, 8 : i32
      %dma_start3A_28 = tpu.memref_slice %arg6[%multiple_of3A_27] : memref<1600000xi32, #tpu.memory_space<hbm>> -> memref<400xi32, #tpu.memory_space<hbm>>
      %dma_start3A_29 = tpu.memref_slice %arg6[%multiple_of3A_27] : memref<1600000xi32, #tpu.memory_space<hbm>> -> memref<400xi32, #tpu.memory_space<hbm>>
      tpu.enqueue_dma source(%dma_start3A_29 : memref<400xi32, #tpu.memory_space<hbm>>) target(%arg15 : memref<400xi32, #tpu.memory_space<vmem>>) target_semaphore(%arg22 : memref<!tpu.dma_semaphore, #tpu.memory_space<semaphore_mem>>)
      %dma_start3A_30 = tpu.memref_slice %arg7[%multiple_of3A_27] : memref<1600000xi32, #tpu.memory_space<hbm>> -> memref<400xi32, #tpu.memory_space<hbm>>
      %dma_start3A_31 = tpu.memref_slice %arg7[%multiple_of3A_27] : memref<1600000xi32, #tpu.memory_space<hbm>> -> memref<400xi32, #tpu.memory_space<hbm>>
      tpu.enqueue_dma source(%dma_start3A_31 : memref<400xi32, #tpu.memory_space<hbm>>) target(%arg16 : memref<400xi32, #tpu.memory_space<vmem>>) target_semaphore(%arg22 : memref<!tpu.dma_semaphore, #tpu.memory_space<semaphore_mem>>)
      %dma_wait3A_32 = arith.constant 0 : i32
      %dma_wait3A_33 = tpu.memref_slice %arg6[%dma_wait3A_32] : memref<1600000xi32, #tpu.memory_space<hbm>> -> memref<400xi32, #tpu.memory_space<hbm>>
      %dma_wait3A_34 = arith.constant 0 : i32
      %dma_wait3A_35 = tpu.memref_slice %arg6[%dma_wait3A_34] : memref<1600000xi32, #tpu.memory_space<hbm>> -> memref<400xi32, #tpu.memory_space<hbm>>
      tpu.wait_dma2 semaphore(%arg22 : memref<!tpu.dma_semaphore, #tpu.memory_space<semaphore_mem>>) src(%dma_wait3A_35 : memref<400xi32, #tpu.memory_space<hbm>>) dst(%arg15 : memref<400xi32, #tpu.memory_space<vmem>>)
      %dma_wait3A_36 = arith.constant 0 : i32
      %dma_wait3A_37 = tpu.memref_slice %arg7[%dma_wait3A_36] : memref<1600000xi32, #tpu.memory_space<hbm>> -> memref<400xi32, #tpu.memory_space<hbm>>
      %dma_wait3A_38 = arith.constant 0 : i32
      %dma_wait3A_39 = tpu.memref_slice %arg7[%dma_wait3A_38] : memref<1600000xi32, #tpu.memory_space<hbm>> -> memref<400xi32, #tpu.memory_space<hbm>>
      tpu.wait_dma2 semaphore(%arg22 : memref<!tpu.dma_semaphore, #tpu.memory_space<semaphore_mem>>) src(%dma_wait3A_39 : memref<400xi32, #tpu.memory_space<hbm>>) dst(%arg16 : memref<400xi32, #tpu.memory_space<vmem>>)
      %dma_start3A_40 = arith.constant 0 : i32
      %dma_start3A_41 = arith.constant 0 : i32
      %dma_start3A_42 = tpu.memref_slice %arg3[%dma_start3A_40, %dma_start3A_41] : memref<100096x16xf32, #tpu.memory_space<hbm>> -> memref<100096x16xf32, #tpu.memory_space<hbm>>
      tpu.enqueue_indirect_dma source(%dma_start3A_42 : memref<100096x16xf32, #tpu.memory_space<hbm>>) target(%arg17 : memref<400x16xf32, #tpu.memory_space<vmem>>) offsets(%arg15 : memref<400xi32, #tpu.memory_space<vmem>>) semaphore(%arg25 : memref<!tpu.dma_semaphore, #tpu.memory_space<semaphore_mem>>)
      %add3A_43 = arith.constant 800 : i32
      %add3A_44 = arith.addi %mul3A_9, %add3A_43 : i32
      %multiple_of3A_45 = tpu.assume_multiple %add3A_44, 8 : i32
      %dma_start3A_46 = tpu.memref_slice %arg6[%multiple_of3A_45] : memref<1600000xi32, #tpu.memory_space<hbm>> -> memref<400xi32, #tpu.memory_space<hbm>>
      %dma_start3A_47 = tpu.memref_slice %arg6[%multiple_of3A_45] : memref<1600000xi32, #tpu.memory_space<hbm>> -> memref<400xi32, #tpu.memory_space<hbm>>
      tpu.enqueue_dma source(%dma_start3A_47 : memref<400xi32, #tpu.memory_space<hbm>>) target(%arg18 : memref<400xi32, #tpu.memory_space<vmem>>) target_semaphore(%arg23 : memref<!tpu.dma_semaphore, #tpu.memory_space<semaphore_mem>>)
      %dma_start3A_48 = tpu.memref_slice %arg7[%multiple_of3A_45] : memref<1600000xi32, #tpu.memory_space<hbm>> -> memref<400xi32, #tpu.memory_space<hbm>>
      %dma_start3A_49 = tpu.memref_slice %arg7[%multiple_of3A_45] : memref<1600000xi32, #tpu.memory_space<hbm>> -> memref<400xi32, #tpu.memory_space<hbm>>
      tpu.enqueue_dma source(%dma_start3A_49 : memref<400xi32, #tpu.memory_space<hbm>>) target(%arg19 : memref<400xi32, #tpu.memory_space<vmem>>) target_semaphore(%arg23 : memref<!tpu.dma_semaphore, #tpu.memory_space<semaphore_mem>>)
      %dma_wait3A_50 = arith.constant 0 : i32
      %dma_wait3A_51 = arith.constant 0 : i32
      %dma_wait3A_52 = tpu.memref_slice %arg3[%dma_wait3A_50, %dma_wait3A_51] : memref<100096x16xf32, #tpu.memory_space<hbm>> -> memref<100096x16xf32, #tpu.memory_space<hbm>>
      tpu.wait_indirect_dma semaphore(%arg24 : memref<!tpu.dma_semaphore, #tpu.memory_space<semaphore_mem>>) src(%dma_wait3A_52 : memref<100096x16xf32, #tpu.memory_space<hbm>>) dst(%arg14 : memref<400x16xf32, #tpu.memory_space<vmem>>)
      %dma_start3A_53 = arith.constant 0 : i32
      %dma_start3A_54 = arith.constant 0 : i32
      %dma_start3A_55 = tpu.memref_slice %arg11[%dma_start3A_53, %dma_start3A_54] : memref<100096x16xf32, #tpu.memory_space<vmem_shared>> -> memref<100096x16xf32, #tpu.memory_space<vmem_shared>>
      tpu.enqueue_indirect_dma source(%arg14 : memref<400x16xf32, #tpu.memory_space<vmem>>) target(%dma_start3A_55 : memref<100096x16xf32, #tpu.memory_space<vmem_shared>>) offsets(%arg13 : memref<400xi32, #tpu.memory_space<vmem>>) semaphore(%arg27 : memref<!tpu.dma_semaphore, #tpu.memory_space<semaphore_mem>>) {add = true}
      %dma_wait3A_56 = arith.constant 0 : i32
      %dma_wait3A_57 = tpu.memref_slice %arg6[%dma_wait3A_56] : memref<1600000xi32, #tpu.memory_space<hbm>> -> memref<400xi32, #tpu.memory_space<hbm>>
      %dma_wait3A_58 = arith.constant 0 : i32
      %dma_wait3A_59 = tpu.memref_slice %arg6[%dma_wait3A_58] : memref<1600000xi32, #tpu.memory_space<hbm>> -> memref<400xi32, #tpu.memory_space<hbm>>
      tpu.wait_dma2 semaphore(%arg23 : memref<!tpu.dma_semaphore, #tpu.memory_space<semaphore_mem>>) src(%dma_wait3A_59 : memref<400xi32, #tpu.memory_space<hbm>>) dst(%arg18 : memref<400xi32, #tpu.memory_space<vmem>>)
      %dma_wait3A_60 = arith.constant 0 : i32
      %dma_wait3A_61 = tpu.memref_slice %arg7[%dma_wait3A_60] : memref<1600000xi32, #tpu.memory_space<hbm>> -> memref<400xi32, #tpu.memory_space<hbm>>
      %dma_wait3A_62 = arith.constant 0 : i32
      %dma_wait3A_63 = tpu.memref_slice %arg7[%dma_wait3A_62] : memref<1600000xi32, #tpu.memory_space<hbm>> -> memref<400xi32, #tpu.memory_space<hbm>>
      tpu.wait_dma2 semaphore(%arg23 : memref<!tpu.dma_semaphore, #tpu.memory_space<semaphore_mem>>) src(%dma_wait3A_63 : memref<400xi32, #tpu.memory_space<hbm>>) dst(%arg19 : memref<400xi32, #tpu.memory_space<vmem>>)
      %dma_start3A_64 = arith.constant 0 : i32
      %dma_start3A_65 = arith.constant 0 : i32
      %dma_start3A_66 = tpu.memref_slice %arg3[%dma_start3A_64, %dma_start3A_65] : memref<100096x16xf32, #tpu.memory_space<hbm>> -> memref<100096x16xf32, #tpu.memory_space<hbm>>
      tpu.enqueue_indirect_dma source(%dma_start3A_66 : memref<100096x16xf32, #tpu.memory_space<hbm>>) target(%arg20 : memref<400x16xf32, #tpu.memory_space<vmem>>) offsets(%arg18 : memref<400xi32, #tpu.memory_space<vmem>>) semaphore(%arg26 : memref<!tpu.dma_semaphore, #tpu.memory_space<semaphore_mem>>)
      %scan3A = arith.constant 0 : i32
      %scan3A_67 = arith.constant 1 : i32
      %scan3A_68 = arith.constant 82 : i32
      %scan3A_69 = arith.addi %scan3A_67, %scan3A_68 : i32
      %scan3A_70 = arith.constant 1 : i32
      scf.for %scan3A_124 = %scan3A_67 to %scan3A_69 step %scan3A_70  : i32 {
        %mul3A_125 = arith.constant 3 : i32
        %mul3A_126 = arith.muli %mul3A_125, %scan3A_124 : i32
        %add3A_127 = arith.constant 0 : i32
        %add3A_128 = arith.addi %mul3A_126, %add3A_127 : i32
        %dma_wait3A_129 = arith.constant 0 : i32
        %dma_wait3A_130 = arith.constant 0 : i32
        %dma_wait3A_131 = tpu.memref_slice %arg11[%dma_wait3A_129, %dma_wait3A_130] : memref<100096x16xf32, #tpu.memory_space<vmem_shared>> -> memref<100096x16xf32, #tpu.memory_space<vmem_shared>>
        tpu.wait_indirect_dma semaphore(%arg27 : memref<!tpu.dma_semaphore, #tpu.memory_space<semaphore_mem>>) src(%arg14 : memref<400x16xf32, #tpu.memory_space<vmem>>) dst(%dma_wait3A_131 : memref<100096x16xf32, #tpu.memory_space<vmem_shared>>)
        %mul3A_132 = arith.constant 400 : i32
        %mul3A_133 = arith.muli %add3A_128, %mul3A_132 : i32
        %add3A_134 = arith.addi %mul3A_9, %mul3A_133 : i32
        %multiple_of3A_135 = tpu.assume_multiple %add3A_134, 8 : i32
        %dma_start3A_136 = tpu.memref_slice %arg6[%multiple_of3A_135] : memref<1600000xi32, #tpu.memory_space<hbm>> -> memref<400xi32, #tpu.memory_space<hbm>>
        %dma_start3A_137 = tpu.memref_slice %arg6[%multiple_of3A_135] : memref<1600000xi32, #tpu.memory_space<hbm>> -> memref<400xi32, #tpu.memory_space<hbm>>
        tpu.enqueue_dma source(%dma_start3A_137 : memref<400xi32, #tpu.memory_space<hbm>>) target(%arg12 : memref<400xi32, #tpu.memory_space<vmem>>) target_semaphore(%arg21 : memref<!tpu.dma_semaphore, #tpu.memory_space<semaphore_mem>>)
        %dma_start3A_138 = tpu.memref_slice %arg7[%multiple_of3A_135] : memref<1600000xi32, #tpu.memory_space<hbm>> -> memref<400xi32, #tpu.memory_space<hbm>>
        %dma_start3A_139 = tpu.memref_slice %arg7[%multiple_of3A_135] : memref<1600000xi32, #tpu.memory_space<hbm>> -> memref<400xi32, #tpu.memory_space<hbm>>
        tpu.enqueue_dma source(%dma_start3A_139 : memref<400xi32, #tpu.memory_space<hbm>>) target(%arg13 : memref<400xi32, #tpu.memory_space<vmem>>) target_semaphore(%arg21 : memref<!tpu.dma_semaphore, #tpu.memory_space<semaphore_mem>>)
        %dma_wait3A_140 = arith.constant 0 : i32
        %dma_wait3A_141 = arith.constant 0 : i32
        %dma_wait3A_142 = tpu.memref_slice %arg3[%dma_wait3A_140, %dma_wait3A_141] : memref<100096x16xf32, #tpu.memory_space<hbm>> -> memref<100096x16xf32, #tpu.memory_space<hbm>>
        tpu.wait_indirect_dma semaphore(%arg25 : memref<!tpu.dma_semaphore, #tpu.memory_space<semaphore_mem>>) src(%dma_wait3A_142 : memref<100096x16xf32, #tpu.memory_space<hbm>>) dst(%arg17 : memref<400x16xf32, #tpu.memory_space<vmem>>)
        %dma_start3A_143 = arith.constant 0 : i32
        %dma_start3A_144 = arith.constant 0 : i32
        %dma_start3A_145 = tpu.memref_slice %arg11[%dma_start3A_143, %dma_start3A_144] : memref<100096x16xf32, #tpu.memory_space<vmem_shared>> -> memref<100096x16xf32, #tpu.memory_space<vmem_shared>>
        tpu.enqueue_indirect_dma source(%arg17 : memref<400x16xf32, #tpu.memory_space<vmem>>) target(%dma_start3A_145 : memref<100096x16xf32, #tpu.memory_space<vmem_shared>>) offsets(%arg16 : memref<400xi32, #tpu.memory_space<vmem>>) semaphore(%arg28 : memref<!tpu.dma_semaphore, #tpu.memory_space<semaphore_mem>>) {add = true}
        %dma_wait3A_146 = arith.constant 0 : i32
        %dma_wait3A_147 = tpu.memref_slice %arg6[%dma_wait3A_146] : memref<1600000xi32, #tpu.memory_space<hbm>> -> memref<400xi32, #tpu.memory_space<hbm>>
        %dma_wait3A_148 = arith.constant 0 : i32
        %dma_wait3A_149 = tpu.memref_slice %arg6[%dma_wait3A_148] : memref<1600000xi32, #tpu.memory_space<hbm>> -> memref<400xi32, #tpu.memory_space<hbm>>
        tpu.wait_dma2 semaphore(%arg21 : memref<!tpu.dma_semaphore, #tpu.memory_space<semaphore_mem>>) src(%dma_wait3A_149 : memref<400xi32, #tpu.memory_space<hbm>>) dst(%arg12 : memref<400xi32, #tpu.memory_space<vmem>>)
        %dma_wait3A_150 = arith.constant 0 : i32
        %dma_wait3A_151 = tpu.memref_slice %arg7[%dma_wait3A_150] : memref<1600000xi32, #tpu.memory_space<hbm>> -> memref<400xi32, #tpu.memory_space<hbm>>
        %dma_wait3A_152 = arith.constant 0 : i32
        %dma_wait3A_153 = tpu.memref_slice %arg7[%dma_wait3A_152] : memref<1600000xi32, #tpu.memory_space<hbm>> -> memref<400xi32, #tpu.memory_space<hbm>>
        tpu.wait_dma2 semaphore(%arg21 : memref<!tpu.dma_semaphore, #tpu.memory_space<semaphore_mem>>) src(%dma_wait3A_153 : memref<400xi32, #tpu.memory_space<hbm>>) dst(%arg13 : memref<400xi32, #tpu.memory_space<vmem>>)
        %dma_start3A_154 = arith.constant 0 : i32
        %dma_start3A_155 = arith.constant 0 : i32
        %dma_start3A_156 = tpu.memref_slice %arg3[%dma_start3A_154, %dma_start3A_155] : memref<100096x16xf32, #tpu.memory_space<hbm>> -> memref<100096x16xf32, #tpu.memory_space<hbm>>
        tpu.enqueue_indirect_dma source(%dma_start3A_156 : memref<100096x16xf32, #tpu.memory_space<hbm>>) target(%arg14 : memref<400x16xf32, #tpu.memory_space<vmem>>) offsets(%arg12 : memref<400xi32, #tpu.memory_space<vmem>>) semaphore(%arg24 : memref<!tpu.dma_semaphore, #tpu.memory_space<semaphore_mem>>)
        %mul3A_157 = arith.constant 3 : i32
        %mul3A_158 = arith.muli %mul3A_157, %scan3A_124 : i32
        %add3A_159 = arith.constant 1 : i32
        %add3A_160 = arith.addi %mul3A_158, %add3A_159 : i32
        %dma_wait3A_161 = arith.constant 0 : i32
        %dma_wait3A_162 = arith.constant 0 : i32
        %dma_wait3A_163 = tpu.memref_slice %arg11[%dma_wait3A_161, %dma_wait3A_162] : memref<100096x16xf32, #tpu.memory_space<vmem_shared>> -> memref<100096x16xf32, #tpu.memory_space<vmem_shared>>
        tpu.wait_indirect_dma semaphore(%arg28 : memref<!tpu.dma_semaphore, #tpu.memory_space<semaphore_mem>>) src(%arg17 : memref<400x16xf32, #tpu.memory_space<vmem>>) dst(%dma_wait3A_163 : memref<100096x16xf32, #tpu.memory_space<vmem_shared>>)
        %mul3A_164 = arith.constant 400 : i32
        %mul3A_165 = arith.muli %add3A_160, %mul3A_164 : i32
        %add3A_166 = arith.addi %mul3A_9, %mul3A_165 : i32
        %multiple_of3A_167 = tpu.assume_multiple %add3A_166, 8 : i32
        %dma_start3A_168 = tpu.memref_slice %arg6[%multiple_of3A_167] : memref<1600000xi32, #tpu.memory_space<hbm>> -> memref<400xi32, #tpu.memory_space<hbm>>
        %dma_start3A_169 = tpu.memref_slice %arg6[%multiple_of3A_167] : memref<1600000xi32, #tpu.memory_space<hbm>> -> memref<400xi32, #tpu.memory_space<hbm>>
        tpu.enqueue_dma source(%dma_start3A_169 : memref<400xi32, #tpu.memory_space<hbm>>) target(%arg15 : memref<400xi32, #tpu.memory_space<vmem>>) target_semaphore(%arg22 : memref<!tpu.dma_semaphore, #tpu.memory_space<semaphore_mem>>)
        %dma_start3A_170 = tpu.memref_slice %arg7[%multiple_of3A_167] : memref<1600000xi32, #tpu.memory_space<hbm>> -> memref<400xi32, #tpu.memory_space<hbm>>
        %dma_start3A_171 = tpu.memref_slice %arg7[%multiple_of3A_167] : memref<1600000xi32, #tpu.memory_space<hbm>> -> memref<400xi32, #tpu.memory_space<hbm>>
        tpu.enqueue_dma source(%dma_start3A_171 : memref<400xi32, #tpu.memory_space<hbm>>) target(%arg16 : memref<400xi32, #tpu.memory_space<vmem>>) target_semaphore(%arg22 : memref<!tpu.dma_semaphore, #tpu.memory_space<semaphore_mem>>)
        %dma_wait3A_172 = arith.constant 0 : i32
        %dma_wait3A_173 = arith.constant 0 : i32
        %dma_wait3A_174 = tpu.memref_slice %arg3[%dma_wait3A_172, %dma_wait3A_173] : memref<100096x16xf32, #tpu.memory_space<hbm>> -> memref<100096x16xf32, #tpu.memory_space<hbm>>
        tpu.wait_indirect_dma semaphore(%arg26 : memref<!tpu.dma_semaphore, #tpu.memory_space<semaphore_mem>>) src(%dma_wait3A_174 : memref<100096x16xf32, #tpu.memory_space<hbm>>) dst(%arg20 : memref<400x16xf32, #tpu.memory_space<vmem>>)
        %dma_start3A_175 = arith.constant 0 : i32
        %dma_start3A_176 = arith.constant 0 : i32
        %dma_start3A_177 = tpu.memref_slice %arg11[%dma_start3A_175, %dma_start3A_176] : memref<100096x16xf32, #tpu.memory_space<vmem_shared>> -> memref<100096x16xf32, #tpu.memory_space<vmem_shared>>
        tpu.enqueue_indirect_dma source(%arg20 : memref<400x16xf32, #tpu.memory_space<vmem>>) target(%dma_start3A_177 : memref<100096x16xf32, #tpu.memory_space<vmem_shared>>) offsets(%arg19 : memref<400xi32, #tpu.memory_space<vmem>>) semaphore(%arg29 : memref<!tpu.dma_semaphore, #tpu.memory_space<semaphore_mem>>) {add = true}
        %dma_wait3A_178 = arith.constant 0 : i32
        %dma_wait3A_179 = tpu.memref_slice %arg6[%dma_wait3A_178] : memref<1600000xi32, #tpu.memory_space<hbm>> -> memref<400xi32, #tpu.memory_space<hbm>>
        %dma_wait3A_180 = arith.constant 0 : i32
        %dma_wait3A_181 = tpu.memref_slice %arg6[%dma_wait3A_180] : memref<1600000xi32, #tpu.memory_space<hbm>> -> memref<400xi32, #tpu.memory_space<hbm>>
        tpu.wait_dma2 semaphore(%arg22 : memref<!tpu.dma_semaphore, #tpu.memory_space<semaphore_mem>>) src(%dma_wait3A_181 : memref<400xi32, #tpu.memory_space<hbm>>) dst(%arg15 : memref<400xi32, #tpu.memory_space<vmem>>)
        %dma_wait3A_182 = arith.constant 0 : i32
        %dma_wait3A_183 = tpu.memref_slice %arg7[%dma_wait3A_182] : memref<1600000xi32, #tpu.memory_space<hbm>> -> memref<400xi32, #tpu.memory_space<hbm>>
        %dma_wait3A_184 = arith.constant 0 : i32
        %dma_wait3A_185 = tpu.memref_slice %arg7[%dma_wait3A_184] : memref<1600000xi32, #tpu.memory_space<hbm>> -> memref<400xi32, #tpu.memory_space<hbm>>
        tpu.wait_dma2 semaphore(%arg22 : memref<!tpu.dma_semaphore, #tpu.memory_space<semaphore_mem>>) src(%dma_wait3A_185 : memref<400xi32, #tpu.memory_space<hbm>>) dst(%arg16 : memref<400xi32, #tpu.memory_space<vmem>>)
        %dma_start3A_186 = arith.constant 0 : i32
        %dma_start3A_187 = arith.constant 0 : i32
        %dma_start3A_188 = tpu.memref_slice %arg3[%dma_start3A_186, %dma_start3A_187] : memref<100096x16xf32, #tpu.memory_space<hbm>> -> memref<100096x16xf32, #tpu.memory_space<hbm>>
        tpu.enqueue_indirect_dma source(%dma_start3A_188 : memref<100096x16xf32, #tpu.memory_space<hbm>>) target(%arg17 : memref<400x16xf32, #tpu.memory_space<vmem>>) offsets(%arg15 : memref<400xi32, #tpu.memory_space<vmem>>) semaphore(%arg25 : memref<!tpu.dma_semaphore, #tpu.memory_space<semaphore_mem>>)
        %mul3A_189 = arith.constant 3 : i32
        %mul3A_190 = arith.muli %mul3A_189, %scan3A_124 : i32
        %add3A_191 = arith.constant 2 : i32
        %add3A_192 = arith.addi %mul3A_190, %add3A_191 : i32
        %dma_wait3A_193 = arith.constant 0 : i32
        %dma_wait3A_194 = arith.constant 0 : i32
        %dma_wait3A_195 = tpu.memref_slice %arg11[%dma_wait3A_193, %dma_wait3A_194] : memref<100096x16xf32, #tpu.memory_space<vmem_shared>> -> memref<100096x16xf32, #tpu.memory_space<vmem_shared>>
        tpu.wait_indirect_dma semaphore(%arg29 : memref<!tpu.dma_semaphore, #tpu.memory_space<semaphore_mem>>) src(%arg20 : memref<400x16xf32, #tpu.memory_space<vmem>>) dst(%dma_wait3A_195 : memref<100096x16xf32, #tpu.memory_space<vmem_shared>>)
        %mul3A_196 = arith.constant 400 : i32
        %mul3A_197 = arith.muli %add3A_192, %mul3A_196 : i32
        %add3A_198 = arith.addi %mul3A_9, %mul3A_197 : i32
        %multiple_of3A_199 = tpu.assume_multiple %add3A_198, 8 : i32
        %dma_start3A_200 = tpu.memref_slice %arg6[%multiple_of3A_199] : memref<1600000xi32, #tpu.memory_space<hbm>> -> memref<400xi32, #tpu.memory_space<hbm>>
        %dma_start3A_201 = tpu.memref_slice %arg6[%multiple_of3A_199] : memref<1600000xi32, #tpu.memory_space<hbm>> -> memref<400xi32, #tpu.memory_space<hbm>>
        tpu.enqueue_dma source(%dma_start3A_201 : memref<400xi32, #tpu.memory_space<hbm>>) target(%arg18 : memref<400xi32, #tpu.memory_space<vmem>>) target_semaphore(%arg23 : memref<!tpu.dma_semaphore, #tpu.memory_space<semaphore_mem>>)
        %dma_start3A_202 = tpu.memref_slice %arg7[%multiple_of3A_199] : memref<1600000xi32, #tpu.memory_space<hbm>> -> memref<400xi32, #tpu.memory_space<hbm>>
        %dma_start3A_203 = tpu.memref_slice %arg7[%multiple_of3A_199] : memref<1600000xi32, #tpu.memory_space<hbm>> -> memref<400xi32, #tpu.memory_space<hbm>>
        tpu.enqueue_dma source(%dma_start3A_203 : memref<400xi32, #tpu.memory_space<hbm>>) target(%arg19 : memref<400xi32, #tpu.memory_space<vmem>>) target_semaphore(%arg23 : memref<!tpu.dma_semaphore, #tpu.memory_space<semaphore_mem>>)
        %dma_wait3A_204 = arith.constant 0 : i32
        %dma_wait3A_205 = arith.constant 0 : i32
        %dma_wait3A_206 = tpu.memref_slice %arg3[%dma_wait3A_204, %dma_wait3A_205] : memref<100096x16xf32, #tpu.memory_space<hbm>> -> memref<100096x16xf32, #tpu.memory_space<hbm>>
        tpu.wait_indirect_dma semaphore(%arg24 : memref<!tpu.dma_semaphore, #tpu.memory_space<semaphore_mem>>) src(%dma_wait3A_206 : memref<100096x16xf32, #tpu.memory_space<hbm>>) dst(%arg14 : memref<400x16xf32, #tpu.memory_space<vmem>>)
        %dma_start3A_207 = arith.constant 0 : i32
        %dma_start3A_208 = arith.constant 0 : i32
        %dma_start3A_209 = tpu.memref_slice %arg11[%dma_start3A_207, %dma_start3A_208] : memref<100096x16xf32, #tpu.memory_space<vmem_shared>> -> memref<100096x16xf32, #tpu.memory_space<vmem_shared>>
        tpu.enqueue_indirect_dma source(%arg14 : memref<400x16xf32, #tpu.memory_space<vmem>>) target(%dma_start3A_209 : memref<100096x16xf32, #tpu.memory_space<vmem_shared>>) offsets(%arg13 : memref<400xi32, #tpu.memory_space<vmem>>) semaphore(%arg27 : memref<!tpu.dma_semaphore, #tpu.memory_space<semaphore_mem>>) {add = true}
        %dma_wait3A_210 = arith.constant 0 : i32
        %dma_wait3A_211 = tpu.memref_slice %arg6[%dma_wait3A_210] : memref<1600000xi32, #tpu.memory_space<hbm>> -> memref<400xi32, #tpu.memory_space<hbm>>
        %dma_wait3A_212 = arith.constant 0 : i32
        %dma_wait3A_213 = tpu.memref_slice %arg6[%dma_wait3A_212] : memref<1600000xi32, #tpu.memory_space<hbm>> -> memref<400xi32, #tpu.memory_space<hbm>>
        tpu.wait_dma2 semaphore(%arg23 : memref<!tpu.dma_semaphore, #tpu.memory_space<semaphore_mem>>) src(%dma_wait3A_213 : memref<400xi32, #tpu.memory_space<hbm>>) dst(%arg18 : memref<400xi32, #tpu.memory_space<vmem>>)
        %dma_wait3A_214 = arith.constant 0 : i32
        %dma_wait3A_215 = tpu.memref_slice %arg7[%dma_wait3A_214] : memref<1600000xi32, #tpu.memory_space<hbm>> -> memref<400xi32, #tpu.memory_space<hbm>>
        %dma_wait3A_216 = arith.constant 0 : i32
        %dma_wait3A_217 = tpu.memref_slice %arg7[%dma_wait3A_216] : memref<1600000xi32, #tpu.memory_space<hbm>> -> memref<400xi32, #tpu.memory_space<hbm>>
        tpu.wait_dma2 semaphore(%arg23 : memref<!tpu.dma_semaphore, #tpu.memory_space<semaphore_mem>>) src(%dma_wait3A_217 : memref<400xi32, #tpu.memory_space<hbm>>) dst(%arg19 : memref<400xi32, #tpu.memory_space<vmem>>)
        %dma_start3A_218 = arith.constant 0 : i32
        %dma_start3A_219 = arith.constant 0 : i32
        %dma_start3A_220 = tpu.memref_slice %arg3[%dma_start3A_218, %dma_start3A_219] : memref<100096x16xf32, #tpu.memory_space<hbm>> -> memref<100096x16xf32, #tpu.memory_space<hbm>>
        tpu.enqueue_indirect_dma source(%dma_start3A_220 : memref<100096x16xf32, #tpu.memory_space<hbm>>) target(%arg20 : memref<400x16xf32, #tpu.memory_space<vmem>>) offsets(%arg18 : memref<400xi32, #tpu.memory_space<vmem>>) semaphore(%arg26 : memref<!tpu.dma_semaphore, #tpu.memory_space<semaphore_mem>>)
      }
      %scan3A_71 = arith.constant 82 : i32
      %dma_wait3A_72 = arith.constant 0 : i32
      %dma_wait3A_73 = arith.constant 0 : i32
      %dma_wait3A_74 = tpu.memref_slice %arg11[%dma_wait3A_72, %dma_wait3A_73] : memref<100096x16xf32, #tpu.memory_space<vmem_shared>> -> memref<100096x16xf32, #tpu.memory_space<vmem_shared>>
      tpu.wait_indirect_dma semaphore(%arg27 : memref<!tpu.dma_semaphore, #tpu.memory_space<semaphore_mem>>) src(%arg14 : memref<400x16xf32, #tpu.memory_space<vmem>>) dst(%dma_wait3A_74 : memref<100096x16xf32, #tpu.memory_space<vmem_shared>>)
      %add3A_75 = arith.constant 99600 : i32
      %add3A_76 = arith.addi %mul3A_9, %add3A_75 : i32
      %multiple_of3A_77 = tpu.assume_multiple %add3A_76, 8 : i32
      %dma_start3A_78 = tpu.memref_slice %arg6[%multiple_of3A_77] : memref<1600000xi32, #tpu.memory_space<hbm>> -> memref<400xi32, #tpu.memory_space<hbm>>
      %dma_start3A_79 = tpu.memref_slice %arg6[%multiple_of3A_77] : memref<1600000xi32, #tpu.memory_space<hbm>> -> memref<400xi32, #tpu.memory_space<hbm>>
      tpu.enqueue_dma source(%dma_start3A_79 : memref<400xi32, #tpu.memory_space<hbm>>) target(%arg12 : memref<400xi32, #tpu.memory_space<vmem>>) target_semaphore(%arg21 : memref<!tpu.dma_semaphore, #tpu.memory_space<semaphore_mem>>)
      %dma_start3A_80 = tpu.memref_slice %arg7[%multiple_of3A_77] : memref<1600000xi32, #tpu.memory_space<hbm>> -> memref<400xi32, #tpu.memory_space<hbm>>
      %dma_start3A_81 = tpu.memref_slice %arg7[%multiple_of3A_77] : memref<1600000xi32, #tpu.memory_space<hbm>> -> memref<400xi32, #tpu.memory_space<hbm>>
      tpu.enqueue_dma source(%dma_start3A_81 : memref<400xi32, #tpu.memory_space<hbm>>) target(%arg13 : memref<400xi32, #tpu.memory_space<vmem>>) target_semaphore(%arg21 : memref<!tpu.dma_semaphore, #tpu.memory_space<semaphore_mem>>)
      %dma_wait3A_82 = arith.constant 0 : i32
      %dma_wait3A_83 = arith.constant 0 : i32
      %dma_wait3A_84 = tpu.memref_slice %arg3[%dma_wait3A_82, %dma_wait3A_83] : memref<100096x16xf32, #tpu.memory_space<hbm>> -> memref<100096x16xf32, #tpu.memory_space<hbm>>
      tpu.wait_indirect_dma semaphore(%arg25 : memref<!tpu.dma_semaphore, #tpu.memory_space<semaphore_mem>>) src(%dma_wait3A_84 : memref<100096x16xf32, #tpu.memory_space<hbm>>) dst(%arg17 : memref<400x16xf32, #tpu.memory_space<vmem>>)
      %dma_start3A_85 = arith.constant 0 : i32
      %dma_start3A_86 = arith.constant 0 : i32
      %dma_start3A_87 = tpu.memref_slice %arg11[%dma_start3A_85, %dma_start3A_86] : memref<100096x16xf32, #tpu.memory_space<vmem_shared>> -> memref<100096x16xf32, #tpu.memory_space<vmem_shared>>
      tpu.enqueue_indirect_dma source(%arg17 : memref<400x16xf32, #tpu.memory_space<vmem>>) target(%dma_start3A_87 : memref<100096x16xf32, #tpu.memory_space<vmem_shared>>) offsets(%arg16 : memref<400xi32, #tpu.memory_space<vmem>>) semaphore(%arg28 : memref<!tpu.dma_semaphore, #tpu.memory_space<semaphore_mem>>) {add = true}
      %dma_wait3A_88 = arith.constant 0 : i32
      %dma_wait3A_89 = tpu.memref_slice %arg6[%dma_wait3A_88] : memref<1600000xi32, #tpu.memory_space<hbm>> -> memref<400xi32, #tpu.memory_space<hbm>>
      %dma_wait3A_90 = arith.constant 0 : i32
      %dma_wait3A_91 = tpu.memref_slice %arg6[%dma_wait3A_90] : memref<1600000xi32, #tpu.memory_space<hbm>> -> memref<400xi32, #tpu.memory_space<hbm>>
      tpu.wait_dma2 semaphore(%arg21 : memref<!tpu.dma_semaphore, #tpu.memory_space<semaphore_mem>>) src(%dma_wait3A_91 : memref<400xi32, #tpu.memory_space<hbm>>) dst(%arg12 : memref<400xi32, #tpu.memory_space<vmem>>)
      %dma_wait3A_92 = arith.constant 0 : i32
      %dma_wait3A_93 = tpu.memref_slice %arg7[%dma_wait3A_92] : memref<1600000xi32, #tpu.memory_space<hbm>> -> memref<400xi32, #tpu.memory_space<hbm>>
      %dma_wait3A_94 = arith.constant 0 : i32
      %dma_wait3A_95 = tpu.memref_slice %arg7[%dma_wait3A_94] : memref<1600000xi32, #tpu.memory_space<hbm>> -> memref<400xi32, #tpu.memory_space<hbm>>
      tpu.wait_dma2 semaphore(%arg21 : memref<!tpu.dma_semaphore, #tpu.memory_space<semaphore_mem>>) src(%dma_wait3A_95 : memref<400xi32, #tpu.memory_space<hbm>>) dst(%arg13 : memref<400xi32, #tpu.memory_space<vmem>>)
      %dma_start3A_96 = arith.constant 0 : i32
      %dma_start3A_97 = arith.constant 0 : i32
      %dma_start3A_98 = tpu.memref_slice %arg3[%dma_start3A_96, %dma_start3A_97] : memref<100096x16xf32, #tpu.memory_space<hbm>> -> memref<100096x16xf32, #tpu.memory_space<hbm>>
      tpu.enqueue_indirect_dma source(%dma_start3A_98 : memref<100096x16xf32, #tpu.memory_space<hbm>>) target(%arg14 : memref<400x16xf32, #tpu.memory_space<vmem>>) offsets(%arg12 : memref<400xi32, #tpu.memory_space<vmem>>) semaphore(%arg24 : memref<!tpu.dma_semaphore, #tpu.memory_space<semaphore_mem>>)
      %dma_wait3A_99 = arith.constant 0 : i32
      %dma_wait3A_100 = arith.constant 0 : i32
      %dma_wait3A_101 = tpu.memref_slice %arg11[%dma_wait3A_99, %dma_wait3A_100] : memref<100096x16xf32, #tpu.memory_space<vmem_shared>> -> memref<100096x16xf32, #tpu.memory_space<vmem_shared>>
      tpu.wait_indirect_dma semaphore(%arg28 : memref<!tpu.dma_semaphore, #tpu.memory_space<semaphore_mem>>) src(%arg17 : memref<400x16xf32, #tpu.memory_space<vmem>>) dst(%dma_wait3A_101 : memref<100096x16xf32, #tpu.memory_space<vmem_shared>>)
      %dma_wait3A_102 = arith.constant 0 : i32
      %dma_wait3A_103 = arith.constant 0 : i32
      %dma_wait3A_104 = tpu.memref_slice %arg3[%dma_wait3A_102, %dma_wait3A_103] : memref<100096x16xf32, #tpu.memory_space<hbm>> -> memref<100096x16xf32, #tpu.memory_space<hbm>>
      tpu.wait_indirect_dma semaphore(%arg26 : memref<!tpu.dma_semaphore, #tpu.memory_space<semaphore_mem>>) src(%dma_wait3A_104 : memref<100096x16xf32, #tpu.memory_space<hbm>>) dst(%arg20 : memref<400x16xf32, #tpu.memory_space<vmem>>)
      %dma_start3A_105 = arith.constant 0 : i32
      %dma_start3A_106 = arith.constant 0 : i32
      %dma_start3A_107 = tpu.memref_slice %arg11[%dma_start3A_105, %dma_start3A_106] : memref<100096x16xf32, #tpu.memory_space<vmem_shared>> -> memref<100096x16xf32, #tpu.memory_space<vmem_shared>>
      tpu.enqueue_indirect_dma source(%arg20 : memref<400x16xf32, #tpu.memory_space<vmem>>) target(%dma_start3A_107 : memref<100096x16xf32, #tpu.memory_space<vmem_shared>>) offsets(%arg19 : memref<400xi32, #tpu.memory_space<vmem>>) semaphore(%arg29 : memref<!tpu.dma_semaphore, #tpu.memory_space<semaphore_mem>>) {add = true}
      %dma_wait3A_108 = arith.constant 0 : i32
      %dma_wait3A_109 = arith.constant 0 : i32
      %dma_wait3A_110 = tpu.memref_slice %arg11[%dma_wait3A_108, %dma_wait3A_109] : memref<100096x16xf32, #tpu.memory_space<vmem_shared>> -> memref<100096x16xf32, #tpu.memory_space<vmem_shared>>
      tpu.wait_indirect_dma semaphore(%arg29 : memref<!tpu.dma_semaphore, #tpu.memory_space<semaphore_mem>>) src(%arg20 : memref<400x16xf32, #tpu.memory_space<vmem>>) dst(%dma_wait3A_110 : memref<100096x16xf32, #tpu.memory_space<vmem_shared>>)
      %dma_wait3A_111 = arith.constant 0 : i32
      %dma_wait3A_112 = arith.constant 0 : i32
      %dma_wait3A_113 = tpu.memref_slice %arg3[%dma_wait3A_111, %dma_wait3A_112] : memref<100096x16xf32, #tpu.memory_space<hbm>> -> memref<100096x16xf32, #tpu.memory_space<hbm>>
      tpu.wait_indirect_dma semaphore(%arg24 : memref<!tpu.dma_semaphore, #tpu.memory_space<semaphore_mem>>) src(%dma_wait3A_113 : memref<100096x16xf32, #tpu.memory_space<hbm>>) dst(%arg14 : memref<400x16xf32, #tpu.memory_space<vmem>>)
      %dma_start3A_114 = arith.constant 0 : i32
      %dma_start3A_115 = arith.constant 0 : i32
      %dma_start3A_116 = tpu.memref_slice %arg11[%dma_start3A_114, %dma_start3A_115] : memref<100096x16xf32, #tpu.memory_space<vmem_shared>> -> memref<100096x16xf32, #tpu.memory_space<vmem_shared>>
      tpu.enqueue_indirect_dma source(%arg14 : memref<400x16xf32, #tpu.memory_space<vmem>>) target(%dma_start3A_116 : memref<100096x16xf32, #tpu.memory_space<vmem_shared>>) offsets(%arg13 : memref<400xi32, #tpu.memory_space<vmem>>) semaphore(%arg27 : memref<!tpu.dma_semaphore, #tpu.memory_space<semaphore_mem>>) {add = true}
      %dma_wait3A_117 = arith.constant 0 : i32
      %dma_wait3A_118 = arith.constant 0 : i32
      %dma_wait3A_119 = tpu.memref_slice %arg11[%dma_wait3A_117, %dma_wait3A_118] : memref<100096x16xf32, #tpu.memory_space<vmem_shared>> -> memref<100096x16xf32, #tpu.memory_space<vmem_shared>>
      tpu.wait_indirect_dma semaphore(%arg27 : memref<!tpu.dma_semaphore, #tpu.memory_space<semaphore_mem>>) src(%arg14 : memref<400x16xf32, #tpu.memory_space<vmem>>) dst(%dma_wait3A_119 : memref<100096x16xf32, #tpu.memory_space<vmem_shared>>)
      %barrier3A_120 = arith.constant 0 : index
      tpu.barrier barrier_id(%barrier3A_120)
      %mul3A_121 = arith.constant 6256 : i32
      %mul3A_122 = arith.muli %arg1, %mul3A_121 : i32
      %multiple_of3A_123 = tpu.assume_multiple %mul3A_122, 8 : i32
      "tpu.region"() ({
        %run_scoped3A = tpu.sem_alloc : memref<!tpu.dma_semaphore, #tpu.memory_space<semaphore_mem>>
        %dma_start3A_124 = arith.constant 0 : i32
        %dma_start3A_125 = tpu.memref_slice %arg10[%multiple_of3A_123, %dma_start3A_124] : memref<100096x16xf32, #tpu.memory_space<hbm>> -> memref<6256x16xf32, #tpu.memory_space<hbm>>
        %dma_start3A_126 = arith.constant 0 : i32
        %dma_start3A_127 = tpu.memref_slice %arg11[%multiple_of3A_123, %dma_start3A_126] : memref<100096x16xf32, #tpu.memory_space<vmem_shared>> -> memref<6256x16xf32, #tpu.memory_space<vmem_shared>>
        tpu.enqueue_dma source(%dma_start3A_127 : memref<6256x16xf32, #tpu.memory_space<vmem_shared>>) target(%dma_start3A_125 : memref<6256x16xf32, #tpu.memory_space<hbm>>) target_semaphore(%run_scoped3A : memref<!tpu.dma_semaphore, #tpu.memory_space<semaphore_mem>>)
        %dma_wait3A_128 = arith.constant 0 : i32
        %dma_wait3A_129 = tpu.memref_slice %arg10[%multiple_of3A_123, %dma_wait3A_128] : memref<100096x16xf32, #tpu.memory_space<hbm>> -> memref<6256x16xf32, #tpu.memory_space<hbm>>
        %dma_wait3A_130 = arith.constant 0 : i32
        %dma_wait3A_131 = tpu.memref_slice %arg11[%multiple_of3A_123, %dma_wait3A_130] : memref<100096x16xf32, #tpu.memory_space<vmem_shared>> -> memref<6256x16xf32, #tpu.memory_space<vmem_shared>>
        tpu.wait_dma2 semaphore(%run_scoped3A : memref<!tpu.dma_semaphore, #tpu.memory_space<semaphore_mem>>) src(%dma_wait3A_131 : memref<6256x16xf32, #tpu.memory_space<vmem_shared>>) dst(%dma_wait3A_129 : memref<6256x16xf32, #tpu.memory_space<hbm>>)
        tpu.yield
      }) : () -> ()
    } else {
    }
    return
  }
}

#map = affine_map<(d0, d1) -> (0, 0)>
#map1 = affine_map<(d0, d1) -> (0)>
module attributes {stable_mosaic.version = 14 : i64} {
  func.func @_seg_sum_body(%arg0: i32, %arg1: i32, %arg2: memref<100096x16xf32, #tpu.memory_space<hbm>>, %arg3: memref<100096x16xf32, #tpu.memory_space<hbm>>, %arg4: memref<1600000xi32, #tpu.memory_space<hbm>>, %arg5: memref<1600000xi32, #tpu.memory_space<hbm>>, %arg6: memref<1600000xi32, #tpu.memory_space<hbm>>, %arg7: memref<1600000xi32, #tpu.memory_space<hbm>>, %arg8: memref<100096x16xf32, #tpu.memory_space<hbm>>, %arg9: memref<100096x16xf32, #tpu.memory_space<hbm>>, %arg10: memref<100096x16xf32, #tpu.memory_space<hbm>>, %arg11: memref<100096x16xf32, #tpu.memory_space<vmem_shared>>, %arg12: memref<400xi32, #tpu.memory_space<vmem>>, %arg13: memref<400xi32, #tpu.memory_space<vmem>>, %arg14: memref<400x16xf32, #tpu.memory_space<vmem>>, %arg15: memref<400xi32, #tpu.memory_space<vmem>>, %arg16: memref<400xi32, #tpu.memory_space<vmem>>, %arg17: memref<400x16xf32, #tpu.memory_space<vmem>>, %arg18: memref<400xi32, #tpu.memory_space<vmem>>, %arg19: memref<400xi32, #tpu.memory_space<vmem>>, %arg20: memref<400x16xf32, #tpu.memory_space<vmem>>, %arg21: memref<!tpu.dma_semaphore, #tpu.memory_space<semaphore_mem>>, %arg22: memref<!tpu.dma_semaphore, #tpu.memory_space<semaphore_mem>>, %arg23: memref<!tpu.dma_semaphore, #tpu.memory_space<semaphore_mem>>, %arg24: memref<!tpu.dma_semaphore, #tpu.memory_space<semaphore_mem>>, %arg25: memref<!tpu.dma_semaphore, #tpu.memory_space<semaphore_mem>>, %arg26: memref<!tpu.dma_semaphore, #tpu.memory_space<semaphore_mem>>, %arg27: memref<!tpu.dma_semaphore, #tpu.memory_space<semaphore_mem>>, %arg28: memref<!tpu.dma_semaphore, #tpu.memory_space<semaphore_mem>>, %arg29: memref<!tpu.dma_semaphore, #tpu.memory_space<semaphore_mem>>) attributes {dimension_semantics = [#tpu.dimension_semantics<core_parallel>, #tpu.dimension_semantics<subcore_parallel>], iteration_bounds = array<i64: 2, 16>, scalar_prefetch = 0 : i64, scratch_operands = 19 : i64, tpu.core_type = #tpu.core_type<sc_vector_subcore>, window_params = [{transform_indices = #map}, {transform_indices = #map}, {transform_indices = #map1}, {transform_indices = #map1}, {transform_indices = #map1}, {transform_indices = #map1}, {transform_indices = #map}, {transform_indices = #map}, {transform_indices = #map}]} {
    %mul3A = arith.constant 6256 : i32
    %mul3A_0 = arith.muli %arg1, %mul3A : i32
    %multiple_of3A = tpu.assume_multiple %mul3A_0, 8 : i32
    "tpu.region"() ({
      %run_scoped3A = tpu.sem_alloc : memref<!tpu.dma_semaphore, #tpu.memory_space<semaphore_mem>>
      %dma_start3A = arith.constant 0 : i32
      %dma_start3A_8 = tpu.memref_slice %arg11[%multiple_of3A, %dma_start3A] : memref<100096x16xf32, #tpu.memory_space<vmem_shared>> -> memref<6256x16xf32, #tpu.memory_space<vmem_shared>>
      %dma_start3A_9 = arith.constant 0 : i32
      %dma_start3A_10 = tpu.memref_slice %arg8[%multiple_of3A, %dma_start3A_9] : memref<100096x16xf32, #tpu.memory_space<hbm>> -> memref<6256x16xf32, #tpu.memory_space<hbm>>
      tpu.enqueue_dma source(%dma_start3A_10 : memref<6256x16xf32, #tpu.memory_space<hbm>>) target(%dma_start3A_8 : memref<6256x16xf32, #tpu.memory_space<vmem_shared>>) target_semaphore(%run_scoped3A : memref<!tpu.dma_semaphore, #tpu.memory_space<semaphore_mem>>)
      %dma_wait3A = arith.constant 0 : i32
      %dma_wait3A_11 = tpu.memref_slice %arg11[%multiple_of3A, %dma_wait3A] : memref<100096x16xf32, #tpu.memory_space<vmem_shared>> -> memref<6256x16xf32, #tpu.memory_space<vmem_shared>>
      %dma_wait3A_12 = arith.constant 0 : i32
      %dma_wait3A_13 = tpu.memref_slice %arg8[%multiple_of3A, %dma_wait3A_12] : memref<100096x16xf32, #tpu.memory_space<hbm>> -> memref<6256x16xf32, #tpu.memory_space<hbm>>
      tpu.wait_dma2 semaphore(%run_scoped3A : memref<!tpu.dma_semaphore, #tpu.memory_space<semaphore_mem>>) src(%dma_wait3A_13 : memref<6256x16xf32, #tpu.memory_space<hbm>>) dst(%dma_wait3A_11 : memref<6256x16xf32, #tpu.memory_space<vmem_shared>>)
      tpu.yield
    }) : () -> ()
    %barrier3A = arith.constant 0 : index
    tpu.barrier barrier_id(%barrier3A)
    %eq3A = arith.constant 0 : i32
    %eq3A_1 = arith.cmpi eq, %arg0, %eq3A : i32
    %convert_element_type3A = arith.extui %eq3A_1 : i1 to i32
    %cond3A = arith.constant 0 : i32
    %cond3A_2 = arith.cmpi ne, %convert_element_type3A, %cond3A : i32
    scf.if %cond3A_2 {
      %mul3A_8 = arith.constant 100000 : i32
      %mul3A_9 = arith.muli %arg1, %mul3A_8 : i32
      %add3A = arith.constant 0 : i32
      %add3A_10 = arith.addi %mul3A_9, %add3A : i32
      %multiple_of3A_11 = tpu.assume_multiple %add3A_10, 8 : i32
      %dma_start3A = tpu.memref_slice %arg4[%multiple_of3A_11] : memref<1600000xi32, #tpu.memory_space<hbm>> -> memref<400xi32, #tpu.memory_space<hbm>>
      %dma_start3A_12 = tpu.memref_slice %arg4[%multiple_of3A_11] : memref<1600000xi32, #tpu.memory_space<hbm>> -> memref<400xi32, #tpu.memory_space<hbm>>
      tpu.enqueue_dma source(%dma_start3A_12 : memref<400xi32, #tpu.memory_space<hbm>>) target(%arg12 : memref<400xi32, #tpu.memory_space<vmem>>) target_semaphore(%arg21 : memref<!tpu.dma_semaphore, #tpu.memory_space<semaphore_mem>>)
      %dma_start3A_13 = tpu.memref_slice %arg5[%multiple_of3A_11] : memref<1600000xi32, #tpu.memory_space<hbm>> -> memref<400xi32, #tpu.memory_space<hbm>>
      %dma_start3A_14 = tpu.memref_slice %arg5[%multiple_of3A_11] : memref<1600000xi32, #tpu.memory_space<hbm>> -> memref<400xi32, #tpu.memory_space<hbm>>
      tpu.enqueue_dma source(%dma_start3A_14 : memref<400xi32, #tpu.memory_space<hbm>>) target(%arg13 : memref<400xi32, #tpu.memory_space<vmem>>) target_semaphore(%arg21 : memref<!tpu.dma_semaphore, #tpu.memory_space<semaphore_mem>>)
      %dma_wait3A = arith.constant 0 : i32
      %dma_wait3A_15 = tpu.memref_slice %arg4[%dma_wait3A] : memref<1600000xi32, #tpu.memory_space<hbm>> -> memref<400xi32, #tpu.memory_space<hbm>>
      %dma_wait3A_16 = arith.constant 0 : i32
      %dma_wait3A_17 = tpu.memref_slice %arg4[%dma_wait3A_16] : memref<1600000xi32, #tpu.memory_space<hbm>> -> memref<400xi32, #tpu.memory_space<hbm>>
      tpu.wait_dma2 semaphore(%arg21 : memref<!tpu.dma_semaphore, #tpu.memory_space<semaphore_mem>>) src(%dma_wait3A_17 : memref<400xi32, #tpu.memory_space<hbm>>) dst(%arg12 : memref<400xi32, #tpu.memory_space<vmem>>)
      %dma_wait3A_18 = arith.constant 0 : i32
      %dma_wait3A_19 = tpu.memref_slice %arg5[%dma_wait3A_18] : memref<1600000xi32, #tpu.memory_space<hbm>> -> memref<400xi32, #tpu.memory_space<hbm>>
      %dma_wait3A_20 = arith.constant 0 : i32
      %dma_wait3A_21 = tpu.memref_slice %arg5[%dma_wait3A_20] : memref<1600000xi32, #tpu.memory_space<hbm>> -> memref<400xi32, #tpu.memory_space<hbm>>
      tpu.wait_dma2 semaphore(%arg21 : memref<!tpu.dma_semaphore, #tpu.memory_space<semaphore_mem>>) src(%dma_wait3A_21 : memref<400xi32, #tpu.memory_space<hbm>>) dst(%arg13 : memref<400xi32, #tpu.memory_space<vmem>>)
      %dma_start3A_22 = arith.constant 0 : i32
      %dma_start3A_23 = arith.constant 0 : i32
      %dma_start3A_24 = tpu.memref_slice %arg2[%dma_start3A_22, %dma_start3A_23] : memref<100096x16xf32, #tpu.memory_space<hbm>> -> memref<100096x16xf32, #tpu.memory_space<hbm>>
      tpu.enqueue_indirect_dma source(%dma_start3A_24 : memref<100096x16xf32, #tpu.memory_space<hbm>>) target(%arg14 : memref<400x16xf32, #tpu.memory_space<vmem>>) offsets(%arg12 : memref<400xi32, #tpu.memory_space<vmem>>) semaphore(%arg24 : memref<!tpu.dma_semaphore, #tpu.memory_space<semaphore_mem>>)
      %add3A_25 = arith.constant 400 : i32
      %add3A_26 = arith.addi %mul3A_9, %add3A_25 : i32
      %multiple_of3A_27 = tpu.assume_multiple %add3A_26, 8 : i32
      %dma_start3A_28 = tpu.memref_slice %arg4[%multiple_of3A_27] : memref<1600000xi32, #tpu.memory_space<hbm>> -> memref<400xi32, #tpu.memory_space<hbm>>
      %dma_start3A_29 = tpu.memref_slice %arg4[%multiple_of3A_27] : memref<1600000xi32, #tpu.memory_space<hbm>> -> memref<400xi32, #tpu.memory_space<hbm>>
      tpu.enqueue_dma source(%dma_start3A_29 : memref<400xi32, #tpu.memory_space<hbm>>) target(%arg15 : memref<400xi32, #tpu.memory_space<vmem>>) target_semaphore(%arg22 : memref<!tpu.dma_semaphore, #tpu.memory_space<semaphore_mem>>)
      %dma_start3A_30 = tpu.memref_slice %arg5[%multiple_of3A_27] : memref<1600000xi32, #tpu.memory_space<hbm>> -> memref<400xi32, #tpu.memory_space<hbm>>
      %dma_start3A_31 = tpu.memref_slice %arg5[%multiple_of3A_27] : memref<1600000xi32, #tpu.memory_space<hbm>> -> memref<400xi32, #tpu.memory_space<hbm>>
      tpu.enqueue_dma source(%dma_start3A_31 : memref<400xi32, #tpu.memory_space<hbm>>) target(%arg16 : memref<400xi32, #tpu.memory_space<vmem>>) target_semaphore(%arg22 : memref<!tpu.dma_semaphore, #tpu.memory_space<semaphore_mem>>)
      %dma_wait3A_32 = arith.constant 0 : i32
      %dma_wait3A_33 = tpu.memref_slice %arg4[%dma_wait3A_32] : memref<1600000xi32, #tpu.memory_space<hbm>> -> memref<400xi32, #tpu.memory_space<hbm>>
      %dma_wait3A_34 = arith.constant 0 : i32
      %dma_wait3A_35 = tpu.memref_slice %arg4[%dma_wait3A_34] : memref<1600000xi32, #tpu.memory_space<hbm>> -> memref<400xi32, #tpu.memory_space<hbm>>
      tpu.wait_dma2 semaphore(%arg22 : memref<!tpu.dma_semaphore, #tpu.memory_space<semaphore_mem>>) src(%dma_wait3A_35 : memref<400xi32, #tpu.memory_space<hbm>>) dst(%arg15 : memref<400xi32, #tpu.memory_space<vmem>>)
      %dma_wait3A_36 = arith.constant 0 : i32
      %dma_wait3A_37 = tpu.memref_slice %arg5[%dma_wait3A_36] : memref<1600000xi32, #tpu.memory_space<hbm>> -> memref<400xi32, #tpu.memory_space<hbm>>
      %dma_wait3A_38 = arith.constant 0 : i32
      %dma_wait3A_39 = tpu.memref_slice %arg5[%dma_wait3A_38] : memref<1600000xi32, #tpu.memory_space<hbm>> -> memref<400xi32, #tpu.memory_space<hbm>>
      tpu.wait_dma2 semaphore(%arg22 : memref<!tpu.dma_semaphore, #tpu.memory_space<semaphore_mem>>) src(%dma_wait3A_39 : memref<400xi32, #tpu.memory_space<hbm>>) dst(%arg16 : memref<400xi32, #tpu.memory_space<vmem>>)
      %dma_start3A_40 = arith.constant 0 : i32
      %dma_start3A_41 = arith.constant 0 : i32
      %dma_start3A_42 = tpu.memref_slice %arg2[%dma_start3A_40, %dma_start3A_41] : memref<100096x16xf32, #tpu.memory_space<hbm>> -> memref<100096x16xf32, #tpu.memory_space<hbm>>
      tpu.enqueue_indirect_dma source(%dma_start3A_42 : memref<100096x16xf32, #tpu.memory_space<hbm>>) target(%arg17 : memref<400x16xf32, #tpu.memory_space<vmem>>) offsets(%arg15 : memref<400xi32, #tpu.memory_space<vmem>>) semaphore(%arg25 : memref<!tpu.dma_semaphore, #tpu.memory_space<semaphore_mem>>)
      %add3A_43 = arith.constant 800 : i32
      %add3A_44 = arith.addi %mul3A_9, %add3A_43 : i32
      %multiple_of3A_45 = tpu.assume_multiple %add3A_44, 8 : i32
      %dma_start3A_46 = tpu.memref_slice %arg4[%multiple_of3A_45] : memref<1600000xi32, #tpu.memory_space<hbm>> -> memref<400xi32, #tpu.memory_space<hbm>>
      %dma_start3A_47 = tpu.memref_slice %arg4[%multiple_of3A_45] : memref<1600000xi32, #tpu.memory_space<hbm>> -> memref<400xi32, #tpu.memory_space<hbm>>
      tpu.enqueue_dma source(%dma_start3A_47 : memref<400xi32, #tpu.memory_space<hbm>>) target(%arg18 : memref<400xi32, #tpu.memory_space<vmem>>) target_semaphore(%arg23 : memref<!tpu.dma_semaphore, #tpu.memory_space<semaphore_mem>>)
      %dma_start3A_48 = tpu.memref_slice %arg5[%multiple_of3A_45] : memref<1600000xi32, #tpu.memory_space<hbm>> -> memref<400xi32, #tpu.memory_space<hbm>>
      %dma_start3A_49 = tpu.memref_slice %arg5[%multiple_of3A_45] : memref<1600000xi32, #tpu.memory_space<hbm>> -> memref<400xi32, #tpu.memory_space<hbm>>
      tpu.enqueue_dma source(%dma_start3A_49 : memref<400xi32, #tpu.memory_space<hbm>>) target(%arg19 : memref<400xi32, #tpu.memory_space<vmem>>) target_semaphore(%arg23 : memref<!tpu.dma_semaphore, #tpu.memory_space<semaphore_mem>>)
      %dma_wait3A_50 = arith.constant 0 : i32
      %dma_wait3A_51 = arith.constant 0 : i32
      %dma_wait3A_52 = tpu.memref_slice %arg2[%dma_wait3A_50, %dma_wait3A_51] : memref<100096x16xf32, #tpu.memory_space<hbm>> -> memref<100096x16xf32, #tpu.memory_space<hbm>>
      tpu.wait_indirect_dma semaphore(%arg24 : memref<!tpu.dma_semaphore, #tpu.memory_space<semaphore_mem>>) src(%dma_wait3A_52 : memref<100096x16xf32, #tpu.memory_space<hbm>>) dst(%arg14 : memref<400x16xf32, #tpu.memory_space<vmem>>)
      %dma_start3A_53 = arith.constant 0 : i32
      %dma_start3A_54 = arith.constant 0 : i32
      %dma_start3A_55 = tpu.memref_slice %arg11[%dma_start3A_53, %dma_start3A_54] : memref<100096x16xf32, #tpu.memory_space<vmem_shared>> -> memref<100096x16xf32, #tpu.memory_space<vmem_shared>>
      tpu.enqueue_indirect_dma source(%arg14 : memref<400x16xf32, #tpu.memory_space<vmem>>) target(%dma_start3A_55 : memref<100096x16xf32, #tpu.memory_space<vmem_shared>>) offsets(%arg13 : memref<400xi32, #tpu.memory_space<vmem>>) semaphore(%arg27 : memref<!tpu.dma_semaphore, #tpu.memory_space<semaphore_mem>>) {add = true}
      %dma_wait3A_56 = arith.constant 0 : i32
      %dma_wait3A_57 = tpu.memref_slice %arg4[%dma_wait3A_56] : memref<1600000xi32, #tpu.memory_space<hbm>> -> memref<400xi32, #tpu.memory_space<hbm>>
      %dma_wait3A_58 = arith.constant 0 : i32
      %dma_wait3A_59 = tpu.memref_slice %arg4[%dma_wait3A_58] : memref<1600000xi32, #tpu.memory_space<hbm>> -> memref<400xi32, #tpu.memory_space<hbm>>
      tpu.wait_dma2 semaphore(%arg23 : memref<!tpu.dma_semaphore, #tpu.memory_space<semaphore_mem>>) src(%dma_wait3A_59 : memref<400xi32, #tpu.memory_space<hbm>>) dst(%arg18 : memref<400xi32, #tpu.memory_space<vmem>>)
      %dma_wait3A_60 = arith.constant 0 : i32
      %dma_wait3A_61 = tpu.memref_slice %arg5[%dma_wait3A_60] : memref<1600000xi32, #tpu.memory_space<hbm>> -> memref<400xi32, #tpu.memory_space<hbm>>
      %dma_wait3A_62 = arith.constant 0 : i32
      %dma_wait3A_63 = tpu.memref_slice %arg5[%dma_wait3A_62] : memref<1600000xi32, #tpu.memory_space<hbm>> -> memref<400xi32, #tpu.memory_space<hbm>>
      tpu.wait_dma2 semaphore(%arg23 : memref<!tpu.dma_semaphore, #tpu.memory_space<semaphore_mem>>) src(%dma_wait3A_63 : memref<400xi32, #tpu.memory_space<hbm>>) dst(%arg19 : memref<400xi32, #tpu.memory_space<vmem>>)
      %dma_start3A_64 = arith.constant 0 : i32
      %dma_start3A_65 = arith.constant 0 : i32
      %dma_start3A_66 = tpu.memref_slice %arg2[%dma_start3A_64, %dma_start3A_65] : memref<100096x16xf32, #tpu.memory_space<hbm>> -> memref<100096x16xf32, #tpu.memory_space<hbm>>
      tpu.enqueue_indirect_dma source(%dma_start3A_66 : memref<100096x16xf32, #tpu.memory_space<hbm>>) target(%arg20 : memref<400x16xf32, #tpu.memory_space<vmem>>) offsets(%arg18 : memref<400xi32, #tpu.memory_space<vmem>>) semaphore(%arg26 : memref<!tpu.dma_semaphore, #tpu.memory_space<semaphore_mem>>)
      %scan3A = arith.constant 0 : i32
      %scan3A_67 = arith.constant 1 : i32
      %scan3A_68 = arith.constant 82 : i32
      %scan3A_69 = arith.addi %scan3A_67, %scan3A_68 : i32
      %scan3A_70 = arith.constant 1 : i32
      scf.for %scan3A_124 = %scan3A_67 to %scan3A_69 step %scan3A_70  : i32 {
        %mul3A_125 = arith.constant 3 : i32
        %mul3A_126 = arith.muli %mul3A_125, %scan3A_124 : i32
        %add3A_127 = arith.constant 0 : i32
        %add3A_128 = arith.addi %mul3A_126, %add3A_127 : i32
        %dma_wait3A_129 = arith.constant 0 : i32
        %dma_wait3A_130 = arith.constant 0 : i32
        %dma_wait3A_131 = tpu.memref_slice %arg11[%dma_wait3A_129, %dma_wait3A_130] : memref<100096x16xf32, #tpu.memory_space<vmem_shared>> -> memref<100096x16xf32, #tpu.memory_space<vmem_shared>>
        tpu.wait_indirect_dma semaphore(%arg27 : memref<!tpu.dma_semaphore, #tpu.memory_space<semaphore_mem>>) src(%arg14 : memref<400x16xf32, #tpu.memory_space<vmem>>) dst(%dma_wait3A_131 : memref<100096x16xf32, #tpu.memory_space<vmem_shared>>)
        %mul3A_132 = arith.constant 400 : i32
        %mul3A_133 = arith.muli %add3A_128, %mul3A_132 : i32
        %add3A_134 = arith.addi %mul3A_9, %mul3A_133 : i32
        %multiple_of3A_135 = tpu.assume_multiple %add3A_134, 8 : i32
        %dma_start3A_136 = tpu.memref_slice %arg4[%multiple_of3A_135] : memref<1600000xi32, #tpu.memory_space<hbm>> -> memref<400xi32, #tpu.memory_space<hbm>>
        %dma_start3A_137 = tpu.memref_slice %arg4[%multiple_of3A_135] : memref<1600000xi32, #tpu.memory_space<hbm>> -> memref<400xi32, #tpu.memory_space<hbm>>
        tpu.enqueue_dma source(%dma_start3A_137 : memref<400xi32, #tpu.memory_space<hbm>>) target(%arg12 : memref<400xi32, #tpu.memory_space<vmem>>) target_semaphore(%arg21 : memref<!tpu.dma_semaphore, #tpu.memory_space<semaphore_mem>>)
        %dma_start3A_138 = tpu.memref_slice %arg5[%multiple_of3A_135] : memref<1600000xi32, #tpu.memory_space<hbm>> -> memref<400xi32, #tpu.memory_space<hbm>>
        %dma_start3A_139 = tpu.memref_slice %arg5[%multiple_of3A_135] : memref<1600000xi32, #tpu.memory_space<hbm>> -> memref<400xi32, #tpu.memory_space<hbm>>
        tpu.enqueue_dma source(%dma_start3A_139 : memref<400xi32, #tpu.memory_space<hbm>>) target(%arg13 : memref<400xi32, #tpu.memory_space<vmem>>) target_semaphore(%arg21 : memref<!tpu.dma_semaphore, #tpu.memory_space<semaphore_mem>>)
        %dma_wait3A_140 = arith.constant 0 : i32
        %dma_wait3A_141 = arith.constant 0 : i32
        %dma_wait3A_142 = tpu.memref_slice %arg2[%dma_wait3A_140, %dma_wait3A_141] : memref<100096x16xf32, #tpu.memory_space<hbm>> -> memref<100096x16xf32, #tpu.memory_space<hbm>>
        tpu.wait_indirect_dma semaphore(%arg25 : memref<!tpu.dma_semaphore, #tpu.memory_space<semaphore_mem>>) src(%dma_wait3A_142 : memref<100096x16xf32, #tpu.memory_space<hbm>>) dst(%arg17 : memref<400x16xf32, #tpu.memory_space<vmem>>)
        %dma_start3A_143 = arith.constant 0 : i32
        %dma_start3A_144 = arith.constant 0 : i32
        %dma_start3A_145 = tpu.memref_slice %arg11[%dma_start3A_143, %dma_start3A_144] : memref<100096x16xf32, #tpu.memory_space<vmem_shared>> -> memref<100096x16xf32, #tpu.memory_space<vmem_shared>>
        tpu.enqueue_indirect_dma source(%arg17 : memref<400x16xf32, #tpu.memory_space<vmem>>) target(%dma_start3A_145 : memref<100096x16xf32, #tpu.memory_space<vmem_shared>>) offsets(%arg16 : memref<400xi32, #tpu.memory_space<vmem>>) semaphore(%arg28 : memref<!tpu.dma_semaphore, #tpu.memory_space<semaphore_mem>>) {add = true}
        %dma_wait3A_146 = arith.constant 0 : i32
        %dma_wait3A_147 = tpu.memref_slice %arg4[%dma_wait3A_146] : memref<1600000xi32, #tpu.memory_space<hbm>> -> memref<400xi32, #tpu.memory_space<hbm>>
        %dma_wait3A_148 = arith.constant 0 : i32
        %dma_wait3A_149 = tpu.memref_slice %arg4[%dma_wait3A_148] : memref<1600000xi32, #tpu.memory_space<hbm>> -> memref<400xi32, #tpu.memory_space<hbm>>
        tpu.wait_dma2 semaphore(%arg21 : memref<!tpu.dma_semaphore, #tpu.memory_space<semaphore_mem>>) src(%dma_wait3A_149 : memref<400xi32, #tpu.memory_space<hbm>>) dst(%arg12 : memref<400xi32, #tpu.memory_space<vmem>>)
        %dma_wait3A_150 = arith.constant 0 : i32
        %dma_wait3A_151 = tpu.memref_slice %arg5[%dma_wait3A_150] : memref<1600000xi32, #tpu.memory_space<hbm>> -> memref<400xi32, #tpu.memory_space<hbm>>
        %dma_wait3A_152 = arith.constant 0 : i32
        %dma_wait3A_153 = tpu.memref_slice %arg5[%dma_wait3A_152] : memref<1600000xi32, #tpu.memory_space<hbm>> -> memref<400xi32, #tpu.memory_space<hbm>>
        tpu.wait_dma2 semaphore(%arg21 : memref<!tpu.dma_semaphore, #tpu.memory_space<semaphore_mem>>) src(%dma_wait3A_153 : memref<400xi32, #tpu.memory_space<hbm>>) dst(%arg13 : memref<400xi32, #tpu.memory_space<vmem>>)
        %dma_start3A_154 = arith.constant 0 : i32
        %dma_start3A_155 = arith.constant 0 : i32
        %dma_start3A_156 = tpu.memref_slice %arg2[%dma_start3A_154, %dma_start3A_155] : memref<100096x16xf32, #tpu.memory_space<hbm>> -> memref<100096x16xf32, #tpu.memory_space<hbm>>
        tpu.enqueue_indirect_dma source(%dma_start3A_156 : memref<100096x16xf32, #tpu.memory_space<hbm>>) target(%arg14 : memref<400x16xf32, #tpu.memory_space<vmem>>) offsets(%arg12 : memref<400xi32, #tpu.memory_space<vmem>>) semaphore(%arg24 : memref<!tpu.dma_semaphore, #tpu.memory_space<semaphore_mem>>)
        %mul3A_157 = arith.constant 3 : i32
        %mul3A_158 = arith.muli %mul3A_157, %scan3A_124 : i32
        %add3A_159 = arith.constant 1 : i32
        %add3A_160 = arith.addi %mul3A_158, %add3A_159 : i32
        %dma_wait3A_161 = arith.constant 0 : i32
        %dma_wait3A_162 = arith.constant 0 : i32
        %dma_wait3A_163 = tpu.memref_slice %arg11[%dma_wait3A_161, %dma_wait3A_162] : memref<100096x16xf32, #tpu.memory_space<vmem_shared>> -> memref<100096x16xf32, #tpu.memory_space<vmem_shared>>
        tpu.wait_indirect_dma semaphore(%arg28 : memref<!tpu.dma_semaphore, #tpu.memory_space<semaphore_mem>>) src(%arg17 : memref<400x16xf32, #tpu.memory_space<vmem>>) dst(%dma_wait3A_163 : memref<100096x16xf32, #tpu.memory_space<vmem_shared>>)
        %mul3A_164 = arith.constant 400 : i32
        %mul3A_165 = arith.muli %add3A_160, %mul3A_164 : i32
        %add3A_166 = arith.addi %mul3A_9, %mul3A_165 : i32
        %multiple_of3A_167 = tpu.assume_multiple %add3A_166, 8 : i32
        %dma_start3A_168 = tpu.memref_slice %arg4[%multiple_of3A_167] : memref<1600000xi32, #tpu.memory_space<hbm>> -> memref<400xi32, #tpu.memory_space<hbm>>
        %dma_start3A_169 = tpu.memref_slice %arg4[%multiple_of3A_167] : memref<1600000xi32, #tpu.memory_space<hbm>> -> memref<400xi32, #tpu.memory_space<hbm>>
        tpu.enqueue_dma source(%dma_start3A_169 : memref<400xi32, #tpu.memory_space<hbm>>) target(%arg15 : memref<400xi32, #tpu.memory_space<vmem>>) target_semaphore(%arg22 : memref<!tpu.dma_semaphore, #tpu.memory_space<semaphore_mem>>)
        %dma_start3A_170 = tpu.memref_slice %arg5[%multiple_of3A_167] : memref<1600000xi32, #tpu.memory_space<hbm>> -> memref<400xi32, #tpu.memory_space<hbm>>
        %dma_start3A_171 = tpu.memref_slice %arg5[%multiple_of3A_167] : memref<1600000xi32, #tpu.memory_space<hbm>> -> memref<400xi32, #tpu.memory_space<hbm>>
        tpu.enqueue_dma source(%dma_start3A_171 : memref<400xi32, #tpu.memory_space<hbm>>) target(%arg16 : memref<400xi32, #tpu.memory_space<vmem>>) target_semaphore(%arg22 : memref<!tpu.dma_semaphore, #tpu.memory_space<semaphore_mem>>)
        %dma_wait3A_172 = arith.constant 0 : i32
        %dma_wait3A_173 = arith.constant 0 : i32
        %dma_wait3A_174 = tpu.memref_slice %arg2[%dma_wait3A_172, %dma_wait3A_173] : memref<100096x16xf32, #tpu.memory_space<hbm>> -> memref<100096x16xf32, #tpu.memory_space<hbm>>
        tpu.wait_indirect_dma semaphore(%arg26 : memref<!tpu.dma_semaphore, #tpu.memory_space<semaphore_mem>>) src(%dma_wait3A_174 : memref<100096x16xf32, #tpu.memory_space<hbm>>) dst(%arg20 : memref<400x16xf32, #tpu.memory_space<vmem>>)
        %dma_start3A_175 = arith.constant 0 : i32
        %dma_start3A_176 = arith.constant 0 : i32
        %dma_start3A_177 = tpu.memref_slice %arg11[%dma_start3A_175, %dma_start3A_176] : memref<100096x16xf32, #tpu.memory_space<vmem_shared>> -> memref<100096x16xf32, #tpu.memory_space<vmem_shared>>
        tpu.enqueue_indirect_dma source(%arg20 : memref<400x16xf32, #tpu.memory_space<vmem>>) target(%dma_start3A_177 : memref<100096x16xf32, #tpu.memory_space<vmem_shared>>) offsets(%arg19 : memref<400xi32, #tpu.memory_space<vmem>>) semaphore(%arg29 : memref<!tpu.dma_semaphore, #tpu.memory_space<semaphore_mem>>) {add = true}
        %dma_wait3A_178 = arith.constant 0 : i32
        %dma_wait3A_179 = tpu.memref_slice %arg4[%dma_wait3A_178] : memref<1600000xi32, #tpu.memory_space<hbm>> -> memref<400xi32, #tpu.memory_space<hbm>>
        %dma_wait3A_180 = arith.constant 0 : i32
        %dma_wait3A_181 = tpu.memref_slice %arg4[%dma_wait3A_180] : memref<1600000xi32, #tpu.memory_space<hbm>> -> memref<400xi32, #tpu.memory_space<hbm>>
        tpu.wait_dma2 semaphore(%arg22 : memref<!tpu.dma_semaphore, #tpu.memory_space<semaphore_mem>>) src(%dma_wait3A_181 : memref<400xi32, #tpu.memory_space<hbm>>) dst(%arg15 : memref<400xi32, #tpu.memory_space<vmem>>)
        %dma_wait3A_182 = arith.constant 0 : i32
        %dma_wait3A_183 = tpu.memref_slice %arg5[%dma_wait3A_182] : memref<1600000xi32, #tpu.memory_space<hbm>> -> memref<400xi32, #tpu.memory_space<hbm>>
        %dma_wait3A_184 = arith.constant 0 : i32
        %dma_wait3A_185 = tpu.memref_slice %arg5[%dma_wait3A_184] : memref<1600000xi32, #tpu.memory_space<hbm>> -> memref<400xi32, #tpu.memory_space<hbm>>
        tpu.wait_dma2 semaphore(%arg22 : memref<!tpu.dma_semaphore, #tpu.memory_space<semaphore_mem>>) src(%dma_wait3A_185 : memref<400xi32, #tpu.memory_space<hbm>>) dst(%arg16 : memref<400xi32, #tpu.memory_space<vmem>>)
        %dma_start3A_186 = arith.constant 0 : i32
        %dma_start3A_187 = arith.constant 0 : i32
        %dma_start3A_188 = tpu.memref_slice %arg2[%dma_start3A_186, %dma_start3A_187] : memref<100096x16xf32, #tpu.memory_space<hbm>> -> memref<100096x16xf32, #tpu.memory_space<hbm>>
        tpu.enqueue_indirect_dma source(%dma_start3A_188 : memref<100096x16xf32, #tpu.memory_space<hbm>>) target(%arg17 : memref<400x16xf32, #tpu.memory_space<vmem>>) offsets(%arg15 : memref<400xi32, #tpu.memory_space<vmem>>) semaphore(%arg25 : memref<!tpu.dma_semaphore, #tpu.memory_space<semaphore_mem>>)
        %mul3A_189 = arith.constant 3 : i32
        %mul3A_190 = arith.muli %mul3A_189, %scan3A_124 : i32
        %add3A_191 = arith.constant 2 : i32
        %add3A_192 = arith.addi %mul3A_190, %add3A_191 : i32
        %dma_wait3A_193 = arith.constant 0 : i32
        %dma_wait3A_194 = arith.constant 0 : i32
        %dma_wait3A_195 = tpu.memref_slice %arg11[%dma_wait3A_193, %dma_wait3A_194] : memref<100096x16xf32, #tpu.memory_space<vmem_shared>> -> memref<100096x16xf32, #tpu.memory_space<vmem_shared>>
        tpu.wait_indirect_dma semaphore(%arg29 : memref<!tpu.dma_semaphore, #tpu.memory_space<semaphore_mem>>) src(%arg20 : memref<400x16xf32, #tpu.memory_space<vmem>>) dst(%dma_wait3A_195 : memref<100096x16xf32, #tpu.memory_space<vmem_shared>>)
        %mul3A_196 = arith.constant 400 : i32
        %mul3A_197 = arith.muli %add3A_192, %mul3A_196 : i32
        %add3A_198 = arith.addi %mul3A_9, %mul3A_197 : i32
        %multiple_of3A_199 = tpu.assume_multiple %add3A_198, 8 : i32
        %dma_start3A_200 = tpu.memref_slice %arg4[%multiple_of3A_199] : memref<1600000xi32, #tpu.memory_space<hbm>> -> memref<400xi32, #tpu.memory_space<hbm>>
        %dma_start3A_201 = tpu.memref_slice %arg4[%multiple_of3A_199] : memref<1600000xi32, #tpu.memory_space<hbm>> -> memref<400xi32, #tpu.memory_space<hbm>>
        tpu.enqueue_dma source(%dma_start3A_201 : memref<400xi32, #tpu.memory_space<hbm>>) target(%arg18 : memref<400xi32, #tpu.memory_space<vmem>>) target_semaphore(%arg23 : memref<!tpu.dma_semaphore, #tpu.memory_space<semaphore_mem>>)
        %dma_start3A_202 = tpu.memref_slice %arg5[%multiple_of3A_199] : memref<1600000xi32, #tpu.memory_space<hbm>> -> memref<400xi32, #tpu.memory_space<hbm>>
        %dma_start3A_203 = tpu.memref_slice %arg5[%multiple_of3A_199] : memref<1600000xi32, #tpu.memory_space<hbm>> -> memref<400xi32, #tpu.memory_space<hbm>>
        tpu.enqueue_dma source(%dma_start3A_203 : memref<400xi32, #tpu.memory_space<hbm>>) target(%arg19 : memref<400xi32, #tpu.memory_space<vmem>>) target_semaphore(%arg23 : memref<!tpu.dma_semaphore, #tpu.memory_space<semaphore_mem>>)
        %dma_wait3A_204 = arith.constant 0 : i32
        %dma_wait3A_205 = arith.constant 0 : i32
        %dma_wait3A_206 = tpu.memref_slice %arg2[%dma_wait3A_204, %dma_wait3A_205] : memref<100096x16xf32, #tpu.memory_space<hbm>> -> memref<100096x16xf32, #tpu.memory_space<hbm>>
        tpu.wait_indirect_dma semaphore(%arg24 : memref<!tpu.dma_semaphore, #tpu.memory_space<semaphore_mem>>) src(%dma_wait3A_206 : memref<100096x16xf32, #tpu.memory_space<hbm>>) dst(%arg14 : memref<400x16xf32, #tpu.memory_space<vmem>>)
        %dma_start3A_207 = arith.constant 0 : i32
        %dma_start3A_208 = arith.constant 0 : i32
        %dma_start3A_209 = tpu.memref_slice %arg11[%dma_start3A_207, %dma_start3A_208] : memref<100096x16xf32, #tpu.memory_space<vmem_shared>> -> memref<100096x16xf32, #tpu.memory_space<vmem_shared>>
        tpu.enqueue_indirect_dma source(%arg14 : memref<400x16xf32, #tpu.memory_space<vmem>>) target(%dma_start3A_209 : memref<100096x16xf32, #tpu.memory_space<vmem_shared>>) offsets(%arg13 : memref<400xi32, #tpu.memory_space<vmem>>) semaphore(%arg27 : memref<!tpu.dma_semaphore, #tpu.memory_space<semaphore_mem>>) {add = true}
        %dma_wait3A_210 = arith.constant 0 : i32
        %dma_wait3A_211 = tpu.memref_slice %arg4[%dma_wait3A_210] : memref<1600000xi32, #tpu.memory_space<hbm>> -> memref<400xi32, #tpu.memory_space<hbm>>
        %dma_wait3A_212 = arith.constant 0 : i32
        %dma_wait3A_213 = tpu.memref_slice %arg4[%dma_wait3A_212] : memref<1600000xi32, #tpu.memory_space<hbm>> -> memref<400xi32, #tpu.memory_space<hbm>>
        tpu.wait_dma2 semaphore(%arg23 : memref<!tpu.dma_semaphore, #tpu.memory_space<semaphore_mem>>) src(%dma_wait3A_213 : memref<400xi32, #tpu.memory_space<hbm>>) dst(%arg18 : memref<400xi32, #tpu.memory_space<vmem>>)
        %dma_wait3A_214 = arith.constant 0 : i32
        %dma_wait3A_215 = tpu.memref_slice %arg5[%dma_wait3A_214] : memref<1600000xi32, #tpu.memory_space<hbm>> -> memref<400xi32, #tpu.memory_space<hbm>>
        %dma_wait3A_216 = arith.constant 0 : i32
        %dma_wait3A_217 = tpu.memref_slice %arg5[%dma_wait3A_216] : memref<1600000xi32, #tpu.memory_space<hbm>> -> memref<400xi32, #tpu.memory_space<hbm>>
        tpu.wait_dma2 semaphore(%arg23 : memref<!tpu.dma_semaphore, #tpu.memory_space<semaphore_mem>>) src(%dma_wait3A_217 : memref<400xi32, #tpu.memory_space<hbm>>) dst(%arg19 : memref<400xi32, #tpu.memory_space<vmem>>)
        %dma_start3A_218 = arith.constant 0 : i32
        %dma_start3A_219 = arith.constant 0 : i32
        %dma_start3A_220 = tpu.memref_slice %arg2[%dma_start3A_218, %dma_start3A_219] : memref<100096x16xf32, #tpu.memory_space<hbm>> -> memref<100096x16xf32, #tpu.memory_space<hbm>>
        tpu.enqueue_indirect_dma source(%dma_start3A_220 : memref<100096x16xf32, #tpu.memory_space<hbm>>) target(%arg20 : memref<400x16xf32, #tpu.memory_space<vmem>>) offsets(%arg18 : memref<400xi32, #tpu.memory_space<vmem>>) semaphore(%arg26 : memref<!tpu.dma_semaphore, #tpu.memory_space<semaphore_mem>>)
      }
      %scan3A_71 = arith.constant 82 : i32
      %dma_wait3A_72 = arith.constant 0 : i32
      %dma_wait3A_73 = arith.constant 0 : i32
      %dma_wait3A_74 = tpu.memref_slice %arg11[%dma_wait3A_72, %dma_wait3A_73] : memref<100096x16xf32, #tpu.memory_space<vmem_shared>> -> memref<100096x16xf32, #tpu.memory_space<vmem_shared>>
      tpu.wait_indirect_dma semaphore(%arg27 : memref<!tpu.dma_semaphore, #tpu.memory_space<semaphore_mem>>) src(%arg14 : memref<400x16xf32, #tpu.memory_space<vmem>>) dst(%dma_wait3A_74 : memref<100096x16xf32, #tpu.memory_space<vmem_shared>>)
      %add3A_75 = arith.constant 99600 : i32
      %add3A_76 = arith.addi %mul3A_9, %add3A_75 : i32
      %multiple_of3A_77 = tpu.assume_multiple %add3A_76, 8 : i32
      %dma_start3A_78 = tpu.memref_slice %arg4[%multiple_of3A_77] : memref<1600000xi32, #tpu.memory_space<hbm>> -> memref<400xi32, #tpu.memory_space<hbm>>
      %dma_start3A_79 = tpu.memref_slice %arg4[%multiple_of3A_77] : memref<1600000xi32, #tpu.memory_space<hbm>> -> memref<400xi32, #tpu.memory_space<hbm>>
      tpu.enqueue_dma source(%dma_start3A_79 : memref<400xi32, #tpu.memory_space<hbm>>) target(%arg12 : memref<400xi32, #tpu.memory_space<vmem>>) target_semaphore(%arg21 : memref<!tpu.dma_semaphore, #tpu.memory_space<semaphore_mem>>)
      %dma_start3A_80 = tpu.memref_slice %arg5[%multiple_of3A_77] : memref<1600000xi32, #tpu.memory_space<hbm>> -> memref<400xi32, #tpu.memory_space<hbm>>
      %dma_start3A_81 = tpu.memref_slice %arg5[%multiple_of3A_77] : memref<1600000xi32, #tpu.memory_space<hbm>> -> memref<400xi32, #tpu.memory_space<hbm>>
      tpu.enqueue_dma source(%dma_start3A_81 : memref<400xi32, #tpu.memory_space<hbm>>) target(%arg13 : memref<400xi32, #tpu.memory_space<vmem>>) target_semaphore(%arg21 : memref<!tpu.dma_semaphore, #tpu.memory_space<semaphore_mem>>)
      %dma_wait3A_82 = arith.constant 0 : i32
      %dma_wait3A_83 = arith.constant 0 : i32
      %dma_wait3A_84 = tpu.memref_slice %arg2[%dma_wait3A_82, %dma_wait3A_83] : memref<100096x16xf32, #tpu.memory_space<hbm>> -> memref<100096x16xf32, #tpu.memory_space<hbm>>
      tpu.wait_indirect_dma semaphore(%arg25 : memref<!tpu.dma_semaphore, #tpu.memory_space<semaphore_mem>>) src(%dma_wait3A_84 : memref<100096x16xf32, #tpu.memory_space<hbm>>) dst(%arg17 : memref<400x16xf32, #tpu.memory_space<vmem>>)
      %dma_start3A_85 = arith.constant 0 : i32
      %dma_start3A_86 = arith.constant 0 : i32
      %dma_start3A_87 = tpu.memref_slice %arg11[%dma_start3A_85, %dma_start3A_86] : memref<100096x16xf32, #tpu.memory_space<vmem_shared>> -> memref<100096x16xf32, #tpu.memory_space<vmem_shared>>
      tpu.enqueue_indirect_dma source(%arg17 : memref<400x16xf32, #tpu.memory_space<vmem>>) target(%dma_start3A_87 : memref<100096x16xf32, #tpu.memory_space<vmem_shared>>) offsets(%arg16 : memref<400xi32, #tpu.memory_space<vmem>>) semaphore(%arg28 : memref<!tpu.dma_semaphore, #tpu.memory_space<semaphore_mem>>) {add = true}
      %dma_wait3A_88 = arith.constant 0 : i32
      %dma_wait3A_89 = tpu.memref_slice %arg4[%dma_wait3A_88] : memref<1600000xi32, #tpu.memory_space<hbm>> -> memref<400xi32, #tpu.memory_space<hbm>>
      %dma_wait3A_90 = arith.constant 0 : i32
      %dma_wait3A_91 = tpu.memref_slice %arg4[%dma_wait3A_90] : memref<1600000xi32, #tpu.memory_space<hbm>> -> memref<400xi32, #tpu.memory_space<hbm>>
      tpu.wait_dma2 semaphore(%arg21 : memref<!tpu.dma_semaphore, #tpu.memory_space<semaphore_mem>>) src(%dma_wait3A_91 : memref<400xi32, #tpu.memory_space<hbm>>) dst(%arg12 : memref<400xi32, #tpu.memory_space<vmem>>)
      %dma_wait3A_92 = arith.constant 0 : i32
      %dma_wait3A_93 = tpu.memref_slice %arg5[%dma_wait3A_92] : memref<1600000xi32, #tpu.memory_space<hbm>> -> memref<400xi32, #tpu.memory_space<hbm>>
      %dma_wait3A_94 = arith.constant 0 : i32
      %dma_wait3A_95 = tpu.memref_slice %arg5[%dma_wait3A_94] : memref<1600000xi32, #tpu.memory_space<hbm>> -> memref<400xi32, #tpu.memory_space<hbm>>
      tpu.wait_dma2 semaphore(%arg21 : memref<!tpu.dma_semaphore, #tpu.memory_space<semaphore_mem>>) src(%dma_wait3A_95 : memref<400xi32, #tpu.memory_space<hbm>>) dst(%arg13 : memref<400xi32, #tpu.memory_space<vmem>>)
      %dma_start3A_96 = arith.constant 0 : i32
      %dma_start3A_97 = arith.constant 0 : i32
      %dma_start3A_98 = tpu.memref_slice %arg2[%dma_start3A_96, %dma_start3A_97] : memref<100096x16xf32, #tpu.memory_space<hbm>> -> memref<100096x16xf32, #tpu.memory_space<hbm>>
      tpu.enqueue_indirect_dma source(%dma_start3A_98 : memref<100096x16xf32, #tpu.memory_space<hbm>>) target(%arg14 : memref<400x16xf32, #tpu.memory_space<vmem>>) offsets(%arg12 : memref<400xi32, #tpu.memory_space<vmem>>) semaphore(%arg24 : memref<!tpu.dma_semaphore, #tpu.memory_space<semaphore_mem>>)
      %dma_wait3A_99 = arith.constant 0 : i32
      %dma_wait3A_100 = arith.constant 0 : i32
      %dma_wait3A_101 = tpu.memref_slice %arg11[%dma_wait3A_99, %dma_wait3A_100] : memref<100096x16xf32, #tpu.memory_space<vmem_shared>> -> memref<100096x16xf32, #tpu.memory_space<vmem_shared>>
      tpu.wait_indirect_dma semaphore(%arg28 : memref<!tpu.dma_semaphore, #tpu.memory_space<semaphore_mem>>) src(%arg17 : memref<400x16xf32, #tpu.memory_space<vmem>>) dst(%dma_wait3A_101 : memref<100096x16xf32, #tpu.memory_space<vmem_shared>>)
      %dma_wait3A_102 = arith.constant 0 : i32
      %dma_wait3A_103 = arith.constant 0 : i32
      %dma_wait3A_104 = tpu.memref_slice %arg2[%dma_wait3A_102, %dma_wait3A_103] : memref<100096x16xf32, #tpu.memory_space<hbm>> -> memref<100096x16xf32, #tpu.memory_space<hbm>>
      tpu.wait_indirect_dma semaphore(%arg26 : memref<!tpu.dma_semaphore, #tpu.memory_space<semaphore_mem>>) src(%dma_wait3A_104 : memref<100096x16xf32, #tpu.memory_space<hbm>>) dst(%arg20 : memref<400x16xf32, #tpu.memory_space<vmem>>)
      %dma_start3A_105 = arith.constant 0 : i32
      %dma_start3A_106 = arith.constant 0 : i32
      %dma_start3A_107 = tpu.memref_slice %arg11[%dma_start3A_105, %dma_start3A_106] : memref<100096x16xf32, #tpu.memory_space<vmem_shared>> -> memref<100096x16xf32, #tpu.memory_space<vmem_shared>>
      tpu.enqueue_indirect_dma source(%arg20 : memref<400x16xf32, #tpu.memory_space<vmem>>) target(%dma_start3A_107 : memref<100096x16xf32, #tpu.memory_space<vmem_shared>>) offsets(%arg19 : memref<400xi32, #tpu.memory_space<vmem>>) semaphore(%arg29 : memref<!tpu.dma_semaphore, #tpu.memory_space<semaphore_mem>>) {add = true}
      %dma_wait3A_108 = arith.constant 0 : i32
      %dma_wait3A_109 = arith.constant 0 : i32
      %dma_wait3A_110 = tpu.memref_slice %arg11[%dma_wait3A_108, %dma_wait3A_109] : memref<100096x16xf32, #tpu.memory_space<vmem_shared>> -> memref<100096x16xf32, #tpu.memory_space<vmem_shared>>
      tpu.wait_indirect_dma semaphore(%arg29 : memref<!tpu.dma_semaphore, #tpu.memory_space<semaphore_mem>>) src(%arg20 : memref<400x16xf32, #tpu.memory_space<vmem>>) dst(%dma_wait3A_110 : memref<100096x16xf32, #tpu.memory_space<vmem_shared>>)
      %dma_wait3A_111 = arith.constant 0 : i32
      %dma_wait3A_112 = arith.constant 0 : i32
      %dma_wait3A_113 = tpu.memref_slice %arg2[%dma_wait3A_111, %dma_wait3A_112] : memref<100096x16xf32, #tpu.memory_space<hbm>> -> memref<100096x16xf32, #tpu.memory_space<hbm>>
      tpu.wait_indirect_dma semaphore(%arg24 : memref<!tpu.dma_semaphore, #tpu.memory_space<semaphore_mem>>) src(%dma_wait3A_113 : memref<100096x16xf32, #tpu.memory_space<hbm>>) dst(%arg14 : memref<400x16xf32, #tpu.memory_space<vmem>>)
      %dma_start3A_114 = arith.constant 0 : i32
      %dma_start3A_115 = arith.constant 0 : i32
      %dma_start3A_116 = tpu.memref_slice %arg11[%dma_start3A_114, %dma_start3A_115] : memref<100096x16xf32, #tpu.memory_space<vmem_shared>> -> memref<100096x16xf32, #tpu.memory_space<vmem_shared>>
      tpu.enqueue_indirect_dma source(%arg14 : memref<400x16xf32, #tpu.memory_space<vmem>>) target(%dma_start3A_116 : memref<100096x16xf32, #tpu.memory_space<vmem_shared>>) offsets(%arg13 : memref<400xi32, #tpu.memory_space<vmem>>) semaphore(%arg27 : memref<!tpu.dma_semaphore, #tpu.memory_space<semaphore_mem>>) {add = true}
      %dma_wait3A_117 = arith.constant 0 : i32
      %dma_wait3A_118 = arith.constant 0 : i32
      %dma_wait3A_119 = tpu.memref_slice %arg11[%dma_wait3A_117, %dma_wait3A_118] : memref<100096x16xf32, #tpu.memory_space<vmem_shared>> -> memref<100096x16xf32, #tpu.memory_space<vmem_shared>>
      tpu.wait_indirect_dma semaphore(%arg27 : memref<!tpu.dma_semaphore, #tpu.memory_space<semaphore_mem>>) src(%arg14 : memref<400x16xf32, #tpu.memory_space<vmem>>) dst(%dma_wait3A_119 : memref<100096x16xf32, #tpu.memory_space<vmem_shared>>)
      %barrier3A_120 = arith.constant 0 : index
      tpu.barrier barrier_id(%barrier3A_120)
      %mul3A_121 = arith.constant 6256 : i32
      %mul3A_122 = arith.muli %arg1, %mul3A_121 : i32
      %multiple_of3A_123 = tpu.assume_multiple %mul3A_122, 8 : i32
      "tpu.region"() ({
        %run_scoped3A = tpu.sem_alloc : memref<!tpu.dma_semaphore, #tpu.memory_space<semaphore_mem>>
        %dma_start3A_124 = arith.constant 0 : i32
        %dma_start3A_125 = tpu.memref_slice %arg9[%multiple_of3A_123, %dma_start3A_124] : memref<100096x16xf32, #tpu.memory_space<hbm>> -> memref<6256x16xf32, #tpu.memory_space<hbm>>
        %dma_start3A_126 = arith.constant 0 : i32
        %dma_start3A_127 = tpu.memref_slice %arg11[%multiple_of3A_123, %dma_start3A_126] : memref<100096x16xf32, #tpu.memory_space<vmem_shared>> -> memref<6256x16xf32, #tpu.memory_space<vmem_shared>>
        tpu.enqueue_dma source(%dma_start3A_127 : memref<6256x16xf32, #tpu.memory_space<vmem_shared>>) target(%dma_start3A_125 : memref<6256x16xf32, #tpu.memory_space<hbm>>) target_semaphore(%run_scoped3A : memref<!tpu.dma_semaphore, #tpu.memory_space<semaphore_mem>>)
        %dma_wait3A_128 = arith.constant 0 : i32
        %dma_wait3A_129 = tpu.memref_slice %arg9[%multiple_of3A_123, %dma_wait3A_128] : memref<100096x16xf32, #tpu.memory_space<hbm>> -> memref<6256x16xf32, #tpu.memory_space<hbm>>
        %dma_wait3A_130 = arith.constant 0 : i32
        %dma_wait3A_131 = tpu.memref_slice %arg11[%multiple_of3A_123, %dma_wait3A_130] : memref<100096x16xf32, #tpu.memory_space<vmem_shared>> -> memref<6256x16xf32, #tpu.memory_space<vmem_shared>>
        tpu.wait_dma2 semaphore(%run_scoped3A : memref<!tpu.dma_semaphore, #tpu.memory_space<semaphore_mem>>) src(%dma_wait3A_131 : memref<6256x16xf32, #tpu.memory_space<vmem_shared>>) dst(%dma_wait3A_129 : memref<6256x16xf32, #tpu.memory_space<hbm>>)
        tpu.yield
      }) : () -> ()
    } else {
    }
    %eq3A_3 = arith.constant 1 : i32
    %eq3A_4 = arith.cmpi eq, %arg0, %eq3A_3 : i32
    %convert_element_type3A_5 = arith.extui %eq3A_4 : i1 to i32
    %cond3A_6 = arith.constant 0 : i32
    %cond3A_7 = arith.cmpi ne, %convert_element_type3A_5, %cond3A_6 : i32
    scf.if %cond3A_7 {
      %mul3A_8 = arith.constant 100000 : i32
      %mul3A_9 = arith.muli %arg1, %mul3A_8 : i32
      %add3A = arith.constant 0 : i32
      %add3A_10 = arith.addi %mul3A_9, %add3A : i32
      %multiple_of3A_11 = tpu.assume_multiple %add3A_10, 8 : i32
      %dma_start3A = tpu.memref_slice %arg6[%multiple_of3A_11] : memref<1600000xi32, #tpu.memory_space<hbm>> -> memref<400xi32, #tpu.memory_space<hbm>>
      %dma_start3A_12 = tpu.memref_slice %arg6[%multiple_of3A_11] : memref<1600000xi32, #tpu.memory_space<hbm>> -> memref<400xi32, #tpu.memory_space<hbm>>
      tpu.enqueue_dma source(%dma_start3A_12 : memref<400xi32, #tpu.memory_space<hbm>>) target(%arg12 : memref<400xi32, #tpu.memory_space<vmem>>) target_semaphore(%arg21 : memref<!tpu.dma_semaphore, #tpu.memory_space<semaphore_mem>>)
      %dma_start3A_13 = tpu.memref_slice %arg7[%multiple_of3A_11] : memref<1600000xi32, #tpu.memory_space<hbm>> -> memref<400xi32, #tpu.memory_space<hbm>>
      %dma_start3A_14 = tpu.memref_slice %arg7[%multiple_of3A_11] : memref<1600000xi32, #tpu.memory_space<hbm>> -> memref<400xi32, #tpu.memory_space<hbm>>
      tpu.enqueue_dma source(%dma_start3A_14 : memref<400xi32, #tpu.memory_space<hbm>>) target(%arg13 : memref<400xi32, #tpu.memory_space<vmem>>) target_semaphore(%arg21 : memref<!tpu.dma_semaphore, #tpu.memory_space<semaphore_mem>>)
      %dma_wait3A = arith.constant 0 : i32
      %dma_wait3A_15 = tpu.memref_slice %arg6[%dma_wait3A] : memref<1600000xi32, #tpu.memory_space<hbm>> -> memref<400xi32, #tpu.memory_space<hbm>>
      %dma_wait3A_16 = arith.constant 0 : i32
      %dma_wait3A_17 = tpu.memref_slice %arg6[%dma_wait3A_16] : memref<1600000xi32, #tpu.memory_space<hbm>> -> memref<400xi32, #tpu.memory_space<hbm>>
      tpu.wait_dma2 semaphore(%arg21 : memref<!tpu.dma_semaphore, #tpu.memory_space<semaphore_mem>>) src(%dma_wait3A_17 : memref<400xi32, #tpu.memory_space<hbm>>) dst(%arg12 : memref<400xi32, #tpu.memory_space<vmem>>)
      %dma_wait3A_18 = arith.constant 0 : i32
      %dma_wait3A_19 = tpu.memref_slice %arg7[%dma_wait3A_18] : memref<1600000xi32, #tpu.memory_space<hbm>> -> memref<400xi32, #tpu.memory_space<hbm>>
      %dma_wait3A_20 = arith.constant 0 : i32
      %dma_wait3A_21 = tpu.memref_slice %arg7[%dma_wait3A_20] : memref<1600000xi32, #tpu.memory_space<hbm>> -> memref<400xi32, #tpu.memory_space<hbm>>
      tpu.wait_dma2 semaphore(%arg21 : memref<!tpu.dma_semaphore, #tpu.memory_space<semaphore_mem>>) src(%dma_wait3A_21 : memref<400xi32, #tpu.memory_space<hbm>>) dst(%arg13 : memref<400xi32, #tpu.memory_space<vmem>>)
      %dma_start3A_22 = arith.constant 0 : i32
      %dma_start3A_23 = arith.constant 0 : i32
      %dma_start3A_24 = tpu.memref_slice %arg3[%dma_start3A_22, %dma_start3A_23] : memref<100096x16xf32, #tpu.memory_space<hbm>> -> memref<100096x16xf32, #tpu.memory_space<hbm>>
      tpu.enqueue_indirect_dma source(%dma_start3A_24 : memref<100096x16xf32, #tpu.memory_space<hbm>>) target(%arg14 : memref<400x16xf32, #tpu.memory_space<vmem>>) offsets(%arg12 : memref<400xi32, #tpu.memory_space<vmem>>) semaphore(%arg24 : memref<!tpu.dma_semaphore, #tpu.memory_space<semaphore_mem>>)
      %add3A_25 = arith.constant 400 : i32
      %add3A_26 = arith.addi %mul3A_9, %add3A_25 : i32
      %multiple_of3A_27 = tpu.assume_multiple %add3A_26, 8 : i32
      %dma_start3A_28 = tpu.memref_slice %arg6[%multiple_of3A_27] : memref<1600000xi32, #tpu.memory_space<hbm>> -> memref<400xi32, #tpu.memory_space<hbm>>
      %dma_start3A_29 = tpu.memref_slice %arg6[%multiple_of3A_27] : memref<1600000xi32, #tpu.memory_space<hbm>> -> memref<400xi32, #tpu.memory_space<hbm>>
      tpu.enqueue_dma source(%dma_start3A_29 : memref<400xi32, #tpu.memory_space<hbm>>) target(%arg15 : memref<400xi32, #tpu.memory_space<vmem>>) target_semaphore(%arg22 : memref<!tpu.dma_semaphore, #tpu.memory_space<semaphore_mem>>)
      %dma_start3A_30 = tpu.memref_slice %arg7[%multiple_of3A_27] : memref<1600000xi32, #tpu.memory_space<hbm>> -> memref<400xi32, #tpu.memory_space<hbm>>
      %dma_start3A_31 = tpu.memref_slice %arg7[%multiple_of3A_27] : memref<1600000xi32, #tpu.memory_space<hbm>> -> memref<400xi32, #tpu.memory_space<hbm>>
      tpu.enqueue_dma source(%dma_start3A_31 : memref<400xi32, #tpu.memory_space<hbm>>) target(%arg16 : memref<400xi32, #tpu.memory_space<vmem>>) target_semaphore(%arg22 : memref<!tpu.dma_semaphore, #tpu.memory_space<semaphore_mem>>)
      %dma_wait3A_32 = arith.constant 0 : i32
      %dma_wait3A_33 = tpu.memref_slice %arg6[%dma_wait3A_32] : memref<1600000xi32, #tpu.memory_space<hbm>> -> memref<400xi32, #tpu.memory_space<hbm>>
      %dma_wait3A_34 = arith.constant 0 : i32
      %dma_wait3A_35 = tpu.memref_slice %arg6[%dma_wait3A_34] : memref<1600000xi32, #tpu.memory_space<hbm>> -> memref<400xi32, #tpu.memory_space<hbm>>
      tpu.wait_dma2 semaphore(%arg22 : memref<!tpu.dma_semaphore, #tpu.memory_space<semaphore_mem>>) src(%dma_wait3A_35 : memref<400xi32, #tpu.memory_space<hbm>>) dst(%arg15 : memref<400xi32, #tpu.memory_space<vmem>>)
      %dma_wait3A_36 = arith.constant 0 : i32
      %dma_wait3A_37 = tpu.memref_slice %arg7[%dma_wait3A_36] : memref<1600000xi32, #tpu.memory_space<hbm>> -> memref<400xi32, #tpu.memory_space<hbm>>
      %dma_wait3A_38 = arith.constant 0 : i32
      %dma_wait3A_39 = tpu.memref_slice %arg7[%dma_wait3A_38] : memref<1600000xi32, #tpu.memory_space<hbm>> -> memref<400xi32, #tpu.memory_space<hbm>>
      tpu.wait_dma2 semaphore(%arg22 : memref<!tpu.dma_semaphore, #tpu.memory_space<semaphore_mem>>) src(%dma_wait3A_39 : memref<400xi32, #tpu.memory_space<hbm>>) dst(%arg16 : memref<400xi32, #tpu.memory_space<vmem>>)
      %dma_start3A_40 = arith.constant 0 : i32
      %dma_start3A_41 = arith.constant 0 : i32
      %dma_start3A_42 = tpu.memref_slice %arg3[%dma_start3A_40, %dma_start3A_41] : memref<100096x16xf32, #tpu.memory_space<hbm>> -> memref<100096x16xf32, #tpu.memory_space<hbm>>
      tpu.enqueue_indirect_dma source(%dma_start3A_42 : memref<100096x16xf32, #tpu.memory_space<hbm>>) target(%arg17 : memref<400x16xf32, #tpu.memory_space<vmem>>) offsets(%arg15 : memref<400xi32, #tpu.memory_space<vmem>>) semaphore(%arg25 : memref<!tpu.dma_semaphore, #tpu.memory_space<semaphore_mem>>)
      %add3A_43 = arith.constant 800 : i32
      %add3A_44 = arith.addi %mul3A_9, %add3A_43 : i32
      %multiple_of3A_45 = tpu.assume_multiple %add3A_44, 8 : i32
      %dma_start3A_46 = tpu.memref_slice %arg6[%multiple_of3A_45] : memref<1600000xi32, #tpu.memory_space<hbm>> -> memref<400xi32, #tpu.memory_space<hbm>>
      %dma_start3A_47 = tpu.memref_slice %arg6[%multiple_of3A_45] : memref<1600000xi32, #tpu.memory_space<hbm>> -> memref<400xi32, #tpu.memory_space<hbm>>
      tpu.enqueue_dma source(%dma_start3A_47 : memref<400xi32, #tpu.memory_space<hbm>>) target(%arg18 : memref<400xi32, #tpu.memory_space<vmem>>) target_semaphore(%arg23 : memref<!tpu.dma_semaphore, #tpu.memory_space<semaphore_mem>>)
      %dma_start3A_48 = tpu.memref_slice %arg7[%multiple_of3A_45] : memref<1600000xi32, #tpu.memory_space<hbm>> -> memref<400xi32, #tpu.memory_space<hbm>>
      %dma_start3A_49 = tpu.memref_slice %arg7[%multiple_of3A_45] : memref<1600000xi32, #tpu.memory_space<hbm>> -> memref<400xi32, #tpu.memory_space<hbm>>
      tpu.enqueue_dma source(%dma_start3A_49 : memref<400xi32, #tpu.memory_space<hbm>>) target(%arg19 : memref<400xi32, #tpu.memory_space<vmem>>) target_semaphore(%arg23 : memref<!tpu.dma_semaphore, #tpu.memory_space<semaphore_mem>>)
      %dma_wait3A_50 = arith.constant 0 : i32
      %dma_wait3A_51 = arith.constant 0 : i32
      %dma_wait3A_52 = tpu.memref_slice %arg3[%dma_wait3A_50, %dma_wait3A_51] : memref<100096x16xf32, #tpu.memory_space<hbm>> -> memref<100096x16xf32, #tpu.memory_space<hbm>>
      tpu.wait_indirect_dma semaphore(%arg24 : memref<!tpu.dma_semaphore, #tpu.memory_space<semaphore_mem>>) src(%dma_wait3A_52 : memref<100096x16xf32, #tpu.memory_space<hbm>>) dst(%arg14 : memref<400x16xf32, #tpu.memory_space<vmem>>)
      %dma_start3A_53 = arith.constant 0 : i32
      %dma_start3A_54 = arith.constant 0 : i32
      %dma_start3A_55 = tpu.memref_slice %arg11[%dma_start3A_53, %dma_start3A_54] : memref<100096x16xf32, #tpu.memory_space<vmem_shared>> -> memref<100096x16xf32, #tpu.memory_space<vmem_shared>>
      tpu.enqueue_indirect_dma source(%arg14 : memref<400x16xf32, #tpu.memory_space<vmem>>) target(%dma_start3A_55 : memref<100096x16xf32, #tpu.memory_space<vmem_shared>>) offsets(%arg13 : memref<400xi32, #tpu.memory_space<vmem>>) semaphore(%arg27 : memref<!tpu.dma_semaphore, #tpu.memory_space<semaphore_mem>>) {add = true}
      %dma_wait3A_56 = arith.constant 0 : i32
      %dma_wait3A_57 = tpu.memref_slice %arg6[%dma_wait3A_56] : memref<1600000xi32, #tpu.memory_space<hbm>> -> memref<400xi32, #tpu.memory_space<hbm>>
      %dma_wait3A_58 = arith.constant 0 : i32
      %dma_wait3A_59 = tpu.memref_slice %arg6[%dma_wait3A_58] : memref<1600000xi32, #tpu.memory_space<hbm>> -> memref<400xi32, #tpu.memory_space<hbm>>
      tpu.wait_dma2 semaphore(%arg23 : memref<!tpu.dma_semaphore, #tpu.memory_space<semaphore_mem>>) src(%dma_wait3A_59 : memref<400xi32, #tpu.memory_space<hbm>>) dst(%arg18 : memref<400xi32, #tpu.memory_space<vmem>>)
      %dma_wait3A_60 = arith.constant 0 : i32
      %dma_wait3A_61 = tpu.memref_slice %arg7[%dma_wait3A_60] : memref<1600000xi32, #tpu.memory_space<hbm>> -> memref<400xi32, #tpu.memory_space<hbm>>
      %dma_wait3A_62 = arith.constant 0 : i32
      %dma_wait3A_63 = tpu.memref_slice %arg7[%dma_wait3A_62] : memref<1600000xi32, #tpu.memory_space<hbm>> -> memref<400xi32, #tpu.memory_space<hbm>>
      tpu.wait_dma2 semaphore(%arg23 : memref<!tpu.dma_semaphore, #tpu.memory_space<semaphore_mem>>) src(%dma_wait3A_63 : memref<400xi32, #tpu.memory_space<hbm>>) dst(%arg19 : memref<400xi32, #tpu.memory_space<vmem>>)
      %dma_start3A_64 = arith.constant 0 : i32
      %dma_start3A_65 = arith.constant 0 : i32
      %dma_start3A_66 = tpu.memref_slice %arg3[%dma_start3A_64, %dma_start3A_65] : memref<100096x16xf32, #tpu.memory_space<hbm>> -> memref<100096x16xf32, #tpu.memory_space<hbm>>
      tpu.enqueue_indirect_dma source(%dma_start3A_66 : memref<100096x16xf32, #tpu.memory_space<hbm>>) target(%arg20 : memref<400x16xf32, #tpu.memory_space<vmem>>) offsets(%arg18 : memref<400xi32, #tpu.memory_space<vmem>>) semaphore(%arg26 : memref<!tpu.dma_semaphore, #tpu.memory_space<semaphore_mem>>)
      %scan3A = arith.constant 0 : i32
      %scan3A_67 = arith.constant 1 : i32
      %scan3A_68 = arith.constant 82 : i32
      %scan3A_69 = arith.addi %scan3A_67, %scan3A_68 : i32
      %scan3A_70 = arith.constant 1 : i32
      scf.for %scan3A_124 = %scan3A_67 to %scan3A_69 step %scan3A_70  : i32 {
        %mul3A_125 = arith.constant 3 : i32
        %mul3A_126 = arith.muli %mul3A_125, %scan3A_124 : i32
        %add3A_127 = arith.constant 0 : i32
        %add3A_128 = arith.addi %mul3A_126, %add3A_127 : i32
        %dma_wait3A_129 = arith.constant 0 : i32
        %dma_wait3A_130 = arith.constant 0 : i32
        %dma_wait3A_131 = tpu.memref_slice %arg11[%dma_wait3A_129, %dma_wait3A_130] : memref<100096x16xf32, #tpu.memory_space<vmem_shared>> -> memref<100096x16xf32, #tpu.memory_space<vmem_shared>>
        tpu.wait_indirect_dma semaphore(%arg27 : memref<!tpu.dma_semaphore, #tpu.memory_space<semaphore_mem>>) src(%arg14 : memref<400x16xf32, #tpu.memory_space<vmem>>) dst(%dma_wait3A_131 : memref<100096x16xf32, #tpu.memory_space<vmem_shared>>)
        %mul3A_132 = arith.constant 400 : i32
        %mul3A_133 = arith.muli %add3A_128, %mul3A_132 : i32
        %add3A_134 = arith.addi %mul3A_9, %mul3A_133 : i32
        %multiple_of3A_135 = tpu.assume_multiple %add3A_134, 8 : i32
        %dma_start3A_136 = tpu.memref_slice %arg6[%multiple_of3A_135] : memref<1600000xi32, #tpu.memory_space<hbm>> -> memref<400xi32, #tpu.memory_space<hbm>>
        %dma_start3A_137 = tpu.memref_slice %arg6[%multiple_of3A_135] : memref<1600000xi32, #tpu.memory_space<hbm>> -> memref<400xi32, #tpu.memory_space<hbm>>
        tpu.enqueue_dma source(%dma_start3A_137 : memref<400xi32, #tpu.memory_space<hbm>>) target(%arg12 : memref<400xi32, #tpu.memory_space<vmem>>) target_semaphore(%arg21 : memref<!tpu.dma_semaphore, #tpu.memory_space<semaphore_mem>>)
        %dma_start3A_138 = tpu.memref_slice %arg7[%multiple_of3A_135] : memref<1600000xi32, #tpu.memory_space<hbm>> -> memref<400xi32, #tpu.memory_space<hbm>>
        %dma_start3A_139 = tpu.memref_slice %arg7[%multiple_of3A_135] : memref<1600000xi32, #tpu.memory_space<hbm>> -> memref<400xi32, #tpu.memory_space<hbm>>
        tpu.enqueue_dma source(%dma_start3A_139 : memref<400xi32, #tpu.memory_space<hbm>>) target(%arg13 : memref<400xi32, #tpu.memory_space<vmem>>) target_semaphore(%arg21 : memref<!tpu.dma_semaphore, #tpu.memory_space<semaphore_mem>>)
        %dma_wait3A_140 = arith.constant 0 : i32
        %dma_wait3A_141 = arith.constant 0 : i32
        %dma_wait3A_142 = tpu.memref_slice %arg3[%dma_wait3A_140, %dma_wait3A_141] : memref<100096x16xf32, #tpu.memory_space<hbm>> -> memref<100096x16xf32, #tpu.memory_space<hbm>>
        tpu.wait_indirect_dma semaphore(%arg25 : memref<!tpu.dma_semaphore, #tpu.memory_space<semaphore_mem>>) src(%dma_wait3A_142 : memref<100096x16xf32, #tpu.memory_space<hbm>>) dst(%arg17 : memref<400x16xf32, #tpu.memory_space<vmem>>)
        %dma_start3A_143 = arith.constant 0 : i32
        %dma_start3A_144 = arith.constant 0 : i32
        %dma_start3A_145 = tpu.memref_slice %arg11[%dma_start3A_143, %dma_start3A_144] : memref<100096x16xf32, #tpu.memory_space<vmem_shared>> -> memref<100096x16xf32, #tpu.memory_space<vmem_shared>>
        tpu.enqueue_indirect_dma source(%arg17 : memref<400x16xf32, #tpu.memory_space<vmem>>) target(%dma_start3A_145 : memref<100096x16xf32, #tpu.memory_space<vmem_shared>>) offsets(%arg16 : memref<400xi32, #tpu.memory_space<vmem>>) semaphore(%arg28 : memref<!tpu.dma_semaphore, #tpu.memory_space<semaphore_mem>>) {add = true}
        %dma_wait3A_146 = arith.constant 0 : i32
        %dma_wait3A_147 = tpu.memref_slice %arg6[%dma_wait3A_146] : memref<1600000xi32, #tpu.memory_space<hbm>> -> memref<400xi32, #tpu.memory_space<hbm>>
        %dma_wait3A_148 = arith.constant 0 : i32
        %dma_wait3A_149 = tpu.memref_slice %arg6[%dma_wait3A_148] : memref<1600000xi32, #tpu.memory_space<hbm>> -> memref<400xi32, #tpu.memory_space<hbm>>
        tpu.wait_dma2 semaphore(%arg21 : memref<!tpu.dma_semaphore, #tpu.memory_space<semaphore_mem>>) src(%dma_wait3A_149 : memref<400xi32, #tpu.memory_space<hbm>>) dst(%arg12 : memref<400xi32, #tpu.memory_space<vmem>>)
        %dma_wait3A_150 = arith.constant 0 : i32
        %dma_wait3A_151 = tpu.memref_slice %arg7[%dma_wait3A_150] : memref<1600000xi32, #tpu.memory_space<hbm>> -> memref<400xi32, #tpu.memory_space<hbm>>
        %dma_wait3A_152 = arith.constant 0 : i32
        %dma_wait3A_153 = tpu.memref_slice %arg7[%dma_wait3A_152] : memref<1600000xi32, #tpu.memory_space<hbm>> -> memref<400xi32, #tpu.memory_space<hbm>>
        tpu.wait_dma2 semaphore(%arg21 : memref<!tpu.dma_semaphore, #tpu.memory_space<semaphore_mem>>) src(%dma_wait3A_153 : memref<400xi32, #tpu.memory_space<hbm>>) dst(%arg13 : memref<400xi32, #tpu.memory_space<vmem>>)
        %dma_start3A_154 = arith.constant 0 : i32
        %dma_start3A_155 = arith.constant 0 : i32
        %dma_start3A_156 = tpu.memref_slice %arg3[%dma_start3A_154, %dma_start3A_155] : memref<100096x16xf32, #tpu.memory_space<hbm>> -> memref<100096x16xf32, #tpu.memory_space<hbm>>
        tpu.enqueue_indirect_dma source(%dma_start3A_156 : memref<100096x16xf32, #tpu.memory_space<hbm>>) target(%arg14 : memref<400x16xf32, #tpu.memory_space<vmem>>) offsets(%arg12 : memref<400xi32, #tpu.memory_space<vmem>>) semaphore(%arg24 : memref<!tpu.dma_semaphore, #tpu.memory_space<semaphore_mem>>)
        %mul3A_157 = arith.constant 3 : i32
        %mul3A_158 = arith.muli %mul3A_157, %scan3A_124 : i32
        %add3A_159 = arith.constant 1 : i32
        %add3A_160 = arith.addi %mul3A_158, %add3A_159 : i32
        %dma_wait3A_161 = arith.constant 0 : i32
        %dma_wait3A_162 = arith.constant 0 : i32
        %dma_wait3A_163 = tpu.memref_slice %arg11[%dma_wait3A_161, %dma_wait3A_162] : memref<100096x16xf32, #tpu.memory_space<vmem_shared>> -> memref<100096x16xf32, #tpu.memory_space<vmem_shared>>
        tpu.wait_indirect_dma semaphore(%arg28 : memref<!tpu.dma_semaphore, #tpu.memory_space<semaphore_mem>>) src(%arg17 : memref<400x16xf32, #tpu.memory_space<vmem>>) dst(%dma_wait3A_163 : memref<100096x16xf32, #tpu.memory_space<vmem_shared>>)
        %mul3A_164 = arith.constant 400 : i32
        %mul3A_165 = arith.muli %add3A_160, %mul3A_164 : i32
        %add3A_166 = arith.addi %mul3A_9, %mul3A_165 : i32
        %multiple_of3A_167 = tpu.assume_multiple %add3A_166, 8 : i32
        %dma_start3A_168 = tpu.memref_slice %arg6[%multiple_of3A_167] : memref<1600000xi32, #tpu.memory_space<hbm>> -> memref<400xi32, #tpu.memory_space<hbm>>
        %dma_start3A_169 = tpu.memref_slice %arg6[%multiple_of3A_167] : memref<1600000xi32, #tpu.memory_space<hbm>> -> memref<400xi32, #tpu.memory_space<hbm>>
        tpu.enqueue_dma source(%dma_start3A_169 : memref<400xi32, #tpu.memory_space<hbm>>) target(%arg15 : memref<400xi32, #tpu.memory_space<vmem>>) target_semaphore(%arg22 : memref<!tpu.dma_semaphore, #tpu.memory_space<semaphore_mem>>)
        %dma_start3A_170 = tpu.memref_slice %arg7[%multiple_of3A_167] : memref<1600000xi32, #tpu.memory_space<hbm>> -> memref<400xi32, #tpu.memory_space<hbm>>
        %dma_start3A_171 = tpu.memref_slice %arg7[%multiple_of3A_167] : memref<1600000xi32, #tpu.memory_space<hbm>> -> memref<400xi32, #tpu.memory_space<hbm>>
        tpu.enqueue_dma source(%dma_start3A_171 : memref<400xi32, #tpu.memory_space<hbm>>) target(%arg16 : memref<400xi32, #tpu.memory_space<vmem>>) target_semaphore(%arg22 : memref<!tpu.dma_semaphore, #tpu.memory_space<semaphore_mem>>)
        %dma_wait3A_172 = arith.constant 0 : i32
        %dma_wait3A_173 = arith.constant 0 : i32
        %dma_wait3A_174 = tpu.memref_slice %arg3[%dma_wait3A_172, %dma_wait3A_173] : memref<100096x16xf32, #tpu.memory_space<hbm>> -> memref<100096x16xf32, #tpu.memory_space<hbm>>
        tpu.wait_indirect_dma semaphore(%arg26 : memref<!tpu.dma_semaphore, #tpu.memory_space<semaphore_mem>>) src(%dma_wait3A_174 : memref<100096x16xf32, #tpu.memory_space<hbm>>) dst(%arg20 : memref<400x16xf32, #tpu.memory_space<vmem>>)
        %dma_start3A_175 = arith.constant 0 : i32
        %dma_start3A_176 = arith.constant 0 : i32
        %dma_start3A_177 = tpu.memref_slice %arg11[%dma_start3A_175, %dma_start3A_176] : memref<100096x16xf32, #tpu.memory_space<vmem_shared>> -> memref<100096x16xf32, #tpu.memory_space<vmem_shared>>
        tpu.enqueue_indirect_dma source(%arg20 : memref<400x16xf32, #tpu.memory_space<vmem>>) target(%dma_start3A_177 : memref<100096x16xf32, #tpu.memory_space<vmem_shared>>) offsets(%arg19 : memref<400xi32, #tpu.memory_space<vmem>>) semaphore(%arg29 : memref<!tpu.dma_semaphore, #tpu.memory_space<semaphore_mem>>) {add = true}
        %dma_wait3A_178 = arith.constant 0 : i32
        %dma_wait3A_179 = tpu.memref_slice %arg6[%dma_wait3A_178] : memref<1600000xi32, #tpu.memory_space<hbm>> -> memref<400xi32, #tpu.memory_space<hbm>>
        %dma_wait3A_180 = arith.constant 0 : i32
        %dma_wait3A_181 = tpu.memref_slice %arg6[%dma_wait3A_180] : memref<1600000xi32, #tpu.memory_space<hbm>> -> memref<400xi32, #tpu.memory_space<hbm>>
        tpu.wait_dma2 semaphore(%arg22 : memref<!tpu.dma_semaphore, #tpu.memory_space<semaphore_mem>>) src(%dma_wait3A_181 : memref<400xi32, #tpu.memory_space<hbm>>) dst(%arg15 : memref<400xi32, #tpu.memory_space<vmem>>)
        %dma_wait3A_182 = arith.constant 0 : i32
        %dma_wait3A_183 = tpu.memref_slice %arg7[%dma_wait3A_182] : memref<1600000xi32, #tpu.memory_space<hbm>> -> memref<400xi32, #tpu.memory_space<hbm>>
        %dma_wait3A_184 = arith.constant 0 : i32
        %dma_wait3A_185 = tpu.memref_slice %arg7[%dma_wait3A_184] : memref<1600000xi32, #tpu.memory_space<hbm>> -> memref<400xi32, #tpu.memory_space<hbm>>
        tpu.wait_dma2 semaphore(%arg22 : memref<!tpu.dma_semaphore, #tpu.memory_space<semaphore_mem>>) src(%dma_wait3A_185 : memref<400xi32, #tpu.memory_space<hbm>>) dst(%arg16 : memref<400xi32, #tpu.memory_space<vmem>>)
        %dma_start3A_186 = arith.constant 0 : i32
        %dma_start3A_187 = arith.constant 0 : i32
        %dma_start3A_188 = tpu.memref_slice %arg3[%dma_start3A_186, %dma_start3A_187] : memref<100096x16xf32, #tpu.memory_space<hbm>> -> memref<100096x16xf32, #tpu.memory_space<hbm>>
        tpu.enqueue_indirect_dma source(%dma_start3A_188 : memref<100096x16xf32, #tpu.memory_space<hbm>>) target(%arg17 : memref<400x16xf32, #tpu.memory_space<vmem>>) offsets(%arg15 : memref<400xi32, #tpu.memory_space<vmem>>) semaphore(%arg25 : memref<!tpu.dma_semaphore, #tpu.memory_space<semaphore_mem>>)
        %mul3A_189 = arith.constant 3 : i32
        %mul3A_190 = arith.muli %mul3A_189, %scan3A_124 : i32
        %add3A_191 = arith.constant 2 : i32
        %add3A_192 = arith.addi %mul3A_190, %add3A_191 : i32
        %dma_wait3A_193 = arith.constant 0 : i32
        %dma_wait3A_194 = arith.constant 0 : i32
        %dma_wait3A_195 = tpu.memref_slice %arg11[%dma_wait3A_193, %dma_wait3A_194] : memref<100096x16xf32, #tpu.memory_space<vmem_shared>> -> memref<100096x16xf32, #tpu.memory_space<vmem_shared>>
        tpu.wait_indirect_dma semaphore(%arg29 : memref<!tpu.dma_semaphore, #tpu.memory_space<semaphore_mem>>) src(%arg20 : memref<400x16xf32, #tpu.memory_space<vmem>>) dst(%dma_wait3A_195 : memref<100096x16xf32, #tpu.memory_space<vmem_shared>>)
        %mul3A_196 = arith.constant 400 : i32
        %mul3A_197 = arith.muli %add3A_192, %mul3A_196 : i32
        %add3A_198 = arith.addi %mul3A_9, %mul3A_197 : i32
        %multiple_of3A_199 = tpu.assume_multiple %add3A_198, 8 : i32
        %dma_start3A_200 = tpu.memref_slice %arg6[%multiple_of3A_199] : memref<1600000xi32, #tpu.memory_space<hbm>> -> memref<400xi32, #tpu.memory_space<hbm>>
        %dma_start3A_201 = tpu.memref_slice %arg6[%multiple_of3A_199] : memref<1600000xi32, #tpu.memory_space<hbm>> -> memref<400xi32, #tpu.memory_space<hbm>>
        tpu.enqueue_dma source(%dma_start3A_201 : memref<400xi32, #tpu.memory_space<hbm>>) target(%arg18 : memref<400xi32, #tpu.memory_space<vmem>>) target_semaphore(%arg23 : memref<!tpu.dma_semaphore, #tpu.memory_space<semaphore_mem>>)
        %dma_start3A_202 = tpu.memref_slice %arg7[%multiple_of3A_199] : memref<1600000xi32, #tpu.memory_space<hbm>> -> memref<400xi32, #tpu.memory_space<hbm>>
        %dma_start3A_203 = tpu.memref_slice %arg7[%multiple_of3A_199] : memref<1600000xi32, #tpu.memory_space<hbm>> -> memref<400xi32, #tpu.memory_space<hbm>>
        tpu.enqueue_dma source(%dma_start3A_203 : memref<400xi32, #tpu.memory_space<hbm>>) target(%arg19 : memref<400xi32, #tpu.memory_space<vmem>>) target_semaphore(%arg23 : memref<!tpu.dma_semaphore, #tpu.memory_space<semaphore_mem>>)
        %dma_wait3A_204 = arith.constant 0 : i32
        %dma_wait3A_205 = arith.constant 0 : i32
        %dma_wait3A_206 = tpu.memref_slice %arg3[%dma_wait3A_204, %dma_wait3A_205] : memref<100096x16xf32, #tpu.memory_space<hbm>> -> memref<100096x16xf32, #tpu.memory_space<hbm>>
        tpu.wait_indirect_dma semaphore(%arg24 : memref<!tpu.dma_semaphore, #tpu.memory_space<semaphore_mem>>) src(%dma_wait3A_206 : memref<100096x16xf32, #tpu.memory_space<hbm>>) dst(%arg14 : memref<400x16xf32, #tpu.memory_space<vmem>>)
        %dma_start3A_207 = arith.constant 0 : i32
        %dma_start3A_208 = arith.constant 0 : i32
        %dma_start3A_209 = tpu.memref_slice %arg11[%dma_start3A_207, %dma_start3A_208] : memref<100096x16xf32, #tpu.memory_space<vmem_shared>> -> memref<100096x16xf32, #tpu.memory_space<vmem_shared>>
        tpu.enqueue_indirect_dma source(%arg14 : memref<400x16xf32, #tpu.memory_space<vmem>>) target(%dma_start3A_209 : memref<100096x16xf32, #tpu.memory_space<vmem_shared>>) offsets(%arg13 : memref<400xi32, #tpu.memory_space<vmem>>) semaphore(%arg27 : memref<!tpu.dma_semaphore, #tpu.memory_space<semaphore_mem>>) {add = true}
        %dma_wait3A_210 = arith.constant 0 : i32
        %dma_wait3A_211 = tpu.memref_slice %arg6[%dma_wait3A_210] : memref<1600000xi32, #tpu.memory_space<hbm>> -> memref<400xi32, #tpu.memory_space<hbm>>
        %dma_wait3A_212 = arith.constant 0 : i32
        %dma_wait3A_213 = tpu.memref_slice %arg6[%dma_wait3A_212] : memref<1600000xi32, #tpu.memory_space<hbm>> -> memref<400xi32, #tpu.memory_space<hbm>>
        tpu.wait_dma2 semaphore(%arg23 : memref<!tpu.dma_semaphore, #tpu.memory_space<semaphore_mem>>) src(%dma_wait3A_213 : memref<400xi32, #tpu.memory_space<hbm>>) dst(%arg18 : memref<400xi32, #tpu.memory_space<vmem>>)
        %dma_wait3A_214 = arith.constant 0 : i32
        %dma_wait3A_215 = tpu.memref_slice %arg7[%dma_wait3A_214] : memref<1600000xi32, #tpu.memory_space<hbm>> -> memref<400xi32, #tpu.memory_space<hbm>>
        %dma_wait3A_216 = arith.constant 0 : i32
        %dma_wait3A_217 = tpu.memref_slice %arg7[%dma_wait3A_216] : memref<1600000xi32, #tpu.memory_space<hbm>> -> memref<400xi32, #tpu.memory_space<hbm>>
        tpu.wait_dma2 semaphore(%arg23 : memref<!tpu.dma_semaphore, #tpu.memory_space<semaphore_mem>>) src(%dma_wait3A_217 : memref<400xi32, #tpu.memory_space<hbm>>) dst(%arg19 : memref<400xi32, #tpu.memory_space<vmem>>)
        %dma_start3A_218 = arith.constant 0 : i32
        %dma_start3A_219 = arith.constant 0 : i32
        %dma_start3A_220 = tpu.memref_slice %arg3[%dma_start3A_218, %dma_start3A_219] : memref<100096x16xf32, #tpu.memory_space<hbm>> -> memref<100096x16xf32, #tpu.memory_space<hbm>>
        tpu.enqueue_indirect_dma source(%dma_start3A_220 : memref<100096x16xf32, #tpu.memory_space<hbm>>) target(%arg20 : memref<400x16xf32, #tpu.memory_space<vmem>>) offsets(%arg18 : memref<400xi32, #tpu.memory_space<vmem>>) semaphore(%arg26 : memref<!tpu.dma_semaphore, #tpu.memory_space<semaphore_mem>>)
      }
      %scan3A_71 = arith.constant 82 : i32
      %dma_wait3A_72 = arith.constant 0 : i32
      %dma_wait3A_73 = arith.constant 0 : i32
      %dma_wait3A_74 = tpu.memref_slice %arg11[%dma_wait3A_72, %dma_wait3A_73] : memref<100096x16xf32, #tpu.memory_space<vmem_shared>> -> memref<100096x16xf32, #tpu.memory_space<vmem_shared>>
      tpu.wait_indirect_dma semaphore(%arg27 : memref<!tpu.dma_semaphore, #tpu.memory_space<semaphore_mem>>) src(%arg14 : memref<400x16xf32, #tpu.memory_space<vmem>>) dst(%dma_wait3A_74 : memref<100096x16xf32, #tpu.memory_space<vmem_shared>>)
      %add3A_75 = arith.constant 99600 : i32
      %add3A_76 = arith.addi %mul3A_9, %add3A_75 : i32
      %multiple_of3A_77 = tpu.assume_multiple %add3A_76, 8 : i32
      %dma_start3A_78 = tpu.memref_slice %arg6[%multiple_of3A_77] : memref<1600000xi32, #tpu.memory_space<hbm>> -> memref<400xi32, #tpu.memory_space<hbm>>
      %dma_start3A_79 = tpu.memref_slice %arg6[%multiple_of3A_77] : memref<1600000xi32, #tpu.memory_space<hbm>> -> memref<400xi32, #tpu.memory_space<hbm>>
      tpu.enqueue_dma source(%dma_start3A_79 : memref<400xi32, #tpu.memory_space<hbm>>) target(%arg12 : memref<400xi32, #tpu.memory_space<vmem>>) target_semaphore(%arg21 : memref<!tpu.dma_semaphore, #tpu.memory_space<semaphore_mem>>)
      %dma_start3A_80 = tpu.memref_slice %arg7[%multiple_of3A_77] : memref<1600000xi32, #tpu.memory_space<hbm>> -> memref<400xi32, #tpu.memory_space<hbm>>
      %dma_start3A_81 = tpu.memref_slice %arg7[%multiple_of3A_77] : memref<1600000xi32, #tpu.memory_space<hbm>> -> memref<400xi32, #tpu.memory_space<hbm>>
      tpu.enqueue_dma source(%dma_start3A_81 : memref<400xi32, #tpu.memory_space<hbm>>) target(%arg13 : memref<400xi32, #tpu.memory_space<vmem>>) target_semaphore(%arg21 : memref<!tpu.dma_semaphore, #tpu.memory_space<semaphore_mem>>)
      %dma_wait3A_82 = arith.constant 0 : i32
      %dma_wait3A_83 = arith.constant 0 : i32
      %dma_wait3A_84 = tpu.memref_slice %arg3[%dma_wait3A_82, %dma_wait3A_83] : memref<100096x16xf32, #tpu.memory_space<hbm>> -> memref<100096x16xf32, #tpu.memory_space<hbm>>
      tpu.wait_indirect_dma semaphore(%arg25 : memref<!tpu.dma_semaphore, #tpu.memory_space<semaphore_mem>>) src(%dma_wait3A_84 : memref<100096x16xf32, #tpu.memory_space<hbm>>) dst(%arg17 : memref<400x16xf32, #tpu.memory_space<vmem>>)
      %dma_start3A_85 = arith.constant 0 : i32
      %dma_start3A_86 = arith.constant 0 : i32
      %dma_start3A_87 = tpu.memref_slice %arg11[%dma_start3A_85, %dma_start3A_86] : memref<100096x16xf32, #tpu.memory_space<vmem_shared>> -> memref<100096x16xf32, #tpu.memory_space<vmem_shared>>
      tpu.enqueue_indirect_dma source(%arg17 : memref<400x16xf32, #tpu.memory_space<vmem>>) target(%dma_start3A_87 : memref<100096x16xf32, #tpu.memory_space<vmem_shared>>) offsets(%arg16 : memref<400xi32, #tpu.memory_space<vmem>>) semaphore(%arg28 : memref<!tpu.dma_semaphore, #tpu.memory_space<semaphore_mem>>) {add = true}
      %dma_wait3A_88 = arith.constant 0 : i32
      %dma_wait3A_89 = tpu.memref_slice %arg6[%dma_wait3A_88] : memref<1600000xi32, #tpu.memory_space<hbm>> -> memref<400xi32, #tpu.memory_space<hbm>>
      %dma_wait3A_90 = arith.constant 0 : i32
      %dma_wait3A_91 = tpu.memref_slice %arg6[%dma_wait3A_90] : memref<1600000xi32, #tpu.memory_space<hbm>> -> memref<400xi32, #tpu.memory_space<hbm>>
      tpu.wait_dma2 semaphore(%arg21 : memref<!tpu.dma_semaphore, #tpu.memory_space<semaphore_mem>>) src(%dma_wait3A_91 : memref<400xi32, #tpu.memory_space<hbm>>) dst(%arg12 : memref<400xi32, #tpu.memory_space<vmem>>)
      %dma_wait3A_92 = arith.constant 0 : i32
      %dma_wait3A_93 = tpu.memref_slice %arg7[%dma_wait3A_92] : memref<1600000xi32, #tpu.memory_space<hbm>> -> memref<400xi32, #tpu.memory_space<hbm>>
      %dma_wait3A_94 = arith.constant 0 : i32
      %dma_wait3A_95 = tpu.memref_slice %arg7[%dma_wait3A_94] : memref<1600000xi32, #tpu.memory_space<hbm>> -> memref<400xi32, #tpu.memory_space<hbm>>
      tpu.wait_dma2 semaphore(%arg21 : memref<!tpu.dma_semaphore, #tpu.memory_space<semaphore_mem>>) src(%dma_wait3A_95 : memref<400xi32, #tpu.memory_space<hbm>>) dst(%arg13 : memref<400xi32, #tpu.memory_space<vmem>>)
      %dma_start3A_96 = arith.constant 0 : i32
      %dma_start3A_97 = arith.constant 0 : i32
      %dma_start3A_98 = tpu.memref_slice %arg3[%dma_start3A_96, %dma_start3A_97] : memref<100096x16xf32, #tpu.memory_space<hbm>> -> memref<100096x16xf32, #tpu.memory_space<hbm>>
      tpu.enqueue_indirect_dma source(%dma_start3A_98 : memref<100096x16xf32, #tpu.memory_space<hbm>>) target(%arg14 : memref<400x16xf32, #tpu.memory_space<vmem>>) offsets(%arg12 : memref<400xi32, #tpu.memory_space<vmem>>) semaphore(%arg24 : memref<!tpu.dma_semaphore, #tpu.memory_space<semaphore_mem>>)
      %dma_wait3A_99 = arith.constant 0 : i32
      %dma_wait3A_100 = arith.constant 0 : i32
      %dma_wait3A_101 = tpu.memref_slice %arg11[%dma_wait3A_99, %dma_wait3A_100] : memref<100096x16xf32, #tpu.memory_space<vmem_shared>> -> memref<100096x16xf32, #tpu.memory_space<vmem_shared>>
      tpu.wait_indirect_dma semaphore(%arg28 : memref<!tpu.dma_semaphore, #tpu.memory_space<semaphore_mem>>) src(%arg17 : memref<400x16xf32, #tpu.memory_space<vmem>>) dst(%dma_wait3A_101 : memref<100096x16xf32, #tpu.memory_space<vmem_shared>>)
      %dma_wait3A_102 = arith.constant 0 : i32
      %dma_wait3A_103 = arith.constant 0 : i32
      %dma_wait3A_104 = tpu.memref_slice %arg3[%dma_wait3A_102, %dma_wait3A_103] : memref<100096x16xf32, #tpu.memory_space<hbm>> -> memref<100096x16xf32, #tpu.memory_space<hbm>>
      tpu.wait_indirect_dma semaphore(%arg26 : memref<!tpu.dma_semaphore, #tpu.memory_space<semaphore_mem>>) src(%dma_wait3A_104 : memref<100096x16xf32, #tpu.memory_space<hbm>>) dst(%arg20 : memref<400x16xf32, #tpu.memory_space<vmem>>)
      %dma_start3A_105 = arith.constant 0 : i32
      %dma_start3A_106 = arith.constant 0 : i32
      %dma_start3A_107 = tpu.memref_slice %arg11[%dma_start3A_105, %dma_start3A_106] : memref<100096x16xf32, #tpu.memory_space<vmem_shared>> -> memref<100096x16xf32, #tpu.memory_space<vmem_shared>>
      tpu.enqueue_indirect_dma source(%arg20 : memref<400x16xf32, #tpu.memory_space<vmem>>) target(%dma_start3A_107 : memref<100096x16xf32, #tpu.memory_space<vmem_shared>>) offsets(%arg19 : memref<400xi32, #tpu.memory_space<vmem>>) semaphore(%arg29 : memref<!tpu.dma_semaphore, #tpu.memory_space<semaphore_mem>>) {add = true}
      %dma_wait3A_108 = arith.constant 0 : i32
      %dma_wait3A_109 = arith.constant 0 : i32
      %dma_wait3A_110 = tpu.memref_slice %arg11[%dma_wait3A_108, %dma_wait3A_109] : memref<100096x16xf32, #tpu.memory_space<vmem_shared>> -> memref<100096x16xf32, #tpu.memory_space<vmem_shared>>
      tpu.wait_indirect_dma semaphore(%arg29 : memref<!tpu.dma_semaphore, #tpu.memory_space<semaphore_mem>>) src(%arg20 : memref<400x16xf32, #tpu.memory_space<vmem>>) dst(%dma_wait3A_110 : memref<100096x16xf32, #tpu.memory_space<vmem_shared>>)
      %dma_wait3A_111 = arith.constant 0 : i32
      %dma_wait3A_112 = arith.constant 0 : i32
      %dma_wait3A_113 = tpu.memref_slice %arg3[%dma_wait3A_111, %dma_wait3A_112] : memref<100096x16xf32, #tpu.memory_space<hbm>> -> memref<100096x16xf32, #tpu.memory_space<hbm>>
      tpu.wait_indirect_dma semaphore(%arg24 : memref<!tpu.dma_semaphore, #tpu.memory_space<semaphore_mem>>) src(%dma_wait3A_113 : memref<100096x16xf32, #tpu.memory_space<hbm>>) dst(%arg14 : memref<400x16xf32, #tpu.memory_space<vmem>>)
      %dma_start3A_114 = arith.constant 0 : i32
      %dma_start3A_115 = arith.constant 0 : i32
      %dma_start3A_116 = tpu.memref_slice %arg11[%dma_start3A_114, %dma_start3A_115] : memref<100096x16xf32, #tpu.memory_space<vmem_shared>> -> memref<100096x16xf32, #tpu.memory_space<vmem_shared>>
      tpu.enqueue_indirect_dma source(%arg14 : memref<400x16xf32, #tpu.memory_space<vmem>>) target(%dma_start3A_116 : memref<100096x16xf32, #tpu.memory_space<vmem_shared>>) offsets(%arg13 : memref<400xi32, #tpu.memory_space<vmem>>) semaphore(%arg27 : memref<!tpu.dma_semaphore, #tpu.memory_space<semaphore_mem>>) {add = true}
      %dma_wait3A_117 = arith.constant 0 : i32
      %dma_wait3A_118 = arith.constant 0 : i32
      %dma_wait3A_119 = tpu.memref_slice %arg11[%dma_wait3A_117, %dma_wait3A_118] : memref<100096x16xf32, #tpu.memory_space<vmem_shared>> -> memref<100096x16xf32, #tpu.memory_space<vmem_shared>>
      tpu.wait_indirect_dma semaphore(%arg27 : memref<!tpu.dma_semaphore, #tpu.memory_space<semaphore_mem>>) src(%arg14 : memref<400x16xf32, #tpu.memory_space<vmem>>) dst(%dma_wait3A_119 : memref<100096x16xf32, #tpu.memory_space<vmem_shared>>)
      %barrier3A_120 = arith.constant 0 : index
      tpu.barrier barrier_id(%barrier3A_120)
      %mul3A_121 = arith.constant 6256 : i32
      %mul3A_122 = arith.muli %arg1, %mul3A_121 : i32
      %multiple_of3A_123 = tpu.assume_multiple %mul3A_122, 8 : i32
      "tpu.region"() ({
        %run_scoped3A = tpu.sem_alloc : memref<!tpu.dma_semaphore, #tpu.memory_space<semaphore_mem>>
        %dma_start3A_124 = arith.constant 0 : i32
        %dma_start3A_125 = tpu.memref_slice %arg10[%multiple_of3A_123, %dma_start3A_124] : memref<100096x16xf32, #tpu.memory_space<hbm>> -> memref<6256x16xf32, #tpu.memory_space<hbm>>
        %dma_start3A_126 = arith.constant 0 : i32
        %dma_start3A_127 = tpu.memref_slice %arg11[%multiple_of3A_123, %dma_start3A_126] : memref<100096x16xf32, #tpu.memory_space<vmem_shared>> -> memref<6256x16xf32, #tpu.memory_space<vmem_shared>>
        tpu.enqueue_dma source(%dma_start3A_127 : memref<6256x16xf32, #tpu.memory_space<vmem_shared>>) target(%dma_start3A_125 : memref<6256x16xf32, #tpu.memory_space<hbm>>) target_semaphore(%run_scoped3A : memref<!tpu.dma_semaphore, #tpu.memory_space<semaphore_mem>>)
        %dma_wait3A_128 = arith.constant 0 : i32
        %dma_wait3A_129 = tpu.memref_slice %arg10[%multiple_of3A_123, %dma_wait3A_128] : memref<100096x16xf32, #tpu.memory_space<hbm>> -> memref<6256x16xf32, #tpu.memory_space<hbm>>
        %dma_wait3A_130 = arith.constant 0 : i32
        %dma_wait3A_131 = tpu.memref_slice %arg11[%multiple_of3A_123, %dma_wait3A_130] : memref<100096x16xf32, #tpu.memory_space<vmem_shared>> -> memref<6256x16xf32, #tpu.memory_space<vmem_shared>>
        tpu.wait_dma2 semaphore(%run_scoped3A : memref<!tpu.dma_semaphore, #tpu.memory_space<semaphore_mem>>) src(%dma_wait3A_131 : memref<6256x16xf32, #tpu.memory_space<vmem_shared>>) dst(%dma_wait3A_129 : memref<6256x16xf32, #tpu.memory_space<hbm>>)
        tpu.yield
      }) : () -> ()
    } else {
    }
    return
  }
}

#map = affine_map<(d0, d1) -> (0, 0)>
#map1 = affine_map<(d0, d1) -> (0)>
module attributes {stable_mosaic.version = 14 : i64} {
  func.func @_reformat_body(%arg0: i32, %arg1: i32, %arg2: memref<2x1600000xi32, #tpu.memory_space<hbm>>, %arg3: memref<2x1600000xi32, #tpu.memory_space<hbm>>, %arg4: memref<1600000xi32, #tpu.memory_space<hbm>>, %arg5: memref<1600000xi32, #tpu.memory_space<hbm>>, %arg6: memref<1600000xi32, #tpu.memory_space<hbm>>, %arg7: memref<1600000xi32, #tpu.memory_space<hbm>>, %arg8: memref<2x9088xi32, #tpu.memory_space<vmem>>) attributes {dimension_semantics = [#tpu.dimension_semantics<core_parallel>, #tpu.dimension_semantics<subcore_parallel>], iteration_bounds = array<i64: 2, 16>, scalar_prefetch = 0 : i64, scratch_operands = 1 : i64, tpu.core_type = #tpu.core_type<sc_vector_subcore>, window_params = [{transform_indices = #map}, {transform_indices = #map}, {transform_indices = #map1}, {transform_indices = #map1}, {transform_indices = #map1}, {transform_indices = #map1}]} {
    %eq3A = arith.constant 0 : i32
    %eq3A_0 = arith.cmpi eq, %arg0, %eq3A : i32
    %convert_element_type3A = arith.extui %eq3A_0 : i1 to i32
    %cond3A = arith.constant 0 : i32
    %cond3A_1 = arith.cmpi ne, %convert_element_type3A, %cond3A : i32
    scf.if %cond3A_1 {
      %mul3A = arith.constant 11 : i32
      %mul3A_7 = arith.muli %arg1, %mul3A : i32
      %mul3A_8 = arith.constant 9088 : i32
      %mul3A_9 = arith.muli %mul3A_7, %mul3A_8 : i32
      %scan3A = arith.constant 0 : i32
      %scan3A_10 = arith.constant 0 : i32
      %scan3A_11 = arith.constant 11 : i32
      %scan3A_12 = arith.addi %scan3A_10, %scan3A_11 : i32
      %scan3A_13 = arith.constant 1 : i32
      scf.for %scan3A_20 = %scan3A_10 to %scan3A_12 step %scan3A_13  : i32 {
        %mul3A_21 = arith.constant 9088 : i32
        %mul3A_22 = arith.muli %scan3A_20, %mul3A_21 : i32
        %add3A = arith.addi %mul3A_9, %mul3A_22 : i32
        %multiple_of3A = tpu.assume_multiple %add3A, 128 : i32
        "tpu.region"() ({
          %run_scoped3A_24 = tpu.sem_alloc : memref<!tpu.dma_semaphore, #tpu.memory_space<semaphore_mem>>
          %dma_start3A = arith.constant 0 : i32
          %dma_start3A_25 = tpu.memref_slice %arg2[%dma_start3A, %multiple_of3A] : memref<2x1600000xi32, #tpu.memory_space<hbm>> -> memref<2x9088xi32, #tpu.memory_space<hbm>>
          %dma_start3A_26 = arith.constant 0 : i32
          %dma_start3A_27 = tpu.memref_slice %arg2[%dma_start3A_26, %multiple_of3A] : memref<2x1600000xi32, #tpu.memory_space<hbm>> -> memref<2x9088xi32, #tpu.memory_space<hbm>>
          tpu.enqueue_dma source(%dma_start3A_27 : memref<2x9088xi32, #tpu.memory_space<hbm>>) target(%arg8 : memref<2x9088xi32, #tpu.memory_space<vmem>>) target_semaphore(%run_scoped3A_24 : memref<!tpu.dma_semaphore, #tpu.memory_space<semaphore_mem>>)
          %dma_wait3A = arith.constant 0 : i32
          %dma_wait3A_28 = tpu.memref_slice %arg2[%dma_wait3A, %multiple_of3A] : memref<2x1600000xi32, #tpu.memory_space<hbm>> -> memref<2x9088xi32, #tpu.memory_space<hbm>>
          %dma_wait3A_29 = arith.constant 0 : i32
          %dma_wait3A_30 = tpu.memref_slice %arg2[%dma_wait3A_29, %multiple_of3A] : memref<2x1600000xi32, #tpu.memory_space<hbm>> -> memref<2x9088xi32, #tpu.memory_space<hbm>>
          tpu.wait_dma2 semaphore(%run_scoped3A_24 : memref<!tpu.dma_semaphore, #tpu.memory_space<semaphore_mem>>) src(%dma_wait3A_30 : memref<2x9088xi32, #tpu.memory_space<hbm>>) dst(%arg8 : memref<2x9088xi32, #tpu.memory_space<vmem>>)
          tpu.yield
        }) : () -> ()
        %run_scoped3A = arith.constant 0 : i32
        "tpu.region"() ({
          %run_scoped3A_24 = tpu.sem_alloc : memref<!tpu.dma_semaphore, #tpu.memory_space<semaphore_mem>>
          %dma_start3A = arith.constant 0 : i32
          %dma_start3A_25 = tpu.memref_slice %arg8[%run_scoped3A, %dma_start3A] : memref<2x9088xi32, #tpu.memory_space<vmem>> -> memref<1x9088xi32, #tpu.memory_space<vmem>>
          %dma_start3A_26 = tpu.memref_squeeze %dma_start3A_25 : memref<1x9088xi32, #tpu.memory_space<vmem>> -> memref<9088xi32, #tpu.memory_space<vmem>>
          %dma_start3A_27 = tpu.memref_slice %arg4[%multiple_of3A] : memref<1600000xi32, #tpu.memory_space<hbm>> -> memref<9088xi32, #tpu.memory_space<hbm>>
          %dma_start3A_28 = tpu.memref_slice %arg4[%multiple_of3A] : memref<1600000xi32, #tpu.memory_space<hbm>> -> memref<9088xi32, #tpu.memory_space<hbm>>
          %dma_start3A_29 = arith.constant 0 : i32
          %dma_start3A_30 = tpu.memref_slice %arg8[%run_scoped3A, %dma_start3A_29] : memref<2x9088xi32, #tpu.memory_space<vmem>> -> memref<1x9088xi32, #tpu.memory_space<vmem>>
          %dma_start3A_31 = tpu.memref_squeeze %dma_start3A_30 : memref<1x9088xi32, #tpu.memory_space<vmem>> -> memref<9088xi32, #tpu.memory_space<vmem>>
          tpu.enqueue_dma source(%dma_start3A_31 : memref<9088xi32, #tpu.memory_space<vmem>>) target(%dma_start3A_28 : memref<9088xi32, #tpu.memory_space<hbm>>) target_semaphore(%run_scoped3A_24 : memref<!tpu.dma_semaphore, #tpu.memory_space<semaphore_mem>>)
          %dma_wait3A = arith.constant 0 : i32
          %dma_wait3A_32 = tpu.memref_slice %arg8[%run_scoped3A, %dma_wait3A] : memref<2x9088xi32, #tpu.memory_space<vmem>> -> memref<1x9088xi32, #tpu.memory_space<vmem>>
          %dma_wait3A_33 = tpu.memref_squeeze %dma_wait3A_32 : memref<1x9088xi32, #tpu.memory_space<vmem>> -> memref<9088xi32, #tpu.memory_space<vmem>>
          %dma_wait3A_34 = tpu.memref_slice %arg4[%multiple_of3A] : memref<1600000xi32, #tpu.memory_space<hbm>> -> memref<9088xi32, #tpu.memory_space<hbm>>
          %dma_wait3A_35 = tpu.memref_slice %arg4[%multiple_of3A] : memref<1600000xi32, #tpu.memory_space<hbm>> -> memref<9088xi32, #tpu.memory_space<hbm>>
          %dma_wait3A_36 = arith.constant 0 : i32
          %dma_wait3A_37 = tpu.memref_slice %arg8[%run_scoped3A, %dma_wait3A_36] : memref<2x9088xi32, #tpu.memory_space<vmem>> -> memref<1x9088xi32, #tpu.memory_space<vmem>>
          %dma_wait3A_38 = tpu.memref_squeeze %dma_wait3A_37 : memref<1x9088xi32, #tpu.memory_space<vmem>> -> memref<9088xi32, #tpu.memory_space<vmem>>
          tpu.wait_dma2 semaphore(%run_scoped3A_24 : memref<!tpu.dma_semaphore, #tpu.memory_space<semaphore_mem>>) src(%dma_wait3A_38 : memref<9088xi32, #tpu.memory_space<vmem>>) dst(%dma_wait3A_35 : memref<9088xi32, #tpu.memory_space<hbm>>)
          tpu.yield
        }) : () -> ()
        %run_scoped3A_23 = arith.constant 1 : i32
        "tpu.region"() ({
          %run_scoped3A_24 = tpu.sem_alloc : memref<!tpu.dma_semaphore, #tpu.memory_space<semaphore_mem>>
          %dma_start3A = arith.constant 0 : i32
          %dma_start3A_25 = tpu.memref_slice %arg8[%run_scoped3A_23, %dma_start3A] : memref<2x9088xi32, #tpu.memory_space<vmem>> -> memref<1x9088xi32, #tpu.memory_space<vmem>>
          %dma_start3A_26 = tpu.memref_squeeze %dma_start3A_25 : memref<1x9088xi32, #tpu.memory_space<vmem>> -> memref<9088xi32, #tpu.memory_space<vmem>>
          %dma_start3A_27 = tpu.memref_slice %arg5[%multiple_of3A] : memref<1600000xi32, #tpu.memory_space<hbm>> -> memref<9088xi32, #tpu.memory_space<hbm>>
          %dma_start3A_28 = tpu.memref_slice %arg5[%multiple_of3A] : memref<1600000xi32, #tpu.memory_space<hbm>> -> memref<9088xi32, #tpu.memory_space<hbm>>
          %dma_start3A_29 = arith.constant 0 : i32
          %dma_start3A_30 = tpu.memref_slice %arg8[%run_scoped3A_23, %dma_start3A_29] : memref<2x9088xi32, #tpu.memory_space<vmem>> -> memref<1x9088xi32, #tpu.memory_space<vmem>>
          %dma_start3A_31 = tpu.memref_squeeze %dma_start3A_30 : memref<1x9088xi32, #tpu.memory_space<vmem>> -> memref<9088xi32, #tpu.memory_space<vmem>>
          tpu.enqueue_dma source(%dma_start3A_31 : memref<9088xi32, #tpu.memory_space<vmem>>) target(%dma_start3A_28 : memref<9088xi32, #tpu.memory_space<hbm>>) target_semaphore(%run_scoped3A_24 : memref<!tpu.dma_semaphore, #tpu.memory_space<semaphore_mem>>)
          %dma_wait3A = arith.constant 0 : i32
          %dma_wait3A_32 = tpu.memref_slice %arg8[%run_scoped3A_23, %dma_wait3A] : memref<2x9088xi32, #tpu.memory_space<vmem>> -> memref<1x9088xi32, #tpu.memory_space<vmem>>
          %dma_wait3A_33 = tpu.memref_squeeze %dma_wait3A_32 : memref<1x9088xi32, #tpu.memory_space<vmem>> -> memref<9088xi32, #tpu.memory_space<vmem>>
          %dma_wait3A_34 = tpu.memref_slice %arg5[%multiple_of3A] : memref<1600000xi32, #tpu.memory_space<hbm>> -> memref<9088xi32, #tpu.memory_space<hbm>>
          %dma_wait3A_35 = tpu.memref_slice %arg5[%multiple_of3A] : memref<1600000xi32, #tpu.memory_space<hbm>> -> memref<9088xi32, #tpu.memory_space<hbm>>
          %dma_wait3A_36 = arith.constant 0 : i32
          %dma_wait3A_37 = tpu.memref_slice %arg8[%run_scoped3A_23, %dma_wait3A_36] : memref<2x9088xi32, #tpu.memory_space<vmem>> -> memref<1x9088xi32, #tpu.memory_space<vmem>>
          %dma_wait3A_38 = tpu.memref_squeeze %dma_wait3A_37 : memref<1x9088xi32, #tpu.memory_space<vmem>> -> memref<9088xi32, #tpu.memory_space<vmem>>
          tpu.wait_dma2 semaphore(%run_scoped3A_24 : memref<!tpu.dma_semaphore, #tpu.memory_space<semaphore_mem>>) src(%dma_wait3A_38 : memref<9088xi32, #tpu.memory_space<vmem>>) dst(%dma_wait3A_35 : memref<9088xi32, #tpu.memory_space<hbm>>)
          tpu.yield
        }) : () -> ()
      }
      %scan3A_14 = arith.constant 11 : i32
      %eq3A_15 = arith.constant 0 : i32
      %eq3A_16 = arith.cmpi eq, %arg1, %eq3A_15 : i32
      %convert_element_type3A_17 = arith.extui %eq3A_16 : i1 to i32
      %cond3A_18 = arith.constant 0 : i32
      %cond3A_19 = arith.cmpi ne, %convert_element_type3A_17, %cond3A_18 : i32
      scf.if %cond3A_19 {
        "tpu.region"() ({
          %run_scoped3A_21 = tpu.sem_alloc : memref<!tpu.dma_semaphore, #tpu.memory_space<semaphore_mem>>
          %dma_start3A = arith.constant 0 : i32
          %dma_start3A_22 = arith.constant 0 : i32
          %dma_start3A_23 = tpu.memref_slice %arg8[%dma_start3A, %dma_start3A_22] : memref<2x9088xi32, #tpu.memory_space<vmem>> -> memref<2x512xi32, #tpu.memory_space<vmem>>
          %dma_start3A_24 = arith.constant 0 : i32
          %dma_start3A_25 = arith.constant 1599488 : i32
          %dma_start3A_26 = tpu.memref_slice %arg2[%dma_start3A_24, %dma_start3A_25] : memref<2x1600000xi32, #tpu.memory_space<hbm>> -> memref<2x512xi32, #tpu.memory_space<hbm>>
          %dma_start3A_27 = arith.constant 0 : i32
          %dma_start3A_28 = arith.constant 0 : i32
          %dma_start3A_29 = tpu.memref_slice %arg8[%dma_start3A_27, %dma_start3A_28] : memref<2x9088xi32, #tpu.memory_space<vmem>> -> memref<2x512xi32, #tpu.memory_space<vmem>>
          %dma_start3A_30 = arith.constant 0 : i32
          %dma_start3A_31 = arith.constant 1599488 : i32
          %dma_start3A_32 = tpu.memref_slice %arg2[%dma_start3A_30, %dma_start3A_31] : memref<2x1600000xi32, #tpu.memory_space<hbm>> -> memref<2x512xi32, #tpu.memory_space<hbm>>
          tpu.enqueue_dma source(%dma_start3A_32 : memref<2x512xi32, #tpu.memory_space<hbm>>) target(%dma_start3A_29 : memref<2x512xi32, #tpu.memory_space<vmem>>) target_semaphore(%run_scoped3A_21 : memref<!tpu.dma_semaphore, #tpu.memory_space<semaphore_mem>>)
          %dma_wait3A = arith.constant 0 : i32
          %dma_wait3A_33 = arith.constant 0 : i32
          %dma_wait3A_34 = tpu.memref_slice %arg8[%dma_wait3A, %dma_wait3A_33] : memref<2x9088xi32, #tpu.memory_space<vmem>> -> memref<2x512xi32, #tpu.memory_space<vmem>>
          %dma_wait3A_35 = arith.constant 0 : i32
          %dma_wait3A_36 = arith.constant 1599488 : i32
          %dma_wait3A_37 = tpu.memref_slice %arg2[%dma_wait3A_35, %dma_wait3A_36] : memref<2x1600000xi32, #tpu.memory_space<hbm>> -> memref<2x512xi32, #tpu.memory_space<hbm>>
          %dma_wait3A_38 = arith.constant 0 : i32
          %dma_wait3A_39 = arith.constant 0 : i32
          %dma_wait3A_40 = tpu.memref_slice %arg8[%dma_wait3A_38, %dma_wait3A_39] : memref<2x9088xi32, #tpu.memory_space<vmem>> -> memref<2x512xi32, #tpu.memory_space<vmem>>
          %dma_wait3A_41 = arith.constant 0 : i32
          %dma_wait3A_42 = arith.constant 1599488 : i32
          %dma_wait3A_43 = tpu.memref_slice %arg2[%dma_wait3A_41, %dma_wait3A_42] : memref<2x1600000xi32, #tpu.memory_space<hbm>> -> memref<2x512xi32, #tpu.memory_space<hbm>>
          tpu.wait_dma2 semaphore(%run_scoped3A_21 : memref<!tpu.dma_semaphore, #tpu.memory_space<semaphore_mem>>) src(%dma_wait3A_43 : memref<2x512xi32, #tpu.memory_space<hbm>>) dst(%dma_wait3A_40 : memref<2x512xi32, #tpu.memory_space<vmem>>)
          tpu.yield
        }) : () -> ()
        %run_scoped3A = arith.constant 0 : i32
        "tpu.region"() ({
          %run_scoped3A_21 = tpu.sem_alloc : memref<!tpu.dma_semaphore, #tpu.memory_space<semaphore_mem>>
          %dma_start3A = arith.constant 0 : i32
          %dma_start3A_22 = tpu.memref_slice %arg8[%run_scoped3A, %dma_start3A] : memref<2x9088xi32, #tpu.memory_space<vmem>> -> memref<1x512xi32, #tpu.memory_space<vmem>>
          %dma_start3A_23 = tpu.memref_squeeze %dma_start3A_22 : memref<1x512xi32, #tpu.memory_space<vmem>> -> memref<512xi32, #tpu.memory_space<vmem>>
          %dma_start3A_24 = arith.constant 1599488 : i32
          %dma_start3A_25 = tpu.memref_slice %arg4[%dma_start3A_24] : memref<1600000xi32, #tpu.memory_space<hbm>> -> memref<512xi32, #tpu.memory_space<hbm>>
          %dma_start3A_26 = arith.constant 1599488 : i32
          %dma_start3A_27 = tpu.memref_slice %arg4[%dma_start3A_26] : memref<1600000xi32, #tpu.memory_space<hbm>> -> memref<512xi32, #tpu.memory_space<hbm>>
          %dma_start3A_28 = arith.constant 0 : i32
          %dma_start3A_29 = tpu.memref_slice %arg8[%run_scoped3A, %dma_start3A_28] : memref<2x9088xi32, #tpu.memory_space<vmem>> -> memref<1x512xi32, #tpu.memory_space<vmem>>
          %dma_start3A_30 = tpu.memref_squeeze %dma_start3A_29 : memref<1x512xi32, #tpu.memory_space<vmem>> -> memref<512xi32, #tpu.memory_space<vmem>>
          tpu.enqueue_dma source(%dma_start3A_30 : memref<512xi32, #tpu.memory_space<vmem>>) target(%dma_start3A_27 : memref<512xi32, #tpu.memory_space<hbm>>) target_semaphore(%run_scoped3A_21 : memref<!tpu.dma_semaphore, #tpu.memory_space<semaphore_mem>>)
          %dma_wait3A = arith.constant 0 : i32
          %dma_wait3A_31 = tpu.memref_slice %arg8[%run_scoped3A, %dma_wait3A] : memref<2x9088xi32, #tpu.memory_space<vmem>> -> memref<1x512xi32, #tpu.memory_space<vmem>>
          %dma_wait3A_32 = tpu.memref_squeeze %dma_wait3A_31 : memref<1x512xi32, #tpu.memory_space<vmem>> -> memref<512xi32, #tpu.memory_space<vmem>>
          %dma_wait3A_33 = arith.constant 1599488 : i32
          %dma_wait3A_34 = tpu.memref_slice %arg4[%dma_wait3A_33] : memref<1600000xi32, #tpu.memory_space<hbm>> -> memref<512xi32, #tpu.memory_space<hbm>>
          %dma_wait3A_35 = arith.constant 1599488 : i32
          %dma_wait3A_36 = tpu.memref_slice %arg4[%dma_wait3A_35] : memref<1600000xi32, #tpu.memory_space<hbm>> -> memref<512xi32, #tpu.memory_space<hbm>>
          %dma_wait3A_37 = arith.constant 0 : i32
          %dma_wait3A_38 = tpu.memref_slice %arg8[%run_scoped3A, %dma_wait3A_37] : memref<2x9088xi32, #tpu.memory_space<vmem>> -> memref<1x512xi32, #tpu.memory_space<vmem>>
          %dma_wait3A_39 = tpu.memref_squeeze %dma_wait3A_38 : memref<1x512xi32, #tpu.memory_space<vmem>> -> memref<512xi32, #tpu.memory_space<vmem>>
          tpu.wait_dma2 semaphore(%run_scoped3A_21 : memref<!tpu.dma_semaphore, #tpu.memory_space<semaphore_mem>>) src(%dma_wait3A_39 : memref<512xi32, #tpu.memory_space<vmem>>) dst(%dma_wait3A_36 : memref<512xi32, #tpu.memory_space<hbm>>)
          tpu.yield
        }) : () -> ()
        %run_scoped3A_20 = arith.constant 1 : i32
        "tpu.region"() ({
          %run_scoped3A_21 = tpu.sem_alloc : memref<!tpu.dma_semaphore, #tpu.memory_space<semaphore_mem>>
          %dma_start3A = arith.constant 0 : i32
          %dma_start3A_22 = tpu.memref_slice %arg8[%run_scoped3A_20, %dma_start3A] : memref<2x9088xi32, #tpu.memory_space<vmem>> -> memref<1x512xi32, #tpu.memory_space<vmem>>
          %dma_start3A_23 = tpu.memref_squeeze %dma_start3A_22 : memref<1x512xi32, #tpu.memory_space<vmem>> -> memref<512xi32, #tpu.memory_space<vmem>>
          %dma_start3A_24 = arith.constant 1599488 : i32
          %dma_start3A_25 = tpu.memref_slice %arg5[%dma_start3A_24] : memref<1600000xi32, #tpu.memory_space<hbm>> -> memref<512xi32, #tpu.memory_space<hbm>>
          %dma_start3A_26 = arith.constant 1599488 : i32
          %dma_start3A_27 = tpu.memref_slice %arg5[%dma_start3A_26] : memref<1600000xi32, #tpu.memory_space<hbm>> -> memref<512xi32, #tpu.memory_space<hbm>>
          %dma_start3A_28 = arith.constant 0 : i32
          %dma_start3A_29 = tpu.memref_slice %arg8[%run_scoped3A_20, %dma_start3A_28] : memref<2x9088xi32, #tpu.memory_space<vmem>> -> memref<1x512xi32, #tpu.memory_space<vmem>>
          %dma_start3A_30 = tpu.memref_squeeze %dma_start3A_29 : memref<1x512xi32, #tpu.memory_space<vmem>> -> memref<512xi32, #tpu.memory_space<vmem>>
          tpu.enqueue_dma source(%dma_start3A_30 : memref<512xi32, #tpu.memory_space<vmem>>) target(%dma_start3A_27 : memref<512xi32, #tpu.memory_space<hbm>>) target_semaphore(%run_scoped3A_21 : memref<!tpu.dma_semaphore, #tpu.memory_space<semaphore_mem>>)
          %dma_wait3A = arith.constant 0 : i32
          %dma_wait3A_31 = tpu.memref_slice %arg8[%run_scoped3A_20, %dma_wait3A] : memref<2x9088xi32, #tpu.memory_space<vmem>> -> memref<1x512xi32, #tpu.memory_space<vmem>>
          %dma_wait3A_32 = tpu.memref_squeeze %dma_wait3A_31 : memref<1x512xi32, #tpu.memory_space<vmem>> -> memref<512xi32, #tpu.memory_space<vmem>>
          %dma_wait3A_33 = arith.constant 1599488 : i32
          %dma_wait3A_34 = tpu.memref_slice %arg5[%dma_wait3A_33] : memref<1600000xi32, #tpu.memory_space<hbm>> -> memref<512xi32, #tpu.memory_space<hbm>>
          %dma_wait3A_35 = arith.constant 1599488 : i32
          %dma_wait3A_36 = tpu.memref_slice %arg5[%dma_wait3A_35] : memref<1600000xi32, #tpu.memory_space<hbm>> -> memref<512xi32, #tpu.memory_space<hbm>>
          %dma_wait3A_37 = arith.constant 0 : i32
          %dma_wait3A_38 = tpu.memref_slice %arg8[%run_scoped3A_20, %dma_wait3A_37] : memref<2x9088xi32, #tpu.memory_space<vmem>> -> memref<1x512xi32, #tpu.memory_space<vmem>>
          %dma_wait3A_39 = tpu.memref_squeeze %dma_wait3A_38 : memref<1x512xi32, #tpu.memory_space<vmem>> -> memref<512xi32, #tpu.memory_space<vmem>>
          tpu.wait_dma2 semaphore(%run_scoped3A_21 : memref<!tpu.dma_semaphore, #tpu.memory_space<semaphore_mem>>) src(%dma_wait3A_39 : memref<512xi32, #tpu.memory_space<vmem>>) dst(%dma_wait3A_36 : memref<512xi32, #tpu.memory_space<hbm>>)
          tpu.yield
        }) : () -> ()
      } else {
      }
    } else {
    }
    %eq3A_2 = arith.constant 1 : i32
    %eq3A_3 = arith.cmpi eq, %arg0, %eq3A_2 : i32
    %convert_element_type3A_4 = arith.extui %eq3A_3 : i1 to i32
    %cond3A_5 = arith.constant 0 : i32
    %cond3A_6 = arith.cmpi ne, %convert_element_type3A_4, %cond3A_5 : i32
    scf.if %cond3A_6 {
      %mul3A = arith.constant 11 : i32
      %mul3A_7 = arith.muli %arg1, %mul3A : i32
      %mul3A_8 = arith.constant 9088 : i32
      %mul3A_9 = arith.muli %mul3A_7, %mul3A_8 : i32
      %scan3A = arith.constant 0 : i32
      %scan3A_10 = arith.constant 0 : i32
      %scan3A_11 = arith.constant 11 : i32
      %scan3A_12 = arith.addi %scan3A_10, %scan3A_11 : i32
      %scan3A_13 = arith.constant 1 : i32
      scf.for %scan3A_20 = %scan3A_10 to %scan3A_12 step %scan3A_13  : i32 {
        %mul3A_21 = arith.constant 9088 : i32
        %mul3A_22 = arith.muli %scan3A_20, %mul3A_21 : i32
        %add3A = arith.addi %mul3A_9, %mul3A_22 : i32
        %multiple_of3A = tpu.assume_multiple %add3A, 128 : i32
        "tpu.region"() ({
          %run_scoped3A_24 = tpu.sem_alloc : memref<!tpu.dma_semaphore, #tpu.memory_space<semaphore_mem>>
          %dma_start3A = arith.constant 0 : i32
          %dma_start3A_25 = tpu.memref_slice %arg3[%dma_start3A, %multiple_of3A] : memref<2x1600000xi32, #tpu.memory_space<hbm>> -> memref<2x9088xi32, #tpu.memory_space<hbm>>
          %dma_start3A_26 = arith.constant 0 : i32
          %dma_start3A_27 = tpu.memref_slice %arg3[%dma_start3A_26, %multiple_of3A] : memref<2x1600000xi32, #tpu.memory_space<hbm>> -> memref<2x9088xi32, #tpu.memory_space<hbm>>
          tpu.enqueue_dma source(%dma_start3A_27 : memref<2x9088xi32, #tpu.memory_space<hbm>>) target(%arg8 : memref<2x9088xi32, #tpu.memory_space<vmem>>) target_semaphore(%run_scoped3A_24 : memref<!tpu.dma_semaphore, #tpu.memory_space<semaphore_mem>>)
          %dma_wait3A = arith.constant 0 : i32
          %dma_wait3A_28 = tpu.memref_slice %arg3[%dma_wait3A, %multiple_of3A] : memref<2x1600000xi32, #tpu.memory_space<hbm>> -> memref<2x9088xi32, #tpu.memory_space<hbm>>
          %dma_wait3A_29 = arith.constant 0 : i32
          %dma_wait3A_30 = tpu.memref_slice %arg3[%dma_wait3A_29, %multiple_of3A] : memref<2x1600000xi32, #tpu.memory_space<hbm>> -> memref<2x9088xi32, #tpu.memory_space<hbm>>
          tpu.wait_dma2 semaphore(%run_scoped3A_24 : memref<!tpu.dma_semaphore, #tpu.memory_space<semaphore_mem>>) src(%dma_wait3A_30 : memref<2x9088xi32, #tpu.memory_space<hbm>>) dst(%arg8 : memref<2x9088xi32, #tpu.memory_space<vmem>>)
          tpu.yield
        }) : () -> ()
        %run_scoped3A = arith.constant 0 : i32
        "tpu.region"() ({
          %run_scoped3A_24 = tpu.sem_alloc : memref<!tpu.dma_semaphore, #tpu.memory_space<semaphore_mem>>
          %dma_start3A = arith.constant 0 : i32
          %dma_start3A_25 = tpu.memref_slice %arg8[%run_scoped3A, %dma_start3A] : memref<2x9088xi32, #tpu.memory_space<vmem>> -> memref<1x9088xi32, #tpu.memory_space<vmem>>
          %dma_start3A_26 = tpu.memref_squeeze %dma_start3A_25 : memref<1x9088xi32, #tpu.memory_space<vmem>> -> memref<9088xi32, #tpu.memory_space<vmem>>
          %dma_start3A_27 = tpu.memref_slice %arg6[%multiple_of3A] : memref<1600000xi32, #tpu.memory_space<hbm>> -> memref<9088xi32, #tpu.memory_space<hbm>>
          %dma_start3A_28 = tpu.memref_slice %arg6[%multiple_of3A] : memref<1600000xi32, #tpu.memory_space<hbm>> -> memref<9088xi32, #tpu.memory_space<hbm>>
          %dma_start3A_29 = arith.constant 0 : i32
          %dma_start3A_30 = tpu.memref_slice %arg8[%run_scoped3A, %dma_start3A_29] : memref<2x9088xi32, #tpu.memory_space<vmem>> -> memref<1x9088xi32, #tpu.memory_space<vmem>>
          %dma_start3A_31 = tpu.memref_squeeze %dma_start3A_30 : memref<1x9088xi32, #tpu.memory_space<vmem>> -> memref<9088xi32, #tpu.memory_space<vmem>>
          tpu.enqueue_dma source(%dma_start3A_31 : memref<9088xi32, #tpu.memory_space<vmem>>) target(%dma_start3A_28 : memref<9088xi32, #tpu.memory_space<hbm>>) target_semaphore(%run_scoped3A_24 : memref<!tpu.dma_semaphore, #tpu.memory_space<semaphore_mem>>)
          %dma_wait3A = arith.constant 0 : i32
          %dma_wait3A_32 = tpu.memref_slice %arg8[%run_scoped3A, %dma_wait3A] : memref<2x9088xi32, #tpu.memory_space<vmem>> -> memref<1x9088xi32, #tpu.memory_space<vmem>>
          %dma_wait3A_33 = tpu.memref_squeeze %dma_wait3A_32 : memref<1x9088xi32, #tpu.memory_space<vmem>> -> memref<9088xi32, #tpu.memory_space<vmem>>
          %dma_wait3A_34 = tpu.memref_slice %arg6[%multiple_of3A] : memref<1600000xi32, #tpu.memory_space<hbm>> -> memref<9088xi32, #tpu.memory_space<hbm>>
          %dma_wait3A_35 = tpu.memref_slice %arg6[%multiple_of3A] : memref<1600000xi32, #tpu.memory_space<hbm>> -> memref<9088xi32, #tpu.memory_space<hbm>>
          %dma_wait3A_36 = arith.constant 0 : i32
          %dma_wait3A_37 = tpu.memref_slice %arg8[%run_scoped3A, %dma_wait3A_36] : memref<2x9088xi32, #tpu.memory_space<vmem>> -> memref<1x9088xi32, #tpu.memory_space<vmem>>
          %dma_wait3A_38 = tpu.memref_squeeze %dma_wait3A_37 : memref<1x9088xi32, #tpu.memory_space<vmem>> -> memref<9088xi32, #tpu.memory_space<vmem>>
          tpu.wait_dma2 semaphore(%run_scoped3A_24 : memref<!tpu.dma_semaphore, #tpu.memory_space<semaphore_mem>>) src(%dma_wait3A_38 : memref<9088xi32, #tpu.memory_space<vmem>>) dst(%dma_wait3A_35 : memref<9088xi32, #tpu.memory_space<hbm>>)
          tpu.yield
        }) : () -> ()
        %run_scoped3A_23 = arith.constant 1 : i32
        "tpu.region"() ({
          %run_scoped3A_24 = tpu.sem_alloc : memref<!tpu.dma_semaphore, #tpu.memory_space<semaphore_mem>>
          %dma_start3A = arith.constant 0 : i32
          %dma_start3A_25 = tpu.memref_slice %arg8[%run_scoped3A_23, %dma_start3A] : memref<2x9088xi32, #tpu.memory_space<vmem>> -> memref<1x9088xi32, #tpu.memory_space<vmem>>
          %dma_start3A_26 = tpu.memref_squeeze %dma_start3A_25 : memref<1x9088xi32, #tpu.memory_space<vmem>> -> memref<9088xi32, #tpu.memory_space<vmem>>
          %dma_start3A_27 = tpu.memref_slice %arg7[%multiple_of3A] : memref<1600000xi32, #tpu.memory_space<hbm>> -> memref<9088xi32, #tpu.memory_space<hbm>>
          %dma_start3A_28 = tpu.memref_slice %arg7[%multiple_of3A] : memref<1600000xi32, #tpu.memory_space<hbm>> -> memref<9088xi32, #tpu.memory_space<hbm>>
          %dma_start3A_29 = arith.constant 0 : i32
          %dma_start3A_30 = tpu.memref_slice %arg8[%run_scoped3A_23, %dma_start3A_29] : memref<2x9088xi32, #tpu.memory_space<vmem>> -> memref<1x9088xi32, #tpu.memory_space<vmem>>
          %dma_start3A_31 = tpu.memref_squeeze %dma_start3A_30 : memref<1x9088xi32, #tpu.memory_space<vmem>> -> memref<9088xi32, #tpu.memory_space<vmem>>
          tpu.enqueue_dma source(%dma_start3A_31 : memref<9088xi32, #tpu.memory_space<vmem>>) target(%dma_start3A_28 : memref<9088xi32, #tpu.memory_space<hbm>>) target_semaphore(%run_scoped3A_24 : memref<!tpu.dma_semaphore, #tpu.memory_space<semaphore_mem>>)
          %dma_wait3A = arith.constant 0 : i32
          %dma_wait3A_32 = tpu.memref_slice %arg8[%run_scoped3A_23, %dma_wait3A] : memref<2x9088xi32, #tpu.memory_space<vmem>> -> memref<1x9088xi32, #tpu.memory_space<vmem>>
          %dma_wait3A_33 = tpu.memref_squeeze %dma_wait3A_32 : memref<1x9088xi32, #tpu.memory_space<vmem>> -> memref<9088xi32, #tpu.memory_space<vmem>>
          %dma_wait3A_34 = tpu.memref_slice %arg7[%multiple_of3A] : memref<1600000xi32, #tpu.memory_space<hbm>> -> memref<9088xi32, #tpu.memory_space<hbm>>
          %dma_wait3A_35 = tpu.memref_slice %arg7[%multiple_of3A] : memref<1600000xi32, #tpu.memory_space<hbm>> -> memref<9088xi32, #tpu.memory_space<hbm>>
          %dma_wait3A_36 = arith.constant 0 : i32
          %dma_wait3A_37 = tpu.memref_slice %arg8[%run_scoped3A_23, %dma_wait3A_36] : memref<2x9088xi32, #tpu.memory_space<vmem>> -> memref<1x9088xi32, #tpu.memory_space<vmem>>
          %dma_wait3A_38 = tpu.memref_squeeze %dma_wait3A_37 : memref<1x9088xi32, #tpu.memory_space<vmem>> -> memref<9088xi32, #tpu.memory_space<vmem>>
          tpu.wait_dma2 semaphore(%run_scoped3A_24 : memref<!tpu.dma_semaphore, #tpu.memory_space<semaphore_mem>>) src(%dma_wait3A_38 : memref<9088xi32, #tpu.memory_space<vmem>>) dst(%dma_wait3A_35 : memref<9088xi32, #tpu.memory_space<hbm>>)
          tpu.yield
        }) : () -> ()
      }
      %scan3A_14 = arith.constant 11 : i32
      %eq3A_15 = arith.constant 0 : i32
      %eq3A_16 = arith.cmpi eq, %arg1, %eq3A_15 : i32
      %convert_element_type3A_17 = arith.extui %eq3A_16 : i1 to i32
      %cond3A_18 = arith.constant 0 : i32
      %cond3A_19 = arith.cmpi ne, %convert_element_type3A_17, %cond3A_18 : i32
      scf.if %cond3A_19 {
        "tpu.region"() ({
          %run_scoped3A_21 = tpu.sem_alloc : memref<!tpu.dma_semaphore, #tpu.memory_space<semaphore_mem>>
          %dma_start3A = arith.constant 0 : i32
          %dma_start3A_22 = arith.constant 0 : i32
          %dma_start3A_23 = tpu.memref_slice %arg8[%dma_start3A, %dma_start3A_22] : memref<2x9088xi32, #tpu.memory_space<vmem>> -> memref<2x512xi32, #tpu.memory_space<vmem>>
          %dma_start3A_24 = arith.constant 0 : i32
          %dma_start3A_25 = arith.constant 1599488 : i32
          %dma_start3A_26 = tpu.memref_slice %arg3[%dma_start3A_24, %dma_start3A_25] : memref<2x1600000xi32, #tpu.memory_space<hbm>> -> memref<2x512xi32, #tpu.memory_space<hbm>>
          %dma_start3A_27 = arith.constant 0 : i32
          %dma_start3A_28 = arith.constant 0 : i32
          %dma_start3A_29 = tpu.memref_slice %arg8[%dma_start3A_27, %dma_start3A_28] : memref<2x9088xi32, #tpu.memory_space<vmem>> -> memref<2x512xi32, #tpu.memory_space<vmem>>
          %dma_start3A_30 = arith.constant 0 : i32
          %dma_start3A_31 = arith.constant 1599488 : i32
          %dma_start3A_32 = tpu.memref_slice %arg3[%dma_start3A_30, %dma_start3A_31] : memref<2x1600000xi32, #tpu.memory_space<hbm>> -> memref<2x512xi32, #tpu.memory_space<hbm>>
          tpu.enqueue_dma source(%dma_start3A_32 : memref<2x512xi32, #tpu.memory_space<hbm>>) target(%dma_start3A_29 : memref<2x512xi32, #tpu.memory_space<vmem>>) target_semaphore(%run_scoped3A_21 : memref<!tpu.dma_semaphore, #tpu.memory_space<semaphore_mem>>)
          %dma_wait3A = arith.constant 0 : i32
          %dma_wait3A_33 = arith.constant 0 : i32
          %dma_wait3A_34 = tpu.memref_slice %arg8[%dma_wait3A, %dma_wait3A_33] : memref<2x9088xi32, #tpu.memory_space<vmem>> -> memref<2x512xi32, #tpu.memory_space<vmem>>
          %dma_wait3A_35 = arith.constant 0 : i32
          %dma_wait3A_36 = arith.constant 1599488 : i32
          %dma_wait3A_37 = tpu.memref_slice %arg3[%dma_wait3A_35, %dma_wait3A_36] : memref<2x1600000xi32, #tpu.memory_space<hbm>> -> memref<2x512xi32, #tpu.memory_space<hbm>>
          %dma_wait3A_38 = arith.constant 0 : i32
          %dma_wait3A_39 = arith.constant 0 : i32
          %dma_wait3A_40 = tpu.memref_slice %arg8[%dma_wait3A_38, %dma_wait3A_39] : memref<2x9088xi32, #tpu.memory_space<vmem>> -> memref<2x512xi32, #tpu.memory_space<vmem>>
          %dma_wait3A_41 = arith.constant 0 : i32
          %dma_wait3A_42 = arith.constant 1599488 : i32
          %dma_wait3A_43 = tpu.memref_slice %arg3[%dma_wait3A_41, %dma_wait3A_42] : memref<2x1600000xi32, #tpu.memory_space<hbm>> -> memref<2x512xi32, #tpu.memory_space<hbm>>
          tpu.wait_dma2 semaphore(%run_scoped3A_21 : memref<!tpu.dma_semaphore, #tpu.memory_space<semaphore_mem>>) src(%dma_wait3A_43 : memref<2x512xi32, #tpu.memory_space<hbm>>) dst(%dma_wait3A_40 : memref<2x512xi32, #tpu.memory_space<vmem>>)
          tpu.yield
        }) : () -> ()
        %run_scoped3A = arith.constant 0 : i32
        "tpu.region"() ({
          %run_scoped3A_21 = tpu.sem_alloc : memref<!tpu.dma_semaphore, #tpu.memory_space<semaphore_mem>>
          %dma_start3A = arith.constant 0 : i32
          %dma_start3A_22 = tpu.memref_slice %arg8[%run_scoped3A, %dma_start3A] : memref<2x9088xi32, #tpu.memory_space<vmem>> -> memref<1x512xi32, #tpu.memory_space<vmem>>
          %dma_start3A_23 = tpu.memref_squeeze %dma_start3A_22 : memref<1x512xi32, #tpu.memory_space<vmem>> -> memref<512xi32, #tpu.memory_space<vmem>>
          %dma_start3A_24 = arith.constant 1599488 : i32
          %dma_start3A_25 = tpu.memref_slice %arg6[%dma_start3A_24] : memref<1600000xi32, #tpu.memory_space<hbm>> -> memref<512xi32, #tpu.memory_space<hbm>>
          %dma_start3A_26 = arith.constant 1599488 : i32
          %dma_start3A_27 = tpu.memref_slice %arg6[%dma_start3A_26] : memref<1600000xi32, #tpu.memory_space<hbm>> -> memref<512xi32, #tpu.memory_space<hbm>>
          %dma_start3A_28 = arith.constant 0 : i32
          %dma_start3A_29 = tpu.memref_slice %arg8[%run_scoped3A, %dma_start3A_28] : memref<2x9088xi32, #tpu.memory_space<vmem>> -> memref<1x512xi32, #tpu.memory_space<vmem>>
          %dma_start3A_30 = tpu.memref_squeeze %dma_start3A_29 : memref<1x512xi32, #tpu.memory_space<vmem>> -> memref<512xi32, #tpu.memory_space<vmem>>
          tpu.enqueue_dma source(%dma_start3A_30 : memref<512xi32, #tpu.memory_space<vmem>>) target(%dma_start3A_27 : memref<512xi32, #tpu.memory_space<hbm>>) target_semaphore(%run_scoped3A_21 : memref<!tpu.dma_semaphore, #tpu.memory_space<semaphore_mem>>)
          %dma_wait3A = arith.constant 0 : i32
          %dma_wait3A_31 = tpu.memref_slice %arg8[%run_scoped3A, %dma_wait3A] : memref<2x9088xi32, #tpu.memory_space<vmem>> -> memref<1x512xi32, #tpu.memory_space<vmem>>
          %dma_wait3A_32 = tpu.memref_squeeze %dma_wait3A_31 : memref<1x512xi32, #tpu.memory_space<vmem>> -> memref<512xi32, #tpu.memory_space<vmem>>
          %dma_wait3A_33 = arith.constant 1599488 : i32
          %dma_wait3A_34 = tpu.memref_slice %arg6[%dma_wait3A_33] : memref<1600000xi32, #tpu.memory_space<hbm>> -> memref<512xi32, #tpu.memory_space<hbm>>
          %dma_wait3A_35 = arith.constant 1599488 : i32
          %dma_wait3A_36 = tpu.memref_slice %arg6[%dma_wait3A_35] : memref<1600000xi32, #tpu.memory_space<hbm>> -> memref<512xi32, #tpu.memory_space<hbm>>
          %dma_wait3A_37 = arith.constant 0 : i32
          %dma_wait3A_38 = tpu.memref_slice %arg8[%run_scoped3A, %dma_wait3A_37] : memref<2x9088xi32, #tpu.memory_space<vmem>> -> memref<1x512xi32, #tpu.memory_space<vmem>>
          %dma_wait3A_39 = tpu.memref_squeeze %dma_wait3A_38 : memref<1x512xi32, #tpu.memory_space<vmem>> -> memref<512xi32, #tpu.memory_space<vmem>>
          tpu.wait_dma2 semaphore(%run_scoped3A_21 : memref<!tpu.dma_semaphore, #tpu.memory_space<semaphore_mem>>) src(%dma_wait3A_39 : memref<512xi32, #tpu.memory_space<vmem>>) dst(%dma_wait3A_36 : memref<512xi32, #tpu.memory_space<hbm>>)
          tpu.yield
        }) : () -> ()
        %run_scoped3A_20 = arith.constant 1 : i32
        "tpu.region"() ({
          %run_scoped3A_21 = tpu.sem_alloc : memref<!tpu.dma_semaphore, #tpu.memory_space<semaphore_mem>>
          %dma_start3A = arith.constant 0 : i32
          %dma_start3A_22 = tpu.memref_slice %arg8[%run_scoped3A_20, %dma_start3A] : memref<2x9088xi32, #tpu.memory_space<vmem>> -> memref<1x512xi32, #tpu.memory_space<vmem>>
          %dma_start3A_23 = tpu.memref_squeeze %dma_start3A_22 : memref<1x512xi32, #tpu.memory_space<vmem>> -> memref<512xi32, #tpu.memory_space<vmem>>
          %dma_start3A_24 = arith.constant 1599488 : i32
          %dma_start3A_25 = tpu.memref_slice %arg7[%dma_start3A_24] : memref<1600000xi32, #tpu.memory_space<hbm>> -> memref<512xi32, #tpu.memory_space<hbm>>
          %dma_start3A_26 = arith.constant 1599488 : i32
          %dma_start3A_27 = tpu.memref_slice %arg7[%dma_start3A_26] : memref<1600000xi32, #tpu.memory_space<hbm>> -> memref<512xi32, #tpu.memory_space<hbm>>
          %dma_start3A_28 = arith.constant 0 : i32
          %dma_start3A_29 = tpu.memref_slice %arg8[%run_scoped3A_20, %dma_start3A_28] : memref<2x9088xi32, #tpu.memory_space<vmem>> -> memref<1x512xi32, #tpu.memory_space<vmem>>
          %dma_start3A_30 = tpu.memref_squeeze %dma_start3A_29 : memref<1x512xi32, #tpu.memory_space<vmem>> -> memref<512xi32, #tpu.memory_space<vmem>>
          tpu.enqueue_dma source(%dma_start3A_30 : memref<512xi32, #tpu.memory_space<vmem>>) target(%dma_start3A_27 : memref<512xi32, #tpu.memory_space<hbm>>) target_semaphore(%run_scoped3A_21 : memref<!tpu.dma_semaphore, #tpu.memory_space<semaphore_mem>>)
          %dma_wait3A = arith.constant 0 : i32
          %dma_wait3A_31 = tpu.memref_slice %arg8[%run_scoped3A_20, %dma_wait3A] : memref<2x9088xi32, #tpu.memory_space<vmem>> -> memref<1x512xi32, #tpu.memory_space<vmem>>
          %dma_wait3A_32 = tpu.memref_squeeze %dma_wait3A_31 : memref<1x512xi32, #tpu.memory_space<vmem>> -> memref<512xi32, #tpu.memory_space<vmem>>
          %dma_wait3A_33 = arith.constant 1599488 : i32
          %dma_wait3A_34 = tpu.memref_slice %arg7[%dma_wait3A_33] : memref<1600000xi32, #tpu.memory_space<hbm>> -> memref<512xi32, #tpu.memory_space<hbm>>
          %dma_wait3A_35 = arith.constant 1599488 : i32
          %dma_wait3A_36 = tpu.memref_slice %arg7[%dma_wait3A_35] : memref<1600000xi32, #tpu.memory_space<hbm>> -> memref<512xi32, #tpu.memory_space<hbm>>
          %dma_wait3A_37 = arith.constant 0 : i32
          %dma_wait3A_38 = tpu.memref_slice %arg8[%run_scoped3A_20, %dma_wait3A_37] : memref<2x9088xi32, #tpu.memory_space<vmem>> -> memref<1x512xi32, #tpu.memory_space<vmem>>
          %dma_wait3A_39 = tpu.memref_squeeze %dma_wait3A_38 : memref<1x512xi32, #tpu.memory_space<vmem>> -> memref<512xi32, #tpu.memory_space<vmem>>
          tpu.wait_dma2 semaphore(%run_scoped3A_21 : memref<!tpu.dma_semaphore, #tpu.memory_space<semaphore_mem>>) src(%dma_wait3A_39 : memref<512xi32, #tpu.memory_space<vmem>>) dst(%dma_wait3A_36 : memref<512xi32, #tpu.memory_space<hbm>>)
          tpu.yield
        }) : () -> ()
      } else {
      }
    } else {
    }
    return
  }
}

module attributes {stable_mosaic.version = 14 : i64} {
  func.func @_mm_relu_body(%arg0: i32, %arg1: memref<3128x128xf32, #tpu.memory_space<vmem>>, %arg2: memref<3128x128xf32, #tpu.memory_space<vmem>>, %arg3: memref<128x128xf32, #tpu.memory_space<vmem>>, %arg4: memref<1x128xf32, #tpu.memory_space<vmem>>, %arg5: memref<128x128xf32, #tpu.memory_space<vmem>>, %arg6: memref<1x128xf32, #tpu.memory_space<vmem>>, %arg7: memref<3128x128xf32, #tpu.memory_space<vmem>>, %arg8: memref<3128x128xf32, #tpu.memory_space<vmem>>) attributes {dimension_semantics = [#tpu.dimension_semantics<arbitrary>], iteration_bounds = array<i64: 4>, scalar_prefetch = 0 : i64, scratch_operands = 0 : i64, tpu.core_type = #tpu.core_type<tc>, window_params = [{transform_indices = @transform_0, window_bounds = array<i64: 3128, 128>}, {transform_indices = @transform_1, window_bounds = array<i64: 3128, 128>}, {pipeline_mode = #tpu.pipeline_mode<synchronous>, transform_indices = @transform_2, window_bounds = array<i64: 128, 128>}, {pipeline_mode = #tpu.pipeline_mode<synchronous>, transform_indices = @transform_3, window_bounds = array<i64: 1, 128>}, {pipeline_mode = #tpu.pipeline_mode<synchronous>, transform_indices = @transform_4, window_bounds = array<i64: 128, 128>}, {pipeline_mode = #tpu.pipeline_mode<synchronous>, transform_indices = @transform_5, window_bounds = array<i64: 1, 128>}, {transform_indices = @transform_6, window_bounds = array<i64: 3128, 128>}, {transform_indices = @transform_7, window_bounds = array<i64: 3128, 128>}]} {
    %get3A = arith.constant 0 : index
    %get3A_0 = arith.constant 0 : index
    %get3A_1 = vector.load %arg1[%get3A, %get3A_0] : memref<3128x128xf32, #tpu.memory_space<vmem>>, vector<3128x128xf32>
    %get3A_2 = arith.constant 0 : index
    %get3A_3 = arith.constant 0 : index
    %get3A_4 = vector.load %arg3[%get3A_2, %get3A_3] : memref<128x128xf32, #tpu.memory_space<vmem>>, vector<128x128xf32>
    %dot_general3A = arith.constant dense<0.000000e+00> : vector<3128x128xf32>
    %dot_general3A_5 = tpu.matmul %get3A_1, %get3A_4, %dot_general3A {dimension_numbers = #tpu.dot_dimension_numbers<[1], [0], [0], [1], [0, 0, 1, 1], [], []>, precision = #tpu.contract_precision<fp32>, transpose_lhs_hint = false} : vector<3128x128xf32>, vector<128x128xf32>, vector<3128x128xf32> -> vector<3128x128xf32>
    %get3A_6 = arith.constant 0 : index
    %get3A_7 = arith.constant 0 : index
    %get3A_8 = vector.load %arg4[%get3A_6, %get3A_7] : memref<1x128xf32, #tpu.memory_space<vmem>>, vector<1x128xf32>
    %add3A = vector.broadcast %get3A_8 : vector<1x128xf32> to vector<3128x128xf32>
    %add3A_9 = arith.addf %dot_general3A_5, %add3A : vector<3128x128xf32>
    %max3A = arith.constant 0.000000e+00 : f32
    %max3A_10 = vector.broadcast %max3A : f32 to vector<3128x128xf32>
    %max3A_11 = arith.maximumf %add3A_9, %max3A_10 : vector<3128x128xf32>
    %swap3A = arith.constant 0 : index
    %swap3A_12 = arith.constant 0 : index
    %swap3A_13 = vector.load %arg7[%swap3A, %swap3A_12] : memref<3128x128xf32, #tpu.memory_space<vmem>>, vector<3128x128xf32>
    tpu.vector_store %arg7[%swap3A, %swap3A_12], %max3A_11 {strides = array<i32>} : memref<3128x128xf32, #tpu.memory_space<vmem>>, vector<3128x128xf32>,
    %get3A_14 = arith.constant 0 : index
    %get3A_15 = arith.constant 0 : index
    %get3A_16 = vector.load %arg2[%get3A_14, %get3A_15] : memref<3128x128xf32, #tpu.memory_space<vmem>>, vector<3128x128xf32>
    %get3A_17 = arith.constant 0 : index
    %get3A_18 = arith.constant 0 : index
    %get3A_19 = vector.load %arg5[%get3A_17, %get3A_18] : memref<128x128xf32, #tpu.memory_space<vmem>>, vector<128x128xf32>
    %dot_general3A_20 = arith.constant dense<0.000000e+00> : vector<3128x128xf32>
    %dot_general3A_21 = tpu.matmul %get3A_16, %get3A_19, %dot_general3A_20 {dimension_numbers = #tpu.dot_dimension_numbers<[1], [0], [0], [1], [0, 0, 1, 1], [], []>, precision = #tpu.contract_precision<fp32>, transpose_lhs_hint = false} : vector<3128x128xf32>, vector<128x128xf32>, vector<3128x128xf32> -> vector<3128x128xf32>
    %get3A_22 = arith.constant 0 : index
    %get3A_23 = arith.constant 0 : index
    %get3A_24 = vector.load %arg6[%get3A_22, %get3A_23] : memref<1x128xf32, #tpu.memory_space<vmem>>, vector<1x128xf32>
    %add3A_25 = vector.broadcast %get3A_24 : vector<1x128xf32> to vector<3128x128xf32>
    %add3A_26 = arith.addf %dot_general3A_21, %add3A_25 : vector<3128x128xf32>
    %max3A_27 = arith.constant 0.000000e+00 : f32
    %max3A_28 = vector.broadcast %max3A_27 : f32 to vector<3128x128xf32>
    %max3A_29 = arith.maximumf %add3A_26, %max3A_28 : vector<3128x128xf32>
    %swap3A_30 = arith.constant 0 : index
    %swap3A_31 = arith.constant 0 : index
    %swap3A_32 = vector.load %arg8[%swap3A_30, %swap3A_31] : memref<3128x128xf32, #tpu.memory_space<vmem>>, vector<3128x128xf32>
    tpu.vector_store %arg8[%swap3A_30, %swap3A_31], %max3A_29 {strides = array<i32>} : memref<3128x128xf32, #tpu.memory_space<vmem>>, vector<3128x128xf32>,
    return
  }
  func.func @transform_0(%arg0: i32) -> (i32, i32) {
    %c0_i32 = arith.constant 0 : i32
    %c0_i32_0 = arith.constant 0 : i32
    return %arg0, %c0_i32 : i32, i32
  }
  func.func @transform_1(%arg0: i32) -> (i32, i32) {
    %c0_i32 = arith.constant 0 : i32
    %c0_i32_0 = arith.constant 0 : i32
    return %arg0, %c0_i32 : i32, i32
  }
  func.func @transform_2(%arg0: i32) -> (i32, i32) {
    %c0_i32 = arith.constant 0 : i32
    %c0_i32_0 = arith.constant 0 : i32
    %c0_i32_1 = arith.constant 0 : i32
    return %c0_i32, %c0_i32_0 : i32, i32
  }
  func.func @transform_3(%arg0: i32) -> (i32, i32) {
    %c0_i32 = arith.constant 0 : i32
    %c0_i32_0 = arith.constant 0 : i32
    %c0_i32_1 = arith.constant 0 : i32
    return %c0_i32, %c0_i32_0 : i32, i32
  }
  func.func @transform_4(%arg0: i32) -> (i32, i32) {
    %c0_i32 = arith.constant 0 : i32
    %c0_i32_0 = arith.constant 0 : i32
    %c0_i32_1 = arith.constant 0 : i32
    return %c0_i32, %c0_i32_0 : i32, i32
  }
  func.func @transform_5(%arg0: i32) -> (i32, i32) {
    %c0_i32 = arith.constant 0 : i32
    %c0_i32_0 = arith.constant 0 : i32
    %c0_i32_1 = arith.constant 0 : i32
    return %c0_i32, %c0_i32_0 : i32, i32
  }
  func.func @transform_6(%arg0: i32) -> (i32, i32) {
    %c0_i32 = arith.constant 0 : i32
    %c0_i32_0 = arith.constant 0 : i32
    return %arg0, %c0_i32 : i32, i32
  }
  func.func @transform_7(%arg0: i32) -> (i32, i32) {
    %c0_i32 = arith.constant 0 : i32
    %c0_i32_0 = arith.constant 0 : i32
    return %arg0, %c0_i32 : i32, i32
  }
}

module attributes {stable_mosaic.version = 14 : i64} {
  func.func @_final_body(%arg0: i32, %arg1: memref<3128x128xf32, #tpu.memory_space<vmem>>, %arg2: memref<3128x128xf32, #tpu.memory_space<vmem>>, %arg3: memref<128x256xf32, #tpu.memory_space<vmem>>, %arg4: memref<1x256xf32, #tpu.memory_space<vmem>>, %arg5: memref<128x256xf32, #tpu.memory_space<vmem>>, %arg6: memref<1x256xf32, #tpu.memory_space<vmem>>, %arg7: memref<256x24xf32, #tpu.memory_space<vmem>>, %arg8: memref<256x24xf32, #tpu.memory_space<vmem>>, %arg9: memref<256x24xf32, #tpu.memory_space<vmem>>, %arg10: memref<256x24xf32, #tpu.memory_space<vmem>>, %arg11: memref<1x1xf32, #tpu.memory_space<vmem>>, %arg12: memref<1x1xf32, #tpu.memory_space<vmem>>, %arg13: memref<8x128xf32, #tpu.memory_space<vmem>>) attributes {dimension_semantics = [#tpu.dimension_semantics<arbitrary>], iteration_bounds = array<i64: 4>, scalar_prefetch = 0 : i64, scratch_operands = 1 : i64, tpu.core_type = #tpu.core_type<tc>, window_params = [{transform_indices = @transform_0, window_bounds = array<i64: 3128, 128>}, {transform_indices = @transform_1, window_bounds = array<i64: 3128, 128>}, {pipeline_mode = #tpu.pipeline_mode<synchronous>, transform_indices = @transform_2, window_bounds = array<i64: 128, 256>}, {pipeline_mode = #tpu.pipeline_mode<synchronous>, transform_indices = @transform_3, window_bounds = array<i64: 1, 256>}, {pipeline_mode = #tpu.pipeline_mode<synchronous>, transform_indices = @transform_4, window_bounds = array<i64: 128, 256>}, {pipeline_mode = #tpu.pipeline_mode<synchronous>, transform_indices = @transform_5, window_bounds = array<i64: 1, 256>}, {pipeline_mode = #tpu.pipeline_mode<synchronous>, transform_indices = @transform_6, window_bounds = array<i64: 256, 24>}, {pipeline_mode = #tpu.pipeline_mode<synchronous>, transform_indices = @transform_7, window_bounds = array<i64: 256, 24>}, {pipeline_mode = #tpu.pipeline_mode<synchronous>, transform_indices = @transform_8, window_bounds = array<i64: 256, 24>}, {pipeline_mode = #tpu.pipeline_mode<synchronous>, transform_indices = @transform_9, window_bounds = array<i64: 256, 24>}, {pipeline_mode = #tpu.pipeline_mode<synchronous>, transform_indices = @transform_10, window_bounds = array<i64: 1, 1>}, {pipeline_mode = #tpu.pipeline_mode<synchronous>, transform_indices = @transform_11, window_bounds = array<i64: 1, 1>}]} {
    %eq3A = arith.constant 0 : i32
    %eq3A_0 = arith.cmpi eq, %arg0, %eq3A : i32
    %convert_element_type3A = arith.extui %eq3A_0 : i1 to i32
    %cond3A = arith.constant 0 : i32
    %cond3A_1 = arith.cmpi ne, %convert_element_type3A, %cond3A : i32
    scf.if %cond3A_1 {
      %broadcast_in_dim3A_83 = arith.constant 0.000000e+00 : f32
      %broadcast_in_dim3A_84 = vector.broadcast %broadcast_in_dim3A_83 : f32 to vector<8x128xf32>
      %swap3A_85 = arith.constant 0 : index
      %swap3A_86 = arith.constant 0 : index
      %swap3A_87 = vector.load %arg13[%swap3A_85, %swap3A_86] : memref<8x128xf32, #tpu.memory_space<vmem>>, vector<8x128xf32>
      tpu.vector_store %arg13[%swap3A_85, %swap3A_86], %broadcast_in_dim3A_84 {strides = array<i32>} : memref<8x128xf32, #tpu.memory_space<vmem>>, vector<8x128xf32>,
    } else {
    }
    %get3A = arith.constant 0 : index
    %get3A_2 = arith.constant 0 : index
    %get3A_3 = vector.load %arg1[%get3A, %get3A_2] : memref<3128x128xf32, #tpu.memory_space<vmem>>, vector<3128x128xf32>
    %get3A_4 = arith.constant 0 : index
    %get3A_5 = arith.constant 0 : index
    %get3A_6 = vector.load %arg3[%get3A_4, %get3A_5] : memref<128x256xf32, #tpu.memory_space<vmem>>, vector<128x256xf32>
    %dot_general3A = arith.constant dense<0.000000e+00> : vector<3128x256xf32>
    %dot_general3A_7 = tpu.matmul %get3A_3, %get3A_6, %dot_general3A {dimension_numbers = #tpu.dot_dimension_numbers<[1], [0], [0], [1], [0, 0, 1, 1], [], []>, precision = #tpu.contract_precision<fp32>, transpose_lhs_hint = false} : vector<3128x128xf32>, vector<128x256xf32>, vector<3128x256xf32> -> vector<3128x256xf32>
    %get3A_8 = arith.constant 0 : index
    %get3A_9 = arith.constant 0 : index
    %get3A_10 = vector.load %arg4[%get3A_8, %get3A_9] : memref<1x256xf32, #tpu.memory_space<vmem>>, vector<1x256xf32>
    %add3A = vector.broadcast %get3A_10 : vector<1x256xf32> to vector<3128x256xf32>
    %add3A_11 = arith.addf %dot_general3A_7, %add3A : vector<3128x256xf32>
    %max3A = arith.constant 0.000000e+00 : f32
    %max3A_12 = vector.broadcast %max3A : f32 to vector<3128x256xf32>
    %max3A_13 = arith.maximumf %add3A_11, %max3A_12 : vector<3128x256xf32>
    %get3A_14 = arith.constant 0 : index
    %get3A_15 = arith.constant 0 : index
    %get3A_16 = vector.load %arg2[%get3A_14, %get3A_15] : memref<3128x128xf32, #tpu.memory_space<vmem>>, vector<3128x128xf32>
    %get3A_17 = arith.constant 0 : index
    %get3A_18 = arith.constant 0 : index
    %get3A_19 = vector.load %arg5[%get3A_17, %get3A_18] : memref<128x256xf32, #tpu.memory_space<vmem>>, vector<128x256xf32>
    %dot_general3A_20 = arith.constant dense<0.000000e+00> : vector<3128x256xf32>
    %dot_general3A_21 = tpu.matmul %get3A_16, %get3A_19, %dot_general3A_20 {dimension_numbers = #tpu.dot_dimension_numbers<[1], [0], [0], [1], [0, 0, 1, 1], [], []>, precision = #tpu.contract_precision<fp32>, transpose_lhs_hint = false} : vector<3128x128xf32>, vector<128x256xf32>, vector<3128x256xf32> -> vector<3128x256xf32>
    %get3A_22 = arith.constant 0 : index
    %get3A_23 = arith.constant 0 : index
    %get3A_24 = vector.load %arg6[%get3A_22, %get3A_23] : memref<1x256xf32, #tpu.memory_space<vmem>>, vector<1x256xf32>
    %add3A_25 = vector.broadcast %get3A_24 : vector<1x256xf32> to vector<3128x256xf32>
    %add3A_26 = arith.addf %dot_general3A_21, %add3A_25 : vector<3128x256xf32>
    %max3A_27 = arith.constant 0.000000e+00 : f32
    %max3A_28 = vector.broadcast %max3A_27 : f32 to vector<3128x256xf32>
    %max3A_29 = arith.maximumf %add3A_26, %max3A_28 : vector<3128x256xf32>
    %get3A_30 = arith.constant 0 : index
    %get3A_31 = arith.constant 0 : index
    %get3A_32 = vector.load %arg7[%get3A_30, %get3A_31] : memref<256x24xf32, #tpu.memory_space<vmem>>, vector<256x24xf32>
    %dot_general3A_33 = arith.constant dense<0.000000e+00> : vector<3128x24xf32>
    %dot_general3A_34 = tpu.matmul %max3A_13, %get3A_32, %dot_general3A_33 {dimension_numbers = #tpu.dot_dimension_numbers<[1], [0], [0], [1], [0, 0, 1, 1], [], []>, precision = #tpu.contract_precision<fp32>, transpose_lhs_hint = false} : vector<3128x256xf32>, vector<256x24xf32>, vector<3128x24xf32> -> vector<3128x24xf32>
    %get3A_35 = arith.constant 0 : index
    %get3A_36 = arith.constant 0 : index
    %get3A_37 = vector.load %arg8[%get3A_35, %get3A_36] : memref<256x24xf32, #tpu.memory_space<vmem>>, vector<256x24xf32>
    %dot_general3A_38 = arith.constant dense<0.000000e+00> : vector<3128x24xf32>
    %dot_general3A_39 = tpu.matmul %max3A_29, %get3A_37, %dot_general3A_38 {dimension_numbers = #tpu.dot_dimension_numbers<[1], [0], [0], [1], [0, 0, 1, 1], [], []>, precision = #tpu.contract_precision<fp32>, transpose_lhs_hint = false} : vector<3128x256xf32>, vector<256x24xf32>, vector<3128x24xf32> -> vector<3128x24xf32>
    %add3A_40 = arith.addf %dot_general3A_34, %dot_general3A_39 : vector<3128x24xf32>
    %tanh3A = math.tanh %add3A_40 : vector<3128x24xf32>
    %exp3A = math.exp %tanh3A : vector<3128x24xf32>
    %get3A_41 = arith.constant 0 : index
    %get3A_42 = arith.constant 0 : index
    %get3A_43 = vector.load %arg9[%get3A_41, %get3A_42] : memref<256x24xf32, #tpu.memory_space<vmem>>, vector<256x24xf32>
    %dot_general3A_44 = arith.constant dense<0.000000e+00> : vector<3128x24xf32>
    %dot_general3A_45 = tpu.matmul %max3A_13, %get3A_43, %dot_general3A_44 {dimension_numbers = #tpu.dot_dimension_numbers<[1], [0], [0], [1], [0, 0, 1, 1], [], []>, precision = #tpu.contract_precision<fp32>, transpose_lhs_hint = false} : vector<3128x256xf32>, vector<256x24xf32>, vector<3128x24xf32> -> vector<3128x24xf32>
    %get3A_46 = arith.constant 0 : index
    %get3A_47 = arith.constant 0 : index
    %get3A_48 = vector.load %arg10[%get3A_46, %get3A_47] : memref<256x24xf32, #tpu.memory_space<vmem>>, vector<256x24xf32>
    %dot_general3A_49 = arith.constant dense<0.000000e+00> : vector<3128x24xf32>
    %dot_general3A_50 = tpu.matmul %max3A_29, %get3A_48, %dot_general3A_49 {dimension_numbers = #tpu.dot_dimension_numbers<[1], [0], [0], [1], [0, 0, 1, 1], [], []>, precision = #tpu.contract_precision<fp32>, transpose_lhs_hint = false} : vector<3128x256xf32>, vector<256x24xf32>, vector<3128x24xf32> -> vector<3128x24xf32>
    %add3A_51 = arith.addf %dot_general3A_45, %dot_general3A_50 : vector<3128x24xf32>
    %mul3A = arith.constant 3128 : i32
    %mul3A_52 = arith.muli %arg0, %mul3A : i32
    %iota3A = tpu.iota {dimensions = array<i32: 0>} : vector<3128x1xi32>
    %add3A_53 = vector.broadcast %mul3A_52 : i32 to vector<3128x1xi32>
    %add3A_54 = arith.addi %add3A_53, %iota3A : vector<3128x1xi32>
    %lt3A = arith.constant 12500 : i32
    %lt3A_55 = vector.broadcast %lt3A : i32 to vector<3128x1xi32>
    %lt3A_56 = arith.cmpi slt, %add3A_54, %lt3A_55 : vector<3128x1xi32>
    %jit3A = arith.constant 0.000000e+00 : f32
    %broadcast_in_dim3A = vector.shape_cast %lt3A_56 : vector<3128x1xi1> to vector<3128x1xi1>
    %broadcast_in_dim3A_57 = vector.broadcast %broadcast_in_dim3A : vector<3128x1xi1> to vector<3128x24xi1>
    %broadcast_in_dim3A_58 = vector.broadcast %jit3A : f32 to vector<3128x24xf32>
    %select_n3A = arith.select %broadcast_in_dim3A_57, %exp3A, %broadcast_in_dim3A_58 : vector<3128x24xi1>, vector<3128x24xf32>
    %get3A_59 = arith.constant 0 : index
    %get3A_60 = arith.constant 0 : index
    %get3A_61 = vector.load %arg13[%get3A_59, %get3A_60] : memref<8x128xf32, #tpu.memory_space<vmem>>, vector<1x24xf32>
    %reduce_sum3A = arith.constant dense<0.000000e+00> : vector<24xf32>
    %reduce_sum3A_62 = vector.multi_reduction <add>, %select_n3A, %reduce_sum3A [0] : vector<3128x24xf32> to vector<24xf32>
    %broadcast_in_dim3A_63 = vector.shape_cast %reduce_sum3A_62 : vector<24xf32> to vector<1x24xf32>
    %add3A_64 = arith.addf %get3A_61, %broadcast_in_dim3A_63 : vector<1x24xf32>
    %swap3A = arith.constant 0 : index
    %swap3A_65 = arith.constant 0 : index
    %swap3A_66 = vector.load %arg13[%swap3A, %swap3A_65] : memref<8x128xf32, #tpu.memory_space<vmem>>, vector<1x24xf32>
    tpu.vector_store %arg13[%swap3A, %swap3A_65], %add3A_64 {strides = array<i32>} : memref<8x128xf32, #tpu.memory_space<vmem>>, vector<1x24xf32>,
    %get3A_67 = arith.constant 1 : index
    %get3A_68 = arith.constant 0 : index
    %get3A_69 = vector.load %arg13[%get3A_67, %get3A_68] : memref<8x128xf32, #tpu.memory_space<vmem>>, vector<1x24xf32>
    %mul3A_70 = arith.mulf %select_n3A, %add3A_51 : vector<3128x24xf32>
    %reduce_sum3A_71 = arith.constant dense<0.000000e+00> : vector<24xf32>
    %reduce_sum3A_72 = vector.multi_reduction <add>, %mul3A_70, %reduce_sum3A_71 [0] : vector<3128x24xf32> to vector<24xf32>
    %broadcast_in_dim3A_73 = vector.shape_cast %reduce_sum3A_72 : vector<24xf32> to vector<1x24xf32>
    %add3A_74 = arith.addf %get3A_69, %broadcast_in_dim3A_73 : vector<1x24xf32>
    %swap3A_75 = arith.constant 1 : index
    %swap3A_76 = arith.constant 0 : index
    %swap3A_77 = vector.load %arg13[%swap3A_75, %swap3A_76] : memref<8x128xf32, #tpu.memory_space<vmem>>, vector<1x24xf32>
    tpu.vector_store %arg13[%swap3A_75, %swap3A_76], %add3A_74 {strides = array<i32>} : memref<8x128xf32, #tpu.memory_space<vmem>>, vector<1x24xf32>,
    %eq3A_78 = arith.constant 3 : i32
    %eq3A_79 = arith.cmpi eq, %arg0, %eq3A_78 : i32
    %convert_element_type3A_80 = arith.extui %eq3A_79 : i1 to i32
    %cond3A_81 = arith.constant 0 : i32
    %cond3A_82 = arith.cmpi ne, %convert_element_type3A_80, %cond3A_81 : i32
    scf.if %cond3A_82 {
      %broadcast_in_dim3A_83 = arith.constant 0.000000e+00 : f32
      %broadcast_in_dim3A_84 = vector.broadcast %broadcast_in_dim3A_83 : f32 to vector<1x3xf32>
      %broadcast_in_dim3A_85 = arith.constant 0.000000e+00 : f32
      %broadcast_in_dim3A_86 = vector.broadcast %broadcast_in_dim3A_85 : f32 to vector<1x3xf32>
      %get3A_87 = arith.constant 0 : index
      %get3A_88 = arith.constant 0 : index
      %get3A_89 = vector.load %arg13[%get3A_87, %get3A_88] : memref<8x128xf32, #tpu.memory_space<vmem>>, vector<1x3xf32>
      %add3A_90 = arith.addf %broadcast_in_dim3A_84, %get3A_89 : vector<1x3xf32>
      %get3A_91 = arith.constant 1 : index
      %get3A_92 = arith.constant 0 : index
      %get3A_93 = vector.load %arg13[%get3A_91, %get3A_92] : memref<8x128xf32, #tpu.memory_space<vmem>>, vector<1x3xf32>
      %add3A_94 = arith.addf %broadcast_in_dim3A_86, %get3A_93 : vector<1x3xf32>
      %get3A_95 = arith.constant 0 : index
      %get3A_96 = arith.constant 3 : index
      %get3A_97 = vector.load %arg13[%get3A_95, %get3A_96] : memref<8x128xf32, #tpu.memory_space<vmem>>, vector<1x3xf32>
      %add3A_98 = arith.addf %add3A_90, %get3A_97 : vector<1x3xf32>
      %get3A_99 = arith.constant 1 : index
      %get3A_100 = arith.constant 3 : index
      %get3A_101 = vector.load %arg13[%get3A_99, %get3A_100] : memref<8x128xf32, #tpu.memory_space<vmem>>, vector<1x3xf32>
      %add3A_102 = arith.addf %add3A_94, %get3A_101 : vector<1x3xf32>
      %get3A_103 = arith.constant 0 : index
      %get3A_104 = arith.constant 6 : index
      %get3A_105 = vector.load %arg13[%get3A_103, %get3A_104] : memref<8x128xf32, #tpu.memory_space<vmem>>, vector<1x3xf32>
      %add3A_106 = arith.addf %add3A_98, %get3A_105 : vector<1x3xf32>
      %get3A_107 = arith.constant 1 : index
      %get3A_108 = arith.constant 6 : index
      %get3A_109 = vector.load %arg13[%get3A_107, %get3A_108] : memref<8x128xf32, #tpu.memory_space<vmem>>, vector<1x3xf32>
      %add3A_110 = arith.addf %add3A_102, %get3A_109 : vector<1x3xf32>
      %get3A_111 = arith.constant 0 : index
      %get3A_112 = arith.constant 9 : index
      %get3A_113 = vector.load %arg13[%get3A_111, %get3A_112] : memref<8x128xf32, #tpu.memory_space<vmem>>, vector<1x3xf32>
      %add3A_114 = arith.addf %add3A_106, %get3A_113 : vector<1x3xf32>
      %get3A_115 = arith.constant 1 : index
      %get3A_116 = arith.constant 9 : index
      %get3A_117 = vector.load %arg13[%get3A_115, %get3A_116] : memref<8x128xf32, #tpu.memory_space<vmem>>, vector<1x3xf32>
      %add3A_118 = arith.addf %add3A_110, %get3A_117 : vector<1x3xf32>
      %get3A_119 = arith.constant 0 : index
      %get3A_120 = arith.constant 12 : index
      %get3A_121 = vector.load %arg13[%get3A_119, %get3A_120] : memref<8x128xf32, #tpu.memory_space<vmem>>, vector<1x3xf32>
      %add3A_122 = arith.addf %add3A_114, %get3A_121 : vector<1x3xf32>
      %get3A_123 = arith.constant 1 : index
      %get3A_124 = arith.constant 12 : index
      %get3A_125 = vector.load %arg13[%get3A_123, %get3A_124] : memref<8x128xf32, #tpu.memory_space<vmem>>, vector<1x3xf32>
      %add3A_126 = arith.addf %add3A_118, %get3A_125 : vector<1x3xf32>
      %get3A_127 = arith.constant 0 : index
      %get3A_128 = arith.constant 15 : index
      %get3A_129 = vector.load %arg13[%get3A_127, %get3A_128] : memref<8x128xf32, #tpu.memory_space<vmem>>, vector<1x3xf32>
      %add3A_130 = arith.addf %add3A_122, %get3A_129 : vector<1x3xf32>
      %get3A_131 = arith.constant 1 : index
      %get3A_132 = arith.constant 15 : index
      %get3A_133 = vector.load %arg13[%get3A_131, %get3A_132] : memref<8x128xf32, #tpu.memory_space<vmem>>, vector<1x3xf32>
      %add3A_134 = arith.addf %add3A_126, %get3A_133 : vector<1x3xf32>
      %get3A_135 = arith.constant 0 : index
      %get3A_136 = arith.constant 18 : index
      %get3A_137 = vector.load %arg13[%get3A_135, %get3A_136] : memref<8x128xf32, #tpu.memory_space<vmem>>, vector<1x3xf32>
      %add3A_138 = arith.addf %add3A_130, %get3A_137 : vector<1x3xf32>
      %get3A_139 = arith.constant 1 : index
      %get3A_140 = arith.constant 18 : index
      %get3A_141 = vector.load %arg13[%get3A_139, %get3A_140] : memref<8x128xf32, #tpu.memory_space<vmem>>, vector<1x3xf32>
      %add3A_142 = arith.addf %add3A_134, %get3A_141 : vector<1x3xf32>
      %get3A_143 = arith.constant 0 : index
      %get3A_144 = arith.constant 21 : index
      %get3A_145 = vector.load %arg13[%get3A_143, %get3A_144] : memref<8x128xf32, #tpu.memory_space<vmem>>, vector<1x3xf32>
      %add3A_146 = arith.addf %add3A_138, %get3A_145 : vector<1x3xf32>
      %get3A_147 = arith.constant 1 : index
      %get3A_148 = arith.constant 21 : index
      %get3A_149 = vector.load %arg13[%get3A_147, %get3A_148] : memref<8x128xf32, #tpu.memory_space<vmem>>, vector<1x3xf32>
      %add3A_150 = arith.addf %add3A_142, %get3A_149 : vector<1x3xf32>
      %div3A = arith.divf %add3A_150, %add3A_146 : vector<1x3xf32>
      %reduce_sum3A_151 = vector.shape_cast %div3A : vector<1x3xf32> to vector<1x1x3xf32>
      %reduce_sum3A_152 = arith.constant dense<0.000000e+00> : vector<1xf32>
      %reduce_sum3A_153 = vector.multi_reduction <add>, %reduce_sum3A_151, %reduce_sum3A_152 [1, 2] : vector<1x1x3xf32> to vector<1xf32>
      %reduce_sum3A_154 = vector.shape_cast %reduce_sum3A_153 : vector<1xf32> to vector<1x1x1xf32>
      %reduce_sum3A_155 = vector.extract %reduce_sum3A_154[0, 0, 0] : f32 from vector<1x1x1xf32>
      %reshape3A = vector.broadcast %reduce_sum3A_155 : f32 to vector<1x1xf32>
      %get3A_156 = arith.constant 0 : index
      %get3A_157 = arith.constant 0 : index
      %get3A_158 = vector.load %arg11[%get3A_156, %get3A_157] : memref<1x1xf32, #tpu.memory_space<vmem>>, vector<1x1xf32>
      %add3A_159 = arith.addf %reshape3A, %get3A_158 : vector<1x1xf32>
      %swap3A_160 = arith.constant 0 : index
      %swap3A_161 = arith.constant 0 : index
      %swap3A_162 = vector.load %arg12[%swap3A_160, %swap3A_161] : memref<1x1xf32, #tpu.memory_space<vmem>>, vector<1x1xf32>
      tpu.vector_store %arg12[%swap3A_160, %swap3A_161], %add3A_159 {strides = array<i32>} : memref<1x1xf32, #tpu.memory_space<vmem>>, vector<1x1xf32>,
    } else {
    }
    return
  }
  func.func @transform_0(%arg0: i32) -> (i32, i32) {
    %c0_i32 = arith.constant 0 : i32
    %c0_i32_0 = arith.constant 0 : i32
    return %arg0, %c0_i32 : i32, i32
  }
  func.func @transform_1(%arg0: i32) -> (i32, i32) {
    %c0_i32 = arith.constant 0 : i32
    %c0_i32_0 = arith.constant 0 : i32
    return %arg0, %c0_i32 : i32, i32
  }
  func.func @transform_2(%arg0: i32) -> (i32, i32) {
    %c0_i32 = arith.constant 0 : i32
    %c0_i32_0 = arith.constant 0 : i32
    %c0_i32_1 = arith.constant 0 : i32
    return %c0_i32, %c0_i32_0 : i32, i32
  }
  func.func @transform_3(%arg0: i32) -> (i32, i32) {
    %c0_i32 = arith.constant 0 : i32
    %c0_i32_0 = arith.constant 0 : i32
    %c0_i32_1 = arith.constant 0 : i32
    return %c0_i32, %c0_i32_0 : i32, i32
  }
  func.func @transform_4(%arg0: i32) -> (i32, i32) {
    %c0_i32 = arith.constant 0 : i32
    %c0_i32_0 = arith.constant 0 : i32
    %c0_i32_1 = arith.constant 0 : i32
    return %c0_i32, %c0_i32_0 : i32, i32
  }
  func.func @transform_5(%arg0: i32) -> (i32, i32) {
    %c0_i32 = arith.constant 0 : i32
    %c0_i32_0 = arith.constant 0 : i32
    %c0_i32_1 = arith.constant 0 : i32
    return %c0_i32, %c0_i32_0 : i32, i32
  }
  func.func @transform_6(%arg0: i32) -> (i32, i32) {
    %c0_i32 = arith.constant 0 : i32
    %c0_i32_0 = arith.constant 0 : i32
    %c0_i32_1 = arith.constant 0 : i32
    return %c0_i32, %c0_i32_0 : i32, i32
  }
  func.func @transform_7(%arg0: i32) -> (i32, i32) {
    %c0_i32 = arith.constant 0 : i32
    %c0_i32_0 = arith.constant 0 : i32
    %c0_i32_1 = arith.constant 0 : i32
    return %c0_i32, %c0_i32_0 : i32, i32
  }
  func.func @transform_8(%arg0: i32) -> (i32, i32) {
    %c0_i32 = arith.constant 0 : i32
    %c0_i32_0 = arith.constant 0 : i32
    %c0_i32_1 = arith.constant 0 : i32
    return %c0_i32, %c0_i32_0 : i32, i32
  }
  func.func @transform_9(%arg0: i32) -> (i32, i32) {
    %c0_i32 = arith.constant 0 : i32
    %c0_i32_0 = arith.constant 0 : i32
    %c0_i32_1 = arith.constant 0 : i32
    return %c0_i32, %c0_i32_0 : i32, i32
  }
  func.func @transform_10(%arg0: i32) -> (i32, i32) {
    %c0_i32 = arith.constant 0 : i32
    %c0_i32_0 = arith.constant 0 : i32
    %c0_i32_1 = arith.constant 0 : i32
    return %c0_i32, %c0_i32_0 : i32, i32
  }
  func.func @transform_11(%arg0: i32) -> (i32, i32) {
    %c0_i32 = arith.constant 0 : i32
    %c0_i32_0 = arith.constant 0 : i32
    %c0_i32_1 = arith.constant 0 : i32
    return %c0_i32, %c0_i32_0 : i32, i32
  }
}

</mosaic_0001>

<sc_bundles>
// kernel: kernel.10.cloned.1.call-start
scs
__scs_entry_jumppad:
0x0: {  	(pc) =	sbr.rel $0x88, $3  }
0x1: {  	(tag) =	ssettag $0x0;
	lr =	simm.s32 $0x1  }
0x2: {  	[smem:$0x3F93] =	sst lr;
	_ =	strace $0xD0000000  }
0x3: {  	_ = 	snop  }
0x4: {  	_ = 	snop  }
0x5: {  	_ = 	snop  }
0x6: {  	_ = 	snop  }
0x7: {  	_ = 	snop  }
__scs_overlays_trampoline_lowered:
0x8: {  	[smem:$0x3FA2] =	sst s0  }
0x9: {  	[smem:$0x3FA3] =	sst s1  }
0xa: {  	[smem:$0x3FA4] =	sst s2  }
0xb: {  	[smem:$0x3FA5] =	sst s3  }
0xc: {  	[smem:$0x3FA6] =	sst s4  }
0xd: {  	[smem:$0x3FA7] =	sst s5  }
0xe: {  	[smem:$0x3FA8] =	sst s6  }
0xf: {  	[smem:$0x3FA9] =	sst s7  }
0x10: {  	[smem:$0x3FAA] =	sst s8  }
0x11: {  	[smem:$0x3FAB] =	sst s9;
	s0 =	simm.s32 @!p0 $0x0  }
0x12: {  	s1 =	sld [smem:$0x3F91];
	s0 =	simm.s32 @p0 $0x1  }
0x13: {  	[smem:$0x3FAC] =	sst s0;
	s0 =	simm.s32 @!p1 $0x0  }
0x14: {  	s2 =	sld [smem:$0x3F90];
	s0 =	simm.s32 @p1 $0x1  }
0x15: {  	[smem:$0x3FAD] =	sst s0;
	s0 =	simm.s32 @!p2 $0x0  }
0x16: {  	s3 =	sld [smem:$0x3FDB];
	s0 =	simm.s32 @p2 $0x1  }
0x17: {  	s4 =	simm.s32 $0x1BF5;
	[smem:$0x3FAF] =	sst s0  }
0x18: {  	s0 =	sld [smem:$0x3F92];
	_ =	swait.ge [sflag:s4], $0x0  }
0x19: {  	s7 =	sld [smem:$0x3F93]  }
0x1a: {  	s8 =	sadd.s32 $0xFFFFE003, lr  }
0x1b: {  	s9 =	sadd.s32 $0xFFFFFEF7, lr;
	s5 =	simm.s32 $0xFFFFFFFF;
	p2 =	slt.u32 s8, $0xFFFFF086  }
0x1c: {  	p1 =	slt.u32 s9, $0xF7A;
	s5 =	simm.s32 @!p2 $0x0  }
0x1d: {  	s5 =	simm.s32 @p1 $0x1;
	p0 =	seq.s32 s7, s2  }
0x1e: {  	s7 =	smul.u32 @!p0 $0xF7A, s2;
	p2 =	seq.s32 @!p0 s5, $0x0  }
0x1f: {  	s9 =	smul.u32 $0xF7A, s1;
	s8 =	simm.s32 @!p0 $0x1BF5;
	p2 =	por !p2, p0  }
0x20: {  	[sflag:s8] =	ssyncset.s32 @!p0 $0xFFFFF086;
	s6 =	sadd.s32 @!p0 s3, s7;
	s7 =	simm.s32 @!p0 $0x108  }
0x21: {  	s3 =	sadd.s32 s3, s9;
	s6 =	sadd.s32 @!p0 $0x88, s6;
	s7 =	simm.s32 @p2 $0x1082  }
0x22: {  	[simem:s7], [sflag:s8] =	dma.local @!p0 [hbm:s6], $0xF7A  }
0x23: {  	s9 =	sor.u32 $0xD0000000, s2;
	s6 =	simm.s32 $0x108;
	_ =	swait.ge @!p0 [sflag:s8], $0x0  }
0x24: {  	s3 =	sadd.s32 $0x88, s3;
	s6 =	simm.s32 @!p1 $0x1082;
	[sflag:s4] =	ssyncset.s32 $0xFFFFF086  }
0x25: {  	[simem:s6], [sflag:s4] =	dma.local [hbm:s3], $0xF7A  }
0x26: {  	[smem:$0x3F93] =	sst s1;
	(tag) =	ssettag s2;
	_ =	strace s9  }
0x27: {  	s1 =	sld [smem:$0x3FA3]  }
0x28: {  	s2 =	sld [smem:$0x3FA4]  }
0x29: {  	s4 =	sld [smem:$0x3FA6]  }
0x2a: {  	p0 =	seq.s32 s5, $0x0;
	s5 =	sld [smem:$0x3FA7]  }
0x2b: {  	s6 =	sld [smem:$0x3FA8]  }
0x2c: {  	s7 =	sld [smem:$0x3FA9]  }
0x2d: {  	s3 =	simm.s32 $0x108;
	s8 =	sld [smem:$0x3FAA]  }
0x2e: {  	s3 =	simm.s32 @!p0 $0x1082;
	s9 =	sld [smem:$0x3FAB]  }
0x2f: {  	lr =	sadd.s32 s0, s3;
	s0 =	sld [smem:$0x3FA2]  }
0x30: {  	s3 =	sld [smem:$0x3FA5]  }
0x31: {  	[smem:$0x3FAE] =	sst s10  }
0x32: {  	s10 =	sld [smem:$0x3FAC];
	_ =	sdelay $0x3  }
0x33: {  	p0 =	seq.s32 s10, $0x1;
	s10 =	sld [smem:$0x3FAE];
	_ =	sdelay $0x3  }
0x34: {  	[smem:$0x3FAE] =	sst s10  }
0x35: {  	s10 =	sld [smem:$0x3FAD];
	_ =	sdelay $0x3  }
0x36: {  	p1 =	seq.s32 s10, $0x1;
	s10 =	sld [smem:$0x3FAE];
	_ =	sdelay $0x3  }
0x37: {  	[smem:$0x3FAE] =	sst s10  }
0x38: {  	s10 =	sld [smem:$0x3FAF]  }
0x39: {  	_ = 	snop;
	(pc) =	sbr.ind lr, $3  }
0x3a: {  	_ = 	snop  }
0x3b: {  	_ = 	snop  }
0x3c: {  	p2 =	seq.s32 s10, $0x1;
	s10 =	sld [smem:$0x3FAE]  }
0x3d: {  	_ =	shalt  }
0x3e: {  	_ =	shalt  }
0x3f: {  	_ =	shalt  }
0x40: {  	_ =	shalt  }
0x41: {  	_ =	shalt  }
0x42: {  	_ =	shalt  }
0x43: {  	_ =	shalt  }
0x44: {  	_ =	shalt  }
0x45: {  	_ =	shalt  }
0x46: {  	_ =	shalt  }
0x47: {  	_ =	shalt  }
0x48: {  	_ =	shalt  }
0x49: {  	_ =	shalt  }
0x4a: {  	_ =	shalt  }
0x4b: {  	_ =	shalt  }
0x4c: {  	_ =	shalt  }
0x4d: {  	_ =	shalt  }
0x4e: {  	_ =	shalt  }
0x4f: {  	_ =	shalt  }
0x50: {  	_ =	shalt  }
0x51: {  	_ =	shalt  }
0x52: {  	_ =	shalt  }
0x53: {  	_ =	shalt  }
0x54: {  	_ =	shalt  }
0x55: {  	_ =	shalt  }
0x56: {  	_ =	shalt  }
0x57: {  	_ =	shalt  }
0x58: {  	_ =	shalt  }
0x59: {  	_ =	shalt  }
0x5a: {  	_ =	shalt  }
0x5b: {  	_ =	shalt  }
0x5c: {  	_ =	shalt  }
0x5d: {  	_ =	shalt  }
0x5e: {  	_ =	shalt  }
0x5f: {  	_ =	shalt  }
0x60: {  	_ =	shalt  }
0x61: {  	_ =	shalt  }
0x62: {  	_ =	shalt  }
0x63: {  	_ =	shalt  }
0x64: {  	_ =	shalt  }
0x65: {  	_ =	shalt  }
0x66: {  	_ =	shalt  }
0x67: {  	_ =	shalt  }
0x68: {  	_ =	shalt  }
0x69: {  	_ =	shalt  }
0x6a: {  	_ =	shalt  }
0x6b: {  	_ =	shalt  }
0x6c: {  	_ =	shalt  }
0x6d: {  	_ =	shalt  }
0x6e: {  	_ =	shalt  }
0x6f: {  	_ =	shalt  }
0x70: {  	_ =	shalt  }
0x71: {  	_ =	shalt  }
0x72: {  	_ =	shalt  }
0x73: {  	_ =	shalt  }
0x74: {  	_ =	shalt  }
0x75: {  	_ =	shalt  }
0x76: {  	_ =	shalt  }
0x77: {  	_ =	shalt  }
0x78: {  	_ =	shalt  }
0x79: {  	_ =	shalt  }
0x7a: {  	_ =	shalt  }
0x7b: {  	_ =	shalt  }
0x7c: {  	_ =	shalt  }
0x7d: {  	_ =	shalt  }
0x7e: {  	_ =	shalt  }
0x7f: {  	_ =	shalt  }
0x80: {  	_ =	shalt  }
0x81: {  	_ =	shalt  }
0x82: {  	_ =	shalt  }
0x83: {  	_ =	shalt  }
0x84: {  	_ =	shalt  }
0x85: {  	_ =	shalt  }
0x86: {  	_ =	shalt  }
0x87: {  	_ =	shalt  }
.Lfunc_end0:
.L_simem_size_0:
called_computation.1_lowered:
.L_overlay_start_0:
0x88: {  	s2 =	sld [smem:$0x3FD9]  }
0x89: {  	s3 =	sld [smem:$0x3FFE];
	_ =	sdelay $0x1  }
0x8a: {  	s1 =	srdreg.scid  }
0x8b: {  	s0 =	sand.u32 $0x1, s1  }
0x8c: {  	s16 =	sshll.u32 s0, $0xA;
	s2 =	sadd.s32 s3, s2  }
0x8d: {  	s2 =	sadd.s32 s2, s16  }
0x8e: {  	[smem:$0x3FBA] =	sst s2  }
0x8f: {  	_ = 	snop  }
0x90: {  	(tm) =	ssettm $0x1  }
0x91: {  	s17 =	sld [smem:$0x3FFB];
	_ =	sdelay $0x3  }
0x92: {  	_ =	strace s17  }
0x93: {  	s2 =	sld [smem:$0x3FFC];
	_ =	sdelay $0x3  }
0x94: {  	_ =	strace s2  }
0x95: {  	s2 =	sld [smem:$0x3FFD];
	_ =	sdelay $0x3  }
0x96: {  	_ =	strace s2  }
0x97: {  	_ =	strace $0x8FFFFFFF  }
0x98: {  	s18 =	sld [smem:$0x3FDB];
	_ =	sdelay $0x1  }
0x99: {  	s19 =	simm.s32 $_scs_section_size  }
0x9a: {  	s4 =	simm.s32 $_size__tile_overlayer_lowered;
	s5 =	simm.s32 $_tile_overlayer_lowered  }
0x9b: {  	s22 =	simm.s32 $0x1BFF;
	s21 =	sshll.u32 s5, $0x1;
	s2 =	sadd.s32 s19, s18  }
0x9c: {  	s6 =	simm.s32 $0x0;
	s20 =	sshll.u32 s4, $0x1;
	s4 =	sadd.s32 s21, s2  }
0x9d: {  	[timem:s6], [sflag:s22] =	dma.local [hbm:s4], s20  }
0x9e: {  	_ =	swait.ge [sflag:s22], s20  }
0x9f: {  	s3 =	ssub.s32 $0x0, s20;
	[sflag:s22] =	ssyncset.done $0x0  }
0xa0: {  	[sflag:s22] =	ssyncadd.s32 s3;
	_ =	sdelay $0x1  }
0xa1: {  	s23 =	simm.s32 $0x1B8B  }
0xa2: {  	_ =	swait.ge [sflag:s23], $0x1  }
0xa3: {  	[sflag:s23] =	ssyncset.done $0x0  }
0xa4: {  	s25 =	simm.s32 $0x1B8E;
	s24 =	sld [smem:$0x3FFE];
	[sflag:s23] =	ssyncadd.s32 $0xFFFFFFFF  }
0xa5: {  	s26 =	simm.s32 $execute0_lowered;
	[smem:$0x3FD2] =	sst s25  }
0xa6: {  	s4 =	sshll.u32 s26, $0x1;
	_ =	strace $0x80000049;
	[dreg:$0x1] =	wrdreg $0xFFFFFFFF  }
0xa7: {  	s28 =	simm.s32 $_size_execute0_lowered;
	s2 =	sadd.s32 s2, s4;
	[dreg:$0x0] =	wrdreg $0x0  }
0xa8: {  	s4 =	sshll.u32 s28, $0x1;
	[dreg:$0x2] =	wrdreg s2  }
0xa9: {  	[dreg:$0x3] =	wrdreg s4  }
0xaa: {  	[dreg:$0x4] =	wrdreg $0xC0  }
0xab: {  	_ =	task [dreg:s6], $0x5FFFF  }
0xac: {  	[dreg:$0x1] =	wrdreg $0xFFFFFFFF  }
0xad: {  	[dreg:$0x0] =	wrdreg $0x60  }
0xae: {  	[dreg:$0x2] =	wrdreg s24  }
0xaf: {  	[dreg:$0x3] =	wrdreg $0x0  }
0xb0: {  	[dreg:$0x4] =	wrdreg $0x9  }
0xb1: {  	_ =	task.clear_ibuf [dreg:s6], $0x5FFFF;
	_ =	strace $0x90000049  }
0xb2: {  	s29 =	simm.s32 $0x9;
	_ =	strace $0x8000004B  }
0xb3: {  	_ =	swait.ge [sflag:s29], $0x1  }
0xb4: {  	[sflag:s29] =	ssyncadd.s32 $0xFFFFFFFF  }
0xb5: {  	_ =	strace $0x9000004B  }
0xb6: {  	_ =	sfence  }
0xb7: {  	s30 =	sld [smem:$0x0];
	_ =	sdelay $0x2  }
0xb8: {  	s31 =	sshll.u32 s1, $0xD;
	s1 =	sshrl.u32 s1, $0x2  }
0xb9: {  	s3 =	sand.u32 $0x4000, s31;
	s1 =	sadd.s32 s1, s30  }
0xba: {  	s0 =	sor.u32 s3, s0;
	s1 =	sshll.u32 s1, $0x11  }
0xbb: {  	s0 =	sor.u32 s1, s0  }
0xbc: {  	s0 =	sadd.s32 $0x8F2B, s0  }
0xbd: {  	[sflag:s0] =	ssyncadd.remote.s32 $0x1  }
0xbe: {  	_ =	sfence.sel $0xFFFF  }
0xbf: {  	[dreg:$0x0] =	wrdreg $0xFFFFFFFF;
	(pc) =	sbr.abs _section_cstart, $3  }
0xc0: {  	[dreg:$0x1] =	wrdreg $0xFFFFFFFF  }
0xc1: {  	_ =	task.clear_ibuf [dreg:s6], $0x2FFFF;
	_ =	strace $0x9FFFFFFF  }
0xc2: {  	(tm) =	ssettm $0x7FFFFFFF  }
0xc3: {  	_ =	shalt  }
tec
execute0_lowered:
.L_overlay_start_1:
0x0: {  	(tag) =	ssettag $0x1  }
0x1: {  	s0 =	rddreg [dreg:$0x0]  }
0x2: {  	s2 =	rddreg [dreg:$0x1]  }
0x3: {  	s3 =	simm.s32 $0x0;
	s9 =	stileid.u32;
	s5 =	srdreg.scid  }
0x4: {  	s30 =	simm.s32 $0xA;
	s31 =	simm.s32 $0x18700;
	s28 =	simm.s32 $0x8  }
0x5: {  	[smem:$0x7FF] =	sst s3;
	s4 =	sadd.s32 $0xC7800, s0;
	s1 =	smul.u32 $0x18700, s9  }
0x6: {  	s10 =	sadd.s32 $0x4000, s0;
	s11 =	sadd.s32 $0x34E00, s0;
	s8 =	sadd.s32 $0x129400, s0  }
0x7: {  	s12 =	sadd.s32 $0x65C00, s0;
	_ =	strace $0x8000004A;
	[dreg:$0xc] =	wrdreg s8  }
0x8: {  	s5 =	sand.u32 $0x1, s5;
	s13 =	sadd.s32 $0x96A00, s0;
	[dreg:$0x7] =	wrdreg s10  }
0x9: {  	s20 =	sshll.u32 s9, $0x6;
	s21 =	smul.u32 $0x186A0, s9;
	[dreg:$0x8] =	wrdreg s11  }
0xa: {  	s24 =	smul.u32 $0x30D4, s9;
	s7 =	ssub.s32 $0x2, s5;
	[dreg:$0x9] =	wrdreg s12  }
0xb: {  	s14 =	sor.u32 $0x1C0A, s20;
	[dreg:$0xb] =	wrdreg s13;
	s6 =	sshrl.u32 s1, $0x3  }
0xc: {  	p0 =	seq.s32 s5, $0x1;
	s1 =	sadd.s32 s1, s2;
	[dreg:$0xa] =	wrdreg s6  }
0xd: {  	s19 =	sshrl.u32 s7, $0x1;
	s17 =	sadd.s32 s24, s11;
	[dreg:$0xe] =	wrdreg s1  }
0xe: {  	s23 =	sshrl.u32 s21, $0x3;
	s18 =	sadd.s32 s24, s10;
	[dreg:$0x3] =	wrdreg s17  }
0xf: {  	s20 =	sadd.s32 s24, s13;
	s5 =	sadd.s32 s24, s12;
	[dreg:$0x4] =	wrdreg s18  }
0x10: {  	s6 =	sadd.s32 s6, s0;
	s0 =	sadd.s32 $0x15A200, s0;
	[dreg:$0x5] =	wrdreg s20  }
0x11: {  	s25 =	sadd.s32 s10, s23;
	s26 =	sadd.s32 s11, s23;
	[dreg:$0x6] =	wrdreg s5  }
0x12: {  	s29 =	sadd.s32 $0x32, s23;
	s8 =	sadd.s32 $0x64, s23;
	[dreg:$0xd] =	wrdreg s0  }
0x13: {  	s21 =	sadd.s32 s12, s23;
	s1 =	sadd.s32 s13, s23;
	[dreg:$0x10] =	wrdreg s25  }
0x14: {  	s17 =	simm.s32 $0x2;
	s18 =	simm.s32 $0x1A640;
	[dreg:$0x11] =	wrdreg s26  }
0x15: {  	s20 =	simm.s32 $0x1BF40;
	s5 =	simm.s32 $0x6;
	[dreg:$0x15] =	wrdreg s21  }
0x16: {  	s0 =	ssub.s32 s7, s19;
	s22 =	sadd.s32 $0xF8600, s6;
	[dreg:$0x16] =	wrdreg s1  }
0x17: {  	s15 =	sadd.s32 s10, s29;
	s16 =	sadd.s32 s11, s29;
	[dreg:$0xf] =	wrdreg s22  }
0x18: {  	s19 =	sadd.s32 $0x30A2, s23;
	s23 =	sadd.s32 s13, s29;
	[dreg:$0x12] =	wrdreg s15  }
0x19: {  	s24 =	sadd.s32 s10, s8;
	s25 =	sadd.s32 s11, s8;
	[dreg:$0x13] =	wrdreg s16  }
0x1a: {  	s26 =	sadd.s32 s12, s8;
	s1 =	simm.s32 $0x1;
	[dreg:$0x14] =	wrdreg s19  }
0x1b: {  	s10 =	simm.s32 $0x190;
	s11 =	simm.s32 $0x18A20;
	[dreg:$0x18] =	wrdreg s23  }
0x1c: {  	s21 =	simm.s32 $0x1C0D0;
	s6 =	simm.s32 $0x9;
	[dreg:$0x19] =	wrdreg s24  }
0x1d: {  	s7 =	simm.s32 $0x0;
	s22 =	sadd.s32 s12, s29;
	[dreg:$0x1a] =	wrdreg s25  }
.Ltmp0:
0x1e: {  	[dreg:$0x1b] =	wrdreg s26;
	s29 =	sadd.s32 s13, s8;
	(pc) =	sbr.rel .LBB2_1-.Ltmp0, $4  }
0x1f: {  	s0 =	smax.u32 s0, $0x1;
	s15 =	simm.s32 $0x1A320;
	s16 =	simm.s32 $0x1A4B0  }
0x20: {  	s23 =	simm.s32 $0x3;
	s24 =	simm.s32 $0x1C260;
	[dreg:$0x17] =	wrdreg s22  }
0x21: {  	s25 =	simm.s32 $0x7;
	s26 =	simm.s32 $0x5;
	[dreg:$0x1c] =	wrdreg s29  }
0x22: {  	[dreg:$0x1d] =	wrdreg s0;
	s0 =	simm.s32 $0x18890;
	s22 =	simm.s32 $0x4  }
.LBB2_7:
0x23: {  	s13 =	rddreg [dreg:$0x9]  }
0x24: {  	s12 =	rddreg [dreg:$0xb]  }
0x25: {  	[sflag:s23] =	ssyncadd.s32 $0xFFFFFE70;
	s8 =	rddreg [dreg:$0xd]  }
0x26: {  	[tilespmem:s24], [sflag:$0x6] =	stream.indirect.gather [hbm4b:s4+s10], $0x10, s20, s10, $0xb8;
	[tilespmem:$0x1DB60] =	vst v63  }
.LBB2_8:
0x27: {  	_ =	swait.ge [sflag:s25], $0x1900  }
0x28: {  	[sflag:s25] =	ssyncset.done $0x0;
	s14 =	rddreg [dreg:$0x14]  }
0x29: {  	s13 =	sadd.s32 s13, s14;
	[sflag:s25] =	ssyncadd.s32 $0xFFFFE700  }
0x2a: {  	[tilespmem:s31], [sflag:$0x1] =	stream.linear.gather [hbm4b:s13+s3], $0x190, $0x38;
	[tilespmem:$0x1DB60] =	vst v63  }
0x2b: {  	s12 =	sadd.s32 s12, s14  }
0x2c: {  	[tilespmem:s0], [sflag:$0x1] =	stream.linear.gather [hbm4b:s12+s3], $0x190, $0x38;
	[tilespmem:$0x1DB60] =	vst v63  }
0x2d: {  	_ =	swait.ge [sflag:s26], $0x1900  }
0x2e: {  	[sflag:s26] =	ssyncset.done $0x0  }
0x2f: {  	[sflag:s26] =	ssyncadd.s32 $0xFFFFE700  }
0x30: {  	[spmem:s2] =	stream.indirect.scatter.add.f32 [tilespmem:s18], [sflag:$0x8], $0x10, s16, s10, $0xb8;
	[tilespmem:$0x1DB60] =	vst v63  }
0x31: {  	_ =	swait.ge [sflag:s1], $0x190  }
0x32: {  	[sflag:s1] =	ssyncset.done $0x0  }
0x33: {  	[sflag:s1] =	ssyncadd.s32 $0xFFFFFE70  }
0x34: {  	_ =	swait.ge [sflag:s1], $0x190  }
0x35: {  	[sflag:s1] =	ssyncset.done $0x0  }
0x36: {  	[sflag:s1] =	ssyncadd.s32 $0xFFFFFE70  }
0x37: {  	[tilespmem:s11], [sflag:$0x4] =	stream.indirect.gather [hbm4b:s4+s10], $0x10, s31, s10, $0xb8;
	[tilespmem:$0x1DB60] =	vst v63  }
0x38: {  	_ =	swait.ge [sflag:s28], $0x1900  }
0x39: {  	[sflag:s28] =	ssyncset.done $0x0  }
0x3a: {  	[sflag:s28] =	ssyncadd.s32 $0xFFFFE700  }
0x3b: {  	_ =	swait.ge [sflag:s5], $0x1900  }
0x3c: {  	[sflag:s5] =	ssyncset.done $0x0  }
0x3d: {  	[sflag:s5] =	ssyncadd.s32 $0xFFFFE700  }
0x3e: {  	[spmem:s2] =	stream.indirect.scatter.add.f32 [tilespmem:s24], [sflag:$0x9], $0x10, s21, s10, $0xb8;
	[tilespmem:$0x1DB60] =	vst v63  }
0x3f: {  	_ =	swait.ge [sflag:s6], $0x1900  }
0x40: {  	[sflag:s6] =	ssyncset.done $0x0  }
0x41: {  	[sflag:s6] =	ssyncadd.s32 $0xFFFFE700  }
0x42: {  	_ =	swait.ge [sflag:s22], $0x1900  }
0x43: {  	[sflag:s22] =	ssyncset.done $0x0  }
0x44: {  	[sflag:s22] =	ssyncadd.s32 $0xFFFFE700  }
0x45: {  	[spmem:s2] =	stream.indirect.scatter.add.f32 [tilespmem:s11], [sflag:$0x7], $0x10, s0, s10, $0xb8;
	[tilespmem:$0x1DB60] =	vst v63  }
0x46: {  	_ =	swait.ge [sflag:s25], $0x1900  }
0x47: {  	[sflag:s25] =	ssyncset.done $0x0  }
0x48: {  	s14 =	rddreg [dreg:$0xa];
	[sflag:s25] =	ssyncadd.s32 $0xFFFFE700  }
0x49: {  	s8 =	sadd.s32 s8, s14;
	[bflag:$0x0] =	sbarrier.arrive $0xFFFF  }
0x4a: {  	[hbm:s8], [sflag:s19] =	dma.local [spmem:s9], $0x30E0  }
0x4b: {  	_ =	swait.ge [sflag:s30], $0x30E0  }
0x4c: {  	s7 =	sadd.s32 $0x1, s7;
	s29 =	rddreg [dreg:$0x1d]  }
0x4d: {  	p1 =	sne.s32 s7, s29  }
.Ltmp1:
0x4e: {  	_ = 	snop;
	(pc) =	sbr.rel @!p1 .LBB2_9-.Ltmp1, $3  }
0x4f: {  	_ =	sdelay $0x1  }
0x50: {  	[sflag:s30] =	ssyncset.done $0x0  }
0x51: {  	s14 =	smov.u32 s19;
	[sflag:s30] =	ssyncadd.s32 $0xFFFFCF20  }
.LBB2_1:
0x52: {  	s8 =	rddreg [dreg:$0xe]  }
0x53: {  	s29 =	rddreg [dreg:$0xf];
	s9 =	sshrl.u32 s8, $0x3  }
0x54: {  	[spmem:s9], [sflag:s14] =	dma.local [hbm:s29], $0x30E0  }
.Ltmp2:
0x55: {  	_ =	swait.ge [sflag:s30], $0x30E0;
	(pc) =	sbr.rel @!p0 .LBB2_2-.Ltmp2, $4  }
0x56: {  	[sflag:s30] =	ssyncset.done $0x0  }
0x57: {  	[sflag:s30] =	ssyncadd.s32 $0xFFFFCF20  }
0x58: {  	[bflag:$0x0] =	sbarrier.arrive $0xFFFF  }
0x59: {  	s19 =	smov.u32 s14;
	s8 =	simm.s32 $0x0  }
0x5a: {  	s12 =	rddreg [dreg:$0x15]  }
0x5b: {  	[tilespmem:s31], [sflag:$0x1] =	stream.linear.gather [hbm4b:s12+s8], $0x190, $0x38;
	[tilespmem:$0x1DB60] =	vst v63  }
0x5c: {  	s29 =	rddreg [dreg:$0x16]  }
0x5d: {  	[tilespmem:s0], [sflag:$0x1] =	stream.linear.gather [hbm4b:s29+s8], $0x190, $0x38;
	[tilespmem:$0x1DB60] =	vst v63  }
0x5e: {  	_ =	swait.ge [sflag:s1], $0x190  }
0x5f: {  	[sflag:s1] =	ssyncset.done $0x0  }
0x60: {  	[sflag:s1] =	ssyncadd.s32 $0xFFFFFE70  }
0x61: {  	_ =	swait.ge [sflag:s1], $0x190  }
0x62: {  	[sflag:s1] =	ssyncset.done $0x0  }
0x63: {  	[sflag:s1] =	ssyncadd.s32 $0xFFFFFE70  }
0x64: {  	[tilespmem:s11], [sflag:$0x4] =	stream.indirect.gather [hbm4b:s4+s10], $0x10, s31, s10, $0xb8;
	[tilespmem:$0x1DB60] =	vst v63  }
0x65: {  	s13 =	rddreg [dreg:$0x17]  }
0x66: {  	[tilespmem:s15], [sflag:$0x2] =	stream.linear.gather [hbm4b:s13+s8], $0x190, $0x38;
	[tilespmem:$0x1DB60] =	vst v63  }
0x67: {  	s14 =	rddreg [dreg:$0x18]  }
0x68: {  	[tilespmem:s16], [sflag:$0x2] =	stream.linear.gather [hbm4b:s14+s8], $0x190, $0x38;
	[tilespmem:$0x1DB60] =	vst v63  }
0x69: {  	_ =	swait.ge [sflag:s17], $0x190  }
0x6a: {  	[sflag:s17] =	ssyncset.done $0x0  }
0x6b: {  	[sflag:s17] =	ssyncadd.s32 $0xFFFFFE70  }
0x6c: {  	_ =	swait.ge [sflag:s17], $0x190  }
0x6d: {  	[sflag:s17] =	ssyncset.done $0x0  }
0x6e: {  	[sflag:s17] =	ssyncadd.s32 $0xFFFFFE70  }
0x6f: {  	[tilespmem:s18], [sflag:$0x5] =	stream.indirect.gather [hbm4b:s4+s10], $0x10, s15, s10, $0xb8;
	[tilespmem:$0x1DB60] =	vst v63  }
0x70: {  	s29 =	rddreg [dreg:$0x1b]  }
0x71: {  	[tilespmem:s20], [sflag:$0x3] =	stream.linear.gather [hbm4b:s29+s8], $0x190, $0x38;
	[tilespmem:$0x1DB60] =	vst v63  }
0x72: {  	s13 =	rddreg [dreg:$0x1c]  }
0x73: {  	[tilespmem:s21], [sflag:$0x3] =	stream.linear.gather [hbm4b:s13+s8], $0x190, $0x38;
	[tilespmem:$0x1DB60] =	vst v63  }
0x74: {  	_ =	swait.ge [sflag:s22], $0x1900  }
0x75: {  	[sflag:s22] =	ssyncset.done $0x0  }
0x76: {  	[sflag:s22] =	ssyncadd.s32 $0xFFFFE700  }
0x77: {  	[spmem:s2] =	stream.indirect.scatter.add.f32 [tilespmem:s11], [sflag:$0x7], $0x10, s0, s10, $0xb8;
	[tilespmem:$0x1DB60] =	vst v63  }
0x78: {  	_ =	swait.ge [sflag:s23], $0x190  }
0x79: {  	[sflag:s23] =	ssyncset.done $0x0  }
0x7a: {  	[sflag:s23] =	ssyncadd.s32 $0xFFFFFE70  }
0x7b: {  	_ =	swait.ge [sflag:s23], $0x190  }
0x7c: {  	[sflag:s23] =	ssyncset.done $0x0  }
0x7d: {  	[sflag:s23] =	ssyncadd.s32 $0xFFFFFE70  }
0x7e: {  	[tilespmem:s24], [sflag:$0x6] =	stream.indirect.gather [hbm4b:s4+s10], $0x10, s20, s10, $0xb8;
	[tilespmem:$0x1DB60] =	vst v63  }
0x7f: {  	_ =	swait.ge [sflag:s25], $0x1900  }
0x80: {  	s14 =	rddreg [dreg:$0x6]  }
0x81: {  	s29 =	rddreg [dreg:$0x5];
	[sflag:s25] =	ssyncset.done $0x0;
	s8 =	sadd.s32 $0x0, s14  }
0x82: {  	[sflag:s25] =	ssyncadd.s32 $0xFFFFE700;
	s12 =	sadd.s32 $0x0, s29;
	s13 =	sadd.s32 $0x96, s8  }
0x83: {  	[tilespmem:s31], [sflag:$0x1] =	stream.linear.gather [hbm4b:s13+s3], $0x190, $0x38;
	[tilespmem:$0x1DB60] =	vst v63  }
0x84: {  	s14 =	sadd.s32 $0x96, s12  }
0x85: {  	[tilespmem:s0], [sflag:$0x1] =	stream.linear.gather [hbm4b:s14+s3], $0x190, $0x38;
	[tilespmem:$0x1DB60] =	vst v63  }
0x86: {  	_ =	swait.ge [sflag:s26], $0x1900  }
0x87: {  	[sflag:s26] =	ssyncset.done $0x0  }
0x88: {  	[sflag:s26] =	ssyncadd.s32 $0xFFFFE700  }
0x89: {  	[spmem:s2] =	stream.indirect.scatter.add.f32 [tilespmem:s18], [sflag:$0x8], $0x10, s16, s10, $0xb8;
	[tilespmem:$0x1DB60] =	vst v63  }
0x8a: {  	_ =	swait.ge [sflag:s1], $0x190  }
0x8b: {  	[sflag:s1] =	ssyncset.done $0x0  }
0x8c: {  	[sflag:s1] =	ssyncadd.s32 $0xFFFFFE70  }
0x8d: {  	_ =	swait.ge [sflag:s1], $0x190  }
0x8e: {  	[sflag:s1] =	ssyncset.done $0x0  }
0x8f: {  	[sflag:s1] =	ssyncadd.s32 $0xFFFFFE70  }
0x90: {  	[tilespmem:s11], [sflag:$0x4] =	stream.indirect.gather [hbm4b:s4+s10], $0x10, s31, s10, $0xb8;
	[tilespmem:$0x1DB60] =	vst v63  }
0x91: {  	_ =	swait.ge [sflag:s28], $0x1900  }
0x92: {  	[sflag:s28] =	ssyncset.done $0x0  }
0x93: {  	s29 =	sadd.s32 $0xC8, s8;
	[sflag:s28] =	ssyncadd.s32 $0xFFFFE700  }
0x94: {  	[tilespmem:s15], [sflag:$0x2] =	stream.linear.gather [hbm4b:s29+s3], $0x190, $0x38;
	[tilespmem:$0x1DB60] =	vst v63  }
0x95: {  	s14 =	sadd.s32 $0xC8, s12  }
0x96: {  	[tilespmem:s16], [sflag:$0x2] =	stream.linear.gather [hbm4b:s14+s3], $0x190, $0x38;
	[tilespmem:$0x1DB60] =	vst v63  }
0x97: {  	_ =	swait.ge [sflag:s5], $0x1900  }
0x98: {  	[sflag:s5] =	ssyncset.done $0x0  }
0x99: {  	[sflag:s5] =	ssyncadd.s32 $0xFFFFE700  }
0x9a: {  	[spmem:s2] =	stream.indirect.scatter.add.f32 [tilespmem:s24], [sflag:$0x9], $0x10, s21, s10, $0xb8;
	[tilespmem:$0x1DB60] =	vst v63  }
0x9b: {  	_ =	swait.ge [sflag:s17], $0x190  }
0x9c: {  	[sflag:s17] =	ssyncset.done $0x0  }
0x9d: {  	[sflag:s17] =	ssyncadd.s32 $0xFFFFFE70  }
0x9e: {  	_ =	swait.ge [sflag:s17], $0x190  }
0x9f: {  	[sflag:s17] =	ssyncset.done $0x0  }
0xa0: {  	[sflag:s17] =	ssyncadd.s32 $0xFFFFFE70  }
0xa1: {  	[tilespmem:s18], [sflag:$0x5] =	stream.indirect.gather [hbm4b:s4+s10], $0x10, s15, s10, $0xb8;
	[tilespmem:$0x1DB60] =	vst v63  }
0xa2: {  	_ =	swait.ge [sflag:s6], $0x1900  }
0xa3: {  	[sflag:s6] =	ssyncset.done $0x0  }
0xa4: {  	s8 =	sadd.s32 $0xFA, s8;
	[sflag:s6] =	ssyncadd.s32 $0xFFFFE700  }
0xa5: {  	[tilespmem:s20], [sflag:$0x3] =	stream.linear.gather [hbm4b:s8+s3], $0x190, $0x38;
	[tilespmem:$0x1DB60] =	vst v63  }
0xa6: {  	s29 =	sadd.s32 $0xFA, s12  }
0xa7: {  	[tilespmem:s21], [sflag:$0x3] =	stream.linear.gather [hbm4b:s29+s3], $0x190, $0x38;
	[tilespmem:$0x1DB60] =	vst v63  }
0xa8: {  	_ =	swait.ge [sflag:s22], $0x1900  }
0xa9: {  	[sflag:s22] =	ssyncset.done $0x0  }
0xaa: {  	[sflag:s22] =	ssyncadd.s32 $0xFFFFE700  }
0xab: {  	[spmem:s2] =	stream.indirect.scatter.add.f32 [tilespmem:s11], [sflag:$0x7], $0x10, s0, s10, $0xb8;
	[tilespmem:$0x1DB60] =	vst v63  }
0xac: {  	_ =	swait.ge [sflag:s23], $0x190  }
0xad: {  	[sflag:s23] =	ssyncset.done $0x0  }
0xae: {  	[sflag:s23] =	ssyncadd.s32 $0xFFFFFE70  }
0xaf: {  	_ =	swait.ge [sflag:s23], $0x190  }
0xb0: {  	s12 =	simm.s32 $0x96;
	[sflag:s23] =	ssyncset.done $0x0  }
.LBB2_6:
0xb1: {  	[sflag:s23] =	ssyncadd.s32 $0xFFFFFE70  }
0xb2: {  	[tilespmem:s24], [sflag:$0x6] =	stream.indirect.gather [hbm4b:s4+s10], $0x10, s20, s10, $0xb8;
	[tilespmem:$0x1DB60] =	vst v63  }
0xb3: {  	_ =	swait.ge [sflag:s25], $0x1900  }
0xb4: {  	s13 =	smov.u32 s12;
	s8 =	rddreg [dreg:$0x6]  }
0xb5: {  	s14 =	rddreg [dreg:$0x5];
	[sflag:s25] =	ssyncset.done $0x0;
	s8 =	sadd.s32 s13, s8  }
0xb6: {  	[sflag:s25] =	ssyncadd.s32 $0xFFFFE700;
	s13 =	sadd.s32 s13, s14;
	s29 =	sadd.s32 $0x96, s8  }
0xb7: {  	[tilespmem:s31], [sflag:$0x1] =	stream.linear.gather [hbm4b:s29+s3], $0x190, $0x38;
	[tilespmem:$0x1DB60] =	vst v63  }
0xb8: {  	s14 =	sadd.s32 $0x96, s13  }
0xb9: {  	[tilespmem:s0], [sflag:$0x1] =	stream.linear.gather [hbm4b:s14+s3], $0x190, $0x38;
	[tilespmem:$0x1DB60] =	vst v63  }
0xba: {  	_ =	swait.ge [sflag:s26], $0x1900  }
0xbb: {  	[sflag:s26] =	ssyncset.done $0x0  }
0xbc: {  	[sflag:s26] =	ssyncadd.s32 $0xFFFFE700  }
0xbd: {  	[spmem:s2] =	stream.indirect.scatter.add.f32 [tilespmem:s18], [sflag:$0x8], $0x10, s16, s10, $0xb8;
	[tilespmem:$0x1DB60] =	vst v63  }
0xbe: {  	_ =	swait.ge [sflag:s1], $0x190  }
0xbf: {  	[sflag:s1] =	ssyncset.done $0x0  }
0xc0: {  	[sflag:s1] =	ssyncadd.s32 $0xFFFFFE70  }
0xc1: {  	_ =	swait.ge [sflag:s1], $0x190  }
0xc2: {  	[sflag:s1] =	ssyncset.done $0x0  }
0xc3: {  	[sflag:s1] =	ssyncadd.s32 $0xFFFFFE70  }
0xc4: {  	[tilespmem:s11], [sflag:$0x4] =	stream.indirect.gather [hbm4b:s4+s10], $0x10, s31, s10, $0xb8;
	[tilespmem:$0x1DB60] =	vst v63  }
0xc5: {  	_ =	swait.ge [sflag:s28], $0x1900  }
0xc6: {  	[sflag:s28] =	ssyncset.done $0x0  }
0xc7: {  	s14 =	sadd.s32 $0xC8, s8;
	[sflag:s28] =	ssyncadd.s32 $0xFFFFE700  }
0xc8: {  	[tilespmem:s15], [sflag:$0x2] =	stream.linear.gather [hbm4b:s14+s3], $0x190, $0x38;
	[tilespmem:$0x1DB60] =	vst v63  }
0xc9: {  	s29 =	sadd.s32 $0xC8, s13  }
0xca: {  	[tilespmem:s16], [sflag:$0x2] =	stream.linear.gather [hbm4b:s29+s3], $0x190, $0x38;
	[tilespmem:$0x1DB60] =	vst v63  }
0xcb: {  	_ =	swait.ge [sflag:s5], $0x1900  }
0xcc: {  	[sflag:s5] =	ssyncset.done $0x0  }
0xcd: {  	[sflag:s5] =	ssyncadd.s32 $0xFFFFE700  }
0xce: {  	[spmem:s2] =	stream.indirect.scatter.add.f32 [tilespmem:s24], [sflag:$0x9], $0x10, s21, s10, $0xb8;
	[tilespmem:$0x1DB60] =	vst v63  }
0xcf: {  	_ =	swait.ge [sflag:s17], $0x190  }
0xd0: {  	[sflag:s17] =	ssyncset.done $0x0  }
0xd1: {  	[sflag:s17] =	ssyncadd.s32 $0xFFFFFE70  }
0xd2: {  	_ =	swait.ge [sflag:s17], $0x190  }
0xd3: {  	[sflag:s17] =	ssyncset.done $0x0  }
0xd4: {  	[sflag:s17] =	ssyncadd.s32 $0xFFFFFE70  }
0xd5: {  	[tilespmem:s18], [sflag:$0x5] =	stream.indirect.gather [hbm4b:s4+s10], $0x10, s15, s10, $0xb8;
	[tilespmem:$0x1DB60] =	vst v63  }
0xd6: {  	_ =	swait.ge [sflag:s6], $0x1900  }
0xd7: {  	[sflag:s6] =	ssyncset.done $0x0  }
0xd8: {  	s8 =	sadd.s32 $0xFA, s8;
	[sflag:s6] =	ssyncadd.s32 $0xFFFFE700  }
0xd9: {  	[tilespmem:s20], [sflag:$0x3] =	stream.linear.gather [hbm4b:s8+s3], $0x190, $0x38;
	[tilespmem:$0x1DB60] =	vst v63  }
0xda: {  	s13 =	sadd.s32 $0xFA, s13  }
0xdb: {  	[tilespmem:s21], [sflag:$0x3] =	stream.linear.gather [hbm4b:s13+s3], $0x190, $0x38;
	[tilespmem:$0x1DB60] =	vst v63  }
0xdc: {  	_ =	swait.ge [sflag:s22], $0x1900  }
0xdd: {  	[sflag:s22] =	ssyncset.done $0x0  }
0xde: {  	p1 =	sne.s32 s12, $0x2F76;
	[sflag:s22] =	ssyncadd.s32 $0xFFFFE700  }
0xdf: {  	[spmem:s2] =	stream.indirect.scatter.add.f32 [tilespmem:s11], [sflag:$0x7], $0x10, s0, s10, $0xb8;
	[tilespmem:$0x1DB60] =	vst v63  }
.Ltmp3:
0xe0: {  	_ =	swait.ge [sflag:s23], $0x190;
	(pc) =	sbr.rel @p1 .LBB2_6-.Ltmp3, $4  }
0xe1: {  	[sflag:s23] =	ssyncset.done $0x0  }
0xe2: {  	[sflag:s23] =	ssyncadd.s32 $0xFFFFFE70  }
0xe3: {  	_ =	swait.ge [sflag:s23], $0x190  }
0xe4: {  	s12 =	sadd.s32 $0x96, s12;
	[sflag:s23] =	ssyncset.done $0x0  }
.Ltmp4:
0xe5: {  	_ = 	snop;
	(pc) =	sbr.rel .LBB2_7-.Ltmp4, $1  }
0xe6: {  	_ =	sdelay $0x3  }
.LBB2_2:
0xe7: {  	s12 =	rddreg [dreg:$0x10]  }
0xe8: {  	[tilespmem:s31], [sflag:$0x1] =	stream.linear.gather [hbm4b:s12+s8], $0x190, $0x38;
	[tilespmem:$0x1DB60] =	vst v63  }
0xe9: {  	s29 =	rddreg [dreg:$0x11]  }
0xea: {  	[tilespmem:s0], [sflag:$0x1] =	stream.linear.gather [hbm4b:s29+s8], $0x190, $0x38;
	[tilespmem:$0x1DB60] =	vst v63  }
0xeb: {  	_ =	swait.ge [sflag:s1], $0x190  }
0xec: {  	[sflag:s1] =	ssyncset.done $0x0  }
0xed: {  	[sflag:s1] =	ssyncadd.s32 $0xFFFFFE70  }
0xee: {  	_ =	swait.ge [sflag:s1], $0x190  }
0xef: {  	[sflag:s1] =	ssyncset.done $0x0  }
0xf0: {  	[sflag:s1] =	ssyncadd.s32 $0xFFFFFE70  }
0xf1: {  	[tilespmem:s11], [sflag:$0x4] =	stream.indirect.gather [hbm4b:s4+s10], $0x10, s31, s10, $0xb8;
	[tilespmem:$0x1DB60] =	vst v63  }
0xf2: {  	s13 =	rddreg [dreg:$0x12]  }
0xf3: {  	[tilespmem:s15], [sflag:$0x2] =	stream.linear.gather [hbm4b:s13+s8], $0x190, $0x38;
	[tilespmem:$0x1DB60] =	vst v63  }
0xf4: {  	s14 =	rddreg [dreg:$0x13]  }
0xf5: {  	[tilespmem:s16], [sflag:$0x2] =	stream.linear.gather [hbm4b:s14+s8], $0x190, $0x38;
	[tilespmem:$0x1DB60] =	vst v63  }
0xf6: {  	_ =	swait.ge [sflag:s17], $0x190  }
0xf7: {  	[sflag:s17] =	ssyncset.done $0x0  }
0xf8: {  	[sflag:s17] =	ssyncadd.s32 $0xFFFFFE70  }
0xf9: {  	_ =	swait.ge [sflag:s17], $0x190  }
0xfa: {  	[sflag:s17] =	ssyncset.done $0x0  }
0xfb: {  	[sflag:s17] =	ssyncadd.s32 $0xFFFFFE70  }
0xfc: {  	[tilespmem:s18], [sflag:$0x5] =	stream.indirect.gather [hbm4b:s4+s10], $0x10, s15, s10, $0xb8;
	[tilespmem:$0x1DB60] =	vst v63  }
0xfd: {  	s29 =	rddreg [dreg:$0x19]  }
0xfe: {  	[tilespmem:s20], [sflag:$0x3] =	stream.linear.gather [hbm4b:s29+s8], $0x190, $0x38;
	[tilespmem:$0x1DB60] =	vst v63  }
0xff: {  	s13 =	rddreg [dreg:$0x1a]  }
0x100: {  	[tilespmem:s21], [sflag:$0x3] =	stream.linear.gather [hbm4b:s13+s8], $0x190, $0x38;
	[tilespmem:$0x1DB60] =	vst v63  }
0x101: {  	_ =	swait.ge [sflag:s22], $0x1900  }
0x102: {  	[sflag:s22] =	ssyncset.done $0x0  }
0x103: {  	[sflag:s22] =	ssyncadd.s32 $0xFFFFE700  }
0x104: {  	[spmem:s2] =	stream.indirect.scatter.add.f32 [tilespmem:s11], [sflag:$0x7], $0x10, s0, s10, $0xb8;
	[tilespmem:$0x1DB60] =	vst v63  }
0x105: {  	_ =	swait.ge [sflag:s23], $0x190  }
0x106: {  	[sflag:s23] =	ssyncset.done $0x0  }
0x107: {  	[sflag:s23] =	ssyncadd.s32 $0xFFFFFE70  }
0x108: {  	_ =	swait.ge [sflag:s23], $0x190  }
0x109: {  	[sflag:s23] =	ssyncset.done $0x0  }
0x10a: {  	[sflag:s23] =	ssyncadd.s32 $0xFFFFFE70  }
0x10b: {  	[tilespmem:s24], [sflag:$0x6] =	stream.indirect.gather [hbm4b:s4+s10], $0x10, s20, s10, $0xb8;
	[tilespmem:$0x1DB60] =	vst v63  }
0x10c: {  	_ =	swait.ge [sflag:s25], $0x1900  }
0x10d: {  	s14 =	rddreg [dreg:$0x4]  }
0x10e: {  	s29 =	rddreg [dreg:$0x3];
	[sflag:s25] =	ssyncset.done $0x0;
	s8 =	sadd.s32 $0x0, s14  }
0x10f: {  	[sflag:s25] =	ssyncadd.s32 $0xFFFFE700;
	s12 =	sadd.s32 $0x0, s29;
	s13 =	sadd.s32 $0x96, s8  }
0x110: {  	[tilespmem:s31], [sflag:$0x1] =	stream.linear.gather [hbm4b:s13+s3], $0x190, $0x38;
	[tilespmem:$0x1DB60] =	vst v63  }
0x111: {  	s14 =	sadd.s32 $0x96, s12  }
0x112: {  	[tilespmem:s0], [sflag:$0x1] =	stream.linear.gather [hbm4b:s14+s3], $0x190, $0x38;
	[tilespmem:$0x1DB60] =	vst v63  }
0x113: {  	_ =	swait.ge [sflag:s26], $0x1900  }
0x114: {  	[sflag:s26] =	ssyncset.done $0x0  }
0x115: {  	[sflag:s26] =	ssyncadd.s32 $0xFFFFE700  }
0x116: {  	[spmem:s2] =	stream.indirect.scatter.add.f32 [tilespmem:s18], [sflag:$0x8], $0x10, s16, s10, $0xb8;
	[tilespmem:$0x1DB60] =	vst v63  }
0x117: {  	_ =	swait.ge [sflag:s1], $0x190  }
0x118: {  	[sflag:s1] =	ssyncset.done $0x0  }
0x119: {  	[sflag:s1] =	ssyncadd.s32 $0xFFFFFE70  }
0x11a: {  	_ =	swait.ge [sflag:s1], $0x190  }
0x11b: {  	[sflag:s1] =	ssyncset.done $0x0  }
0x11c: {  	[sflag:s1] =	ssyncadd.s32 $0xFFFFFE70  }
0x11d: {  	[tilespmem:s11], [sflag:$0x4] =	stream.indirect.gather [hbm4b:s4+s10], $0x10, s31, s10, $0xb8;
	[tilespmem:$0x1DB60] =	vst v63  }
0x11e: {  	_ =	swait.ge [sflag:s28], $0x1900  }
0x11f: {  	[sflag:s28] =	ssyncset.done $0x0  }
0x120: {  	s29 =	sadd.s32 $0xC8, s8;
	[sflag:s28] =	ssyncadd.s32 $0xFFFFE700  }
0x121: {  	[tilespmem:s15], [sflag:$0x2] =	stream.linear.gather [hbm4b:s29+s3], $0x190, $0x38;
	[tilespmem:$0x1DB60] =	vst v63  }
0x122: {  	s14 =	sadd.s32 $0xC8, s12  }
0x123: {  	[tilespmem:s16], [sflag:$0x2] =	stream.linear.gather [hbm4b:s14+s3], $0x190, $0x38;
	[tilespmem:$0x1DB60] =	vst v63  }
0x124: {  	_ =	swait.ge [sflag:s5], $0x1900  }
0x125: {  	[sflag:s5] =	ssyncset.done $0x0  }
0x126: {  	[sflag:s5] =	ssyncadd.s32 $0xFFFFE700  }
0x127: {  	[spmem:s2] =	stream.indirect.scatter.add.f32 [tilespmem:s24], [sflag:$0x9], $0x10, s21, s10, $0xb8;
	[tilespmem:$0x1DB60] =	vst v63  }
0x128: {  	_ =	swait.ge [sflag:s17], $0x190  }
0x129: {  	[sflag:s17] =	ssyncset.done $0x0  }
0x12a: {  	[sflag:s17] =	ssyncadd.s32 $0xFFFFFE70  }
0x12b: {  	_ =	swait.ge [sflag:s17], $0x190  }
0x12c: {  	[sflag:s17] =	ssyncset.done $0x0  }
0x12d: {  	[sflag:s17] =	ssyncadd.s32 $0xFFFFFE70  }
0x12e: {  	[tilespmem:s18], [sflag:$0x5] =	stream.indirect.gather [hbm4b:s4+s10], $0x10, s15, s10, $0xb8;
	[tilespmem:$0x1DB60] =	vst v63  }
0x12f: {  	_ =	swait.ge [sflag:s6], $0x1900  }
0x130: {  	[sflag:s6] =	ssyncset.done $0x0  }
0x131: {  	s8 =	sadd.s32 $0xFA, s8;
	[sflag:s6] =	ssyncadd.s32 $0xFFFFE700  }
0x132: {  	[tilespmem:s20], [sflag:$0x3] =	stream.linear.gather [hbm4b:s8+s3], $0x190, $0x38;
	[tilespmem:$0x1DB60] =	vst v63  }
0x133: {  	s29 =	sadd.s32 $0xFA, s12  }
0x134: {  	[tilespmem:s21], [sflag:$0x3] =	stream.linear.gather [hbm4b:s29+s3], $0x190, $0x38;
	[tilespmem:$0x1DB60] =	vst v63  }
0x135: {  	_ =	swait.ge [sflag:s22], $0x1900  }
0x136: {  	[sflag:s22] =	ssyncset.done $0x0  }
0x137: {  	[sflag:s22] =	ssyncadd.s32 $0xFFFFE700  }
0x138: {  	[spmem:s2] =	stream.indirect.scatter.add.f32 [tilespmem:s11], [sflag:$0x7], $0x10, s0, s10, $0xb8;
	[tilespmem:$0x1DB60] =	vst v63  }
0x139: {  	_ =	swait.ge [sflag:s23], $0x190  }
0x13a: {  	[sflag:s23] =	ssyncset.done $0x0  }
0x13b: {  	[sflag:s23] =	ssyncadd.s32 $0xFFFFFE70  }
0x13c: {  	_ =	swait.ge [sflag:s23], $0x190  }
0x13d: {  	s12 =	simm.s32 $0x96;
	[sflag:s23] =	ssyncset.done $0x0  }
.LBB2_3:
0x13e: {  	[sflag:s23] =	ssyncadd.s32 $0xFFFFFE70  }
0x13f: {  	[tilespmem:s24], [sflag:$0x6] =	stream.indirect.gather [hbm4b:s4+s10], $0x10, s20, s10, $0xb8;
	[tilespmem:$0x1DB60] =	vst v63  }
0x140: {  	_ =	swait.ge [sflag:s25], $0x1900  }
0x141: {  	s8 =	smov.u32 s12;
	s13 =	rddreg [dreg:$0x4]  }
0x142: {  	s29 =	rddreg [dreg:$0x3];
	[sflag:s25] =	ssyncset.done $0x0;
	s13 =	sadd.s32 s8, s13  }
0x143: {  	[sflag:s25] =	ssyncadd.s32 $0xFFFFE700;
	s8 =	sadd.s32 s8, s29;
	s14 =	sadd.s32 $0x96, s13  }
0x144: {  	[tilespmem:s31], [sflag:$0x1] =	stream.linear.gather [hbm4b:s14+s3], $0x190, $0x38;
	[tilespmem:$0x1DB60] =	vst v63  }
0x145: {  	s29 =	sadd.s32 $0x96, s8  }
0x146: {  	[tilespmem:s0], [sflag:$0x1] =	stream.linear.gather [hbm4b:s29+s3], $0x190, $0x38;
	[tilespmem:$0x1DB60] =	vst v63  }
0x147: {  	_ =	swait.ge [sflag:s26], $0x1900  }
0x148: {  	[sflag:s26] =	ssyncset.done $0x0  }
0x149: {  	[sflag:s26] =	ssyncadd.s32 $0xFFFFE700  }
0x14a: {  	[spmem:s2] =	stream.indirect.scatter.add.f32 [tilespmem:s18], [sflag:$0x8], $0x10, s16, s10, $0xb8;
	[tilespmem:$0x1DB60] =	vst v63  }
0x14b: {  	_ =	swait.ge [sflag:s1], $0x190  }
0x14c: {  	[sflag:s1] =	ssyncset.done $0x0  }
0x14d: {  	[sflag:s1] =	ssyncadd.s32 $0xFFFFFE70  }
0x14e: {  	_ =	swait.ge [sflag:s1], $0x190  }
0x14f: {  	[sflag:s1] =	ssyncset.done $0x0  }
0x150: {  	[sflag:s1] =	ssyncadd.s32 $0xFFFFFE70  }
0x151: {  	[tilespmem:s11], [sflag:$0x4] =	stream.indirect.gather [hbm4b:s4+s10], $0x10, s31, s10, $0xb8;
	[tilespmem:$0x1DB60] =	vst v63  }
0x152: {  	_ =	swait.ge [sflag:s28], $0x1900  }
0x153: {  	[sflag:s28] =	ssyncset.done $0x0  }
0x154: {  	s14 =	sadd.s32 $0xC8, s13;
	[sflag:s28] =	ssyncadd.s32 $0xFFFFE700  }
0x155: {  	[tilespmem:s15], [sflag:$0x2] =	stream.linear.gather [hbm4b:s14+s3], $0x190, $0x38;
	[tilespmem:$0x1DB60] =	vst v63  }
0x156: {  	s29 =	sadd.s32 $0xC8, s8  }
0x157: {  	[tilespmem:s16], [sflag:$0x2] =	stream.linear.gather [hbm4b:s29+s3], $0x190, $0x38;
	[tilespmem:$0x1DB60] =	vst v63  }
0x158: {  	_ =	swait.ge [sflag:s5], $0x1900  }
0x159: {  	[sflag:s5] =	ssyncset.done $0x0  }
0x15a: {  	[sflag:s5] =	ssyncadd.s32 $0xFFFFE700  }
0x15b: {  	[spmem:s2] =	stream.indirect.scatter.add.f32 [tilespmem:s24], [sflag:$0x9], $0x10, s21, s10, $0xb8;
	[tilespmem:$0x1DB60] =	vst v63  }
0x15c: {  	_ =	swait.ge [sflag:s17], $0x190  }
0x15d: {  	[sflag:s17] =	ssyncset.done $0x0  }
0x15e: {  	[sflag:s17] =	ssyncadd.s32 $0xFFFFFE70  }
0x15f: {  	_ =	swait.ge [sflag:s17], $0x190  }
0x160: {  	[sflag:s17] =	ssyncset.done $0x0  }
0x161: {  	[sflag:s17] =	ssyncadd.s32 $0xFFFFFE70  }
0x162: {  	[tilespmem:s18], [sflag:$0x5] =	stream.indirect.gather [hbm4b:s4+s10], $0x10, s15, s10, $0xb8;
	[tilespmem:$0x1DB60] =	vst v63  }
0x163: {  	_ =	swait.ge [sflag:s6], $0x1900  }
0x164: {  	[sflag:s6] =	ssyncset.done $0x0  }
0x165: {  	s13 =	sadd.s32 $0xFA, s13;
	[sflag:s6] =	ssyncadd.s32 $0xFFFFE700  }
0x166: {  	[tilespmem:s20], [sflag:$0x3] =	stream.linear.gather [hbm4b:s13+s3], $0x190, $0x38;
	[tilespmem:$0x1DB60] =	vst v63  }
0x167: {  	s8 =	sadd.s32 $0xFA, s8  }
0x168: {  	[tilespmem:s21], [sflag:$0x3] =	stream.linear.gather [hbm4b:s8+s3], $0x190, $0x38;
	[tilespmem:$0x1DB60] =	vst v63  }
0x169: {  	_ =	swait.ge [sflag:s22], $0x1900  }
0x16a: {  	[sflag:s22] =	ssyncset.done $0x0  }
0x16b: {  	p1 =	seq.s32 s12, $0x2F76;
	[sflag:s22] =	ssyncadd.s32 $0xFFFFE700  }
0x16c: {  	[spmem:s2] =	stream.indirect.scatter.add.f32 [tilespmem:s11], [sflag:$0x7], $0x10, s0, s10, $0xb8;
	[tilespmem:$0x1DB60] =	vst v63  }
.Ltmp5:
0x16d: {  	_ =	swait.ge [sflag:s23], $0x190;
	(pc) =	sbr.rel @!p1 .LBB2_3-.Ltmp5, $4  }
0x16e: {  	[sflag:s23] =	ssyncset.done $0x0  }
0x16f: {  	[sflag:s23] =	ssyncadd.s32 $0xFFFFFE70  }
0x170: {  	_ =	swait.ge [sflag:s23], $0x190  }
0x171: {  	s12 =	sadd.s32 $0x96, s12;
	[sflag:s23] =	ssyncset.done $0x0  }
.Ltmp6:
0x172: {  	(pc) =	sbr.rel .LBB2_8-.Ltmp6, $4  }
0x173: {  	s13 =	rddreg [dreg:$0x7]  }
0x174: {  	s12 =	rddreg [dreg:$0x8]  }
0x175: {  	[sflag:s23] =	ssyncadd.s32 $0xFFFFFE70;
	s8 =	rddreg [dreg:$0xc]  }
0x176: {  	[tilespmem:s24], [sflag:$0x6] =	stream.indirect.gather [hbm4b:s4+s10], $0x10, s20, s10, $0xb8;
	[tilespmem:$0x1DB60] =	vst v63  }
.LBB2_9:
0x177: {  	_ =	sfence.sel $0x180000  }
0x178: {  	[bflag:$0x0] =	sbarrier.arrive $0xFFFF  }
0x179: {  	_ =	strace $0x9000004A  }
0x17a: {  	s0 =	stileid.u32;
	[bflag:$0x2] =	sbarrier.arrive $0xFFFF  }
0x17b: {  	p0 =	sne.s32 s0, $0x0;
	s0 =	rddreg [dreg:$0x2]  }
0x17c: {  	s0 =	sadd.s32 @!p0 $0x100000, s0  }
0x17d: {  	[sflag:s0] =	ssyncadd.tile.s32 @!p0 $0x1;
	_ =	shalt  }
.Lfunc_end2:
_tile_overlayer_lowered:
.L_overlay_start_2:
0x17e: {  	(tag) =	ssettag $0x2  }
0x17f: {  	s0 =	rddreg [dreg:$0x0];
	s2 =	stileid.u32  }
0x180: {  	s1 =	rddreg [dreg:$0x1];
	p0 =	sne.s32 s2, $0x0  }
0x181: {  	s3 =	rddreg [dreg:$0x2];
	[bflag:$0x3] =	sbarrier.arrive $0xFFFF;
	s2 =	simm.s32 @!p0 $0x1C0A  }
0x182: {  	[timem:s3], [sflag:s2] =	dma.local @!p0 [hbm:s0], s1  }
0x183: {  	s0 =	simm.s32 @!p0 $0xA  }
0x184: {  	_ =	swait.ge @!p0 [sflag:s0], s1  }
0x185: {  	s1 =	ssub.s32 @!p0 $0x0, s1;
	[sflag:s0] =	ssyncset.done @!p0 $0x0  }
0x186: {  	[sflag:s0] =	ssyncadd.s32 @!p0 s1  }
0x187: {  	[bflag:$0x3] =	sbarrier.arrive $0xFFFF  }
0x188: {  	_ =	shalt  }

// kernel: kernel.13.cloned.1.call-start
scs
__scs_entry_jumppad:
0x0: {  	(pc) =	sbr.rel $0x88, $3  }
0x1: {  	(tag) =	ssettag $0x0;
	lr =	simm.s32 $0x1  }
0x2: {  	[smem:$0x3F93] =	sst lr;
	_ =	strace $0xD0000000  }
0x3: {  	_ = 	snop  }
0x4: {  	_ = 	snop  }
0x5: {  	_ = 	snop  }
0x6: {  	_ = 	snop  }
0x7: {  	_ = 	snop  }
__scs_overlays_trampoline_lowered:
0x8: {  	[smem:$0x3FA2] =	sst s0  }
0x9: {  	[smem:$0x3FA3] =	sst s1  }
0xa: {  	[smem:$0x3FA4] =	sst s2  }
0xb: {  	[smem:$0x3FA5] =	sst s3  }
0xc: {  	[smem:$0x3FA6] =	sst s4  }
0xd: {  	[smem:$0x3FA7] =	sst s5  }
0xe: {  	[smem:$0x3FA8] =	sst s6  }
0xf: {  	[smem:$0x3FA9] =	sst s7  }
0x10: {  	[smem:$0x3FAA] =	sst s8  }
0x11: {  	[smem:$0x3FAB] =	sst s9;
	s0 =	simm.s32 @!p0 $0x0  }
0x12: {  	s1 =	sld [smem:$0x3F91];
	s0 =	simm.s32 @p0 $0x1  }
0x13: {  	[smem:$0x3FAC] =	sst s0;
	s0 =	simm.s32 @!p1 $0x0  }
0x14: {  	s2 =	sld [smem:$0x3F90];
	s0 =	simm.s32 @p1 $0x1  }
0x15: {  	[smem:$0x3FAD] =	sst s0;
	s0 =	simm.s32 @!p2 $0x0  }
0x16: {  	s3 =	sld [smem:$0x3FDB];
	s0 =	simm.s32 @p2 $0x1  }
0x17: {  	s4 =	simm.s32 $0x1BF5;
	[smem:$0x3FAF] =	sst s0  }
0x18: {  	s0 =	sld [smem:$0x3F92];
	_ =	swait.ge [sflag:s4], $0x0  }
0x19: {  	s7 =	sld [smem:$0x3F93]  }
0x1a: {  	s8 =	sadd.s32 $0xFFFFE003, lr  }
0x1b: {  	s9 =	sadd.s32 $0xFFFFFEF7, lr;
	s5 =	simm.s32 $0xFFFFFFFF;
	p2 =	slt.u32 s8, $0xFFFFF086  }
0x1c: {  	p1 =	slt.u32 s9, $0xF7A;
	s5 =	simm.s32 @!p2 $0x0  }
0x1d: {  	s5 =	simm.s32 @p1 $0x1;
	p0 =	seq.s32 s7, s2  }
0x1e: {  	s7 =	smul.u32 @!p0 $0xF7A, s2;
	p2 =	seq.s32 @!p0 s5, $0x0  }
0x1f: {  	s9 =	smul.u32 $0xF7A, s1;
	s8 =	simm.s32 @!p0 $0x1BF5;
	p2 =	por !p2, p0  }
0x20: {  	[sflag:s8] =	ssyncset.s32 @!p0 $0xFFFFF086;
	s6 =	sadd.s32 @!p0 s3, s7;
	s7 =	simm.s32 @!p0 $0x108  }
0x21: {  	s3 =	sadd.s32 s3, s9;
	s6 =	sadd.s32 @!p0 $0x88, s6;
	s7 =	simm.s32 @p2 $0x1082  }
0x22: {  	[simem:s7], [sflag:s8] =	dma.local @!p0 [hbm:s6], $0xF7A  }
0x23: {  	s9 =	sor.u32 $0xD0000000, s2;
	s6 =	simm.s32 $0x108;
	_ =	swait.ge @!p0 [sflag:s8], $0x0  }
0x24: {  	s3 =	sadd.s32 $0x88, s3;
	s6 =	simm.s32 @!p1 $0x1082;
	[sflag:s4] =	ssyncset.s32 $0xFFFFF086  }
0x25: {  	[simem:s6], [sflag:s4] =	dma.local [hbm:s3], $0xF7A  }
0x26: {  	[smem:$0x3F93] =	sst s1;
	(tag) =	ssettag s2;
	_ =	strace s9  }
0x27: {  	s1 =	sld [smem:$0x3FA3]  }
0x28: {  	s2 =	sld [smem:$0x3FA4]  }
0x29: {  	s4 =	sld [smem:$0x3FA6]  }
0x2a: {  	p0 =	seq.s32 s5, $0x0;
	s5 =	sld [smem:$0x3FA7]  }
0x2b: {  	s6 =	sld [smem:$0x3FA8]  }
0x2c: {  	s7 =	sld [smem:$0x3FA9]  }
0x2d: {  	s3 =	simm.s32 $0x108;
	s8 =	sld [smem:$0x3FAA]  }
0x2e: {  	s3 =	simm.s32 @!p0 $0x1082;
	s9 =	sld [smem:$0x3FAB]  }
0x2f: {  	lr =	sadd.s32 s0, s3;
	s0 =	sld [smem:$0x3FA2]  }
0x30: {  	s3 =	sld [smem:$0x3FA5]  }
0x31: {  	[smem:$0x3FAE] =	sst s10  }
0x32: {  	s10 =	sld [smem:$0x3FAC];
	_ =	sdelay $0x3  }
0x33: {  	p0 =	seq.s32 s10, $0x1;
	s10 =	sld [smem:$0x3FAE];
	_ =	sdelay $0x3  }
0x34: {  	[smem:$0x3FAE] =	sst s10  }
0x35: {  	s10 =	sld [smem:$0x3FAD];
	_ =	sdelay $0x3  }
0x36: {  	p1 =	seq.s32 s10, $0x1;
	s10 =	sld [smem:$0x3FAE];
	_ =	sdelay $0x3  }
0x37: {  	[smem:$0x3FAE] =	sst s10  }
0x38: {  	s10 =	sld [smem:$0x3FAF]  }
0x39: {  	_ = 	snop;
	(pc) =	sbr.ind lr, $3  }
0x3a: {  	_ = 	snop  }
0x3b: {  	_ = 	snop  }
0x3c: {  	p2 =	seq.s32 s10, $0x1;
	s10 =	sld [smem:$0x3FAE]  }
0x3d: {  	_ =	shalt  }
0x3e: {  	_ =	shalt  }
0x3f: {  	_ =	shalt  }
0x40: {  	_ =	shalt  }
0x41: {  	_ =	shalt  }
0x42: {  	_ =	shalt  }
0x43: {  	_ =	shalt  }
0x44: {  	_ =	shalt  }
0x45: {  	_ =	shalt  }
0x46: {  	_ =	shalt  }
0x47: {  	_ =	shalt  }
0x48: {  	_ =	shalt  }
0x49: {  	_ =	shalt  }
0x4a: {  	_ =	shalt  }
0x4b: {  	_ =	shalt  }
0x4c: {  	_ =	shalt  }
0x4d: {  	_ =	shalt  }
0x4e: {  	_ =	shalt  }
0x4f: {  	_ =	shalt  }
0x50: {  	_ =	shalt  }
0x51: {  	_ =	shalt  }
0x52: {  	_ =	shalt  }
0x53: {  	_ =	shalt  }
0x54: {  	_ =	shalt  }
0x55: {  	_ =	shalt  }
0x56: {  	_ =	shalt  }
0x57: {  	_ =	shalt  }
0x58: {  	_ =	shalt  }
0x59: {  	_ =	shalt  }
0x5a: {  	_ =	shalt  }
0x5b: {  	_ =	shalt  }
0x5c: {  	_ =	shalt  }
0x5d: {  	_ =	shalt  }
0x5e: {  	_ =	shalt  }
0x5f: {  	_ =	shalt  }
0x60: {  	_ =	shalt  }
0x61: {  	_ =	shalt  }
0x62: {  	_ =	shalt  }
0x63: {  	_ =	shalt  }
0x64: {  	_ =	shalt  }
0x65: {  	_ =	shalt  }
0x66: {  	_ =	shalt  }
0x67: {  	_ =	shalt  }
0x68: {  	_ =	shalt  }
0x69: {  	_ =	shalt  }
0x6a: {  	_ =	shalt  }
0x6b: {  	_ =	shalt  }
0x6c: {  	_ =	shalt  }
0x6d: {  	_ =	shalt  }
0x6e: {  	_ =	shalt  }
0x6f: {  	_ =	shalt  }
0x70: {  	_ =	shalt  }
0x71: {  	_ =	shalt  }
0x72: {  	_ =	shalt  }
0x73: {  	_ =	shalt  }
0x74: {  	_ =	shalt  }
0x75: {  	_ =	shalt  }
0x76: {  	_ =	shalt  }
0x77: {  	_ =	shalt  }
0x78: {  	_ =	shalt  }
0x79: {  	_ =	shalt  }
0x7a: {  	_ =	shalt  }
0x7b: {  	_ =	shalt  }
0x7c: {  	_ =	shalt  }
0x7d: {  	_ =	shalt  }
0x7e: {  	_ =	shalt  }
0x7f: {  	_ =	shalt  }
0x80: {  	_ =	shalt  }
0x81: {  	_ =	shalt  }
0x82: {  	_ =	shalt  }
0x83: {  	_ =	shalt  }
0x84: {  	_ =	shalt  }
0x85: {  	_ =	shalt  }
0x86: {  	_ =	shalt  }
0x87: {  	_ =	shalt  }
.Lfunc_end0:
.L_simem_size_0:
called_computation.2_lowered:
.L_overlay_start_0:
0x88: {  	s2 =	sld [smem:$0x3FD9]  }
0x89: {  	s3 =	sld [smem:$0x3FFE];
	_ =	sdelay $0x1  }
0x8a: {  	s1 =	srdreg.scid  }
0x8b: {  	s0 =	sand.u32 $0x1, s1  }
0x8c: {  	s16 =	sshll.u32 s0, $0xA;
	s2 =	sadd.s32 s3, s2  }
0x8d: {  	s2 =	sadd.s32 s2, s16  }
0x8e: {  	[smem:$0x3FBA] =	sst s2  }
0x8f: {  	_ = 	snop  }
0x90: {  	(tm) =	ssettm $0x1  }
0x91: {  	s17 =	sld [smem:$0x3FFB];
	_ =	sdelay $0x3  }
0x92: {  	_ =	strace s17  }
0x93: {  	s2 =	sld [smem:$0x3FFC];
	_ =	sdelay $0x3  }
0x94: {  	_ =	strace s2  }
0x95: {  	s2 =	sld [smem:$0x3FFD];
	_ =	sdelay $0x3  }
0x96: {  	_ =	strace s2  }
0x97: {  	_ =	strace $0x8FFFFFFF  }
0x98: {  	s18 =	sld [smem:$0x3FDB];
	_ =	sdelay $0x1  }
0x99: {  	s19 =	simm.s32 $_scs_section_size  }
0x9a: {  	s4 =	simm.s32 $_size__tile_overlayer_lowered;
	s5 =	simm.s32 $_tile_overlayer_lowered  }
0x9b: {  	s22 =	simm.s32 $0x1BFF;
	s21 =	sshll.u32 s5, $0x1;
	s2 =	sadd.s32 s19, s18  }
0x9c: {  	s6 =	simm.s32 $0x0;
	s20 =	sshll.u32 s4, $0x1;
	s4 =	sadd.s32 s21, s2  }
0x9d: {  	[timem:s6], [sflag:s22] =	dma.local [hbm:s4], s20  }
0x9e: {  	_ =	swait.ge [sflag:s22], s20  }
0x9f: {  	s3 =	ssub.s32 $0x0, s20;
	[sflag:s22] =	ssyncset.done $0x0  }
0xa0: {  	[sflag:s22] =	ssyncadd.s32 s3;
	_ =	sdelay $0x1  }
0xa1: {  	s23 =	simm.s32 $0x1B8B  }
0xa2: {  	_ =	swait.ge [sflag:s23], $0x1  }
0xa3: {  	[sflag:s23] =	ssyncset.done $0x0  }
0xa4: {  	s25 =	simm.s32 $0x1B8E;
	s24 =	sld [smem:$0x3FFE];
	[sflag:s23] =	ssyncadd.s32 $0xFFFFFFFF  }
0xa5: {  	s26 =	simm.s32 $execute0_lowered;
	[smem:$0x3FD2] =	sst s25  }
0xa6: {  	s4 =	sshll.u32 s26, $0x1;
	_ =	strace $0x8000004C;
	[dreg:$0x1] =	wrdreg $0xFFFFFFFF  }
0xa7: {  	s28 =	simm.s32 $_size_execute0_lowered;
	s2 =	sadd.s32 s2, s4;
	[dreg:$0x0] =	wrdreg $0x0  }
0xa8: {  	s4 =	sshll.u32 s28, $0x1;
	[dreg:$0x2] =	wrdreg s2  }
0xa9: {  	[dreg:$0x3] =	wrdreg s4  }
0xaa: {  	[dreg:$0x4] =	wrdreg $0xC0  }
0xab: {  	_ =	task [dreg:s6], $0x5FFFF  }
0xac: {  	[dreg:$0x1] =	wrdreg $0xFFFFFFFF  }
0xad: {  	[dreg:$0x0] =	wrdreg $0x60  }
0xae: {  	[dreg:$0x2] =	wrdreg s24  }
0xaf: {  	[dreg:$0x3] =	wrdreg $0x0  }
0xb0: {  	[dreg:$0x4] =	wrdreg $0x9  }
0xb1: {  	_ =	task.clear_ibuf [dreg:s6], $0x5FFFF;
	_ =	strace $0x9000004C  }
0xb2: {  	s29 =	simm.s32 $0x9;
	_ =	strace $0x8000004E  }
0xb3: {  	_ =	swait.ge [sflag:s29], $0x1  }
0xb4: {  	[sflag:s29] =	ssyncadd.s32 $0xFFFFFFFF  }
0xb5: {  	_ =	strace $0x9000004E  }
0xb6: {  	_ =	sfence  }
0xb7: {  	s30 =	sld [smem:$0x0];
	_ =	sdelay $0x2  }
0xb8: {  	s31 =	sshll.u32 s1, $0xD;
	s1 =	sshrl.u32 s1, $0x2  }
0xb9: {  	s3 =	sand.u32 $0x4000, s31;
	s1 =	sadd.s32 s1, s30  }
0xba: {  	s0 =	sor.u32 s3, s0;
	s1 =	sshll.u32 s1, $0x11  }
0xbb: {  	s0 =	sor.u32 s1, s0  }
0xbc: {  	s0 =	sadd.s32 $0x8F2B, s0  }
0xbd: {  	[sflag:s0] =	ssyncadd.remote.s32 $0x1  }
0xbe: {  	_ =	sfence.sel $0xFFFF  }
0xbf: {  	[dreg:$0x0] =	wrdreg $0xFFFFFFFF;
	(pc) =	sbr.abs _section_cstart, $3  }
0xc0: {  	[dreg:$0x1] =	wrdreg $0xFFFFFFFF  }
0xc1: {  	_ =	task.clear_ibuf [dreg:s6], $0x2FFFF;
	_ =	strace $0x9FFFFFFF  }
0xc2: {  	(tm) =	ssettm $0x7FFFFFFF  }
0xc3: {  	_ =	shalt  }
tec
execute0_lowered:
.L_overlay_start_1:
0x0: {  	(tag) =	ssettag $0x1  }
0x1: {  	s0 =	rddreg [dreg:$0x0]  }
0x2: {  	s1 =	rddreg [dreg:$0x1];
	s3 =	simm.s32 $0x0;
	s9 =	stileid.u32  }
0x3: {  	s6 =	srdreg.scid;
	s28 =	simm.s32 $0x7;
	s29 =	simm.s32 $0x5  }
0x4: {  	[smem:$0x7FF] =	sst s3;
	s4 =	sadd.s32 $0xC7800, s0;
	s14 =	sadd.s32 $0x15A200, s0  }
0x5: {  	s10 =	sadd.s32 $0x4000, s0;
	_ =	strace $0x8000004D;
	[dreg:$0xc] =	wrdreg s14  }
0x6: {  	s5 =	sadd.s32 $0x129400, s0;
	s11 =	sadd.s32 $0x34E00, s0;
	[dreg:$0x7] =	wrdreg s10  }
0x7: {  	s2 =	smul.u32 $0x18700, s9;
	s12 =	sadd.s32 $0x65C00, s0;
	[dreg:$0x8] =	wrdreg s11  }
0x8: {  	s13 =	sadd.s32 $0x96A00, s0;
	s21 =	sshll.u32 s9, $0x6;
	[dreg:$0x9] =	wrdreg s12  }
0x9: {  	s22 =	smul.u32 $0x30D4, s9;
	s14 =	sor.u32 $0x1C0A, s21;
	[dreg:$0xb] =	wrdreg s13  }
0xa: {  	s31 =	sshrl.u32 s2, $0x3;
	s2 =	sadd.s32 s2, s1;
	[dreg:$0x10] =	wrdreg s14  }
0xb: {  	s6 =	sand.u32 $0x1, s6;
	s25 =	sadd.s32 s22, s11;
	[dreg:$0xe] =	wrdreg s2  }
0xc: {  	s20 =	smul.u32 $0x186A0, s9;
	s30 =	sadd.s32 s22, s10;
	[dreg:$0x3] =	wrdreg s25  }
0xd: {  	s8 =	ssub.s32 $0x2, s6;
	s16 =	sadd.s32 s22, s13;
	[dreg:$0x4] =	wrdreg s30  }
0xe: {  	p0 =	seq.s32 s6, $0x1;
	s18 =	sadd.s32 s22, s12;
	[dreg:$0x5] =	wrdreg s16  }
0xf: {  	s6 =	simm.s32 $0x8;
	s19 =	sshrl.u32 s8, $0x1;
	[dreg:$0x6] =	wrdreg s18  }
0x10: {  	s7 =	sadd.s32 s31, s0;
	s0 =	sadd.s32 $0x18B000, s0;
	[dreg:$0xa] =	wrdreg s31  }
0x11: {  	s2 =	sshrl.u32 s20, $0x3;
	[dreg:$0xd] =	wrdreg s0;
	s7 =	sadd.s32 $0xF8600, s7  }
0x12: {  	s16 =	simm.s32 $0x18A20;
	s23 =	sadd.s32 s10, s2;
	[dreg:$0xf] =	wrdreg s7  }
0x13: {  	s18 =	simm.s32 $0x1A4B0;
	s24 =	sadd.s32 s11, s2;
	[dreg:$0x11] =	wrdreg s23  }
0x14: {  	s0 =	ssub.s32 s8, s19;
	s20 =	sadd.s32 $0x30A2, s2;
	[dreg:$0x12] =	wrdreg s24  }
0x15: {  	s26 =	sadd.s32 $0x32, s2;
	s21 =	sadd.s32 s12, s2;
	[dreg:$0x15] =	wrdreg s20  }
0x16: {  	s19 =	sadd.s32 $0x64, s2;
	s2 =	sadd.s32 s13, s2;
	[dreg:$0x16] =	wrdreg s21  }
0x17: {  	s8 =	simm.s32 $0x9;
	s15 =	sadd.s32 s10, s26;
	[dreg:$0x17] =	wrdreg s2  }
0x18: {  	s17 =	sadd.s32 s11, s26;
	s22 =	sadd.s32 s12, s26;
	[dreg:$0x13] =	wrdreg s15  }
0x19: {  	s23 =	sadd.s32 s13, s26;
	s24 =	sadd.s32 s10, s19;
	[dreg:$0x14] =	wrdreg s17  }
0x1a: {  	s25 =	sadd.s32 s11, s19;
	s26 =	sadd.s32 s12, s19;
	[dreg:$0x18] =	wrdreg s22  }
0x1b: {  	s30 =	sadd.s32 s13, s19;
	s0 =	smax.u32 s0, $0x1;
	[dreg:$0x19] =	wrdreg s23  }
0x1c: {  	s2 =	simm.s32 $0x18890;
	s11 =	simm.s32 $0x1;
	[dreg:$0x1a] =	wrdreg s24  }
0x1d: {  	s12 =	simm.s32 $0x190;
	s19 =	simm.s32 $0x2;
	[dreg:$0x1b] =	wrdreg s25  }
.Ltmp0:
0x1e: {  	s21 =	simm.s32 $0x1A640;
	[dreg:$0x1c] =	wrdreg s26;
	(pc) =	sbr.rel .LBB2_1-.Ltmp0, $4  }
0x1f: {  	s7 =	simm.s32 $0x6;
	s10 =	simm.s32 $0x0;
	[dreg:$0x1d] =	wrdreg s30  }
0x20: {  	[dreg:$0x1e] =	wrdreg s0;
	s15 =	simm.s32 $0xA;
	s0 =	simm.s32 $0x18700  }
0x21: {  	s17 =	simm.s32 $0x1A320;
	s22 =	simm.s32 $0x1BF40;
	s23 =	simm.s32 $0x1C0D0  }
0x22: {  	s24 =	simm.s32 $0x4;
	s25 =	simm.s32 $0x3;
	s26 =	simm.s32 $0x1C260  }
.LBB2_7:
0x23: {  	s15 =	rddreg [dreg:$0x9]  }
0x24: {  	s30 =	rddreg [dreg:$0xb]  }
0x25: {  	s9 =	rddreg [dreg:$0xd]  }
0x26: {  	[sflag:s25] =	ssyncadd.s32 $0xFFFFFE70;
	s14 =	smov.u32 s5;
	s31 =	rddreg [dreg:$0xa]  }
0x27: {  	[tilespmem:s26], [sflag:$0x6] =	stream.indirect.gather [hbm4b:s5+s12], $0x10, s22, s12, $0xb8;
	[tilespmem:$0x1DB60] =	vst v63  }
.LBB2_8:
0x28: {  	_ =	swait.ge [sflag:s28], $0x1900  }
0x29: {  	[sflag:s28] =	ssyncset.done $0x0;
	s20 =	rddreg [dreg:$0x15]  }
0x2a: {  	s15 =	sadd.s32 s15, s20;
	[sflag:s28] =	ssyncadd.s32 $0xFFFFE700  }
0x2b: {  	[tilespmem:s0], [sflag:$0x1] =	stream.linear.gather [hbm4b:s15+s3], $0x190, $0x38;
	[tilespmem:$0x1DB60] =	vst v63  }
0x2c: {  	s20 =	sadd.s32 s30, s20  }
0x2d: {  	[tilespmem:s2], [sflag:$0x1] =	stream.linear.gather [hbm4b:s20+s3], $0x190, $0x38;
	[tilespmem:$0x1DB60] =	vst v63  }
0x2e: {  	_ =	swait.ge [sflag:s29], $0x1900  }
0x2f: {  	[sflag:s29] =	ssyncset.done $0x0  }
0x30: {  	[sflag:s29] =	ssyncadd.s32 $0xFFFFE700  }
0x31: {  	[spmem:s1] =	stream.indirect.scatter.add.f32 [tilespmem:s21], [sflag:$0x8], $0x10, s18, s12, $0xb8;
	[tilespmem:$0x1DB60] =	vst v63  }
0x32: {  	_ =	swait.ge [sflag:s11], $0x190  }
0x33: {  	[sflag:s11] =	ssyncset.done $0x0  }
0x34: {  	[sflag:s11] =	ssyncadd.s32 $0xFFFFFE70  }
0x35: {  	_ =	swait.ge [sflag:s11], $0x190  }
0x36: {  	[sflag:s11] =	ssyncset.done $0x0  }
0x37: {  	[sflag:s11] =	ssyncadd.s32 $0xFFFFFE70  }
0x38: {  	[tilespmem:s16], [sflag:$0x4] =	stream.indirect.gather [hbm4b:s14+s12], $0x10, s0, s12, $0xb8;
	[tilespmem:$0x1DB60] =	vst v63  }
0x39: {  	_ =	swait.ge [sflag:s6], $0x1900  }
0x3a: {  	[sflag:s6] =	ssyncset.done $0x0  }
0x3b: {  	[sflag:s6] =	ssyncadd.s32 $0xFFFFE700  }
0x3c: {  	_ =	swait.ge [sflag:s7], $0x1900  }
0x3d: {  	[sflag:s7] =	ssyncset.done $0x0  }
0x3e: {  	[sflag:s7] =	ssyncadd.s32 $0xFFFFE700  }
0x3f: {  	[spmem:s1] =	stream.indirect.scatter.add.f32 [tilespmem:s26], [sflag:$0x9], $0x10, s23, s12, $0xb8;
	[tilespmem:$0x1DB60] =	vst v63  }
0x40: {  	_ =	swait.ge [sflag:s8], $0x1900  }
0x41: {  	[sflag:s8] =	ssyncset.done $0x0  }
0x42: {  	[sflag:s8] =	ssyncadd.s32 $0xFFFFE700  }
0x43: {  	_ =	swait.ge [sflag:s24], $0x1900  }
0x44: {  	[sflag:s24] =	ssyncset.done $0x0  }
0x45: {  	[sflag:s24] =	ssyncadd.s32 $0xFFFFE700  }
0x46: {  	[spmem:s1] =	stream.indirect.scatter.add.f32 [tilespmem:s16], [sflag:$0x7], $0x10, s2, s12, $0xb8;
	[tilespmem:$0x1DB60] =	vst v63  }
0x47: {  	_ =	swait.ge [sflag:s28], $0x1900  }
0x48: {  	[sflag:s28] =	ssyncset.done $0x0  }
0x49: {  	[sflag:s28] =	ssyncadd.s32 $0xFFFFE700  }
0x4a: {  	[bflag:$0x0] =	sbarrier.arrive $0xFFFF  }
0x4b: {  	s9 =	sadd.s32 s9, s31;
	s15 =	simm.s32 $0xA;
	s14 =	rddreg [dreg:$0x10]  }
0x4c: {  	[hbm:s9], [sflag:s14] =	dma.local [spmem:s13], $0x30E0  }
0x4d: {  	_ =	swait.ge [sflag:s15], $0x30E0  }
0x4e: {  	s10 =	sadd.s32 $0x1, s10;
	s30 =	rddreg [dreg:$0x1e]  }
0x4f: {  	p1 =	sne.s32 s10, s30  }
.Ltmp1:
0x50: {  	_ = 	snop;
	(pc) =	sbr.rel @!p1 .LBB2_9-.Ltmp1, $3  }
0x51: {  	_ =	sdelay $0x1  }
0x52: {  	[sflag:s15] =	ssyncset.done $0x0  }
0x53: {  	[sflag:s15] =	ssyncadd.s32 $0xFFFFCF20  }
.LBB2_1:
0x54: {  	s9 =	rddreg [dreg:$0xe]  }
0x55: {  	s30 =	rddreg [dreg:$0xf];
	s13 =	sshrl.u32 s9, $0x3  }
0x56: {  	[spmem:s13], [sflag:s14] =	dma.local [hbm:s30], $0x30E0  }
.Ltmp2:
0x57: {  	_ =	swait.ge [sflag:s15], $0x30E0;
	(pc) =	sbr.rel @!p0 .LBB2_2-.Ltmp2, $4  }
0x58: {  	[sflag:s15] =	ssyncset.done $0x0  }
0x59: {  	[sflag:s15] =	ssyncadd.s32 $0xFFFFCF20  }
0x5a: {  	[bflag:$0x0] =	sbarrier.arrive $0xFFFF  }
0x5b: {  	s9 =	simm.s32 $0x0  }
0x5c: {  	s14 =	rddreg [dreg:$0x16]  }
0x5d: {  	[tilespmem:s0], [sflag:$0x1] =	stream.linear.gather [hbm4b:s14+s9], $0x190, $0x38;
	[tilespmem:$0x1DB60] =	vst v63  }
0x5e: {  	s15 =	rddreg [dreg:$0x17]  }
0x5f: {  	[tilespmem:s2], [sflag:$0x1] =	stream.linear.gather [hbm4b:s15+s9], $0x190, $0x38;
	[tilespmem:$0x1DB60] =	vst v63  }
0x60: {  	_ =	swait.ge [sflag:s11], $0x190  }
0x61: {  	[sflag:s11] =	ssyncset.done $0x0  }
0x62: {  	[sflag:s11] =	ssyncadd.s32 $0xFFFFFE70  }
0x63: {  	_ =	swait.ge [sflag:s11], $0x190  }
0x64: {  	[sflag:s11] =	ssyncset.done $0x0  }
0x65: {  	[sflag:s11] =	ssyncadd.s32 $0xFFFFFE70  }
0x66: {  	[tilespmem:s16], [sflag:$0x4] =	stream.indirect.gather [hbm4b:s5+s12], $0x10, s0, s12, $0xb8;
	[tilespmem:$0x1DB60] =	vst v63  }
0x67: {  	s20 =	rddreg [dreg:$0x18]  }
0x68: {  	[tilespmem:s17], [sflag:$0x2] =	stream.linear.gather [hbm4b:s20+s9], $0x190, $0x38;
	[tilespmem:$0x1DB60] =	vst v63  }
0x69: {  	s30 =	rddreg [dreg:$0x19]  }
0x6a: {  	[tilespmem:s18], [sflag:$0x2] =	stream.linear.gather [hbm4b:s30+s9], $0x190, $0x38;
	[tilespmem:$0x1DB60] =	vst v63  }
0x6b: {  	_ =	swait.ge [sflag:s19], $0x190  }
0x6c: {  	[sflag:s19] =	ssyncset.done $0x0  }
0x6d: {  	[sflag:s19] =	ssyncadd.s32 $0xFFFFFE70  }
0x6e: {  	_ =	swait.ge [sflag:s19], $0x190  }
0x6f: {  	[sflag:s19] =	ssyncset.done $0x0  }
0x70: {  	[sflag:s19] =	ssyncadd.s32 $0xFFFFFE70  }
0x71: {  	[tilespmem:s21], [sflag:$0x5] =	stream.indirect.gather [hbm4b:s5+s12], $0x10, s17, s12, $0xb8;
	[tilespmem:$0x1DB60] =	vst v63  }
0x72: {  	s31 =	rddreg [dreg:$0x1c]  }
0x73: {  	[tilespmem:s22], [sflag:$0x3] =	stream.linear.gather [hbm4b:s31+s9], $0x190, $0x38;
	[tilespmem:$0x1DB60] =	vst v63  }
0x74: {  	s15 =	rddreg [dreg:$0x1d]  }
0x75: {  	[tilespmem:s23], [sflag:$0x3] =	stream.linear.gather [hbm4b:s15+s9], $0x190, $0x38;
	[tilespmem:$0x1DB60] =	vst v63  }
0x76: {  	_ =	swait.ge [sflag:s24], $0x1900  }
0x77: {  	[sflag:s24] =	ssyncset.done $0x0  }
0x78: {  	[sflag:s24] =	ssyncadd.s32 $0xFFFFE700  }
0x79: {  	[spmem:s1] =	stream.indirect.scatter.add.f32 [tilespmem:s16], [sflag:$0x7], $0x10, s2, s12, $0xb8;
	[tilespmem:$0x1DB60] =	vst v63  }
0x7a: {  	_ =	swait.ge [sflag:s25], $0x190  }
0x7b: {  	[sflag:s25] =	ssyncset.done $0x0  }
0x7c: {  	[sflag:s25] =	ssyncadd.s32 $0xFFFFFE70  }
0x7d: {  	_ =	swait.ge [sflag:s25], $0x190  }
0x7e: {  	[sflag:s25] =	ssyncset.done $0x0  }
0x7f: {  	[sflag:s25] =	ssyncadd.s32 $0xFFFFFE70  }
0x80: {  	[tilespmem:s26], [sflag:$0x6] =	stream.indirect.gather [hbm4b:s5+s12], $0x10, s22, s12, $0xb8;
	[tilespmem:$0x1DB60] =	vst v63  }
0x81: {  	_ =	swait.ge [sflag:s28], $0x1900  }
0x82: {  	s20 =	rddreg [dreg:$0x6]  }
0x83: {  	s30 =	rddreg [dreg:$0x5];
	[sflag:s28] =	ssyncset.done $0x0;
	s9 =	sadd.s32 $0x0, s20  }
0x84: {  	[sflag:s28] =	ssyncadd.s32 $0xFFFFE700;
	s14 =	sadd.s32 $0x0, s30;
	s15 =	sadd.s32 $0x96, s9  }
0x85: {  	[tilespmem:s0], [sflag:$0x1] =	stream.linear.gather [hbm4b:s15+s3], $0x190, $0x38;
	[tilespmem:$0x1DB60] =	vst v63  }
0x86: {  	s31 =	sadd.s32 $0x96, s14  }
0x87: {  	[tilespmem:s2], [sflag:$0x1] =	stream.linear.gather [hbm4b:s31+s3], $0x190, $0x38;
	[tilespmem:$0x1DB60] =	vst v63  }
0x88: {  	_ =	swait.ge [sflag:s29], $0x1900  }
0x89: {  	[sflag:s29] =	ssyncset.done $0x0  }
0x8a: {  	[sflag:s29] =	ssyncadd.s32 $0xFFFFE700  }
0x8b: {  	[spmem:s1] =	stream.indirect.scatter.add.f32 [tilespmem:s21], [sflag:$0x8], $0x10, s18, s12, $0xb8;
	[tilespmem:$0x1DB60] =	vst v63  }
0x8c: {  	_ =	swait.ge [sflag:s11], $0x190  }
0x8d: {  	[sflag:s11] =	ssyncset.done $0x0  }
0x8e: {  	[sflag:s11] =	ssyncadd.s32 $0xFFFFFE70  }
0x8f: {  	_ =	swait.ge [sflag:s11], $0x190  }
0x90: {  	[sflag:s11] =	ssyncset.done $0x0  }
0x91: {  	[sflag:s11] =	ssyncadd.s32 $0xFFFFFE70  }
0x92: {  	[tilespmem:s16], [sflag:$0x4] =	stream.indirect.gather [hbm4b:s5+s12], $0x10, s0, s12, $0xb8;
	[tilespmem:$0x1DB60] =	vst v63  }
0x93: {  	_ =	swait.ge [sflag:s6], $0x1900  }
0x94: {  	[sflag:s6] =	ssyncset.done $0x0  }
0x95: {  	s20 =	sadd.s32 $0xC8, s9;
	[sflag:s6] =	ssyncadd.s32 $0xFFFFE700  }
0x96: {  	[tilespmem:s17], [sflag:$0x2] =	stream.linear.gather [hbm4b:s20+s3], $0x190, $0x38;
	[tilespmem:$0x1DB60] =	vst v63  }
0x97: {  	s30 =	sadd.s32 $0xC8, s14  }
0x98: {  	[tilespmem:s18], [sflag:$0x2] =	stream.linear.gather [hbm4b:s30+s3], $0x190, $0x38;
	[tilespmem:$0x1DB60] =	vst v63  }
0x99: {  	_ =	swait.ge [sflag:s7], $0x1900  }
0x9a: {  	[sflag:s7] =	ssyncset.done $0x0  }
0x9b: {  	[sflag:s7] =	ssyncadd.s32 $0xFFFFE700  }
0x9c: {  	[spmem:s1] =	stream.indirect.scatter.add.f32 [tilespmem:s26], [sflag:$0x9], $0x10, s23, s12, $0xb8;
	[tilespmem:$0x1DB60] =	vst v63  }
0x9d: {  	_ =	swait.ge [sflag:s19], $0x190  }
0x9e: {  	[sflag:s19] =	ssyncset.done $0x0  }
0x9f: {  	[sflag:s19] =	ssyncadd.s32 $0xFFFFFE70  }
0xa0: {  	_ =	swait.ge [sflag:s19], $0x190  }
0xa1: {  	[sflag:s19] =	ssyncset.done $0x0  }
0xa2: {  	[sflag:s19] =	ssyncadd.s32 $0xFFFFFE70  }
0xa3: {  	[tilespmem:s21], [sflag:$0x5] =	stream.indirect.gather [hbm4b:s5+s12], $0x10, s17, s12, $0xb8;
	[tilespmem:$0x1DB60] =	vst v63  }
0xa4: {  	_ =	swait.ge [sflag:s8], $0x1900  }
0xa5: {  	[sflag:s8] =	ssyncset.done $0x0  }
0xa6: {  	s9 =	sadd.s32 $0xFA, s9;
	[sflag:s8] =	ssyncadd.s32 $0xFFFFE700  }
0xa7: {  	[tilespmem:s22], [sflag:$0x3] =	stream.linear.gather [hbm4b:s9+s3], $0x190, $0x38;
	[tilespmem:$0x1DB60] =	vst v63  }
0xa8: {  	s31 =	sadd.s32 $0xFA, s14  }
0xa9: {  	[tilespmem:s23], [sflag:$0x3] =	stream.linear.gather [hbm4b:s31+s3], $0x190, $0x38;
	[tilespmem:$0x1DB60] =	vst v63  }
0xaa: {  	_ =	swait.ge [sflag:s24], $0x1900  }
0xab: {  	[sflag:s24] =	ssyncset.done $0x0  }
0xac: {  	[sflag:s24] =	ssyncadd.s32 $0xFFFFE700  }
0xad: {  	[spmem:s1] =	stream.indirect.scatter.add.f32 [tilespmem:s16], [sflag:$0x7], $0x10, s2, s12, $0xb8;
	[tilespmem:$0x1DB60] =	vst v63  }
0xae: {  	_ =	swait.ge [sflag:s25], $0x190  }
0xaf: {  	[sflag:s25] =	ssyncset.done $0x0  }
0xb0: {  	[sflag:s25] =	ssyncadd.s32 $0xFFFFFE70  }
0xb1: {  	_ =	swait.ge [sflag:s25], $0x190  }
0xb2: {  	s14 =	simm.s32 $0x96;
	[sflag:s25] =	ssyncset.done $0x0  }
.LBB2_6:
0xb3: {  	[sflag:s25] =	ssyncadd.s32 $0xFFFFFE70  }
0xb4: {  	[tilespmem:s26], [sflag:$0x6] =	stream.indirect.gather [hbm4b:s5+s12], $0x10, s22, s12, $0xb8;
	[tilespmem:$0x1DB60] =	vst v63  }
0xb5: {  	_ =	swait.ge [sflag:s28], $0x1900  }
0xb6: {  	s15 =	smov.u32 s14;
	s9 =	rddreg [dreg:$0x6]  }
0xb7: {  	s20 =	rddreg [dreg:$0x5];
	[sflag:s28] =	ssyncset.done $0x0;
	s9 =	sadd.s32 s15, s9  }
0xb8: {  	[sflag:s28] =	ssyncadd.s32 $0xFFFFE700;
	s30 =	sadd.s32 s15, s20;
	s31 =	sadd.s32 $0x96, s9  }
0xb9: {  	[tilespmem:s0], [sflag:$0x1] =	stream.linear.gather [hbm4b:s31+s3], $0x190, $0x38;
	[tilespmem:$0x1DB60] =	vst v63  }
0xba: {  	s15 =	sadd.s32 $0x96, s30  }
0xbb: {  	[tilespmem:s2], [sflag:$0x1] =	stream.linear.gather [hbm4b:s15+s3], $0x190, $0x38;
	[tilespmem:$0x1DB60] =	vst v63  }
0xbc: {  	_ =	swait.ge [sflag:s29], $0x1900  }
0xbd: {  	[sflag:s29] =	ssyncset.done $0x0  }
0xbe: {  	[sflag:s29] =	ssyncadd.s32 $0xFFFFE700  }
0xbf: {  	[spmem:s1] =	stream.indirect.scatter.add.f32 [tilespmem:s21], [sflag:$0x8], $0x10, s18, s12, $0xb8;
	[tilespmem:$0x1DB60] =	vst v63  }
0xc0: {  	_ =	swait.ge [sflag:s11], $0x190  }
0xc1: {  	[sflag:s11] =	ssyncset.done $0x0  }
0xc2: {  	[sflag:s11] =	ssyncadd.s32 $0xFFFFFE70  }
0xc3: {  	_ =	swait.ge [sflag:s11], $0x190  }
0xc4: {  	[sflag:s11] =	ssyncset.done $0x0  }
0xc5: {  	[sflag:s11] =	ssyncadd.s32 $0xFFFFFE70  }
0xc6: {  	[tilespmem:s16], [sflag:$0x4] =	stream.indirect.gather [hbm4b:s5+s12], $0x10, s0, s12, $0xb8;
	[tilespmem:$0x1DB60] =	vst v63  }
0xc7: {  	_ =	swait.ge [sflag:s6], $0x1900  }
0xc8: {  	[sflag:s6] =	ssyncset.done $0x0  }
0xc9: {  	s31 =	sadd.s32 $0xC8, s9;
	[sflag:s6] =	ssyncadd.s32 $0xFFFFE700  }
0xca: {  	[tilespmem:s17], [sflag:$0x2] =	stream.linear.gather [hbm4b:s31+s3], $0x190, $0x38;
	[tilespmem:$0x1DB60] =	vst v63  }
0xcb: {  	s20 =	sadd.s32 $0xC8, s30  }
0xcc: {  	[tilespmem:s18], [sflag:$0x2] =	stream.linear.gather [hbm4b:s20+s3], $0x190, $0x38;
	[tilespmem:$0x1DB60] =	vst v63  }
0xcd: {  	_ =	swait.ge [sflag:s7], $0x1900  }
0xce: {  	[sflag:s7] =	ssyncset.done $0x0  }
0xcf: {  	[sflag:s7] =	ssyncadd.s32 $0xFFFFE700  }
0xd0: {  	[spmem:s1] =	stream.indirect.scatter.add.f32 [tilespmem:s26], [sflag:$0x9], $0x10, s23, s12, $0xb8;
	[tilespmem:$0x1DB60] =	vst v63  }
0xd1: {  	_ =	swait.ge [sflag:s19], $0x190  }
0xd2: {  	[sflag:s19] =	ssyncset.done $0x0  }
0xd3: {  	[sflag:s19] =	ssyncadd.s32 $0xFFFFFE70  }
0xd4: {  	_ =	swait.ge [sflag:s19], $0x190  }
0xd5: {  	[sflag:s19] =	ssyncset.done $0x0  }
0xd6: {  	[sflag:s19] =	ssyncadd.s32 $0xFFFFFE70  }
0xd7: {  	[tilespmem:s21], [sflag:$0x5] =	stream.indirect.gather [hbm4b:s5+s12], $0x10, s17, s12, $0xb8;
	[tilespmem:$0x1DB60] =	vst v63  }
0xd8: {  	_ =	swait.ge [sflag:s8], $0x1900  }
0xd9: {  	[sflag:s8] =	ssyncset.done $0x0  }
0xda: {  	s9 =	sadd.s32 $0xFA, s9;
	[sflag:s8] =	ssyncadd.s32 $0xFFFFE700  }
0xdb: {  	[tilespmem:s22], [sflag:$0x3] =	stream.linear.gather [hbm4b:s9+s3], $0x190, $0x38;
	[tilespmem:$0x1DB60] =	vst v63  }
0xdc: {  	s31 =	sadd.s32 $0xFA, s30  }
0xdd: {  	[tilespmem:s23], [sflag:$0x3] =	stream.linear.gather [hbm4b:s31+s3], $0x190, $0x38;
	[tilespmem:$0x1DB60] =	vst v63  }
0xde: {  	_ =	swait.ge [sflag:s24], $0x1900  }
0xdf: {  	[sflag:s24] =	ssyncset.done $0x0  }
0xe0: {  	p1 =	sne.s32 s14, $0x2F76;
	[sflag:s24] =	ssyncadd.s32 $0xFFFFE700  }
0xe1: {  	[spmem:s1] =	stream.indirect.scatter.add.f32 [tilespmem:s16], [sflag:$0x7], $0x10, s2, s12, $0xb8;
	[tilespmem:$0x1DB60] =	vst v63  }
.Ltmp3:
0xe2: {  	_ =	swait.ge [sflag:s25], $0x190;
	(pc) =	sbr.rel @p1 .LBB2_6-.Ltmp3, $4  }
0xe3: {  	[sflag:s25] =	ssyncset.done $0x0  }
0xe4: {  	[sflag:s25] =	ssyncadd.s32 $0xFFFFFE70  }
0xe5: {  	_ =	swait.ge [sflag:s25], $0x190  }
0xe6: {  	s14 =	sadd.s32 $0x96, s14;
	[sflag:s25] =	ssyncset.done $0x0  }
.Ltmp4:
0xe7: {  	_ = 	snop;
	(pc) =	sbr.rel .LBB2_7-.Ltmp4, $1  }
0xe8: {  	_ =	sdelay $0x3  }
.LBB2_2:
0xe9: {  	s14 =	rddreg [dreg:$0x11]  }
0xea: {  	[tilespmem:s0], [sflag:$0x1] =	stream.linear.gather [hbm4b:s14+s9], $0x190, $0x38;
	[tilespmem:$0x1DB60] =	vst v63  }
0xeb: {  	s30 =	rddreg [dreg:$0x12]  }
0xec: {  	[tilespmem:s2], [sflag:$0x1] =	stream.linear.gather [hbm4b:s30+s9], $0x190, $0x38;
	[tilespmem:$0x1DB60] =	vst v63  }
0xed: {  	_ =	swait.ge [sflag:s11], $0x190  }
0xee: {  	[sflag:s11] =	ssyncset.done $0x0  }
0xef: {  	[sflag:s11] =	ssyncadd.s32 $0xFFFFFE70  }
0xf0: {  	_ =	swait.ge [sflag:s11], $0x190  }
0xf1: {  	[sflag:s11] =	ssyncset.done $0x0  }
0xf2: {  	[sflag:s11] =	ssyncadd.s32 $0xFFFFFE70  }
0xf3: {  	[tilespmem:s16], [sflag:$0x4] =	stream.indirect.gather [hbm4b:s4+s12], $0x10, s0, s12, $0xb8;
	[tilespmem:$0x1DB60] =	vst v63  }
0xf4: {  	s15 =	rddreg [dreg:$0x13]  }
0xf5: {  	[tilespmem:s17], [sflag:$0x2] =	stream.linear.gather [hbm4b:s15+s9], $0x190, $0x38;
	[tilespmem:$0x1DB60] =	vst v63  }
0xf6: {  	s20 =	rddreg [dreg:$0x14]  }
0xf7: {  	[tilespmem:s18], [sflag:$0x2] =	stream.linear.gather [hbm4b:s20+s9], $0x190, $0x38;
	[tilespmem:$0x1DB60] =	vst v63  }
0xf8: {  	_ =	swait.ge [sflag:s19], $0x190  }
0xf9: {  	[sflag:s19] =	ssyncset.done $0x0  }
0xfa: {  	[sflag:s19] =	ssyncadd.s32 $0xFFFFFE70  }
0xfb: {  	_ =	swait.ge [sflag:s19], $0x190  }
0xfc: {  	[sflag:s19] =	ssyncset.done $0x0  }
0xfd: {  	[sflag:s19] =	ssyncadd.s32 $0xFFFFFE70  }
0xfe: {  	[tilespmem:s21], [sflag:$0x5] =	stream.indirect.gather [hbm4b:s4+s12], $0x10, s17, s12, $0xb8;
	[tilespmem:$0x1DB60] =	vst v63  }
0xff: {  	s30 =	rddreg [dreg:$0x1a]  }
0x100: {  	[tilespmem:s22], [sflag:$0x3] =	stream.linear.gather [hbm4b:s30+s9], $0x190, $0x38;
	[tilespmem:$0x1DB60] =	vst v63  }
0x101: {  	s15 =	rddreg [dreg:$0x1b]  }
0x102: {  	[tilespmem:s23], [sflag:$0x3] =	stream.linear.gather [hbm4b:s15+s9], $0x190, $0x38;
	[tilespmem:$0x1DB60] =	vst v63  }
0x103: {  	_ =	swait.ge [sflag:s24], $0x1900  }
0x104: {  	[sflag:s24] =	ssyncset.done $0x0  }
0x105: {  	[sflag:s24] =	ssyncadd.s32 $0xFFFFE700  }
0x106: {  	[spmem:s1] =	stream.indirect.scatter.add.f32 [tilespmem:s16], [sflag:$0x7], $0x10, s2, s12, $0xb8;
	[tilespmem:$0x1DB60] =	vst v63  }
0x107: {  	_ =	swait.ge [sflag:s25], $0x190  }
0x108: {  	[sflag:s25] =	ssyncset.done $0x0  }
0x109: {  	[sflag:s25] =	ssyncadd.s32 $0xFFFFFE70  }
0x10a: {  	_ =	swait.ge [sflag:s25], $0x190  }
0x10b: {  	[sflag:s25] =	ssyncset.done $0x0  }
0x10c: {  	[sflag:s25] =	ssyncadd.s32 $0xFFFFFE70  }
0x10d: {  	[tilespmem:s26], [sflag:$0x6] =	stream.indirect.gather [hbm4b:s4+s12], $0x10, s22, s12, $0xb8;
	[tilespmem:$0x1DB60] =	vst v63  }
0x10e: {  	_ =	swait.ge [sflag:s28], $0x1900  }
0x10f: {  	s20 =	rddreg [dreg:$0x4]  }
0x110: {  	s30 =	rddreg [dreg:$0x3];
	[sflag:s28] =	ssyncset.done $0x0;
	s9 =	sadd.s32 $0x0, s20  }
0x111: {  	[sflag:s28] =	ssyncadd.s32 $0xFFFFE700;
	s14 =	sadd.s32 $0x0, s30;
	s15 =	sadd.s32 $0x96, s9  }
0x112: {  	[tilespmem:s0], [sflag:$0x1] =	stream.linear.gather [hbm4b:s15+s3], $0x190, $0x38;
	[tilespmem:$0x1DB60] =	vst v63  }
0x113: {  	s20 =	sadd.s32 $0x96, s14  }
0x114: {  	[tilespmem:s2], [sflag:$0x1] =	stream.linear.gather [hbm4b:s20+s3], $0x190, $0x38;
	[tilespmem:$0x1DB60] =	vst v63  }
0x115: {  	_ =	swait.ge [sflag:s29], $0x1900  }
0x116: {  	[sflag:s29] =	ssyncset.done $0x0  }
0x117: {  	[sflag:s29] =	ssyncadd.s32 $0xFFFFE700  }
0x118: {  	[spmem:s1] =	stream.indirect.scatter.add.f32 [tilespmem:s21], [sflag:$0x8], $0x10, s18, s12, $0xb8;
	[tilespmem:$0x1DB60] =	vst v63  }
0x119: {  	_ =	swait.ge [sflag:s11], $0x190  }
0x11a: {  	[sflag:s11] =	ssyncset.done $0x0  }
0x11b: {  	[sflag:s11] =	ssyncadd.s32 $0xFFFFFE70  }
0x11c: {  	_ =	swait.ge [sflag:s11], $0x190  }
0x11d: {  	[sflag:s11] =	ssyncset.done $0x0  }
0x11e: {  	[sflag:s11] =	ssyncadd.s32 $0xFFFFFE70  }
0x11f: {  	[tilespmem:s16], [sflag:$0x4] =	stream.indirect.gather [hbm4b:s4+s12], $0x10, s0, s12, $0xb8;
	[tilespmem:$0x1DB60] =	vst v63  }
0x120: {  	_ =	swait.ge [sflag:s6], $0x1900  }
0x121: {  	[sflag:s6] =	ssyncset.done $0x0  }
0x122: {  	s30 =	sadd.s32 $0xC8, s9;
	[sflag:s6] =	ssyncadd.s32 $0xFFFFE700  }
0x123: {  	[tilespmem:s17], [sflag:$0x2] =	stream.linear.gather [hbm4b:s30+s3], $0x190, $0x38;
	[tilespmem:$0x1DB60] =	vst v63  }
0x124: {  	s20 =	sadd.s32 $0xC8, s14  }
0x125: {  	[tilespmem:s18], [sflag:$0x2] =	stream.linear.gather [hbm4b:s20+s3], $0x190, $0x38;
	[tilespmem:$0x1DB60] =	vst v63  }
0x126: {  	_ =	swait.ge [sflag:s7], $0x1900  }
0x127: {  	[sflag:s7] =	ssyncset.done $0x0  }
0x128: {  	[sflag:s7] =	ssyncadd.s32 $0xFFFFE700  }
0x129: {  	[spmem:s1] =	stream.indirect.scatter.add.f32 [tilespmem:s26], [sflag:$0x9], $0x10, s23, s12, $0xb8;
	[tilespmem:$0x1DB60] =	vst v63  }
0x12a: {  	_ =	swait.ge [sflag:s19], $0x190  }
0x12b: {  	[sflag:s19] =	ssyncset.done $0x0  }
0x12c: {  	[sflag:s19] =	ssyncadd.s32 $0xFFFFFE70  }
0x12d: {  	_ =	swait.ge [sflag:s19], $0x190  }
0x12e: {  	[sflag:s19] =	ssyncset.done $0x0  }
0x12f: {  	[sflag:s19] =	ssyncadd.s32 $0xFFFFFE70  }
0x130: {  	[tilespmem:s21], [sflag:$0x5] =	stream.indirect.gather [hbm4b:s4+s12], $0x10, s17, s12, $0xb8;
	[tilespmem:$0x1DB60] =	vst v63  }
0x131: {  	_ =	swait.ge [sflag:s8], $0x1900  }
0x132: {  	[sflag:s8] =	ssyncset.done $0x0  }
0x133: {  	s9 =	sadd.s32 $0xFA, s9;
	[sflag:s8] =	ssyncadd.s32 $0xFFFFE700  }
0x134: {  	[tilespmem:s22], [sflag:$0x3] =	stream.linear.gather [hbm4b:s9+s3], $0x190, $0x38;
	[tilespmem:$0x1DB60] =	vst v63  }
0x135: {  	s30 =	sadd.s32 $0xFA, s14  }
0x136: {  	[tilespmem:s23], [sflag:$0x3] =	stream.linear.gather [hbm4b:s30+s3], $0x190, $0x38;
	[tilespmem:$0x1DB60] =	vst v63  }
0x137: {  	_ =	swait.ge [sflag:s24], $0x1900  }
0x138: {  	[sflag:s24] =	ssyncset.done $0x0  }
0x139: {  	[sflag:s24] =	ssyncadd.s32 $0xFFFFE700  }
0x13a: {  	[spmem:s1] =	stream.indirect.scatter.add.f32 [tilespmem:s16], [sflag:$0x7], $0x10, s2, s12, $0xb8;
	[tilespmem:$0x1DB60] =	vst v63  }
0x13b: {  	_ =	swait.ge [sflag:s25], $0x190  }
0x13c: {  	[sflag:s25] =	ssyncset.done $0x0  }
0x13d: {  	[sflag:s25] =	ssyncadd.s32 $0xFFFFFE70  }
0x13e: {  	_ =	swait.ge [sflag:s25], $0x190  }
0x13f: {  	s14 =	simm.s32 $0x96;
	[sflag:s25] =	ssyncset.done $0x0  }
.LBB2_3:
0x140: {  	[sflag:s25] =	ssyncadd.s32 $0xFFFFFE70  }
0x141: {  	[tilespmem:s26], [sflag:$0x6] =	stream.indirect.gather [hbm4b:s4+s12], $0x10, s22, s12, $0xb8;
	[tilespmem:$0x1DB60] =	vst v63  }
0x142: {  	_ =	swait.ge [sflag:s28], $0x1900  }
0x143: {  	s15 =	smov.u32 s14;
	s9 =	rddreg [dreg:$0x4]  }
0x144: {  	s30 =	rddreg [dreg:$0x3];
	[sflag:s28] =	ssyncset.done $0x0;
	s9 =	sadd.s32 s15, s9  }
0x145: {  	[sflag:s28] =	ssyncadd.s32 $0xFFFFE700;
	s30 =	sadd.s32 s15, s30;
	s20 =	sadd.s32 $0x96, s9  }
0x146: {  	[tilespmem:s0], [sflag:$0x1] =	stream.linear.gather [hbm4b:s20+s3], $0x190, $0x38;
	[tilespmem:$0x1DB60] =	vst v63  }
0x147: {  	s15 =	sadd.s32 $0x96, s30  }
0x148: {  	[tilespmem:s2], [sflag:$0x1] =	stream.linear.gather [hbm4b:s15+s3], $0x190, $0x38;
	[tilespmem:$0x1DB60] =	vst v63  }
0x149: {  	_ =	swait.ge [sflag:s29], $0x1900  }
0x14a: {  	[sflag:s29] =	ssyncset.done $0x0  }
0x14b: {  	[sflag:s29] =	ssyncadd.s32 $0xFFFFE700  }
0x14c: {  	[spmem:s1] =	stream.indirect.scatter.add.f32 [tilespmem:s21], [sflag:$0x8], $0x10, s18, s12, $0xb8;
	[tilespmem:$0x1DB60] =	vst v63  }
0x14d: {  	_ =	swait.ge [sflag:s11], $0x190  }
0x14e: {  	[sflag:s11] =	ssyncset.done $0x0  }
0x14f: {  	[sflag:s11] =	ssyncadd.s32 $0xFFFFFE70  }
0x150: {  	_ =	swait.ge [sflag:s11], $0x190  }
0x151: {  	[sflag:s11] =	ssyncset.done $0x0  }
0x152: {  	[sflag:s11] =	ssyncadd.s32 $0xFFFFFE70  }
0x153: {  	[tilespmem:s16], [sflag:$0x4] =	stream.indirect.gather [hbm4b:s4+s12], $0x10, s0, s12, $0xb8;
	[tilespmem:$0x1DB60] =	vst v63  }
0x154: {  	_ =	swait.ge [sflag:s6], $0x1900  }
0x155: {  	[sflag:s6] =	ssyncset.done $0x0  }
0x156: {  	s15 =	sadd.s32 $0xC8, s9;
	[sflag:s6] =	ssyncadd.s32 $0xFFFFE700  }
0x157: {  	[tilespmem:s17], [sflag:$0x2] =	stream.linear.gather [hbm4b:s15+s3], $0x190, $0x38;
	[tilespmem:$0x1DB60] =	vst v63  }
0x158: {  	s20 =	sadd.s32 $0xC8, s30  }
0x159: {  	[tilespmem:s18], [sflag:$0x2] =	stream.linear.gather [hbm4b:s20+s3], $0x190, $0x38;
	[tilespmem:$0x1DB60] =	vst v63  }
0x15a: {  	_ =	swait.ge [sflag:s7], $0x1900  }
0x15b: {  	[sflag:s7] =	ssyncset.done $0x0  }
0x15c: {  	[sflag:s7] =	ssyncadd.s32 $0xFFFFE700  }
0x15d: {  	[spmem:s1] =	stream.indirect.scatter.add.f32 [tilespmem:s26], [sflag:$0x9], $0x10, s23, s12, $0xb8;
	[tilespmem:$0x1DB60] =	vst v63  }
0x15e: {  	_ =	swait.ge [sflag:s19], $0x190  }
0x15f: {  	[sflag:s19] =	ssyncset.done $0x0  }
0x160: {  	[sflag:s19] =	ssyncadd.s32 $0xFFFFFE70  }
0x161: {  	_ =	swait.ge [sflag:s19], $0x190  }
0x162: {  	[sflag:s19] =	ssyncset.done $0x0  }
0x163: {  	[sflag:s19] =	ssyncadd.s32 $0xFFFFFE70  }
0x164: {  	[tilespmem:s21], [sflag:$0x5] =	stream.indirect.gather [hbm4b:s4+s12], $0x10, s17, s12, $0xb8;
	[tilespmem:$0x1DB60] =	vst v63  }
0x165: {  	_ =	swait.ge [sflag:s8], $0x1900  }
0x166: {  	[sflag:s8] =	ssyncset.done $0x0  }
0x167: {  	s9 =	sadd.s32 $0xFA, s9;
	[sflag:s8] =	ssyncadd.s32 $0xFFFFE700  }
0x168: {  	[tilespmem:s22], [sflag:$0x3] =	stream.linear.gather [hbm4b:s9+s3], $0x190, $0x38;
	[tilespmem:$0x1DB60] =	vst v63  }
0x169: {  	s30 =	sadd.s32 $0xFA, s30  }
0x16a: {  	[tilespmem:s23], [sflag:$0x3] =	stream.linear.gather [hbm4b:s30+s3], $0x190, $0x38;
	[tilespmem:$0x1DB60] =	vst v63  }
0x16b: {  	_ =	swait.ge [sflag:s24], $0x1900  }
0x16c: {  	[sflag:s24] =	ssyncset.done $0x0  }
0x16d: {  	p1 =	seq.s32 s14, $0x2F76;
	[sflag:s24] =	ssyncadd.s32 $0xFFFFE700  }
0x16e: {  	[spmem:s1] =	stream.indirect.scatter.add.f32 [tilespmem:s16], [sflag:$0x7], $0x10, s2, s12, $0xb8;
	[tilespmem:$0x1DB60] =	vst v63  }
.Ltmp5:
0x16f: {  	_ =	swait.ge [sflag:s25], $0x190;
	(pc) =	sbr.rel @!p1 .LBB2_3-.Ltmp5, $4  }
0x170: {  	[sflag:s25] =	ssyncset.done $0x0  }
0x171: {  	[sflag:s25] =	ssyncadd.s32 $0xFFFFFE70  }
0x172: {  	_ =	swait.ge [sflag:s25], $0x190  }
0x173: {  	s14 =	sadd.s32 $0x96, s14;
	[sflag:s25] =	ssyncset.done $0x0  }
.Ltmp6:
0x174: {  	(pc) =	sbr.rel .LBB2_8-.Ltmp6, $4  }
0x175: {  	s15 =	rddreg [dreg:$0x7]  }
0x176: {  	s30 =	rddreg [dreg:$0x8]  }
0x177: {  	[sflag:s25] =	ssyncadd.s32 $0xFFFFFE70;
	s14 =	smov.u32 s4;
	s9 =	rddreg [dreg:$0xc]  }
0x178: {  	[tilespmem:s26], [sflag:$0x6] =	stream.indirect.gather [hbm4b:s4+s12], $0x10, s22, s12, $0xb8;
	[tilespmem:$0x1DB60] =	vst v63  }
.LBB2_9:
0x179: {  	_ =	sfence.sel $0x180000  }
0x17a: {  	[bflag:$0x0] =	sbarrier.arrive $0xFFFF  }
0x17b: {  	_ =	strace $0x9000004D  }
0x17c: {  	s0 =	stileid.u32;
	[bflag:$0x2] =	sbarrier.arrive $0xFFFF  }
0x17d: {  	p0 =	sne.s32 s0, $0x0;
	s0 =	rddreg [dreg:$0x2]  }
0x17e: {  	s0 =	sadd.s32 @!p0 $0x100000, s0  }
0x17f: {  	[sflag:s0] =	ssyncadd.tile.s32 @!p0 $0x1;
	_ =	shalt  }
.Lfunc_end2:
_tile_overlayer_lowered:
.L_overlay_start_2:
0x180: {  	(tag) =	ssettag $0x2  }
0x181: {  	s0 =	rddreg [dreg:$0x0];
	s2 =	stileid.u32  }
0x182: {  	s1 =	rddreg [dreg:$0x1];
	p0 =	sne.s32 s2, $0x0  }
0x183: {  	s3 =	rddreg [dreg:$0x2];
	[bflag:$0x3] =	sbarrier.arrive $0xFFFF;
	s2 =	simm.s32 @!p0 $0x1C0A  }
0x184: {  	[timem:s3], [sflag:s2] =	dma.local @!p0 [hbm:s0], s1  }
0x185: {  	s0 =	simm.s32 @!p0 $0xA  }
0x186: {  	_ =	swait.ge @!p0 [sflag:s0], s1  }
0x187: {  	s1 =	ssub.s32 @!p0 $0x0, s1;
	[sflag:s0] =	ssyncset.done @!p0 $0x0  }
0x188: {  	[sflag:s0] =	ssyncadd.s32 @!p0 s1  }
0x189: {  	[bflag:$0x3] =	sbarrier.arrive $0xFFFF  }
0x18a: {  	_ =	shalt  }

// kernel: kernel.7.cloned.1.call-start
scs
__scs_entry_jumppad:
0x0: {  	(pc) =	sbr.rel $0x88, $3  }
0x1: {  	(tag) =	ssettag $0x0;
	lr =	simm.s32 $0x1  }
0x2: {  	[smem:$0x3F93] =	sst lr;
	_ =	strace $0xD0000000  }
0x3: {  	_ = 	snop  }
0x4: {  	_ = 	snop  }
0x5: {  	_ = 	snop  }
0x6: {  	_ = 	snop  }
0x7: {  	_ = 	snop  }
__scs_overlays_trampoline_lowered:
0x8: {  	[smem:$0x3FA2] =	sst s0  }
0x9: {  	[smem:$0x3FA3] =	sst s1  }
0xa: {  	[smem:$0x3FA4] =	sst s2  }
0xb: {  	[smem:$0x3FA5] =	sst s3  }
0xc: {  	[smem:$0x3FA6] =	sst s4  }
0xd: {  	[smem:$0x3FA7] =	sst s5  }
0xe: {  	[smem:$0x3FA8] =	sst s6  }
0xf: {  	[smem:$0x3FA9] =	sst s7  }
0x10: {  	[smem:$0x3FAA] =	sst s8  }
0x11: {  	[smem:$0x3FAB] =	sst s9;
	s0 =	simm.s32 @!p0 $0x0  }
0x12: {  	s1 =	sld [smem:$0x3F91];
	s0 =	simm.s32 @p0 $0x1  }
0x13: {  	[smem:$0x3FAC] =	sst s0;
	s0 =	simm.s32 @!p1 $0x0  }
0x14: {  	s2 =	sld [smem:$0x3F90];
	s0 =	simm.s32 @p1 $0x1  }
0x15: {  	[smem:$0x3FAD] =	sst s0;
	s0 =	simm.s32 @!p2 $0x0  }
0x16: {  	s3 =	sld [smem:$0x3FDB];
	s0 =	simm.s32 @p2 $0x1  }
0x17: {  	s4 =	simm.s32 $0x1BF5;
	[smem:$0x3FAF] =	sst s0  }
0x18: {  	s0 =	sld [smem:$0x3F92];
	_ =	swait.ge [sflag:s4], $0x0  }
0x19: {  	s7 =	sld [smem:$0x3F93]  }
0x1a: {  	s8 =	sadd.s32 $0xFFFFE003, lr  }
0x1b: {  	s9 =	sadd.s32 $0xFFFFFEF7, lr;
	s5 =	simm.s32 $0xFFFFFFFF;
	p2 =	slt.u32 s8, $0xFFFFF086  }
0x1c: {  	p1 =	slt.u32 s9, $0xF7A;
	s5 =	simm.s32 @!p2 $0x0  }
0x1d: {  	s5 =	simm.s32 @p1 $0x1;
	p0 =	seq.s32 s7, s2  }
0x1e: {  	s7 =	smul.u32 @!p0 $0xF7A, s2;
	p2 =	seq.s32 @!p0 s5, $0x0  }
0x1f: {  	s9 =	smul.u32 $0xF7A, s1;
	s8 =	simm.s32 @!p0 $0x1BF5;
	p2 =	por !p2, p0  }
0x20: {  	[sflag:s8] =	ssyncset.s32 @!p0 $0xFFFFF086;
	s6 =	sadd.s32 @!p0 s3, s7;
	s7 =	simm.s32 @!p0 $0x108  }
0x21: {  	s3 =	sadd.s32 s3, s9;
	s6 =	sadd.s32 @!p0 $0x88, s6;
	s7 =	simm.s32 @p2 $0x1082  }
0x22: {  	[simem:s7], [sflag:s8] =	dma.local @!p0 [hbm:s6], $0xF7A  }
0x23: {  	s9 =	sor.u32 $0xD0000000, s2;
	s6 =	simm.s32 $0x108;
	_ =	swait.ge @!p0 [sflag:s8], $0x0  }
0x24: {  	s3 =	sadd.s32 $0x88, s3;
	s6 =	simm.s32 @!p1 $0x1082;
	[sflag:s4] =	ssyncset.s32 $0xFFFFF086  }
0x25: {  	[simem:s6], [sflag:s4] =	dma.local [hbm:s3], $0xF7A  }
0x26: {  	[smem:$0x3F93] =	sst s1;
	(tag) =	ssettag s2;
	_ =	strace s9  }
0x27: {  	s1 =	sld [smem:$0x3FA3]  }
0x28: {  	s2 =	sld [smem:$0x3FA4]  }
0x29: {  	s4 =	sld [smem:$0x3FA6]  }
0x2a: {  	p0 =	seq.s32 s5, $0x0;
	s5 =	sld [smem:$0x3FA7]  }
0x2b: {  	s6 =	sld [smem:$0x3FA8]  }
0x2c: {  	s7 =	sld [smem:$0x3FA9]  }
0x2d: {  	s3 =	simm.s32 $0x108;
	s8 =	sld [smem:$0x3FAA]  }
0x2e: {  	s3 =	simm.s32 @!p0 $0x1082;
	s9 =	sld [smem:$0x3FAB]  }
0x2f: {  	lr =	sadd.s32 s0, s3;
	s0 =	sld [smem:$0x3FA2]  }
0x30: {  	s3 =	sld [smem:$0x3FA5]  }
0x31: {  	[smem:$0x3FAE] =	sst s10  }
0x32: {  	s10 =	sld [smem:$0x3FAC];
	_ =	sdelay $0x3  }
0x33: {  	p0 =	seq.s32 s10, $0x1;
	s10 =	sld [smem:$0x3FAE];
	_ =	sdelay $0x3  }
0x34: {  	[smem:$0x3FAE] =	sst s10  }
0x35: {  	s10 =	sld [smem:$0x3FAD];
	_ =	sdelay $0x3  }
0x36: {  	p1 =	seq.s32 s10, $0x1;
	s10 =	sld [smem:$0x3FAE];
	_ =	sdelay $0x3  }
0x37: {  	[smem:$0x3FAE] =	sst s10  }
0x38: {  	s10 =	sld [smem:$0x3FAF]  }
0x39: {  	_ = 	snop;
	(pc) =	sbr.ind lr, $3  }
0x3a: {  	_ = 	snop  }
0x3b: {  	_ = 	snop  }
0x3c: {  	p2 =	seq.s32 s10, $0x1;
	s10 =	sld [smem:$0x3FAE]  }
0x3d: {  	_ =	shalt  }
0x3e: {  	_ =	shalt  }
0x3f: {  	_ =	shalt  }
0x40: {  	_ =	shalt  }
0x41: {  	_ =	shalt  }
0x42: {  	_ =	shalt  }
0x43: {  	_ =	shalt  }
0x44: {  	_ =	shalt  }
0x45: {  	_ =	shalt  }
0x46: {  	_ =	shalt  }
0x47: {  	_ =	shalt  }
0x48: {  	_ =	shalt  }
0x49: {  	_ =	shalt  }
0x4a: {  	_ =	shalt  }
0x4b: {  	_ =	shalt  }
0x4c: {  	_ =	shalt  }
0x4d: {  	_ =	shalt  }
0x4e: {  	_ =	shalt  }
0x4f: {  	_ =	shalt  }
0x50: {  	_ =	shalt  }
0x51: {  	_ =	shalt  }
0x52: {  	_ =	shalt  }
0x53: {  	_ =	shalt  }
0x54: {  	_ =	shalt  }
0x55: {  	_ =	shalt  }
0x56: {  	_ =	shalt  }
0x57: {  	_ =	shalt  }
0x58: {  	_ =	shalt  }
0x59: {  	_ =	shalt  }
0x5a: {  	_ =	shalt  }
0x5b: {  	_ =	shalt  }
0x5c: {  	_ =	shalt  }
0x5d: {  	_ =	shalt  }
0x5e: {  	_ =	shalt  }
0x5f: {  	_ =	shalt  }
0x60: {  	_ =	shalt  }
0x61: {  	_ =	shalt  }
0x62: {  	_ =	shalt  }
0x63: {  	_ =	shalt  }
0x64: {  	_ =	shalt  }
0x65: {  	_ =	shalt  }
0x66: {  	_ =	shalt  }
0x67: {  	_ =	shalt  }
0x68: {  	_ =	shalt  }
0x69: {  	_ =	shalt  }
0x6a: {  	_ =	shalt  }
0x6b: {  	_ =	shalt  }
0x6c: {  	_ =	shalt  }
0x6d: {  	_ =	shalt  }
0x6e: {  	_ =	shalt  }
0x6f: {  	_ =	shalt  }
0x70: {  	_ =	shalt  }
0x71: {  	_ =	shalt  }
0x72: {  	_ =	shalt  }
0x73: {  	_ =	shalt  }
0x74: {  	_ =	shalt  }
0x75: {  	_ =	shalt  }
0x76: {  	_ =	shalt  }
0x77: {  	_ =	shalt  }
0x78: {  	_ =	shalt  }
0x79: {  	_ =	shalt  }
0x7a: {  	_ =	shalt  }
0x7b: {  	_ =	shalt  }
0x7c: {  	_ =	shalt  }
0x7d: {  	_ =	shalt  }
0x7e: {  	_ =	shalt  }
0x7f: {  	_ =	shalt  }
0x80: {  	_ =	shalt  }
0x81: {  	_ =	shalt  }
0x82: {  	_ =	shalt  }
0x83: {  	_ =	shalt  }
0x84: {  	_ =	shalt  }
0x85: {  	_ =	shalt  }
0x86: {  	_ =	shalt  }
0x87: {  	_ =	shalt  }
.Lfunc_end0:
.L_simem_size_0:
called_computation_lowered:
.L_overlay_start_0:
0x88: {  	s2 =	sld [smem:$0x3FD9]  }
0x89: {  	s3 =	sld [smem:$0x3FFE];
	_ =	sdelay $0x1  }
0x8a: {  	s1 =	srdreg.scid  }
0x8b: {  	s0 =	sand.u32 $0x1, s1  }
0x8c: {  	s17 =	sshll.u32 s0, $0xA;
	s2 =	sadd.s32 s3, s2  }
0x8d: {  	s2 =	sadd.s32 s2, s17  }
0x8e: {  	[smem:$0x3FBA] =	sst s2  }
0x8f: {  	_ = 	snop  }
0x90: {  	s2 =	sld [smem:$0x3FC8]  }
0x91: {  	s18 =	sld [smem:$0x3FC7];
	(tm) =	ssettm $0x1  }
0x92: {  	s4 =	sld [smem:$0x3FFB];
	_ =	sdelay $0x3  }
0x93: {  	_ =	strace s4  }
0x94: {  	s4 =	sld [smem:$0x3FFC];
	_ =	sdelay $0x3  }
0x95: {  	_ =	strace s4  }
0x96: {  	s4 =	sld [smem:$0x3FFD];
	_ =	sdelay $0x3  }
0x97: {  	_ =	strace s4  }
0x98: {  	_ =	strace $0x8FFFFFFF  }
0x99: {  	s19 =	sld [smem:$0x3FDB];
	_ =	sdelay $0x1  }
0x9a: {  	s5 =	simm.s32 $_scs_section_size  }
0x9b: {  	s6 =	simm.s32 $_size__tile_overlayer_lowered;
	s7 =	simm.s32 $_tile_overlayer_lowered  }
0x9c: {  	s22 =	simm.s32 $0x1BFF;
	s21 =	sshll.u32 s7, $0x1;
	s4 =	sadd.s32 s5, s19  }
0x9d: {  	s8 =	simm.s32 $0x0;
	s20 =	sshll.u32 s6, $0x1;
	s6 =	sadd.s32 s21, s4  }
0x9e: {  	[timem:s8], [sflag:s22] =	dma.local [hbm:s6], s20  }
0x9f: {  	_ =	swait.ge [sflag:s22], s20  }
0xa0: {  	s5 =	ssub.s32 $0x0, s20;
	[sflag:s22] =	ssyncset.done $0x0  }
0xa1: {  	[sflag:s22] =	ssyncadd.s32 s5;
	_ =	sdelay $0x1  }
0xa2: {  	s23 =	simm.s32 $0x1B8B  }
0xa3: {  	_ =	swait.ge [sflag:s23], $0x1  }
0xa4: {  	[sflag:s23] =	ssyncset.done $0x0  }
0xa5: {  	s25 =	simm.s32 $0x1B8E;
	s24 =	sld [smem:$0x3FFE];
	[sflag:s23] =	ssyncadd.s32 $0xFFFFFFFF  }
0xa6: {  	s26 =	simm.s32 $execute0_lowered;
	[smem:$0x3FD2] =	sst s25  }
0xa7: {  	s6 =	sshll.u32 s26, $0x1;
	_ =	strace $0x80000046;
	[dreg:$0x1] =	wrdreg $0xFFFFFFFF  }
0xa8: {  	s28 =	simm.s32 $_size_execute0_lowered;
	s4 =	sadd.s32 s4, s6;
	[dreg:$0x0] =	wrdreg $0x0  }
0xa9: {  	s6 =	sshll.u32 s28, $0x1;
	[dreg:$0x2] =	wrdreg s4  }
0xaa: {  	[dreg:$0x3] =	wrdreg s6  }
0xab: {  	[dreg:$0x4] =	wrdreg $0xC0  }
0xac: {  	_ =	task [dreg:s8], $0x5FFFF  }
0xad: {  	[dreg:$0x1] =	wrdreg $0xFFFFFFFF  }
0xae: {  	[dreg:$0x0] =	wrdreg $0x60  }
0xaf: {  	[dreg:$0x2] =	wrdreg s2  }
0xb0: {  	[dreg:$0x3] =	wrdreg s18  }
0xb1: {  	[dreg:$0x4] =	wrdreg s24  }
0xb2: {  	[dreg:$0x5] =	wrdreg $0x9  }
0xb3: {  	_ =	task.clear_ibuf [dreg:s8], $0x6FFFF;
	_ =	strace $0x90000046  }
0xb4: {  	s29 =	simm.s32 $0x9;
	_ =	strace $0x80000048  }
0xb5: {  	_ =	swait.ge [sflag:s29], $0x1  }
0xb6: {  	[sflag:s29] =	ssyncadd.s32 $0xFFFFFFFF  }
0xb7: {  	_ =	strace $0x90000048  }
0xb8: {  	_ =	sfence  }
0xb9: {  	s30 =	sld [smem:$0x0];
	_ =	sdelay $0x2  }
0xba: {  	s31 =	sshll.u32 s1, $0xD;
	s1 =	sshrl.u32 s1, $0x2  }
0xbb: {  	s3 =	sand.u32 $0x4000, s31;
	s1 =	sadd.s32 s1, s30  }
0xbc: {  	s0 =	sor.u32 s3, s0;
	s1 =	sshll.u32 s1, $0x11  }
0xbd: {  	s0 =	sor.u32 s1, s0  }
0xbe: {  	s0 =	sadd.s32 $0x8F2B, s0  }
0xbf: {  	[sflag:s0] =	ssyncadd.remote.s32 $0x1  }
0xc0: {  	_ =	sfence.sel $0xFFFF  }
0xc1: {  	[dreg:$0x0] =	wrdreg $0xFFFFFFFF;
	(pc) =	sbr.abs _section_cstart, $3  }
0xc2: {  	[dreg:$0x1] =	wrdreg $0xFFFFFFFF  }
0xc3: {  	_ =	task.clear_ibuf [dreg:s8], $0x2FFFF;
	_ =	strace $0x9FFFFFFF  }
0xc4: {  	(tm) =	ssettm $0x7FFFFFFF  }
0xc5: {  	_ =	shalt  }
tec
execute0_lowered:
.L_overlay_start_1:
0x0: {  	(tag) =	ssettag $0x1  }
0x1: {  	s1 =	rddreg [dreg:$0x0]  }
0x2: {  	s2 =	rddreg [dreg:$0x1]  }
0x3: {  	s7 =	rddreg [dreg:$0x2]  }
0x4: {  	s0 =	rddreg [dreg:$0x3];
	s3 =	simm.s32 $0x0  }
0x5: {  	s5 =	srdreg.scid;
	s18 =	stileid.u32;
	s11 =	simm.s32 $0x100  }
0x6: {  	s12 =	simm.s32 $0x200;
	s13 =	simm.s32 $0x300;
	s14 =	simm.s32 $0x80  }
0x7: {  	s15 =	simm.s32 $0x180;
	s16 =	simm.s32 $0x280;
	s17 =	simm.s32 $0x380  }
0x8: {  	[smem:$0x7FF] =	sst s3;
	s4 =	sadd.s32 $0x4000, s7;
	s8 =	sand.u32 $0x1, s5  }
.Ltmp0:
0x9: {  	s5 =	sadd.s32 $0x34E00, s7;
	s6 =	sadd.s32 $0x65C00, s7;
	(pc) =	sbr.rel .LBB2_1-.Ltmp0, $4  }
0xa: {  	s7 =	sadd.s32 $0x96A00, s7;
	p0 =	sne.s32 s18, $0x0;
	s9 =	ssub.s32 $0x2, s8  }
0xb: {  	p2 =	seq.s32 s18, $0x0;
	_ =	strace $0x80000047;
	s10 =	sshrl.u32 s9, $0x1  }
0xc: {  	p1 =	seq.s32 s8, $0x1;
	s8 =	smul.u32 $0x18680, s18;
	s9 =	ssub.s32 s9, s10  }
0xd: {  	s18 =	simm.s32 $0x0;
	s10 =	simm.s32 $0x1;
	s9 =	smax.u32 s9, $0x1  }
.LBB2_14:
0xe: {  	s21 =	sadd.s32 $0x61A00, s21  }
0xf: {  	[tilespmem:s3], [sflag:$0x1] =	stream.linear.gather [hbm4b:s21+s3], $0x400, $0x38;
	[tilespmem:$0x4700] =	vst v63  }
0x10: {  	_ =	swait.ge [sflag:s10], $0x400  }
0x11: {  	[sflag:s10] =	ssyncset.done $0x0  }
0x12: {  	s20 =	sadd.s32 $0x30D00, s20;
	[sflag:s10] =	ssyncadd.s32 $0xFFFFFC00  }
0x13: {  	[hbm4b:s20+s3] =	stream.linear.scatter [tilespmem:s3], [sflag:$0x1], $0x80, $0x38;
	[tilespmem:$0x4700] =	vst v63  }
0x14: {  	s28 =	sadd.s32 $0x10, s20  }
0x15: {  	[hbm4b:s28+s3] =	stream.linear.scatter [tilespmem:s11], [sflag:$0x1], $0x80, $0x38;
	[tilespmem:$0x4700] =	vst v63  }
0x16: {  	s29 =	sadd.s32 $0x20, s20  }
0x17: {  	[hbm4b:s29+s3] =	stream.linear.scatter [tilespmem:s12], [sflag:$0x1], $0x80, $0x38;
	[tilespmem:$0x4700] =	vst v63  }
0x18: {  	s20 =	sadd.s32 $0x30, s20  }
0x19: {  	[hbm4b:s20+s3] =	stream.linear.scatter [tilespmem:s13], [sflag:$0x1], $0x80, $0x38;
	[tilespmem:$0x4700] =	vst v63  }
0x1a: {  	_ =	swait.ge [sflag:s10], $0x200  }
0x1b: {  	[sflag:s10] =	ssyncset.done $0x0  }
0x1c: {  	s19 =	sadd.s32 $0x30D00, s19;
	[sflag:s10] =	ssyncadd.s32 $0xFFFFFE00  }
0x1d: {  	[hbm4b:s19+s3] =	stream.linear.scatter [tilespmem:s14], [sflag:$0x1], $0x80, $0x38;
	[tilespmem:$0x4700] =	vst v63  }
0x1e: {  	s30 =	sadd.s32 $0x10, s19  }
0x1f: {  	[hbm4b:s30+s3] =	stream.linear.scatter [tilespmem:s15], [sflag:$0x1], $0x80, $0x38;
	[tilespmem:$0x4700] =	vst v63  }
0x20: {  	s31 =	sadd.s32 $0x20, s19  }
0x21: {  	[hbm4b:s31+s3] =	stream.linear.scatter [tilespmem:s16], [sflag:$0x1], $0x80, $0x38;
	[tilespmem:$0x4700] =	vst v63  }
0x22: {  	s19 =	sadd.s32 $0x30, s19  }
0x23: {  	[hbm4b:s19+s3] =	stream.linear.scatter [tilespmem:s17], [sflag:$0x1], $0x80, $0x38;
	[tilespmem:$0x4700] =	vst v63  }
0x24: {  	_ =	swait.ge [sflag:s10], $0x200  }
0x25: {  	[sflag:s10] =	ssyncset.done $0x0  }
0x26: {  	[sflag:s10] =	ssyncadd.s32 $0xFFFFFE00  }
.LBB2_15:
0x27: {  	s18 =	sadd.s32 $0x1, s18  }
0x28: {  	p3 =	sne.s32 s18, s9  }
.Ltmp1:
0x29: {  	_ = 	snop;
	(pc) =	sbr.rel @!p3 .LBB2_16-.Ltmp1, $1  }
0x2a: {  	_ =	sdelay $0x3  }
.LBB2_1:
.Ltmp2:
0x2b: {  	(pc) =	sbr.rel @!p1 .LBB2_2-.Ltmp2, $2  }
0x2c: {  	_ =	sdelay $0x2  }
0x2d: {  	s19 =	simm.s32 $0x0;
	s20 =	simm.s32 $0x0  }
.LBB2_8:
0x2e: {  	s19 =	smul.u32 $0x2380, s20;
	_ =	sdelay $0x1  }
0x2f: {  	s19 =	sadd.s32 s8, s19  }
0x30: {  	s21 =	sshrl.u32 s19, $0x2  }
0x31: {  	s22 =	sadd.s32 s2, s21;
	s21 =	simm.s32 $0x0  }
0x32: {  	[tilespmem:s21], [sflag:$0x1] =	stream.linear.gather [hbm4b:s22+s21], $0x4700, $0x38;
	[tilespmem:$0x4700] =	vst v63  }
0x33: {  	s19 =	sshrl.u32 s19, $0x3;
	_ =	swait.ge [sflag:s10], $0x4700  }
0x34: {  	s23 =	simm.s32 $0x10;
	s22 =	sadd.s32 s6, s19;
	[sflag:s10] =	ssyncset.done $0x0  }
0x35: {  	s24 =	simm.s32 $0x100;
	s25 =	sadd.s32 $0x0, s22;
	[sflag:s10] =	ssyncadd.s32 $0xFFFFB900  }
.LBB2_9:
0x36: {  	[hbm4b:s25+s3] =	stream.linear.scatter [tilespmem:s21], [sflag:$0x1], $0x80, $0x38;
	[tilespmem:$0x4700] =	vst v63  }
0x37: {  	s25 =	smov.u32 s23;
	s21 =	smov.u32 s24;
	p3 =	sne.s32 s23, $0x460  }
.Ltmp3:
0x38: {  	s23 =	sadd.s32 $0x10, s23;
	(pc) =	sbr.rel @p3 .LBB2_9-.Ltmp3, $2  }
0x39: {  	_ =	sdelay $0x2  }
0x3a: {  	s24 =	sadd.s32 $0x100, s24;
	s25 =	sadd.s32 s25, s22  }
0x3b: {  	[hbm4b:s25+s3] =	stream.linear.scatter [tilespmem:s21], [sflag:$0x1], $0x80, $0x38;
	[tilespmem:$0x4700] =	vst v63  }
0x3c: {  	s19 =	sadd.s32 s7, s19;
	_ =	swait.ge [sflag:s10], $0x2380  }
0x3d: {  	s21 =	simm.s32 $0x80;
	s22 =	simm.s32 $0x10;
	[sflag:s10] =	ssyncset.done $0x0  }
0x3e: {  	s23 =	simm.s32 $0x180;
	s24 =	sadd.s32 $0x0, s19;
	[sflag:s10] =	ssyncadd.s32 $0xFFFFDC80  }
.LBB2_11:
0x3f: {  	[hbm4b:s24+s3] =	stream.linear.scatter [tilespmem:s21], [sflag:$0x1], $0x80, $0x38;
	[tilespmem:$0x4700] =	vst v63  }
0x40: {  	s24 =	smov.u32 s22;
	s21 =	smov.u32 s23;
	p3 =	sne.s32 s22, $0x460  }
.Ltmp4:
0x41: {  	s22 =	sadd.s32 $0x10, s22;
	(pc) =	sbr.rel @p3 .LBB2_11-.Ltmp4, $2  }
0x42: {  	_ =	sdelay $0x2  }
0x43: {  	s23 =	sadd.s32 $0x100, s23;
	s24 =	sadd.s32 s24, s19  }
0x44: {  	s20 =	sadd.s32 $0x1, s20  }
0x45: {  	p3 =	sne.s32 s20, $0xB  }
.Ltmp5:
0x46: {  	_ = 	snop;
	(pc) =	sbr.rel @p3 .LBB2_8-.Ltmp5, $4  }
0x47: {  	[hbm4b:s24+s3] =	stream.linear.scatter [tilespmem:s21], [sflag:$0x1], $0x80, $0x38;
	[tilespmem:$0x4700] =	vst v63  }
0x48: {  	_ =	swait.ge [sflag:s10], $0x2380  }
0x49: {  	[sflag:s10] =	ssyncset.done $0x0  }
0x4a: {  	[sflag:s10] =	ssyncadd.s32 $0xFFFFDC80  }
.Ltmp6:
0x4b: {  	(pc) =	sbr.rel @p0 .LBB2_15-.Ltmp6, $4  }
.Ltmp7:
0x4c: {  	(pc) =	sbr.rel @!p0 .LBB2_14-.Ltmp7, $4  }
0x4d: {  	_ = 	snop  }
0x4e: {  	_ = 	snop  }
0x4f: {  	s21 =	smov.u32 s2;
	s20 =	smov.u32 s6;
	s19 =	smov.u32 s7  }
0x50: {  	_ = 	snop  }
.LBB2_2:
0x51: {  	s20 =	smul.u32 $0x2380, s19;
	_ =	sdelay $0x1  }
0x52: {  	s20 =	sadd.s32 s8, s20  }
0x53: {  	s21 =	sshrl.u32 s20, $0x2  }
0x54: {  	s22 =	sadd.s32 s1, s21;
	s21 =	simm.s32 $0x0  }
0x55: {  	[tilespmem:s21], [sflag:$0x1] =	stream.linear.gather [hbm4b:s22+s21], $0x4700, $0x38;
	[tilespmem:$0x4700] =	vst v63  }
0x56: {  	s20 =	sshrl.u32 s20, $0x3;
	_ =	swait.ge [sflag:s10], $0x4700  }
0x57: {  	s23 =	simm.s32 $0x10;
	s22 =	sadd.s32 s4, s20;
	[sflag:s10] =	ssyncset.done $0x0  }
0x58: {  	s24 =	simm.s32 $0x100;
	s25 =	sadd.s32 $0x0, s22;
	[sflag:s10] =	ssyncadd.s32 $0xFFFFB900  }
.LBB2_3:
0x59: {  	[hbm4b:s25+s3] =	stream.linear.scatter [tilespmem:s21], [sflag:$0x1], $0x80, $0x38;
	[tilespmem:$0x4700] =	vst v63  }
0x5a: {  	s25 =	smov.u32 s23;
	s21 =	smov.u32 s24;
	p3 =	sne.s32 s23, $0x460  }
.Ltmp8:
0x5b: {  	s23 =	sadd.s32 $0x10, s23;
	(pc) =	sbr.rel @p3 .LBB2_3-.Ltmp8, $2  }
0x5c: {  	_ =	sdelay $0x2  }
0x5d: {  	s24 =	sadd.s32 $0x100, s24;
	s25 =	sadd.s32 s25, s22  }
0x5e: {  	[hbm4b:s25+s3] =	stream.linear.scatter [tilespmem:s21], [sflag:$0x1], $0x80, $0x38;
	[tilespmem:$0x4700] =	vst v63  }
0x5f: {  	s20 =	sadd.s32 s5, s20;
	_ =	swait.ge [sflag:s10], $0x2380  }
0x60: {  	s21 =	simm.s32 $0x80;
	s22 =	simm.s32 $0x10;
	[sflag:s10] =	ssyncset.done $0x0  }
0x61: {  	s23 =	simm.s32 $0x180;
	s24 =	sadd.s32 $0x0, s20;
	[sflag:s10] =	ssyncadd.s32 $0xFFFFDC80  }
.LBB2_5:
0x62: {  	[hbm4b:s24+s3] =	stream.linear.scatter [tilespmem:s21], [sflag:$0x1], $0x80, $0x38;
	[tilespmem:$0x4700] =	vst v63  }
0x63: {  	s24 =	smov.u32 s22;
	s21 =	smov.u32 s23;
	p3 =	sne.s32 s22, $0x460  }
.Ltmp9:
0x64: {  	s22 =	sadd.s32 $0x10, s22;
	(pc) =	sbr.rel @p3 .LBB2_5-.Ltmp9, $2  }
0x65: {  	_ =	sdelay $0x2  }
0x66: {  	s23 =	sadd.s32 $0x100, s23;
	s24 =	sadd.s32 s24, s20  }
0x67: {  	s19 =	sadd.s32 $0x1, s19  }
0x68: {  	p3 =	sne.s32 s19, $0xB  }
.Ltmp10:
0x69: {  	_ = 	snop;
	(pc) =	sbr.rel @p3 .LBB2_2-.Ltmp10, $4  }
0x6a: {  	[hbm4b:s24+s3] =	stream.linear.scatter [tilespmem:s21], [sflag:$0x1], $0x80, $0x38;
	[tilespmem:$0x4700] =	vst v63  }
0x6b: {  	_ =	swait.ge [sflag:s10], $0x2380  }
0x6c: {  	[sflag:s10] =	ssyncset.done $0x0  }
0x6d: {  	[sflag:s10] =	ssyncadd.s32 $0xFFFFDC80  }
.Ltmp11:
0x6e: {  	(pc) =	sbr.rel @!p2 .LBB2_15-.Ltmp11, $4  }
.Ltmp12:
0x6f: {  	(pc) =	sbr.rel @p2 .LBB2_14-.Ltmp12, $4  }
0x70: {  	_ = 	snop  }
0x71: {  	_ = 	snop  }
0x72: {  	s21 =	smov.u32 s1;
	s20 =	smov.u32 s4;
	s19 =	smov.u32 s5  }
0x73: {  	_ = 	snop  }
.LBB2_16:
0x74: {  	_ =	sfence.sel $0x180000  }
0x75: {  	[bflag:$0x0] =	sbarrier.arrive $0xFFFF  }
0x76: {  	_ =	strace $0x90000047  }
0x77: {  	s0 =	sadd.s32 @!p0 $0x100000, s0;
	[bflag:$0x2] =	sbarrier.arrive $0xFFFF  }
0x78: {  	[sflag:s0] =	ssyncadd.tile.s32 @!p0 $0x1;
	_ =	shalt  }
.Lfunc_end2:
_tile_overlayer_lowered:
.L_overlay_start_2:
0x79: {  	(tag) =	ssettag $0x2  }
0x7a: {  	s0 =	rddreg [dreg:$0x0];
	s2 =	stileid.u32  }
0x7b: {  	s1 =	rddreg [dreg:$0x1];
	p0 =	sne.s32 s2, $0x0  }
0x7c: {  	s3 =	rddreg [dreg:$0x2];
	[bflag:$0x3] =	sbarrier.arrive $0xFFFF;
	s2 =	simm.s32 @!p0 $0x1C01  }
0x7d: {  	[timem:s3], [sflag:s2] =	dma.local @!p0 [hbm:s0], s1  }
0x7e: {  	s0 =	simm.s32 @!p0 $0x1  }
0x7f: {  	_ =	swait.ge @!p0 [sflag:s0], s1  }
0x80: {  	s1 =	ssub.s32 @!p0 $0x0, s1;
	[sflag:s0] =	ssyncset.done @!p0 $0x0  }
0x81: {  	[sflag:s0] =	ssyncadd.s32 @!p0 s1  }
0x82: {  	[bflag:$0x3] =	sbarrier.arrive $0xFFFF  }
0x83: {  	_ =	shalt  }

</sc_bundles>
